<compile_context>
chip_gen: v7x
topology: tpu7x:2x2x1
jax: 0.10.2.dev20260603
libtpu: 0.0.44.dev20260713+nightly
codegen_flags: <defaults>
</compile_context>

<pallas_src>
import functools

import jax
import jax.numpy as jnp
from jax import lax
from jax.experimental import pallas as pl
from jax.experimental.pallas import tpu as pltpu
from jax.experimental.pallas import tpu_sc as plsc

N = 2048
D = 1024
E = 64
K = 2
H = 2048
CAP = (K * N) // E

NC = 2
NS = 16
NW = NC * NS
LANES = 16

HT = 2
HTILE = H // HT



def _routing_body(x_ref, wg_ref, tok_ref, wslot_ref, flat0_ref, flat1_ref,
                  laux_ref):
    x = x_ref[...]
    logits = jnp.dot(x, wg_ref[...], preferred_element_type=jnp.float32)
    mx = jnp.max(logits, axis=-1, keepdims=True)
    ex = jnp.exp(logits - mx)
    gates = ex / jnp.sum(ex, axis=-1, keepdims=True)

    iota_e = lax.broadcasted_iota(jnp.int32, (N, E), 1)
    v0 = jnp.max(gates, axis=-1, keepdims=True)
    i0 = jnp.min(jnp.where(gates == v0, iota_e, E), axis=-1, keepdims=True)
    m0 = (iota_e == i0).astype(jnp.float32)
    g1 = jnp.where(m0 > 0, -jnp.inf, gates)
    v1 = jnp.max(g1, axis=-1, keepdims=True)
    i1 = jnp.min(jnp.where(g1 == v1, iota_e, E), axis=-1, keepdims=True)
    m1 = (iota_e == i1).astype(jnp.float32)
    denom = v0 + v1 + 1e-9
    w0 = v0 / denom
    w1 = v1 / denom

    me = jnp.mean(gates, axis=0, keepdims=True)
    ce = jnp.mean(m0, axis=0, keepdims=True)
    laux_ref[...] = jnp.sum(me * ce, keepdims=True) * float(E)

    ri = lax.broadcasted_iota(jnp.int32, (N, N), 0)
    ci = lax.broadcasted_iota(jnp.int32, (N, N), 1)
    T = (ri >= ci).astype(jnp.bfloat16)
    m0b = m0.astype(jnp.bfloat16)
    m1b = m1.astype(jnp.bfloat16)
    loc0 = jnp.dot(T, m0b, preferred_element_type=jnp.float32) - 1.0
    c0 = jnp.sum(m0, axis=0, keepdims=True)
    loc1 = jnp.dot(T, m1b, preferred_element_type=jnp.float32) - 1.0 + c0
    pos0 = jnp.sum(loc0 * m0, axis=-1, keepdims=True)
    pos1 = jnp.sum(loc1 * m1, axis=-1, keepdims=True)
    keep0 = (pos0 < CAP).astype(jnp.float32)
    keep1 = (pos1 < CAP).astype(jnp.float32)
    w0f = w0 * keep0
    w1f = w1 * keep1

    iota_c = lax.broadcasted_iota(jnp.int32, (N, CAP), 1).astype(jnp.float32)
    ohc0 = (iota_c == pos0).astype(jnp.float32)
    ohc1 = (iota_c == pos1).astype(jnp.float32)
    nvec = lax.broadcasted_iota(jnp.int32, (N, 1), 0).astype(jnp.float32)

    def dotT(a, b):
        return lax.dot_general(a, b, (((0,), (0,)), ((), ())),
                               preferred_element_type=jnp.float32)

    filled = dotT(m0, ohc0) + dotT(m1, ohc1)
    tokf = dotT(m0 * nvec, ohc0) + dotT(m1 * nvec, ohc1)
    wslot = dotT(m0 * w0f, ohc0) + dotT(m1 * w1f, ohc1)

    ie = lax.broadcasted_iota(jnp.int32, (E, CAP), 0)
    ic = lax.broadcasted_iota(jnp.int32, (E, CAP), 1)
    fi = (ie * CAP + ic).astype(jnp.float32)
    zcand = jnp.where(filled == 0, fi, float(E * CAP))
    zidx = jnp.minimum(jnp.min(zcand), float(E * CAP - 1))

    flat0 = jnp.where(keep0 > 0, i0.astype(jnp.float32) * CAP + pos0, zidx)
    flat1 = jnp.where(keep1 > 0, i1.astype(jnp.float32) * CAP + pos1, zidx)

    tok_ref[...] = tokf.astype(jnp.int32)
    wslot_ref[...] = wslot
    flat0_ref[...] = flat0.astype(jnp.int32)
    flat1_ref[...] = flat1.astype(jnp.int32)


def _routing(x, Wg):
    return pl.pallas_call(
        _routing_body,
        out_shape=(
            jax.ShapeDtypeStruct((E, CAP), jnp.int32),
            jax.ShapeDtypeStruct((E, CAP), jnp.float32),
            jax.ShapeDtypeStruct((N, 1), jnp.int32),
            jax.ShapeDtypeStruct((N, 1), jnp.int32),
            jax.ShapeDtypeStruct((1, 1), jnp.float32),
        ),
    )(x, Wg)



def _ffn_body(disp_ref, w1_ref, b1_ref, w2_ref, b2_ref, wslot_ref, out_ref):
    e = pl.program_id(0)
    t = pl.program_id(1)
    xb = disp_ref[...].astype(jnp.bfloat16)
    h = jnp.maximum(
        jnp.dot(xb, w1_ref[0].astype(jnp.bfloat16),
                preferred_element_type=jnp.float32)
        + b1_ref[0], 0.0)
    part = jnp.dot(h.astype(jnp.bfloat16), w2_ref[0].astype(jnp.bfloat16),
                   preferred_element_type=jnp.float32)

    @pl.when(t == 0)
    def _init():
        out_ref[...] = part + b2_ref[0]

    @pl.when(t > 0)
    def _acc():
        out_ref[...] = out_ref[...] + part

    @pl.when(t == HT - 1)
    def _scale():
        wrow = wslot_ref[pl.ds(e, 1), :]
        eye = (lax.broadcasted_iota(jnp.int32, (CAP, CAP), 0)
               == lax.broadcasted_iota(jnp.int32, (CAP, CAP), 1))
        diag = jnp.where(eye, jnp.broadcast_to(wrow, (CAP, CAP)), 0.0)
        out_ref[...] = jnp.dot(diag, out_ref[...],
                               preferred_element_type=jnp.float32)


def _ffn(disp, W1, b1, W2, b2, wslot):
    b1r = b1.reshape(E, 1, H)
    b2r = b2.reshape(E, 1, D)
    return pl.pallas_call(
        _ffn_body,
        grid=(E, HT),
        in_specs=[
            pl.BlockSpec((CAP, D), lambda e, t: (e, 0)),
            pl.BlockSpec((1, D, HTILE), lambda e, t: (e, 0, t)),
            pl.BlockSpec((1, 1, HTILE), lambda e, t: (e, 0, t)),
            pl.BlockSpec((1, HTILE, D), lambda e, t: (e, t, 0)),
            pl.BlockSpec((1, 1, D), lambda e, t: (e, 0, 0)),
            pl.BlockSpec((E, CAP), lambda e, t: (0, 0)),
        ],
        out_specs=pl.BlockSpec((CAP, D), lambda e, t: (e, 0)),
        out_shape=jax.ShapeDtypeStruct((E * CAP, D), jnp.float32),
    )(disp, W1, b1r, W2, b2r, wslot)



_DISP_RPW = (E * CAP) // NW
_DISP_CH = 64


@functools.lru_cache(maxsize=None)
def _make_dispatch_sc():
    mesh = plsc.VectorSubcoreMesh(core_axis_name="c", subcore_axis_name="s")

    @functools.partial(
        pl.kernel, mesh=mesh,
        out_type=jax.ShapeDtypeStruct((E * CAP, D), jnp.float32),
        scratch_types=[
            pltpu.VMEM((_DISP_CH,), jnp.int32),
            pltpu.VMEM((_DISP_CH, D), jnp.float32),
            pltpu.SemaphoreType.DMA,
        ],
    )
    def _dispatch_sc(x_hbm, tok_hbm, out_hbm, idx_v, rows_v, sem):
        wid = lax.axis_index("s") * NC + lax.axis_index("c")
        base = wid * _DISP_RPW
        for j in range(_DISP_RPW // _DISP_CH):
            off = base + j * _DISP_CH
            pltpu.sync_copy(tok_hbm.at[pl.ds(off, _DISP_CH)], idx_v)
            pltpu.async_copy(x_hbm.at[idx_v], rows_v, sem).wait()
            pltpu.sync_copy(rows_v, out_hbm.at[pl.ds(off, _DISP_CH)])

    return _dispatch_sc



_CMB_TPW = N // NW
_CMB_CH = 32


@functools.lru_cache(maxsize=None)
def _make_combine_sc():
    mesh = plsc.VectorSubcoreMesh(core_axis_name="c", subcore_axis_name="s")

    @functools.partial(
        pl.kernel, mesh=mesh,
        out_type=jax.ShapeDtypeStruct((N, D), jnp.float32),
        scratch_types=[
            pltpu.VMEM((_CMB_CH,), jnp.int32),
            pltpu.VMEM((_CMB_CH,), jnp.int32),
            pltpu.VMEM((_CMB_CH, D), jnp.float32),
            pltpu.VMEM((_CMB_CH, D), jnp.float32),
            pltpu.SemaphoreType.DMA,
        ],
    )
    def _combine_sc(eoutw_hbm, flat0_hbm, flat1_hbm, y_hbm,
                    idx0_v, idx1_v, b0_v, b1_v, sem):
        wid = lax.axis_index("s") * NC + lax.axis_index("c")
        base = wid * _CMB_TPW
        for j in range(_CMB_TPW // _CMB_CH):
            off = base + j * _CMB_CH
            pltpu.sync_copy(flat0_hbm.at[pl.ds(off, _CMB_CH)], idx0_v)
            pltpu.sync_copy(flat1_hbm.at[pl.ds(off, _CMB_CH)], idx1_v)
            pltpu.async_copy(eoutw_hbm.at[idx0_v], b0_v, sem).wait()
            pltpu.async_copy(eoutw_hbm.at[idx1_v], b1_v, sem).wait()

            def add_row(r, _):
                for c in range(D // LANES):
                    sl = pl.ds(c * LANES, LANES)
                    b0_v[r, sl] = b0_v[r, sl] + b1_v[r, sl]
                return 0

            lax.fori_loop(0, _CMB_CH, add_row, 0)
            pltpu.sync_copy(b0_v, y_hbm.at[pl.ds(off, _CMB_CH)])

    return _combine_sc



def kernel(x, Wg, W1, b1, W2, b2):
    tok, wslot, flat0, flat1, laux = _routing(x, Wg)
    disp = _make_dispatch_sc()(x, tok.reshape(E * CAP))
    eoutw = _ffn(disp, W1, b1, W2, b2, wslot)
    y = _make_combine_sc()(eoutw, flat0.reshape(N), flat1.reshape(N))
    return y, laux.reshape(())

# --- scband reference (transcript-rebuilt; emitter-appended) ---
"""Pipeline reference for scband-mo-e-tutel-14396730376784 (READ-ONLY COPY).

The authoritative reference and input builder live on the scoring server;
editing this copy changes nothing except your own understanding.
"""

import jax, jax.numpy as jnp
import numpy as np

N = 2048   # tokens (batch 1 x seq 2048)
D = 1024   # model dim
E = 64     # experts
K = 2      # top-k
H = 2048   # hidden_size_per_expert (fixed in module)
CAP = (K * N) // E  # capacity factor 1.0, GShard/Tutel-style


def setup_inputs(seed: int = 0) -> dict:
    key = jax.random.key(seed)
    ks = jax.random.split(key, 6)
    x = jax.random.normal(ks[0], (N, D), dtype=jnp.float32)
    Wg = jax.random.normal(ks[1], (D, E), dtype=jnp.float32) * 0.02
    W1 = jax.random.normal(ks[2], (E, D, H), dtype=jnp.float32) * 0.02
    b1 = jnp.zeros((E, H), dtype=jnp.float32)
    W2 = jax.random.normal(ks[3], (E, H, D), dtype=jnp.float32) * 0.02
    b2 = jnp.zeros((E, D), dtype=jnp.float32)
    return {"x": x, "Wg": Wg, "W1": W1, "b1": b1, "W2": W2, "b2": b2}


def _moe(x, Wg, W1, b1, W2, b2):
    # --- gating (tutel 'top' gate, k=2, normalize_gate=True) ---
    logits = x @ Wg                                  # [N, E]
    gates = jax.nn.softmax(logits, axis=-1)
    topv, topi = jax.lax.top_k(gates, K)             # [N, K]
    denom = jnp.sum(topv, axis=-1, keepdims=True) + 1e-9
    topv_n = topv / denom                            # normalized top-k gates
    masks = jax.nn.one_hot(topi, E, dtype=jnp.float32)  # [N, K, E]
    # --- load-balancing aux loss (GShard style, top-1 dispatch mask) ---
    me = jnp.mean(gates, axis=0)                     # mean gate prob per expert
    ce = jnp.mean(masks[:, 0, :], axis=0)            # fraction of tokens routed top-1
    l_aux = E * jnp.sum(me * ce)
    # --- capacity-based positions per expert ---
    offset = jnp.zeros((E,), jnp.float32)
    combine = jnp.zeros((N, E, CAP), jnp.float32)
    for j in range(K):
        m = masks[:, j, :]                           # [N, E]
        loc = jnp.cumsum(m, axis=0) - 1.0 + offset[None, :]
        offset = offset + jnp.sum(m, axis=0)
        pos = jnp.sum(loc * m, axis=1)               # position within chosen expert
        keep = (pos < CAP).astype(jnp.float32)
        oh_e = jax.nn.one_hot(topi[:, j], E, dtype=jnp.float32)        # [N, E]
        oh_c = jax.nn.one_hot(pos.astype(jnp.int32), CAP, dtype=jnp.float32)  # [N, CAP]
        w = topv_n[:, j] * keep                      # [N]
        combine = combine + w[:, None, None] * oh_e[:, :, None] * oh_c[:, None, :]
    dispatch = (combine > 0).astype(jnp.float32)     # binary dispatch tensor [N, E, CAP]
    # --- dispatch, expert FFN (relu), combine ---
    dispatched = jnp.einsum('nec,nd->ecd', dispatch, x)               # [E, CAP, D]
    h = jax.nn.relu(jnp.einsum('ecd,edh->ech', dispatched, W1) + b1[:, None, :])
    eout = jnp.einsum('ech,ehd->ecd', h, W2) + b2[:, None, :]         # [E, CAP, D]
    y = jnp.einsum('nec,ecd->nd', combine, eout)                      # [N, D]
    return y, l_aux


def reference(x, Wg, W1, b1, W2, b2):
    return _moe(x, Wg, W1, b1, W2, b2)

if __name__ == "__main__":
    import jax
    _d = setup_inputs()
    print(jax.jit(kernel)(*tuple(_d.values())))

</pallas_src>

<mosaic_0001>
#map = affine_map<(d0, d1) -> (0, 0)>
#map1 = affine_map<(d0, d1) -> (0)>
module attributes {stable_mosaic.version = 14 : i64} {
  func.func @_combine_sc(%arg0: i32, %arg1: i32, %arg2: memref<4096x1024xf32, #tpu.memory_space<hbm>>, %arg3: memref<2048xi32, #tpu.memory_space<hbm>>, %arg4: memref<2048xi32, #tpu.memory_space<hbm>>, %arg5: memref<2048x1024xf32, #tpu.memory_space<hbm>>, %arg6: memref<32xi32, #tpu.memory_space<vmem>>, %arg7: memref<32xi32, #tpu.memory_space<vmem>>, %arg8: memref<32x1024xf32, #tpu.memory_space<vmem>>, %arg9: memref<32x1024xf32, #tpu.memory_space<vmem>>, %arg10: memref<!tpu.dma_semaphore, #tpu.memory_space<semaphore_mem>>) attributes {dimension_semantics = [#tpu.dimension_semantics<core_parallel>, #tpu.dimension_semantics<subcore_parallel>], iteration_bounds = array<i64: 2, 16>, scalar_prefetch = 0 : i64, scratch_operands = 5 : i64, tpu.core_type = #tpu.core_type<sc_vector_subcore>, window_params = [{transform_indices = #map}, {transform_indices = #map1}, {transform_indices = #map1}, {transform_indices = #map}]} {
    %mul3A = arith.constant 2 : i32
    %mul3A_0 = arith.muli %arg1, %mul3A : i32
    %add3A = arith.addi %mul3A_0, %arg0 : i32
    %mul3A_1 = arith.constant 64 : i32
    %mul3A_2 = arith.muli %add3A, %mul3A_1 : i32
    %add3A_3 = arith.constant 0 : i32
    %add3A_4 = arith.addi %mul3A_2, %add3A_3 : i32
    "tpu.region"() ({
      %run_scoped3A = tpu.sem_alloc : memref<!tpu.dma_semaphore, #tpu.memory_space<semaphore_mem>>
      %dma_start3A_42 = tpu.memref_slice %arg3[%add3A_4] : memref<2048xi32, #tpu.memory_space<hbm>> -> memref<32xi32, #tpu.memory_space<hbm>>
      %dma_start3A_43 = tpu.memref_slice %arg3[%add3A_4] : memref<2048xi32, #tpu.memory_space<hbm>> -> memref<32xi32, #tpu.memory_space<hbm>>
      tpu.enqueue_dma source(%dma_start3A_43 : memref<32xi32, #tpu.memory_space<hbm>>) target(%arg6 : memref<32xi32, #tpu.memory_space<vmem>>) target_semaphore(%run_scoped3A : memref<!tpu.dma_semaphore, #tpu.memory_space<semaphore_mem>>)
      %dma_wait3A_44 = tpu.memref_slice %arg3[%add3A_4] : memref<2048xi32, #tpu.memory_space<hbm>> -> memref<32xi32, #tpu.memory_space<hbm>>
      %dma_wait3A_45 = tpu.memref_slice %arg3[%add3A_4] : memref<2048xi32, #tpu.memory_space<hbm>> -> memref<32xi32, #tpu.memory_space<hbm>>
      tpu.wait_dma2 semaphore(%run_scoped3A : memref<!tpu.dma_semaphore, #tpu.memory_space<semaphore_mem>>) src(%dma_wait3A_45 : memref<32xi32, #tpu.memory_space<hbm>>) dst(%arg6 : memref<32xi32, #tpu.memory_space<vmem>>)
      tpu.yield
    }) : () -> ()
    "tpu.region"() ({
      %run_scoped3A = tpu.sem_alloc : memref<!tpu.dma_semaphore, #tpu.memory_space<semaphore_mem>>
      %dma_start3A_42 = tpu.memref_slice %arg4[%add3A_4] : memref<2048xi32, #tpu.memory_space<hbm>> -> memref<32xi32, #tpu.memory_space<hbm>>
      %dma_start3A_43 = tpu.memref_slice %arg4[%add3A_4] : memref<2048xi32, #tpu.memory_space<hbm>> -> memref<32xi32, #tpu.memory_space<hbm>>
      tpu.enqueue_dma source(%dma_start3A_43 : memref<32xi32, #tpu.memory_space<hbm>>) target(%arg7 : memref<32xi32, #tpu.memory_space<vmem>>) target_semaphore(%run_scoped3A : memref<!tpu.dma_semaphore, #tpu.memory_space<semaphore_mem>>)
      %dma_wait3A_44 = tpu.memref_slice %arg4[%add3A_4] : memref<2048xi32, #tpu.memory_space<hbm>> -> memref<32xi32, #tpu.memory_space<hbm>>
      %dma_wait3A_45 = tpu.memref_slice %arg4[%add3A_4] : memref<2048xi32, #tpu.memory_space<hbm>> -> memref<32xi32, #tpu.memory_space<hbm>>
      tpu.wait_dma2 semaphore(%run_scoped3A : memref<!tpu.dma_semaphore, #tpu.memory_space<semaphore_mem>>) src(%dma_wait3A_45 : memref<32xi32, #tpu.memory_space<hbm>>) dst(%arg7 : memref<32xi32, #tpu.memory_space<vmem>>)
      tpu.yield
    }) : () -> ()
    %dma_start3A = arith.constant 0 : i32
    %dma_start3A_5 = arith.constant 0 : i32
    %dma_start3A_6 = tpu.memref_slice %arg2[%dma_start3A, %dma_start3A_5] : memref<4096x1024xf32, #tpu.memory_space<hbm>> -> memref<4096x1024xf32, #tpu.memory_space<hbm>>
    tpu.enqueue_indirect_dma source(%dma_start3A_6 : memref<4096x1024xf32, #tpu.memory_space<hbm>>) target(%arg8 : memref<32x1024xf32, #tpu.memory_space<vmem>>) offsets(%arg6 : memref<32xi32, #tpu.memory_space<vmem>>) semaphore(%arg10 : memref<!tpu.dma_semaphore, #tpu.memory_space<semaphore_mem>>)
    %dma_wait3A = arith.constant 0 : i32
    %dma_wait3A_7 = arith.constant 0 : i32
    %dma_wait3A_8 = tpu.memref_slice %arg2[%dma_wait3A, %dma_wait3A_7] : memref<4096x1024xf32, #tpu.memory_space<hbm>> -> memref<4096x1024xf32, #tpu.memory_space<hbm>>
    tpu.wait_indirect_dma semaphore(%arg10 : memref<!tpu.dma_semaphore, #tpu.memory_space<semaphore_mem>>) src(%dma_wait3A_8 : memref<4096x1024xf32, #tpu.memory_space<hbm>>) dst(%arg8 : memref<32x1024xf32, #tpu.memory_space<vmem>>)
    %dma_start3A_9 = arith.constant 0 : i32
    %dma_start3A_10 = arith.constant 0 : i32
    %dma_start3A_11 = tpu.memref_slice %arg2[%dma_start3A_9, %dma_start3A_10] : memref<4096x1024xf32, #tpu.memory_space<hbm>> -> memref<4096x1024xf32, #tpu.memory_space<hbm>>
    tpu.enqueue_indirect_dma source(%dma_start3A_11 : memref<4096x1024xf32, #tpu.memory_space<hbm>>) target(%arg9 : memref<32x1024xf32, #tpu.memory_space<vmem>>) offsets(%arg7 : memref<32xi32, #tpu.memory_space<vmem>>) semaphore(%arg10 : memref<!tpu.dma_semaphore, #tpu.memory_space<semaphore_mem>>)
    %dma_wait3A_12 = arith.constant 0 : i32
    %dma_wait3A_13 = arith.constant 0 : i32
    %dma_wait3A_14 = tpu.memref_slice %arg2[%dma_wait3A_12, %dma_wait3A_13] : memref<4096x1024xf32, #tpu.memory_space<hbm>> -> memref<4096x1024xf32, #tpu.memory_space<hbm>>
    tpu.wait_indirect_dma semaphore(%arg10 : memref<!tpu.dma_semaphore, #tpu.memory_space<semaphore_mem>>) src(%dma_wait3A_14 : memref<4096x1024xf32, #tpu.memory_space<hbm>>) dst(%arg9 : memref<32x1024xf32, #tpu.memory_space<vmem>>)
    %scan3A = arith.constant 0 : i32
    %scan3A_15 = arith.constant 0 : i32
    %scan3A_16 = arith.constant 32 : i32
    %scan3A_17 = arith.addi %scan3A_15, %scan3A_16 : i32
    %scan3A_18 = arith.constant 1 : i32
    %scan3A_19 = scf.for %scan3A_42 = %scan3A_15 to %scan3A_17 step %scan3A_18 iter_args(%scan3A_43 = %scan3A) -> (i32)  : i32 {
      %get3A = arith.index_cast %scan3A_42 : i32 to index
      %get3A_44 = arith.constant 0 : index
      %get3A_45 = tpu.vector_load %arg8[%get3A, %get3A_44] {strides = array<i32>} : memref<32x1024xf32, #tpu.memory_space<vmem>>, vector<1x16xf32>,
      %get3A_46 = vector.shape_cast %get3A_45 : vector<1x16xf32> to vector<16xf32>
      %get3A_47 = arith.index_cast %scan3A_42 : i32 to index
      %get3A_48 = arith.constant 0 : index
      %get3A_49 = tpu.vector_load %arg9[%get3A_47, %get3A_48] {strides = array<i32>} : memref<32x1024xf32, #tpu.memory_space<vmem>>, vector<1x16xf32>,
      %get3A_50 = vector.shape_cast %get3A_49 : vector<1x16xf32> to vector<16xf32>
      %add3A_51 = arith.addf %get3A_46, %get3A_50 : vector<16xf32>
      %swap3A = arith.index_cast %scan3A_42 : i32 to index
      %swap3A_52 = arith.constant 0 : index
      %swap3A_53 = tpu.vector_load %arg8[%swap3A, %swap3A_52] {strides = array<i32>} : memref<32x1024xf32, #tpu.memory_space<vmem>>, vector<1x16xf32>,
      %swap3A_54 = vector.shape_cast %swap3A_53 : vector<1x16xf32> to vector<16xf32>
      %swap3A_55 = vector.shape_cast %add3A_51 : vector<16xf32> to vector<1x16xf32>
      tpu.vector_store %arg8[%swap3A, %swap3A_52], %swap3A_55 {strides = array<i32>} : memref<32x1024xf32, #tpu.memory_space<vmem>>, vector<1x16xf32>,
      %get3A_56 = arith.index_cast %scan3A_42 : i32 to index
      %get3A_57 = arith.constant 16 : index
      %get3A_58 = tpu.vector_load %arg8[%get3A_56, %get3A_57] {strides = array<i32>} : memref<32x1024xf32, #tpu.memory_space<vmem>>, vector<1x16xf32>,
      %get3A_59 = vector.shape_cast %get3A_58 : vector<1x16xf32> to vector<16xf32>
      %get3A_60 = arith.index_cast %scan3A_42 : i32 to index
      %get3A_61 = arith.constant 16 : index
      %get3A_62 = tpu.vector_load %arg9[%get3A_60, %get3A_61] {strides = array<i32>} : memref<32x1024xf32, #tpu.memory_space<vmem>>, vector<1x16xf32>,
      %get3A_63 = vector.shape_cast %get3A_62 : vector<1x16xf32> to vector<16xf32>
      %add3A_64 = arith.addf %get3A_59, %get3A_63 : vector<16xf32>
      %swap3A_65 = arith.index_cast %scan3A_42 : i32 to index
      %swap3A_66 = arith.constant 16 : index
      %swap3A_67 = tpu.vector_load %arg8[%swap3A_65, %swap3A_66] {strides = array<i32>} : memref<32x1024xf32, #tpu.memory_space<vmem>>, vector<1x16xf32>,
      %swap3A_68 = vector.shape_cast %swap3A_67 : vector<1x16xf32> to vector<16xf32>
      %swap3A_69 = vector.shape_cast %add3A_64 : vector<16xf32> to vector<1x16xf32>
      tpu.vector_store %arg8[%swap3A_65, %swap3A_66], %swap3A_69 {strides = array<i32>} : memref<32x1024xf32, #tpu.memory_space<vmem>>, vector<1x16xf32>,
      %get3A_70 = arith.index_cast %scan3A_42 : i32 to index
      %get3A_71 = arith.constant 32 : index
      %get3A_72 = tpu.vector_load %arg8[%get3A_70, %get3A_71] {strides = array<i32>} : memref<32x1024xf32, #tpu.memory_space<vmem>>, vector<1x16xf32>,
      %get3A_73 = vector.shape_cast %get3A_72 : vector<1x16xf32> to vector<16xf32>
      %get3A_74 = arith.index_cast %scan3A_42 : i32 to index
      %get3A_75 = arith.constant 32 : index
      %get3A_76 = tpu.vector_load %arg9[%get3A_74, %get3A_75] {strides = array<i32>} : memref<32x1024xf32, #tpu.memory_space<vmem>>, vector<1x16xf32>,
      %get3A_77 = vector.shape_cast %get3A_76 : vector<1x16xf32> to vector<16xf32>
      %add3A_78 = arith.addf %get3A_73, %get3A_77 : vector<16xf32>
      %swap3A_79 = arith.index_cast %scan3A_42 : i32 to index
      %swap3A_80 = arith.constant 32 : index
      %swap3A_81 = tpu.vector_load %arg8[%swap3A_79, %swap3A_80] {strides = array<i32>} : memref<32x1024xf32, #tpu.memory_space<vmem>>, vector<1x16xf32>,
      %swap3A_82 = vector.shape_cast %swap3A_81 : vector<1x16xf32> to vector<16xf32>
      %swap3A_83 = vector.shape_cast %add3A_78 : vector<16xf32> to vector<1x16xf32>
      tpu.vector_store %arg8[%swap3A_79, %swap3A_80], %swap3A_83 {strides = array<i32>} : memref<32x1024xf32, #tpu.memory_space<vmem>>, vector<1x16xf32>,
      %get3A_84 = arith.index_cast %scan3A_42 : i32 to index
      %get3A_85 = arith.constant 48 : index
      %get3A_86 = tpu.vector_load %arg8[%get3A_84, %get3A_85] {strides = array<i32>} : memref<32x1024xf32, #tpu.memory_space<vmem>>, vector<1x16xf32>,
      %get3A_87 = vector.shape_cast %get3A_86 : vector<1x16xf32> to vector<16xf32>
      %get3A_88 = arith.index_cast %scan3A_42 : i32 to index
      %get3A_89 = arith.constant 48 : index
      %get3A_90 = tpu.vector_load %arg9[%get3A_88, %get3A_89] {strides = array<i32>} : memref<32x1024xf32, #tpu.memory_space<vmem>>, vector<1x16xf32>,
      %get3A_91 = vector.shape_cast %get3A_90 : vector<1x16xf32> to vector<16xf32>
      %add3A_92 = arith.addf %get3A_87, %get3A_91 : vector<16xf32>
      %swap3A_93 = arith.index_cast %scan3A_42 : i32 to index
      %swap3A_94 = arith.constant 48 : index
      %swap3A_95 = tpu.vector_load %arg8[%swap3A_93, %swap3A_94] {strides = array<i32>} : memref<32x1024xf32, #tpu.memory_space<vmem>>, vector<1x16xf32>,
      %swap3A_96 = vector.shape_cast %swap3A_95 : vector<1x16xf32> to vector<16xf32>
      %swap3A_97 = vector.shape_cast %add3A_92 : vector<16xf32> to vector<1x16xf32>
      tpu.vector_store %arg8[%swap3A_93, %swap3A_94], %swap3A_97 {strides = array<i32>} : memref<32x1024xf32, #tpu.memory_space<vmem>>, vector<1x16xf32>,
      %get3A_98 = arith.index_cast %scan3A_42 : i32 to index
      %get3A_99 = arith.constant 64 : index
      %get3A_100 = tpu.vector_load %arg8[%get3A_98, %get3A_99] {strides = array<i32>} : memref<32x1024xf32, #tpu.memory_space<vmem>>, vector<1x16xf32>,
      %get3A_101 = vector.shape_cast %get3A_100 : vector<1x16xf32> to vector<16xf32>
      %get3A_102 = arith.index_cast %scan3A_42 : i32 to index
      %get3A_103 = arith.constant 64 : index
      %get3A_104 = tpu.vector_load %arg9[%get3A_102, %get3A_103] {strides = array<i32>} : memref<32x1024xf32, #tpu.memory_space<vmem>>, vector<1x16xf32>,
      %get3A_105 = vector.shape_cast %get3A_104 : vector<1x16xf32> to vector<16xf32>
      %add3A_106 = arith.addf %get3A_101, %get3A_105 : vector<16xf32>
      %swap3A_107 = arith.index_cast %scan3A_42 : i32 to index
      %swap3A_108 = arith.constant 64 : index
      %swap3A_109 = tpu.vector_load %arg8[%swap3A_107, %swap3A_108] {strides = array<i32>} : memref<32x1024xf32, #tpu.memory_space<vmem>>, vector<1x16xf32>,
      %swap3A_110 = vector.shape_cast %swap3A_109 : vector<1x16xf32> to vector<16xf32>
      %swap3A_111 = vector.shape_cast %add3A_106 : vector<16xf32> to vector<1x16xf32>
      tpu.vector_store %arg8[%swap3A_107, %swap3A_108], %swap3A_111 {strides = array<i32>} : memref<32x1024xf32, #tpu.memory_space<vmem>>, vector<1x16xf32>,
      %get3A_112 = arith.index_cast %scan3A_42 : i32 to index
      %get3A_113 = arith.constant 80 : index
      %get3A_114 = tpu.vector_load %arg8[%get3A_112, %get3A_113] {strides = array<i32>} : memref<32x1024xf32, #tpu.memory_space<vmem>>, vector<1x16xf32>,
      %get3A_115 = vector.shape_cast %get3A_114 : vector<1x16xf32> to vector<16xf32>
      %get3A_116 = arith.index_cast %scan3A_42 : i32 to index
      %get3A_117 = arith.constant 80 : index
      %get3A_118 = tpu.vector_load %arg9[%get3A_116, %get3A_117] {strides = array<i32>} : memref<32x1024xf32, #tpu.memory_space<vmem>>, vector<1x16xf32>,
      %get3A_119 = vector.shape_cast %get3A_118 : vector<1x16xf32> to vector<16xf32>
      %add3A_120 = arith.addf %get3A_115, %get3A_119 : vector<16xf32>
      %swap3A_121 = arith.index_cast %scan3A_42 : i32 to index
      %swap3A_122 = arith.constant 80 : index
      %swap3A_123 = tpu.vector_load %arg8[%swap3A_121, %swap3A_122] {strides = array<i32>} : memref<32x1024xf32, #tpu.memory_space<vmem>>, vector<1x16xf32>,
      %swap3A_124 = vector.shape_cast %swap3A_123 : vector<1x16xf32> to vector<16xf32>
      %swap3A_125 = vector.shape_cast %add3A_120 : vector<16xf32> to vector<1x16xf32>
      tpu.vector_store %arg8[%swap3A_121, %swap3A_122], %swap3A_125 {strides = array<i32>} : memref<32x1024xf32, #tpu.memory_space<vmem>>, vector<1x16xf32>,
      %get3A_126 = arith.index_cast %scan3A_42 : i32 to index
      %get3A_127 = arith.constant 96 : index
      %get3A_128 = tpu.vector_load %arg8[%get3A_126, %get3A_127] {strides = array<i32>} : memref<32x1024xf32, #tpu.memory_space<vmem>>, vector<1x16xf32>,
      %get3A_129 = vector.shape_cast %get3A_128 : vector<1x16xf32> to vector<16xf32>
      %get3A_130 = arith.index_cast %scan3A_42 : i32 to index
      %get3A_131 = arith.constant 96 : index
      %get3A_132 = tpu.vector_load %arg9[%get3A_130, %get3A_131] {strides = array<i32>} : memref<32x1024xf32, #tpu.memory_space<vmem>>, vector<1x16xf32>,
      %get3A_133 = vector.shape_cast %get3A_132 : vector<1x16xf32> to vector<16xf32>
      %add3A_134 = arith.addf %get3A_129, %get3A_133 : vector<16xf32>
      %swap3A_135 = arith.index_cast %scan3A_42 : i32 to index
      %swap3A_136 = arith.constant 96 : index
      %swap3A_137 = tpu.vector_load %arg8[%swap3A_135, %swap3A_136] {strides = array<i32>} : memref<32x1024xf32, #tpu.memory_space<vmem>>, vector<1x16xf32>,
      %swap3A_138 = vector.shape_cast %swap3A_137 : vector<1x16xf32> to vector<16xf32>
      %swap3A_139 = vector.shape_cast %add3A_134 : vector<16xf32> to vector<1x16xf32>
      tpu.vector_store %arg8[%swap3A_135, %swap3A_136], %swap3A_139 {strides = array<i32>} : memref<32x1024xf32, #tpu.memory_space<vmem>>, vector<1x16xf32>,
      %get3A_140 = arith.index_cast %scan3A_42 : i32 to index
      %get3A_141 = arith.constant 112 : index
      %get3A_142 = tpu.vector_load %arg8[%get3A_140, %get3A_141] {strides = array<i32>} : memref<32x1024xf32, #tpu.memory_space<vmem>>, vector<1x16xf32>,
      %get3A_143 = vector.shape_cast %get3A_142 : vector<1x16xf32> to vector<16xf32>
      %get3A_144 = arith.index_cast %scan3A_42 : i32 to index
      %get3A_145 = arith.constant 112 : index
      %get3A_146 = tpu.vector_load %arg9[%get3A_144, %get3A_145] {strides = array<i32>} : memref<32x1024xf32, #tpu.memory_space<vmem>>, vector<1x16xf32>,
      %get3A_147 = vector.shape_cast %get3A_146 : vector<1x16xf32> to vector<16xf32>
      %add3A_148 = arith.addf %get3A_143, %get3A_147 : vector<16xf32>
      %swap3A_149 = arith.index_cast %scan3A_42 : i32 to index
      %swap3A_150 = arith.constant 112 : index
      %swap3A_151 = tpu.vector_load %arg8[%swap3A_149, %swap3A_150] {strides = array<i32>} : memref<32x1024xf32, #tpu.memory_space<vmem>>, vector<1x16xf32>,
      %swap3A_152 = vector.shape_cast %swap3A_151 : vector<1x16xf32> to vector<16xf32>
      %swap3A_153 = vector.shape_cast %add3A_148 : vector<16xf32> to vector<1x16xf32>
      tpu.vector_store %arg8[%swap3A_149, %swap3A_150], %swap3A_153 {strides = array<i32>} : memref<32x1024xf32, #tpu.memory_space<vmem>>, vector<1x16xf32>,
      %get3A_154 = arith.index_cast %scan3A_42 : i32 to index
      %get3A_155 = arith.constant 128 : index
      %get3A_156 = tpu.vector_load %arg8[%get3A_154, %get3A_155] {strides = array<i32>} : memref<32x1024xf32, #tpu.memory_space<vmem>>, vector<1x16xf32>,
      %get3A_157 = vector.shape_cast %get3A_156 : vector<1x16xf32> to vector<16xf32>
      %get3A_158 = arith.index_cast %scan3A_42 : i32 to index
      %get3A_159 = arith.constant 128 : index
      %get3A_160 = tpu.vector_load %arg9[%get3A_158, %get3A_159] {strides = array<i32>} : memref<32x1024xf32, #tpu.memory_space<vmem>>, vector<1x16xf32>,
      %get3A_161 = vector.shape_cast %get3A_160 : vector<1x16xf32> to vector<16xf32>
      %add3A_162 = arith.addf %get3A_157, %get3A_161 : vector<16xf32>
      %swap3A_163 = arith.index_cast %scan3A_42 : i32 to index
      %swap3A_164 = arith.constant 128 : index
      %swap3A_165 = tpu.vector_load %arg8[%swap3A_163, %swap3A_164] {strides = array<i32>} : memref<32x1024xf32, #tpu.memory_space<vmem>>, vector<1x16xf32>,
      %swap3A_166 = vector.shape_cast %swap3A_165 : vector<1x16xf32> to vector<16xf32>
      %swap3A_167 = vector.shape_cast %add3A_162 : vector<16xf32> to vector<1x16xf32>
      tpu.vector_store %arg8[%swap3A_163, %swap3A_164], %swap3A_167 {strides = array<i32>} : memref<32x1024xf32, #tpu.memory_space<vmem>>, vector<1x16xf32>,
      %get3A_168 = arith.index_cast %scan3A_42 : i32 to index
      %get3A_169 = arith.constant 144 : index
      %get3A_170 = tpu.vector_load %arg8[%get3A_168, %get3A_169] {strides = array<i32>} : memref<32x1024xf32, #tpu.memory_space<vmem>>, vector<1x16xf32>,
      %get3A_171 = vector.shape_cast %get3A_170 : vector<1x16xf32> to vector<16xf32>
      %get3A_172 = arith.index_cast %scan3A_42 : i32 to index
      %get3A_173 = arith.constant 144 : index
      %get3A_174 = tpu.vector_load %arg9[%get3A_172, %get3A_173] {strides = array<i32>} : memref<32x1024xf32, #tpu.memory_space<vmem>>, vector<1x16xf32>,
      %get3A_175 = vector.shape_cast %get3A_174 : vector<1x16xf32> to vector<16xf32>
      %add3A_176 = arith.addf %get3A_171, %get3A_175 : vector<16xf32>
      %swap3A_177 = arith.index_cast %scan3A_42 : i32 to index
      %swap3A_178 = arith.constant 144 : index
      %swap3A_179 = tpu.vector_load %arg8[%swap3A_177, %swap3A_178] {strides = array<i32>} : memref<32x1024xf32, #tpu.memory_space<vmem>>, vector<1x16xf32>,
      %swap3A_180 = vector.shape_cast %swap3A_179 : vector<1x16xf32> to vector<16xf32>
      %swap3A_181 = vector.shape_cast %add3A_176 : vector<16xf32> to vector<1x16xf32>
      tpu.vector_store %arg8[%swap3A_177, %swap3A_178], %swap3A_181 {strides = array<i32>} : memref<32x1024xf32, #tpu.memory_space<vmem>>, vector<1x16xf32>,
      %get3A_182 = arith.index_cast %scan3A_42 : i32 to index
      %get3A_183 = arith.constant 160 : index
      %get3A_184 = tpu.vector_load %arg8[%get3A_182, %get3A_183] {strides = array<i32>} : memref<32x1024xf32, #tpu.memory_space<vmem>>, vector<1x16xf32>,
      %get3A_185 = vector.shape_cast %get3A_184 : vector<1x16xf32> to vector<16xf32>
      %get3A_186 = arith.index_cast %scan3A_42 : i32 to index
      %get3A_187 = arith.constant 160 : index
      %get3A_188 = tpu.vector_load %arg9[%get3A_186, %get3A_187] {strides = array<i32>} : memref<32x1024xf32, #tpu.memory_space<vmem>>, vector<1x16xf32>,
      %get3A_189 = vector.shape_cast %get3A_188 : vector<1x16xf32> to vector<16xf32>
      %add3A_190 = arith.addf %get3A_185, %get3A_189 : vector<16xf32>
      %swap3A_191 = arith.index_cast %scan3A_42 : i32 to index
      %swap3A_192 = arith.constant 160 : index
      %swap3A_193 = tpu.vector_load %arg8[%swap3A_191, %swap3A_192] {strides = array<i32>} : memref<32x1024xf32, #tpu.memory_space<vmem>>, vector<1x16xf32>,
      %swap3A_194 = vector.shape_cast %swap3A_193 : vector<1x16xf32> to vector<16xf32>
      %swap3A_195 = vector.shape_cast %add3A_190 : vector<16xf32> to vector<1x16xf32>
      tpu.vector_store %arg8[%swap3A_191, %swap3A_192], %swap3A_195 {strides = array<i32>} : memref<32x1024xf32, #tpu.memory_space<vmem>>, vector<1x16xf32>,
      %get3A_196 = arith.index_cast %scan3A_42 : i32 to index
      %get3A_197 = arith.constant 176 : index
      %get3A_198 = tpu.vector_load %arg8[%get3A_196, %get3A_197] {strides = array<i32>} : memref<32x1024xf32, #tpu.memory_space<vmem>>, vector<1x16xf32>,
      %get3A_199 = vector.shape_cast %get3A_198 : vector<1x16xf32> to vector<16xf32>
      %get3A_200 = arith.index_cast %scan3A_42 : i32 to index
      %get3A_201 = arith.constant 176 : index
      %get3A_202 = tpu.vector_load %arg9[%get3A_200, %get3A_201] {strides = array<i32>} : memref<32x1024xf32, #tpu.memory_space<vmem>>, vector<1x16xf32>,
      %get3A_203 = vector.shape_cast %get3A_202 : vector<1x16xf32> to vector<16xf32>
      %add3A_204 = arith.addf %get3A_199, %get3A_203 : vector<16xf32>
      %swap3A_205 = arith.index_cast %scan3A_42 : i32 to index
      %swap3A_206 = arith.constant 176 : index
      %swap3A_207 = tpu.vector_load %arg8[%swap3A_205, %swap3A_206] {strides = array<i32>} : memref<32x1024xf32, #tpu.memory_space<vmem>>, vector<1x16xf32>,
      %swap3A_208 = vector.shape_cast %swap3A_207 : vector<1x16xf32> to vector<16xf32>
      %swap3A_209 = vector.shape_cast %add3A_204 : vector<16xf32> to vector<1x16xf32>
      tpu.vector_store %arg8[%swap3A_205, %swap3A_206], %swap3A_209 {strides = array<i32>} : memref<32x1024xf32, #tpu.memory_space<vmem>>, vector<1x16xf32>,
      %get3A_210 = arith.index_cast %scan3A_42 : i32 to index
      %get3A_211 = arith.constant 192 : index
      %get3A_212 = tpu.vector_load %arg8[%get3A_210, %get3A_211] {strides = array<i32>} : memref<32x1024xf32, #tpu.memory_space<vmem>>, vector<1x16xf32>,
      %get3A_213 = vector.shape_cast %get3A_212 : vector<1x16xf32> to vector<16xf32>
      %get3A_214 = arith.index_cast %scan3A_42 : i32 to index
      %get3A_215 = arith.constant 192 : index
      %get3A_216 = tpu.vector_load %arg9[%get3A_214, %get3A_215] {strides = array<i32>} : memref<32x1024xf32, #tpu.memory_space<vmem>>, vector<1x16xf32>,
      %get3A_217 = vector.shape_cast %get3A_216 : vector<1x16xf32> to vector<16xf32>
      %add3A_218 = arith.addf %get3A_213, %get3A_217 : vector<16xf32>
      %swap3A_219 = arith.index_cast %scan3A_42 : i32 to index
      %swap3A_220 = arith.constant 192 : index
      %swap3A_221 = tpu.vector_load %arg8[%swap3A_219, %swap3A_220] {strides = array<i32>} : memref<32x1024xf32, #tpu.memory_space<vmem>>, vector<1x16xf32>,
      %swap3A_222 = vector.shape_cast %swap3A_221 : vector<1x16xf32> to vector<16xf32>
      %swap3A_223 = vector.shape_cast %add3A_218 : vector<16xf32> to vector<1x16xf32>
      tpu.vector_store %arg8[%swap3A_219, %swap3A_220], %swap3A_223 {strides = array<i32>} : memref<32x1024xf32, #tpu.memory_space<vmem>>, vector<1x16xf32>,
      %get3A_224 = arith.index_cast %scan3A_42 : i32 to index
      %get3A_225 = arith.constant 208 : index
      %get3A_226 = tpu.vector_load %arg8[%get3A_224, %get3A_225] {strides = array<i32>} : memref<32x1024xf32, #tpu.memory_space<vmem>>, vector<1x16xf32>,
      %get3A_227 = vector.shape_cast %get3A_226 : vector<1x16xf32> to vector<16xf32>
      %get3A_228 = arith.index_cast %scan3A_42 : i32 to index
      %get3A_229 = arith.constant 208 : index
      %get3A_230 = tpu.vector_load %arg9[%get3A_228, %get3A_229] {strides = array<i32>} : memref<32x1024xf32, #tpu.memory_space<vmem>>, vector<1x16xf32>,
      %get3A_231 = vector.shape_cast %get3A_230 : vector<1x16xf32> to vector<16xf32>
      %add3A_232 = arith.addf %get3A_227, %get3A_231 : vector<16xf32>
      %swap3A_233 = arith.index_cast %scan3A_42 : i32 to index
      %swap3A_234 = arith.constant 208 : index
      %swap3A_235 = tpu.vector_load %arg8[%swap3A_233, %swap3A_234] {strides = array<i32>} : memref<32x1024xf32, #tpu.memory_space<vmem>>, vector<1x16xf32>,
      %swap3A_236 = vector.shape_cast %swap3A_235 : vector<1x16xf32> to vector<16xf32>
      %swap3A_237 = vector.shape_cast %add3A_232 : vector<16xf32> to vector<1x16xf32>
      tpu.vector_store %arg8[%swap3A_233, %swap3A_234], %swap3A_237 {strides = array<i32>} : memref<32x1024xf32, #tpu.memory_space<vmem>>, vector<1x16xf32>,
      %get3A_238 = arith.index_cast %scan3A_42 : i32 to index
      %get3A_239 = arith.constant 224 : index
      %get3A_240 = tpu.vector_load %arg8[%get3A_238, %get3A_239] {strides = array<i32>} : memref<32x1024xf32, #tpu.memory_space<vmem>>, vector<1x16xf32>,
      %get3A_241 = vector.shape_cast %get3A_240 : vector<1x16xf32> to vector<16xf32>
      %get3A_242 = arith.index_cast %scan3A_42 : i32 to index
      %get3A_243 = arith.constant 224 : index
      %get3A_244 = tpu.vector_load %arg9[%get3A_242, %get3A_243] {strides = array<i32>} : memref<32x1024xf32, #tpu.memory_space<vmem>>, vector<1x16xf32>,
      %get3A_245 = vector.shape_cast %get3A_244 : vector<1x16xf32> to vector<16xf32>
      %add3A_246 = arith.addf %get3A_241, %get3A_245 : vector<16xf32>
      %swap3A_247 = arith.index_cast %scan3A_42 : i32 to index
      %swap3A_248 = arith.constant 224 : index
      %swap3A_249 = tpu.vector_load %arg8[%swap3A_247, %swap3A_248] {strides = array<i32>} : memref<32x1024xf32, #tpu.memory_space<vmem>>, vector<1x16xf32>,
      %swap3A_250 = vector.shape_cast %swap3A_249 : vector<1x16xf32> to vector<16xf32>
      %swap3A_251 = vector.shape_cast %add3A_246 : vector<16xf32> to vector<1x16xf32>
      tpu.vector_store %arg8[%swap3A_247, %swap3A_248], %swap3A_251 {strides = array<i32>} : memref<32x1024xf32, #tpu.memory_space<vmem>>, vector<1x16xf32>,
      %get3A_252 = arith.index_cast %scan3A_42 : i32 to index
      %get3A_253 = arith.constant 240 : index
      %get3A_254 = tpu.vector_load %arg8[%get3A_252, %get3A_253] {strides = array<i32>} : memref<32x1024xf32, #tpu.memory_space<vmem>>, vector<1x16xf32>,
      %get3A_255 = vector.shape_cast %get3A_254 : vector<1x16xf32> to vector<16xf32>
      %get3A_256 = arith.index_cast %scan3A_42 : i32 to index
      %get3A_257 = arith.constant 240 : index
      %get3A_258 = tpu.vector_load %arg9[%get3A_256, %get3A_257] {strides = array<i32>} : memref<32x1024xf32, #tpu.memory_space<vmem>>, vector<1x16xf32>,
      %get3A_259 = vector.shape_cast %get3A_258 : vector<1x16xf32> to vector<16xf32>
      %add3A_260 = arith.addf %get3A_255, %get3A_259 : vector<16xf32>
      %swap3A_261 = arith.index_cast %scan3A_42 : i32 to index
      %swap3A_262 = arith.constant 240 : index
      %swap3A_263 = tpu.vector_load %arg8[%swap3A_261, %swap3A_262] {strides = array<i32>} : memref<32x1024xf32, #tpu.memory_space<vmem>>, vector<1x16xf32>,
      %swap3A_264 = vector.shape_cast %swap3A_263 : vector<1x16xf32> to vector<16xf32>
      %swap3A_265 = vector.shape_cast %add3A_260 : vector<16xf32> to vector<1x16xf32>
      tpu.vector_store %arg8[%swap3A_261, %swap3A_262], %swap3A_265 {strides = array<i32>} : memref<32x1024xf32, #tpu.memory_space<vmem>>, vector<1x16xf32>,
      %get3A_266 = arith.index_cast %scan3A_42 : i32 to index
      %get3A_267 = arith.constant 256 : index
      %get3A_268 = tpu.vector_load %arg8[%get3A_266, %get3A_267] {strides = array<i32>} : memref<32x1024xf32, #tpu.memory_space<vmem>>, vector<1x16xf32>,
      %get3A_269 = vector.shape_cast %get3A_268 : vector<1x16xf32> to vector<16xf32>
      %get3A_270 = arith.index_cast %scan3A_42 : i32 to index
      %get3A_271 = arith.constant 256 : index
      %get3A_272 = tpu.vector_load %arg9[%get3A_270, %get3A_271] {strides = array<i32>} : memref<32x1024xf32, #tpu.memory_space<vmem>>, vector<1x16xf32>,
      %get3A_273 = vector.shape_cast %get3A_272 : vector<1x16xf32> to vector<16xf32>
      %add3A_274 = arith.addf %get3A_269, %get3A_273 : vector<16xf32>
      %swap3A_275 = arith.index_cast %scan3A_42 : i32 to index
      %swap3A_276 = arith.constant 256 : index
      %swap3A_277 = tpu.vector_load %arg8[%swap3A_275, %swap3A_276] {strides = array<i32>} : memref<32x1024xf32, #tpu.memory_space<vmem>>, vector<1x16xf32>,
      %swap3A_278 = vector.shape_cast %swap3A_277 : vector<1x16xf32> to vector<16xf32>
      %swap3A_279 = vector.shape_cast %add3A_274 : vector<16xf32> to vector<1x16xf32>
      tpu.vector_store %arg8[%swap3A_275, %swap3A_276], %swap3A_279 {strides = array<i32>} : memref<32x1024xf32, #tpu.memory_space<vmem>>, vector<1x16xf32>,
      %get3A_280 = arith.index_cast %scan3A_42 : i32 to index
      %get3A_281 = arith.constant 272 : index
      %get3A_282 = tpu.vector_load %arg8[%get3A_280, %get3A_281] {strides = array<i32>} : memref<32x1024xf32, #tpu.memory_space<vmem>>, vector<1x16xf32>,
      %get3A_283 = vector.shape_cast %get3A_282 : vector<1x16xf32> to vector<16xf32>
      %get3A_284 = arith.index_cast %scan3A_42 : i32 to index
      %get3A_285 = arith.constant 272 : index
      %get3A_286 = tpu.vector_load %arg9[%get3A_284, %get3A_285] {strides = array<i32>} : memref<32x1024xf32, #tpu.memory_space<vmem>>, vector<1x16xf32>,
      %get3A_287 = vector.shape_cast %get3A_286 : vector<1x16xf32> to vector<16xf32>
      %add3A_288 = arith.addf %get3A_283, %get3A_287 : vector<16xf32>
      %swap3A_289 = arith.index_cast %scan3A_42 : i32 to index
      %swap3A_290 = arith.constant 272 : index
      %swap3A_291 = tpu.vector_load %arg8[%swap3A_289, %swap3A_290] {strides = array<i32>} : memref<32x1024xf32, #tpu.memory_space<vmem>>, vector<1x16xf32>,
      %swap3A_292 = vector.shape_cast %swap3A_291 : vector<1x16xf32> to vector<16xf32>
      %swap3A_293 = vector.shape_cast %add3A_288 : vector<16xf32> to vector<1x16xf32>
      tpu.vector_store %arg8[%swap3A_289, %swap3A_290], %swap3A_293 {strides = array<i32>} : memref<32x1024xf32, #tpu.memory_space<vmem>>, vector<1x16xf32>,
      %get3A_294 = arith.index_cast %scan3A_42 : i32 to index
      %get3A_295 = arith.constant 288 : index
      %get3A_296 = tpu.vector_load %arg8[%get3A_294, %get3A_295] {strides = array<i32>} : memref<32x1024xf32, #tpu.memory_space<vmem>>, vector<1x16xf32>,
      %get3A_297 = vector.shape_cast %get3A_296 : vector<1x16xf32> to vector<16xf32>
      %get3A_298 = arith.index_cast %scan3A_42 : i32 to index
      %get3A_299 = arith.constant 288 : index
      %get3A_300 = tpu.vector_load %arg9[%get3A_298, %get3A_299] {strides = array<i32>} : memref<32x1024xf32, #tpu.memory_space<vmem>>, vector<1x16xf32>,
      %get3A_301 = vector.shape_cast %get3A_300 : vector<1x16xf32> to vector<16xf32>
      %add3A_302 = arith.addf %get3A_297, %get3A_301 : vector<16xf32>
      %swap3A_303 = arith.index_cast %scan3A_42 : i32 to index
      %swap3A_304 = arith.constant 288 : index
      %swap3A_305 = tpu.vector_load %arg8[%swap3A_303, %swap3A_304] {strides = array<i32>} : memref<32x1024xf32, #tpu.memory_space<vmem>>, vector<1x16xf32>,
      %swap3A_306 = vector.shape_cast %swap3A_305 : vector<1x16xf32> to vector<16xf32>
      %swap3A_307 = vector.shape_cast %add3A_302 : vector<16xf32> to vector<1x16xf32>
      tpu.vector_store %arg8[%swap3A_303, %swap3A_304], %swap3A_307 {strides = array<i32>} : memref<32x1024xf32, #tpu.memory_space<vmem>>, vector<1x16xf32>,
      %get3A_308 = arith.index_cast %scan3A_42 : i32 to index
      %get3A_309 = arith.constant 304 : index
      %get3A_310 = tpu.vector_load %arg8[%get3A_308, %get3A_309] {strides = array<i32>} : memref<32x1024xf32, #tpu.memory_space<vmem>>, vector<1x16xf32>,
      %get3A_311 = vector.shape_cast %get3A_310 : vector<1x16xf32> to vector<16xf32>
      %get3A_312 = arith.index_cast %scan3A_42 : i32 to index
      %get3A_313 = arith.constant 304 : index
      %get3A_314 = tpu.vector_load %arg9[%get3A_312, %get3A_313] {strides = array<i32>} : memref<32x1024xf32, #tpu.memory_space<vmem>>, vector<1x16xf32>,
      %get3A_315 = vector.shape_cast %get3A_314 : vector<1x16xf32> to vector<16xf32>
      %add3A_316 = arith.addf %get3A_311, %get3A_315 : vector<16xf32>
      %swap3A_317 = arith.index_cast %scan3A_42 : i32 to index
      %swap3A_318 = arith.constant 304 : index
      %swap3A_319 = tpu.vector_load %arg8[%swap3A_317, %swap3A_318] {strides = array<i32>} : memref<32x1024xf32, #tpu.memory_space<vmem>>, vector<1x16xf32>,
      %swap3A_320 = vector.shape_cast %swap3A_319 : vector<1x16xf32> to vector<16xf32>
      %swap3A_321 = vector.shape_cast %add3A_316 : vector<16xf32> to vector<1x16xf32>
      tpu.vector_store %arg8[%swap3A_317, %swap3A_318], %swap3A_321 {strides = array<i32>} : memref<32x1024xf32, #tpu.memory_space<vmem>>, vector<1x16xf32>,
      %get3A_322 = arith.index_cast %scan3A_42 : i32 to index
      %get3A_323 = arith.constant 320 : index
      %get3A_324 = tpu.vector_load %arg8[%get3A_322, %get3A_323] {strides = array<i32>} : memref<32x1024xf32, #tpu.memory_space<vmem>>, vector<1x16xf32>,
      %get3A_325 = vector.shape_cast %get3A_324 : vector<1x16xf32> to vector<16xf32>
      %get3A_326 = arith.index_cast %scan3A_42 : i32 to index
      %get3A_327 = arith.constant 320 : index
      %get3A_328 = tpu.vector_load %arg9[%get3A_326, %get3A_327] {strides = array<i32>} : memref<32x1024xf32, #tpu.memory_space<vmem>>, vector<1x16xf32>,
      %get3A_329 = vector.shape_cast %get3A_328 : vector<1x16xf32> to vector<16xf32>
      %add3A_330 = arith.addf %get3A_325, %get3A_329 : vector<16xf32>
      %swap3A_331 = arith.index_cast %scan3A_42 : i32 to index
      %swap3A_332 = arith.constant 320 : index
      %swap3A_333 = tpu.vector_load %arg8[%swap3A_331, %swap3A_332] {strides = array<i32>} : memref<32x1024xf32, #tpu.memory_space<vmem>>, vector<1x16xf32>,
      %swap3A_334 = vector.shape_cast %swap3A_333 : vector<1x16xf32> to vector<16xf32>
      %swap3A_335 = vector.shape_cast %add3A_330 : vector<16xf32> to vector<1x16xf32>
      tpu.vector_store %arg8[%swap3A_331, %swap3A_332], %swap3A_335 {strides = array<i32>} : memref<32x1024xf32, #tpu.memory_space<vmem>>, vector<1x16xf32>,
      %get3A_336 = arith.index_cast %scan3A_42 : i32 to index
      %get3A_337 = arith.constant 336 : index
      %get3A_338 = tpu.vector_load %arg8[%get3A_336, %get3A_337] {strides = array<i32>} : memref<32x1024xf32, #tpu.memory_space<vmem>>, vector<1x16xf32>,
      %get3A_339 = vector.shape_cast %get3A_338 : vector<1x16xf32> to vector<16xf32>
      %get3A_340 = arith.index_cast %scan3A_42 : i32 to index
      %get3A_341 = arith.constant 336 : index
      %get3A_342 = tpu.vector_load %arg9[%get3A_340, %get3A_341] {strides = array<i32>} : memref<32x1024xf32, #tpu.memory_space<vmem>>, vector<1x16xf32>,
      %get3A_343 = vector.shape_cast %get3A_342 : vector<1x16xf32> to vector<16xf32>
      %add3A_344 = arith.addf %get3A_339, %get3A_343 : vector<16xf32>
      %swap3A_345 = arith.index_cast %scan3A_42 : i32 to index
      %swap3A_346 = arith.constant 336 : index
      %swap3A_347 = tpu.vector_load %arg8[%swap3A_345, %swap3A_346] {strides = array<i32>} : memref<32x1024xf32, #tpu.memory_space<vmem>>, vector<1x16xf32>,
      %swap3A_348 = vector.shape_cast %swap3A_347 : vector<1x16xf32> to vector<16xf32>
      %swap3A_349 = vector.shape_cast %add3A_344 : vector<16xf32> to vector<1x16xf32>
      tpu.vector_store %arg8[%swap3A_345, %swap3A_346], %swap3A_349 {strides = array<i32>} : memref<32x1024xf32, #tpu.memory_space<vmem>>, vector<1x16xf32>,
      %get3A_350 = arith.index_cast %scan3A_42 : i32 to index
      %get3A_351 = arith.constant 352 : index
      %get3A_352 = tpu.vector_load %arg8[%get3A_350, %get3A_351] {strides = array<i32>} : memref<32x1024xf32, #tpu.memory_space<vmem>>, vector<1x16xf32>,
      %get3A_353 = vector.shape_cast %get3A_352 : vector<1x16xf32> to vector<16xf32>
      %get3A_354 = arith.index_cast %scan3A_42 : i32 to index
      %get3A_355 = arith.constant 352 : index
      %get3A_356 = tpu.vector_load %arg9[%get3A_354, %get3A_355] {strides = array<i32>} : memref<32x1024xf32, #tpu.memory_space<vmem>>, vector<1x16xf32>,
      %get3A_357 = vector.shape_cast %get3A_356 : vector<1x16xf32> to vector<16xf32>
      %add3A_358 = arith.addf %get3A_353, %get3A_357 : vector<16xf32>
      %swap3A_359 = arith.index_cast %scan3A_42 : i32 to index
      %swap3A_360 = arith.constant 352 : index
      %swap3A_361 = tpu.vector_load %arg8[%swap3A_359, %swap3A_360] {strides = array<i32>} : memref<32x1024xf32, #tpu.memory_space<vmem>>, vector<1x16xf32>,
      %swap3A_362 = vector.shape_cast %swap3A_361 : vector<1x16xf32> to vector<16xf32>
      %swap3A_363 = vector.shape_cast %add3A_358 : vector<16xf32> to vector<1x16xf32>
      tpu.vector_store %arg8[%swap3A_359, %swap3A_360], %swap3A_363 {strides = array<i32>} : memref<32x1024xf32, #tpu.memory_space<vmem>>, vector<1x16xf32>,
      %get3A_364 = arith.index_cast %scan3A_42 : i32 to index
      %get3A_365 = arith.constant 368 : index
      %get3A_366 = tpu.vector_load %arg8[%get3A_364, %get3A_365] {strides = array<i32>} : memref<32x1024xf32, #tpu.memory_space<vmem>>, vector<1x16xf32>,
      %get3A_367 = vector.shape_cast %get3A_366 : vector<1x16xf32> to vector<16xf32>
      %get3A_368 = arith.index_cast %scan3A_42 : i32 to index
      %get3A_369 = arith.constant 368 : index
      %get3A_370 = tpu.vector_load %arg9[%get3A_368, %get3A_369] {strides = array<i32>} : memref<32x1024xf32, #tpu.memory_space<vmem>>, vector<1x16xf32>,
      %get3A_371 = vector.shape_cast %get3A_370 : vector<1x16xf32> to vector<16xf32>
      %add3A_372 = arith.addf %get3A_367, %get3A_371 : vector<16xf32>
      %swap3A_373 = arith.index_cast %scan3A_42 : i32 to index
      %swap3A_374 = arith.constant 368 : index
      %swap3A_375 = tpu.vector_load %arg8[%swap3A_373, %swap3A_374] {strides = array<i32>} : memref<32x1024xf32, #tpu.memory_space<vmem>>, vector<1x16xf32>,
      %swap3A_376 = vector.shape_cast %swap3A_375 : vector<1x16xf32> to vector<16xf32>
      %swap3A_377 = vector.shape_cast %add3A_372 : vector<16xf32> to vector<1x16xf32>
      tpu.vector_store %arg8[%swap3A_373, %swap3A_374], %swap3A_377 {strides = array<i32>} : memref<32x1024xf32, #tpu.memory_space<vmem>>, vector<1x16xf32>,
      %get3A_378 = arith.index_cast %scan3A_42 : i32 to index
      %get3A_379 = arith.constant 384 : index
      %get3A_380 = tpu.vector_load %arg8[%get3A_378, %get3A_379] {strides = array<i32>} : memref<32x1024xf32, #tpu.memory_space<vmem>>, vector<1x16xf32>,
      %get3A_381 = vector.shape_cast %get3A_380 : vector<1x16xf32> to vector<16xf32>
      %get3A_382 = arith.index_cast %scan3A_42 : i32 to index
      %get3A_383 = arith.constant 384 : index
      %get3A_384 = tpu.vector_load %arg9[%get3A_382, %get3A_383] {strides = array<i32>} : memref<32x1024xf32, #tpu.memory_space<vmem>>, vector<1x16xf32>,
      %get3A_385 = vector.shape_cast %get3A_384 : vector<1x16xf32> to vector<16xf32>
      %add3A_386 = arith.addf %get3A_381, %get3A_385 : vector<16xf32>
      %swap3A_387 = arith.index_cast %scan3A_42 : i32 to index
      %swap3A_388 = arith.constant 384 : index
      %swap3A_389 = tpu.vector_load %arg8[%swap3A_387, %swap3A_388] {strides = array<i32>} : memref<32x1024xf32, #tpu.memory_space<vmem>>, vector<1x16xf32>,
      %swap3A_390 = vector.shape_cast %swap3A_389 : vector<1x16xf32> to vector<16xf32>
      %swap3A_391 = vector.shape_cast %add3A_386 : vector<16xf32> to vector<1x16xf32>
      tpu.vector_store %arg8[%swap3A_387, %swap3A_388], %swap3A_391 {strides = array<i32>} : memref<32x1024xf32, #tpu.memory_space<vmem>>, vector<1x16xf32>,
      %get3A_392 = arith.index_cast %scan3A_42 : i32 to index
      %get3A_393 = arith.constant 400 : index
      %get3A_394 = tpu.vector_load %arg8[%get3A_392, %get3A_393] {strides = array<i32>} : memref<32x1024xf32, #tpu.memory_space<vmem>>, vector<1x16xf32>,
      %get3A_395 = vector.shape_cast %get3A_394 : vector<1x16xf32> to vector<16xf32>
      %get3A_396 = arith.index_cast %scan3A_42 : i32 to index
      %get3A_397 = arith.constant 400 : index
      %get3A_398 = tpu.vector_load %arg9[%get3A_396, %get3A_397] {strides = array<i32>} : memref<32x1024xf32, #tpu.memory_space<vmem>>, vector<1x16xf32>,
      %get3A_399 = vector.shape_cast %get3A_398 : vector<1x16xf32> to vector<16xf32>
      %add3A_400 = arith.addf %get3A_395, %get3A_399 : vector<16xf32>
      %swap3A_401 = arith.index_cast %scan3A_42 : i32 to index
      %swap3A_402 = arith.constant 400 : index
      %swap3A_403 = tpu.vector_load %arg8[%swap3A_401, %swap3A_402] {strides = array<i32>} : memref<32x1024xf32, #tpu.memory_space<vmem>>, vector<1x16xf32>,
      %swap3A_404 = vector.shape_cast %swap3A_403 : vector<1x16xf32> to vector<16xf32>
      %swap3A_405 = vector.shape_cast %add3A_400 : vector<16xf32> to vector<1x16xf32>
      tpu.vector_store %arg8[%swap3A_401, %swap3A_402], %swap3A_405 {strides = array<i32>} : memref<32x1024xf32, #tpu.memory_space<vmem>>, vector<1x16xf32>,
      %get3A_406 = arith.index_cast %scan3A_42 : i32 to index
      %get3A_407 = arith.constant 416 : index
      %get3A_408 = tpu.vector_load %arg8[%get3A_406, %get3A_407] {strides = array<i32>} : memref<32x1024xf32, #tpu.memory_space<vmem>>, vector<1x16xf32>,
      %get3A_409 = vector.shape_cast %get3A_408 : vector<1x16xf32> to vector<16xf32>
      %get3A_410 = arith.index_cast %scan3A_42 : i32 to index
      %get3A_411 = arith.constant 416 : index
      %get3A_412 = tpu.vector_load %arg9[%get3A_410, %get3A_411] {strides = array<i32>} : memref<32x1024xf32, #tpu.memory_space<vmem>>, vector<1x16xf32>,
      %get3A_413 = vector.shape_cast %get3A_412 : vector<1x16xf32> to vector<16xf32>
      %add3A_414 = arith.addf %get3A_409, %get3A_413 : vector<16xf32>
      %swap3A_415 = arith.index_cast %scan3A_42 : i32 to index
      %swap3A_416 = arith.constant 416 : index
      %swap3A_417 = tpu.vector_load %arg8[%swap3A_415, %swap3A_416] {strides = array<i32>} : memref<32x1024xf32, #tpu.memory_space<vmem>>, vector<1x16xf32>,
      %swap3A_418 = vector.shape_cast %swap3A_417 : vector<1x16xf32> to vector<16xf32>
      %swap3A_419 = vector.shape_cast %add3A_414 : vector<16xf32> to vector<1x16xf32>
      tpu.vector_store %arg8[%swap3A_415, %swap3A_416], %swap3A_419 {strides = array<i32>} : memref<32x1024xf32, #tpu.memory_space<vmem>>, vector<1x16xf32>,
      %get3A_420 = arith.index_cast %scan3A_42 : i32 to index
      %get3A_421 = arith.constant 432 : index
      %get3A_422 = tpu.vector_load %arg8[%get3A_420, %get3A_421] {strides = array<i32>} : memref<32x1024xf32, #tpu.memory_space<vmem>>, vector<1x16xf32>,
      %get3A_423 = vector.shape_cast %get3A_422 : vector<1x16xf32> to vector<16xf32>
      %get3A_424 = arith.index_cast %scan3A_42 : i32 to index
      %get3A_425 = arith.constant 432 : index
      %get3A_426 = tpu.vector_load %arg9[%get3A_424, %get3A_425] {strides = array<i32>} : memref<32x1024xf32, #tpu.memory_space<vmem>>, vector<1x16xf32>,
      %get3A_427 = vector.shape_cast %get3A_426 : vector<1x16xf32> to vector<16xf32>
      %add3A_428 = arith.addf %get3A_423, %get3A_427 : vector<16xf32>
      %swap3A_429 = arith.index_cast %scan3A_42 : i32 to index
      %swap3A_430 = arith.constant 432 : index
      %swap3A_431 = tpu.vector_load %arg8[%swap3A_429, %swap3A_430] {strides = array<i32>} : memref<32x1024xf32, #tpu.memory_space<vmem>>, vector<1x16xf32>,
      %swap3A_432 = vector.shape_cast %swap3A_431 : vector<1x16xf32> to vector<16xf32>
      %swap3A_433 = vector.shape_cast %add3A_428 : vector<16xf32> to vector<1x16xf32>
      tpu.vector_store %arg8[%swap3A_429, %swap3A_430], %swap3A_433 {strides = array<i32>} : memref<32x1024xf32, #tpu.memory_space<vmem>>, vector<1x16xf32>,
      %get3A_434 = arith.index_cast %scan3A_42 : i32 to index
      %get3A_435 = arith.constant 448 : index
      %get3A_436 = tpu.vector_load %arg8[%get3A_434, %get3A_435] {strides = array<i32>} : memref<32x1024xf32, #tpu.memory_space<vmem>>, vector<1x16xf32>,
      %get3A_437 = vector.shape_cast %get3A_436 : vector<1x16xf32> to vector<16xf32>
      %get3A_438 = arith.index_cast %scan3A_42 : i32 to index
      %get3A_439 = arith.constant 448 : index
      %get3A_440 = tpu.vector_load %arg9[%get3A_438, %get3A_439] {strides = array<i32>} : memref<32x1024xf32, #tpu.memory_space<vmem>>, vector<1x16xf32>,
      %get3A_441 = vector.shape_cast %get3A_440 : vector<1x16xf32> to vector<16xf32>
      %add3A_442 = arith.addf %get3A_437, %get3A_441 : vector<16xf32>
      %swap3A_443 = arith.index_cast %scan3A_42 : i32 to index
      %swap3A_444 = arith.constant 448 : index
      %swap3A_445 = tpu.vector_load %arg8[%swap3A_443, %swap3A_444] {strides = array<i32>} : memref<32x1024xf32, #tpu.memory_space<vmem>>, vector<1x16xf32>,
      %swap3A_446 = vector.shape_cast %swap3A_445 : vector<1x16xf32> to vector<16xf32>
      %swap3A_447 = vector.shape_cast %add3A_442 : vector<16xf32> to vector<1x16xf32>
      tpu.vector_store %arg8[%swap3A_443, %swap3A_444], %swap3A_447 {strides = array<i32>} : memref<32x1024xf32, #tpu.memory_space<vmem>>, vector<1x16xf32>,
      %get3A_448 = arith.index_cast %scan3A_42 : i32 to index
      %get3A_449 = arith.constant 464 : index
      %get3A_450 = tpu.vector_load %arg8[%get3A_448, %get3A_449] {strides = array<i32>} : memref<32x1024xf32, #tpu.memory_space<vmem>>, vector<1x16xf32>,
      %get3A_451 = vector.shape_cast %get3A_450 : vector<1x16xf32> to vector<16xf32>
      %get3A_452 = arith.index_cast %scan3A_42 : i32 to index
      %get3A_453 = arith.constant 464 : index
      %get3A_454 = tpu.vector_load %arg9[%get3A_452, %get3A_453] {strides = array<i32>} : memref<32x1024xf32, #tpu.memory_space<vmem>>, vector<1x16xf32>,
      %get3A_455 = vector.shape_cast %get3A_454 : vector<1x16xf32> to vector<16xf32>
      %add3A_456 = arith.addf %get3A_451, %get3A_455 : vector<16xf32>
      %swap3A_457 = arith.index_cast %scan3A_42 : i32 to index
      %swap3A_458 = arith.constant 464 : index
      %swap3A_459 = tpu.vector_load %arg8[%swap3A_457, %swap3A_458] {strides = array<i32>} : memref<32x1024xf32, #tpu.memory_space<vmem>>, vector<1x16xf32>,
      %swap3A_460 = vector.shape_cast %swap3A_459 : vector<1x16xf32> to vector<16xf32>
      %swap3A_461 = vector.shape_cast %add3A_456 : vector<16xf32> to vector<1x16xf32>
      tpu.vector_store %arg8[%swap3A_457, %swap3A_458], %swap3A_461 {strides = array<i32>} : memref<32x1024xf32, #tpu.memory_space<vmem>>, vector<1x16xf32>,
      %get3A_462 = arith.index_cast %scan3A_42 : i32 to index
      %get3A_463 = arith.constant 480 : index
      %get3A_464 = tpu.vector_load %arg8[%get3A_462, %get3A_463] {strides = array<i32>} : memref<32x1024xf32, #tpu.memory_space<vmem>>, vector<1x16xf32>,
      %get3A_465 = vector.shape_cast %get3A_464 : vector<1x16xf32> to vector<16xf32>
      %get3A_466 = arith.index_cast %scan3A_42 : i32 to index
      %get3A_467 = arith.constant 480 : index
      %get3A_468 = tpu.vector_load %arg9[%get3A_466, %get3A_467] {strides = array<i32>} : memref<32x1024xf32, #tpu.memory_space<vmem>>, vector<1x16xf32>,
      %get3A_469 = vector.shape_cast %get3A_468 : vector<1x16xf32> to vector<16xf32>
      %add3A_470 = arith.addf %get3A_465, %get3A_469 : vector<16xf32>
      %swap3A_471 = arith.index_cast %scan3A_42 : i32 to index
      %swap3A_472 = arith.constant 480 : index
      %swap3A_473 = tpu.vector_load %arg8[%swap3A_471, %swap3A_472] {strides = array<i32>} : memref<32x1024xf32, #tpu.memory_space<vmem>>, vector<1x16xf32>,
      %swap3A_474 = vector.shape_cast %swap3A_473 : vector<1x16xf32> to vector<16xf32>
      %swap3A_475 = vector.shape_cast %add3A_470 : vector<16xf32> to vector<1x16xf32>
      tpu.vector_store %arg8[%swap3A_471, %swap3A_472], %swap3A_475 {strides = array<i32>} : memref<32x1024xf32, #tpu.memory_space<vmem>>, vector<1x16xf32>,
      %get3A_476 = arith.index_cast %scan3A_42 : i32 to index
      %get3A_477 = arith.constant 496 : index
      %get3A_478 = tpu.vector_load %arg8[%get3A_476, %get3A_477] {strides = array<i32>} : memref<32x1024xf32, #tpu.memory_space<vmem>>, vector<1x16xf32>,
      %get3A_479 = vector.shape_cast %get3A_478 : vector<1x16xf32> to vector<16xf32>
      %get3A_480 = arith.index_cast %scan3A_42 : i32 to index
      %get3A_481 = arith.constant 496 : index
      %get3A_482 = tpu.vector_load %arg9[%get3A_480, %get3A_481] {strides = array<i32>} : memref<32x1024xf32, #tpu.memory_space<vmem>>, vector<1x16xf32>,
      %get3A_483 = vector.shape_cast %get3A_482 : vector<1x16xf32> to vector<16xf32>
      %add3A_484 = arith.addf %get3A_479, %get3A_483 : vector<16xf32>
      %swap3A_485 = arith.index_cast %scan3A_42 : i32 to index
      %swap3A_486 = arith.constant 496 : index
      %swap3A_487 = tpu.vector_load %arg8[%swap3A_485, %swap3A_486] {strides = array<i32>} : memref<32x1024xf32, #tpu.memory_space<vmem>>, vector<1x16xf32>,
      %swap3A_488 = vector.shape_cast %swap3A_487 : vector<1x16xf32> to vector<16xf32>
      %swap3A_489 = vector.shape_cast %add3A_484 : vector<16xf32> to vector<1x16xf32>
      tpu.vector_store %arg8[%swap3A_485, %swap3A_486], %swap3A_489 {strides = array<i32>} : memref<32x1024xf32, #tpu.memory_space<vmem>>, vector<1x16xf32>,
      %get3A_490 = arith.index_cast %scan3A_42 : i32 to index
      %get3A_491 = arith.constant 512 : index
      %get3A_492 = tpu.vector_load %arg8[%get3A_490, %get3A_491] {strides = array<i32>} : memref<32x1024xf32, #tpu.memory_space<vmem>>, vector<1x16xf32>,
      %get3A_493 = vector.shape_cast %get3A_492 : vector<1x16xf32> to vector<16xf32>
      %get3A_494 = arith.index_cast %scan3A_42 : i32 to index
      %get3A_495 = arith.constant 512 : index
      %get3A_496 = tpu.vector_load %arg9[%get3A_494, %get3A_495] {strides = array<i32>} : memref<32x1024xf32, #tpu.memory_space<vmem>>, vector<1x16xf32>,
      %get3A_497 = vector.shape_cast %get3A_496 : vector<1x16xf32> to vector<16xf32>
      %add3A_498 = arith.addf %get3A_493, %get3A_497 : vector<16xf32>
      %swap3A_499 = arith.index_cast %scan3A_42 : i32 to index
      %swap3A_500 = arith.constant 512 : index
      %swap3A_501 = tpu.vector_load %arg8[%swap3A_499, %swap3A_500] {strides = array<i32>} : memref<32x1024xf32, #tpu.memory_space<vmem>>, vector<1x16xf32>,
      %swap3A_502 = vector.shape_cast %swap3A_501 : vector<1x16xf32> to vector<16xf32>
      %swap3A_503 = vector.shape_cast %add3A_498 : vector<16xf32> to vector<1x16xf32>
      tpu.vector_store %arg8[%swap3A_499, %swap3A_500], %swap3A_503 {strides = array<i32>} : memref<32x1024xf32, #tpu.memory_space<vmem>>, vector<1x16xf32>,
      %get3A_504 = arith.index_cast %scan3A_42 : i32 to index
      %get3A_505 = arith.constant 528 : index
      %get3A_506 = tpu.vector_load %arg8[%get3A_504, %get3A_505] {strides = array<i32>} : memref<32x1024xf32, #tpu.memory_space<vmem>>, vector<1x16xf32>,
      %get3A_507 = vector.shape_cast %get3A_506 : vector<1x16xf32> to vector<16xf32>
      %get3A_508 = arith.index_cast %scan3A_42 : i32 to index
      %get3A_509 = arith.constant 528 : index
      %get3A_510 = tpu.vector_load %arg9[%get3A_508, %get3A_509] {strides = array<i32>} : memref<32x1024xf32, #tpu.memory_space<vmem>>, vector<1x16xf32>,
      %get3A_511 = vector.shape_cast %get3A_510 : vector<1x16xf32> to vector<16xf32>
      %add3A_512 = arith.addf %get3A_507, %get3A_511 : vector<16xf32>
      %swap3A_513 = arith.index_cast %scan3A_42 : i32 to index
      %swap3A_514 = arith.constant 528 : index
      %swap3A_515 = tpu.vector_load %arg8[%swap3A_513, %swap3A_514] {strides = array<i32>} : memref<32x1024xf32, #tpu.memory_space<vmem>>, vector<1x16xf32>,
      %swap3A_516 = vector.shape_cast %swap3A_515 : vector<1x16xf32> to vector<16xf32>
      %swap3A_517 = vector.shape_cast %add3A_512 : vector<16xf32> to vector<1x16xf32>
      tpu.vector_store %arg8[%swap3A_513, %swap3A_514], %swap3A_517 {strides = array<i32>} : memref<32x1024xf32, #tpu.memory_space<vmem>>, vector<1x16xf32>,
      %get3A_518 = arith.index_cast %scan3A_42 : i32 to index
      %get3A_519 = arith.constant 544 : index
      %get3A_520 = tpu.vector_load %arg8[%get3A_518, %get3A_519] {strides = array<i32>} : memref<32x1024xf32, #tpu.memory_space<vmem>>, vector<1x16xf32>,
      %get3A_521 = vector.shape_cast %get3A_520 : vector<1x16xf32> to vector<16xf32>
      %get3A_522 = arith.index_cast %scan3A_42 : i32 to index
      %get3A_523 = arith.constant 544 : index
      %get3A_524 = tpu.vector_load %arg9[%get3A_522, %get3A_523] {strides = array<i32>} : memref<32x1024xf32, #tpu.memory_space<vmem>>, vector<1x16xf32>,
      %get3A_525 = vector.shape_cast %get3A_524 : vector<1x16xf32> to vector<16xf32>
      %add3A_526 = arith.addf %get3A_521, %get3A_525 : vector<16xf32>
      %swap3A_527 = arith.index_cast %scan3A_42 : i32 to index
      %swap3A_528 = arith.constant 544 : index
      %swap3A_529 = tpu.vector_load %arg8[%swap3A_527, %swap3A_528] {strides = array<i32>} : memref<32x1024xf32, #tpu.memory_space<vmem>>, vector<1x16xf32>,
      %swap3A_530 = vector.shape_cast %swap3A_529 : vector<1x16xf32> to vector<16xf32>
      %swap3A_531 = vector.shape_cast %add3A_526 : vector<16xf32> to vector<1x16xf32>
      tpu.vector_store %arg8[%swap3A_527, %swap3A_528], %swap3A_531 {strides = array<i32>} : memref<32x1024xf32, #tpu.memory_space<vmem>>, vector<1x16xf32>,
      %get3A_532 = arith.index_cast %scan3A_42 : i32 to index
      %get3A_533 = arith.constant 560 : index
      %get3A_534 = tpu.vector_load %arg8[%get3A_532, %get3A_533] {strides = array<i32>} : memref<32x1024xf32, #tpu.memory_space<vmem>>, vector<1x16xf32>,
      %get3A_535 = vector.shape_cast %get3A_534 : vector<1x16xf32> to vector<16xf32>
      %get3A_536 = arith.index_cast %scan3A_42 : i32 to index
      %get3A_537 = arith.constant 560 : index
      %get3A_538 = tpu.vector_load %arg9[%get3A_536, %get3A_537] {strides = array<i32>} : memref<32x1024xf32, #tpu.memory_space<vmem>>, vector<1x16xf32>,
      %get3A_539 = vector.shape_cast %get3A_538 : vector<1x16xf32> to vector<16xf32>
      %add3A_540 = arith.addf %get3A_535, %get3A_539 : vector<16xf32>
      %swap3A_541 = arith.index_cast %scan3A_42 : i32 to index
      %swap3A_542 = arith.constant 560 : index
      %swap3A_543 = tpu.vector_load %arg8[%swap3A_541, %swap3A_542] {strides = array<i32>} : memref<32x1024xf32, #tpu.memory_space<vmem>>, vector<1x16xf32>,
      %swap3A_544 = vector.shape_cast %swap3A_543 : vector<1x16xf32> to vector<16xf32>
      %swap3A_545 = vector.shape_cast %add3A_540 : vector<16xf32> to vector<1x16xf32>
      tpu.vector_store %arg8[%swap3A_541, %swap3A_542], %swap3A_545 {strides = array<i32>} : memref<32x1024xf32, #tpu.memory_space<vmem>>, vector<1x16xf32>,
      %get3A_546 = arith.index_cast %scan3A_42 : i32 to index
      %get3A_547 = arith.constant 576 : index
      %get3A_548 = tpu.vector_load %arg8[%get3A_546, %get3A_547] {strides = array<i32>} : memref<32x1024xf32, #tpu.memory_space<vmem>>, vector<1x16xf32>,
      %get3A_549 = vector.shape_cast %get3A_548 : vector<1x16xf32> to vector<16xf32>
      %get3A_550 = arith.index_cast %scan3A_42 : i32 to index
      %get3A_551 = arith.constant 576 : index
      %get3A_552 = tpu.vector_load %arg9[%get3A_550, %get3A_551] {strides = array<i32>} : memref<32x1024xf32, #tpu.memory_space<vmem>>, vector<1x16xf32>,
      %get3A_553 = vector.shape_cast %get3A_552 : vector<1x16xf32> to vector<16xf32>
      %add3A_554 = arith.addf %get3A_549, %get3A_553 : vector<16xf32>
      %swap3A_555 = arith.index_cast %scan3A_42 : i32 to index
      %swap3A_556 = arith.constant 576 : index
      %swap3A_557 = tpu.vector_load %arg8[%swap3A_555, %swap3A_556] {strides = array<i32>} : memref<32x1024xf32, #tpu.memory_space<vmem>>, vector<1x16xf32>,
      %swap3A_558 = vector.shape_cast %swap3A_557 : vector<1x16xf32> to vector<16xf32>
      %swap3A_559 = vector.shape_cast %add3A_554 : vector<16xf32> to vector<1x16xf32>
      tpu.vector_store %arg8[%swap3A_555, %swap3A_556], %swap3A_559 {strides = array<i32>} : memref<32x1024xf32, #tpu.memory_space<vmem>>, vector<1x16xf32>,
      %get3A_560 = arith.index_cast %scan3A_42 : i32 to index
      %get3A_561 = arith.constant 592 : index
      %get3A_562 = tpu.vector_load %arg8[%get3A_560, %get3A_561] {strides = array<i32>} : memref<32x1024xf32, #tpu.memory_space<vmem>>, vector<1x16xf32>,
      %get3A_563 = vector.shape_cast %get3A_562 : vector<1x16xf32> to vector<16xf32>
      %get3A_564 = arith.index_cast %scan3A_42 : i32 to index
      %get3A_565 = arith.constant 592 : index
      %get3A_566 = tpu.vector_load %arg9[%get3A_564, %get3A_565] {strides = array<i32>} : memref<32x1024xf32, #tpu.memory_space<vmem>>, vector<1x16xf32>,
      %get3A_567 = vector.shape_cast %get3A_566 : vector<1x16xf32> to vector<16xf32>
      %add3A_568 = arith.addf %get3A_563, %get3A_567 : vector<16xf32>
      %swap3A_569 = arith.index_cast %scan3A_42 : i32 to index
      %swap3A_570 = arith.constant 592 : index
      %swap3A_571 = tpu.vector_load %arg8[%swap3A_569, %swap3A_570] {strides = array<i32>} : memref<32x1024xf32, #tpu.memory_space<vmem>>, vector<1x16xf32>,
      %swap3A_572 = vector.shape_cast %swap3A_571 : vector<1x16xf32> to vector<16xf32>
      %swap3A_573 = vector.shape_cast %add3A_568 : vector<16xf32> to vector<1x16xf32>
      tpu.vector_store %arg8[%swap3A_569, %swap3A_570], %swap3A_573 {strides = array<i32>} : memref<32x1024xf32, #tpu.memory_space<vmem>>, vector<1x16xf32>,
      %get3A_574 = arith.index_cast %scan3A_42 : i32 to index
      %get3A_575 = arith.constant 608 : index
      %get3A_576 = tpu.vector_load %arg8[%get3A_574, %get3A_575] {strides = array<i32>} : memref<32x1024xf32, #tpu.memory_space<vmem>>, vector<1x16xf32>,
      %get3A_577 = vector.shape_cast %get3A_576 : vector<1x16xf32> to vector<16xf32>
      %get3A_578 = arith.index_cast %scan3A_42 : i32 to index
      %get3A_579 = arith.constant 608 : index
      %get3A_580 = tpu.vector_load %arg9[%get3A_578, %get3A_579] {strides = array<i32>} : memref<32x1024xf32, #tpu.memory_space<vmem>>, vector<1x16xf32>,
      %get3A_581 = vector.shape_cast %get3A_580 : vector<1x16xf32> to vector<16xf32>
      %add3A_582 = arith.addf %get3A_577, %get3A_581 : vector<16xf32>
      %swap3A_583 = arith.index_cast %scan3A_42 : i32 to index
      %swap3A_584 = arith.constant 608 : index
      %swap3A_585 = tpu.vector_load %arg8[%swap3A_583, %swap3A_584] {strides = array<i32>} : memref<32x1024xf32, #tpu.memory_space<vmem>>, vector<1x16xf32>,
      %swap3A_586 = vector.shape_cast %swap3A_585 : vector<1x16xf32> to vector<16xf32>
      %swap3A_587 = vector.shape_cast %add3A_582 : vector<16xf32> to vector<1x16xf32>
      tpu.vector_store %arg8[%swap3A_583, %swap3A_584], %swap3A_587 {strides = array<i32>} : memref<32x1024xf32, #tpu.memory_space<vmem>>, vector<1x16xf32>,
      %get3A_588 = arith.index_cast %scan3A_42 : i32 to index
      %get3A_589 = arith.constant 624 : index
      %get3A_590 = tpu.vector_load %arg8[%get3A_588, %get3A_589] {strides = array<i32>} : memref<32x1024xf32, #tpu.memory_space<vmem>>, vector<1x16xf32>,
      %get3A_591 = vector.shape_cast %get3A_590 : vector<1x16xf32> to vector<16xf32>
      %get3A_592 = arith.index_cast %scan3A_42 : i32 to index
      %get3A_593 = arith.constant 624 : index
      %get3A_594 = tpu.vector_load %arg9[%get3A_592, %get3A_593] {strides = array<i32>} : memref<32x1024xf32, #tpu.memory_space<vmem>>, vector<1x16xf32>,
      %get3A_595 = vector.shape_cast %get3A_594 : vector<1x16xf32> to vector<16xf32>
      %add3A_596 = arith.addf %get3A_591, %get3A_595 : vector<16xf32>
      %swap3A_597 = arith.index_cast %scan3A_42 : i32 to index
      %swap3A_598 = arith.constant 624 : index
      %swap3A_599 = tpu.vector_load %arg8[%swap3A_597, %swap3A_598] {strides = array<i32>} : memref<32x1024xf32, #tpu.memory_space<vmem>>, vector<1x16xf32>,
      %swap3A_600 = vector.shape_cast %swap3A_599 : vector<1x16xf32> to vector<16xf32>
      %swap3A_601 = vector.shape_cast %add3A_596 : vector<16xf32> to vector<1x16xf32>
      tpu.vector_store %arg8[%swap3A_597, %swap3A_598], %swap3A_601 {strides = array<i32>} : memref<32x1024xf32, #tpu.memory_space<vmem>>, vector<1x16xf32>,
      %get3A_602 = arith.index_cast %scan3A_42 : i32 to index
      %get3A_603 = arith.constant 640 : index
      %get3A_604 = tpu.vector_load %arg8[%get3A_602, %get3A_603] {strides = array<i32>} : memref<32x1024xf32, #tpu.memory_space<vmem>>, vector<1x16xf32>,
      %get3A_605 = vector.shape_cast %get3A_604 : vector<1x16xf32> to vector<16xf32>
      %get3A_606 = arith.index_cast %scan3A_42 : i32 to index
      %get3A_607 = arith.constant 640 : index
      %get3A_608 = tpu.vector_load %arg9[%get3A_606, %get3A_607] {strides = array<i32>} : memref<32x1024xf32, #tpu.memory_space<vmem>>, vector<1x16xf32>,
      %get3A_609 = vector.shape_cast %get3A_608 : vector<1x16xf32> to vector<16xf32>
      %add3A_610 = arith.addf %get3A_605, %get3A_609 : vector<16xf32>
      %swap3A_611 = arith.index_cast %scan3A_42 : i32 to index
      %swap3A_612 = arith.constant 640 : index
      %swap3A_613 = tpu.vector_load %arg8[%swap3A_611, %swap3A_612] {strides = array<i32>} : memref<32x1024xf32, #tpu.memory_space<vmem>>, vector<1x16xf32>,
      %swap3A_614 = vector.shape_cast %swap3A_613 : vector<1x16xf32> to vector<16xf32>
      %swap3A_615 = vector.shape_cast %add3A_610 : vector<16xf32> to vector<1x16xf32>
      tpu.vector_store %arg8[%swap3A_611, %swap3A_612], %swap3A_615 {strides = array<i32>} : memref<32x1024xf32, #tpu.memory_space<vmem>>, vector<1x16xf32>,
      %get3A_616 = arith.index_cast %scan3A_42 : i32 to index
      %get3A_617 = arith.constant 656 : index
      %get3A_618 = tpu.vector_load %arg8[%get3A_616, %get3A_617] {strides = array<i32>} : memref<32x1024xf32, #tpu.memory_space<vmem>>, vector<1x16xf32>,
      %get3A_619 = vector.shape_cast %get3A_618 : vector<1x16xf32> to vector<16xf32>
      %get3A_620 = arith.index_cast %scan3A_42 : i32 to index
      %get3A_621 = arith.constant 656 : index
      %get3A_622 = tpu.vector_load %arg9[%get3A_620, %get3A_621] {strides = array<i32>} : memref<32x1024xf32, #tpu.memory_space<vmem>>, vector<1x16xf32>,
      %get3A_623 = vector.shape_cast %get3A_622 : vector<1x16xf32> to vector<16xf32>
      %add3A_624 = arith.addf %get3A_619, %get3A_623 : vector<16xf32>
      %swap3A_625 = arith.index_cast %scan3A_42 : i32 to index
      %swap3A_626 = arith.constant 656 : index
      %swap3A_627 = tpu.vector_load %arg8[%swap3A_625, %swap3A_626] {strides = array<i32>} : memref<32x1024xf32, #tpu.memory_space<vmem>>, vector<1x16xf32>,
      %swap3A_628 = vector.shape_cast %swap3A_627 : vector<1x16xf32> to vector<16xf32>
      %swap3A_629 = vector.shape_cast %add3A_624 : vector<16xf32> to vector<1x16xf32>
      tpu.vector_store %arg8[%swap3A_625, %swap3A_626], %swap3A_629 {strides = array<i32>} : memref<32x1024xf32, #tpu.memory_space<vmem>>, vector<1x16xf32>,
      %get3A_630 = arith.index_cast %scan3A_42 : i32 to index
      %get3A_631 = arith.constant 672 : index
      %get3A_632 = tpu.vector_load %arg8[%get3A_630, %get3A_631] {strides = array<i32>} : memref<32x1024xf32, #tpu.memory_space<vmem>>, vector<1x16xf32>,
      %get3A_633 = vector.shape_cast %get3A_632 : vector<1x16xf32> to vector<16xf32>
      %get3A_634 = arith.index_cast %scan3A_42 : i32 to index
      %get3A_635 = arith.constant 672 : index
      %get3A_636 = tpu.vector_load %arg9[%get3A_634, %get3A_635] {strides = array<i32>} : memref<32x1024xf32, #tpu.memory_space<vmem>>, vector<1x16xf32>,
      %get3A_637 = vector.shape_cast %get3A_636 : vector<1x16xf32> to vector<16xf32>
      %add3A_638 = arith.addf %get3A_633, %get3A_637 : vector<16xf32>
      %swap3A_639 = arith.index_cast %scan3A_42 : i32 to index
      %swap3A_640 = arith.constant 672 : index
      %swap3A_641 = tpu.vector_load %arg8[%swap3A_639, %swap3A_640] {strides = array<i32>} : memref<32x1024xf32, #tpu.memory_space<vmem>>, vector<1x16xf32>,
      %swap3A_642 = vector.shape_cast %swap3A_641 : vector<1x16xf32> to vector<16xf32>
      %swap3A_643 = vector.shape_cast %add3A_638 : vector<16xf32> to vector<1x16xf32>
      tpu.vector_store %arg8[%swap3A_639, %swap3A_640], %swap3A_643 {strides = array<i32>} : memref<32x1024xf32, #tpu.memory_space<vmem>>, vector<1x16xf32>,
      %get3A_644 = arith.index_cast %scan3A_42 : i32 to index
      %get3A_645 = arith.constant 688 : index
      %get3A_646 = tpu.vector_load %arg8[%get3A_644, %get3A_645] {strides = array<i32>} : memref<32x1024xf32, #tpu.memory_space<vmem>>, vector<1x16xf32>,
      %get3A_647 = vector.shape_cast %get3A_646 : vector<1x16xf32> to vector<16xf32>
      %get3A_648 = arith.index_cast %scan3A_42 : i32 to index
      %get3A_649 = arith.constant 688 : index
      %get3A_650 = tpu.vector_load %arg9[%get3A_648, %get3A_649] {strides = array<i32>} : memref<32x1024xf32, #tpu.memory_space<vmem>>, vector<1x16xf32>,
      %get3A_651 = vector.shape_cast %get3A_650 : vector<1x16xf32> to vector<16xf32>
      %add3A_652 = arith.addf %get3A_647, %get3A_651 : vector<16xf32>
      %swap3A_653 = arith.index_cast %scan3A_42 : i32 to index
      %swap3A_654 = arith.constant 688 : index
      %swap3A_655 = tpu.vector_load %arg8[%swap3A_653, %swap3A_654] {strides = array<i32>} : memref<32x1024xf32, #tpu.memory_space<vmem>>, vector<1x16xf32>,
      %swap3A_656 = vector.shape_cast %swap3A_655 : vector<1x16xf32> to vector<16xf32>
      %swap3A_657 = vector.shape_cast %add3A_652 : vector<16xf32> to vector<1x16xf32>
      tpu.vector_store %arg8[%swap3A_653, %swap3A_654], %swap3A_657 {strides = array<i32>} : memref<32x1024xf32, #tpu.memory_space<vmem>>, vector<1x16xf32>,
      %get3A_658 = arith.index_cast %scan3A_42 : i32 to index
      %get3A_659 = arith.constant 704 : index
      %get3A_660 = tpu.vector_load %arg8[%get3A_658, %get3A_659] {strides = array<i32>} : memref<32x1024xf32, #tpu.memory_space<vmem>>, vector<1x16xf32>,
      %get3A_661 = vector.shape_cast %get3A_660 : vector<1x16xf32> to vector<16xf32>
      %get3A_662 = arith.index_cast %scan3A_42 : i32 to index
      %get3A_663 = arith.constant 704 : index
      %get3A_664 = tpu.vector_load %arg9[%get3A_662, %get3A_663] {strides = array<i32>} : memref<32x1024xf32, #tpu.memory_space<vmem>>, vector<1x16xf32>,
      %get3A_665 = vector.shape_cast %get3A_664 : vector<1x16xf32> to vector<16xf32>
      %add3A_666 = arith.addf %get3A_661, %get3A_665 : vector<16xf32>
      %swap3A_667 = arith.index_cast %scan3A_42 : i32 to index
      %swap3A_668 = arith.constant 704 : index
      %swap3A_669 = tpu.vector_load %arg8[%swap3A_667, %swap3A_668] {strides = array<i32>} : memref<32x1024xf32, #tpu.memory_space<vmem>>, vector<1x16xf32>,
      %swap3A_670 = vector.shape_cast %swap3A_669 : vector<1x16xf32> to vector<16xf32>
      %swap3A_671 = vector.shape_cast %add3A_666 : vector<16xf32> to vector<1x16xf32>
      tpu.vector_store %arg8[%swap3A_667, %swap3A_668], %swap3A_671 {strides = array<i32>} : memref<32x1024xf32, #tpu.memory_space<vmem>>, vector<1x16xf32>,
      %get3A_672 = arith.index_cast %scan3A_42 : i32 to index
      %get3A_673 = arith.constant 720 : index
      %get3A_674 = tpu.vector_load %arg8[%get3A_672, %get3A_673] {strides = array<i32>} : memref<32x1024xf32, #tpu.memory_space<vmem>>, vector<1x16xf32>,
      %get3A_675 = vector.shape_cast %get3A_674 : vector<1x16xf32> to vector<16xf32>
      %get3A_676 = arith.index_cast %scan3A_42 : i32 to index
      %get3A_677 = arith.constant 720 : index
      %get3A_678 = tpu.vector_load %arg9[%get3A_676, %get3A_677] {strides = array<i32>} : memref<32x1024xf32, #tpu.memory_space<vmem>>, vector<1x16xf32>,
      %get3A_679 = vector.shape_cast %get3A_678 : vector<1x16xf32> to vector<16xf32>
      %add3A_680 = arith.addf %get3A_675, %get3A_679 : vector<16xf32>
      %swap3A_681 = arith.index_cast %scan3A_42 : i32 to index
      %swap3A_682 = arith.constant 720 : index
      %swap3A_683 = tpu.vector_load %arg8[%swap3A_681, %swap3A_682] {strides = array<i32>} : memref<32x1024xf32, #tpu.memory_space<vmem>>, vector<1x16xf32>,
      %swap3A_684 = vector.shape_cast %swap3A_683 : vector<1x16xf32> to vector<16xf32>
      %swap3A_685 = vector.shape_cast %add3A_680 : vector<16xf32> to vector<1x16xf32>
      tpu.vector_store %arg8[%swap3A_681, %swap3A_682], %swap3A_685 {strides = array<i32>} : memref<32x1024xf32, #tpu.memory_space<vmem>>, vector<1x16xf32>,
      %get3A_686 = arith.index_cast %scan3A_42 : i32 to index
      %get3A_687 = arith.constant 736 : index
      %get3A_688 = tpu.vector_load %arg8[%get3A_686, %get3A_687] {strides = array<i32>} : memref<32x1024xf32, #tpu.memory_space<vmem>>, vector<1x16xf32>,
      %get3A_689 = vector.shape_cast %get3A_688 : vector<1x16xf32> to vector<16xf32>
      %get3A_690 = arith.index_cast %scan3A_42 : i32 to index
      %get3A_691 = arith.constant 736 : index
      %get3A_692 = tpu.vector_load %arg9[%get3A_690, %get3A_691] {strides = array<i32>} : memref<32x1024xf32, #tpu.memory_space<vmem>>, vector<1x16xf32>,
      %get3A_693 = vector.shape_cast %get3A_692 : vector<1x16xf32> to vector<16xf32>
      %add3A_694 = arith.addf %get3A_689, %get3A_693 : vector<16xf32>
      %swap3A_695 = arith.index_cast %scan3A_42 : i32 to index
      %swap3A_696 = arith.constant 736 : index
      %swap3A_697 = tpu.vector_load %arg8[%swap3A_695, %swap3A_696] {strides = array<i32>} : memref<32x1024xf32, #tpu.memory_space<vmem>>, vector<1x16xf32>,
      %swap3A_698 = vector.shape_cast %swap3A_697 : vector<1x16xf32> to vector<16xf32>
      %swap3A_699 = vector.shape_cast %add3A_694 : vector<16xf32> to vector<1x16xf32>
      tpu.vector_store %arg8[%swap3A_695, %swap3A_696], %swap3A_699 {strides = array<i32>} : memref<32x1024xf32, #tpu.memory_space<vmem>>, vector<1x16xf32>,
      %get3A_700 = arith.index_cast %scan3A_42 : i32 to index
      %get3A_701 = arith.constant 752 : index
      %get3A_702 = tpu.vector_load %arg8[%get3A_700, %get3A_701] {strides = array<i32>} : memref<32x1024xf32, #tpu.memory_space<vmem>>, vector<1x16xf32>,
      %get3A_703 = vector.shape_cast %get3A_702 : vector<1x16xf32> to vector<16xf32>
      %get3A_704 = arith.index_cast %scan3A_42 : i32 to index
      %get3A_705 = arith.constant 752 : index
      %get3A_706 = tpu.vector_load %arg9[%get3A_704, %get3A_705] {strides = array<i32>} : memref<32x1024xf32, #tpu.memory_space<vmem>>, vector<1x16xf32>,
      %get3A_707 = vector.shape_cast %get3A_706 : vector<1x16xf32> to vector<16xf32>
      %add3A_708 = arith.addf %get3A_703, %get3A_707 : vector<16xf32>
      %swap3A_709 = arith.index_cast %scan3A_42 : i32 to index
      %swap3A_710 = arith.constant 752 : index
      %swap3A_711 = tpu.vector_load %arg8[%swap3A_709, %swap3A_710] {strides = array<i32>} : memref<32x1024xf32, #tpu.memory_space<vmem>>, vector<1x16xf32>,
      %swap3A_712 = vector.shape_cast %swap3A_711 : vector<1x16xf32> to vector<16xf32>
      %swap3A_713 = vector.shape_cast %add3A_708 : vector<16xf32> to vector<1x16xf32>
      tpu.vector_store %arg8[%swap3A_709, %swap3A_710], %swap3A_713 {strides = array<i32>} : memref<32x1024xf32, #tpu.memory_space<vmem>>, vector<1x16xf32>,
      %get3A_714 = arith.index_cast %scan3A_42 : i32 to index
      %get3A_715 = arith.constant 768 : index
      %get3A_716 = tpu.vector_load %arg8[%get3A_714, %get3A_715] {strides = array<i32>} : memref<32x1024xf32, #tpu.memory_space<vmem>>, vector<1x16xf32>,
      %get3A_717 = vector.shape_cast %get3A_716 : vector<1x16xf32> to vector<16xf32>
      %get3A_718 = arith.index_cast %scan3A_42 : i32 to index
      %get3A_719 = arith.constant 768 : index
      %get3A_720 = tpu.vector_load %arg9[%get3A_718, %get3A_719] {strides = array<i32>} : memref<32x1024xf32, #tpu.memory_space<vmem>>, vector<1x16xf32>,
      %get3A_721 = vector.shape_cast %get3A_720 : vector<1x16xf32> to vector<16xf32>
      %add3A_722 = arith.addf %get3A_717, %get3A_721 : vector<16xf32>
      %swap3A_723 = arith.index_cast %scan3A_42 : i32 to index
      %swap3A_724 = arith.constant 768 : index
      %swap3A_725 = tpu.vector_load %arg8[%swap3A_723, %swap3A_724] {strides = array<i32>} : memref<32x1024xf32, #tpu.memory_space<vmem>>, vector<1x16xf32>,
      %swap3A_726 = vector.shape_cast %swap3A_725 : vector<1x16xf32> to vector<16xf32>
      %swap3A_727 = vector.shape_cast %add3A_722 : vector<16xf32> to vector<1x16xf32>
      tpu.vector_store %arg8[%swap3A_723, %swap3A_724], %swap3A_727 {strides = array<i32>} : memref<32x1024xf32, #tpu.memory_space<vmem>>, vector<1x16xf32>,
      %get3A_728 = arith.index_cast %scan3A_42 : i32 to index
      %get3A_729 = arith.constant 784 : index
      %get3A_730 = tpu.vector_load %arg8[%get3A_728, %get3A_729] {strides = array<i32>} : memref<32x1024xf32, #tpu.memory_space<vmem>>, vector<1x16xf32>,
      %get3A_731 = vector.shape_cast %get3A_730 : vector<1x16xf32> to vector<16xf32>
      %get3A_732 = arith.index_cast %scan3A_42 : i32 to index
      %get3A_733 = arith.constant 784 : index
      %get3A_734 = tpu.vector_load %arg9[%get3A_732, %get3A_733] {strides = array<i32>} : memref<32x1024xf32, #tpu.memory_space<vmem>>, vector<1x16xf32>,
      %get3A_735 = vector.shape_cast %get3A_734 : vector<1x16xf32> to vector<16xf32>
      %add3A_736 = arith.addf %get3A_731, %get3A_735 : vector<16xf32>
      %swap3A_737 = arith.index_cast %scan3A_42 : i32 to index
      %swap3A_738 = arith.constant 784 : index
      %swap3A_739 = tpu.vector_load %arg8[%swap3A_737, %swap3A_738] {strides = array<i32>} : memref<32x1024xf32, #tpu.memory_space<vmem>>, vector<1x16xf32>,
      %swap3A_740 = vector.shape_cast %swap3A_739 : vector<1x16xf32> to vector<16xf32>
      %swap3A_741 = vector.shape_cast %add3A_736 : vector<16xf32> to vector<1x16xf32>
      tpu.vector_store %arg8[%swap3A_737, %swap3A_738], %swap3A_741 {strides = array<i32>} : memref<32x1024xf32, #tpu.memory_space<vmem>>, vector<1x16xf32>,
      %get3A_742 = arith.index_cast %scan3A_42 : i32 to index
      %get3A_743 = arith.constant 800 : index
      %get3A_744 = tpu.vector_load %arg8[%get3A_742, %get3A_743] {strides = array<i32>} : memref<32x1024xf32, #tpu.memory_space<vmem>>, vector<1x16xf32>,
      %get3A_745 = vector.shape_cast %get3A_744 : vector<1x16xf32> to vector<16xf32>
      %get3A_746 = arith.index_cast %scan3A_42 : i32 to index
      %get3A_747 = arith.constant 800 : index
      %get3A_748 = tpu.vector_load %arg9[%get3A_746, %get3A_747] {strides = array<i32>} : memref<32x1024xf32, #tpu.memory_space<vmem>>, vector<1x16xf32>,
      %get3A_749 = vector.shape_cast %get3A_748 : vector<1x16xf32> to vector<16xf32>
      %add3A_750 = arith.addf %get3A_745, %get3A_749 : vector<16xf32>
      %swap3A_751 = arith.index_cast %scan3A_42 : i32 to index
      %swap3A_752 = arith.constant 800 : index
      %swap3A_753 = tpu.vector_load %arg8[%swap3A_751, %swap3A_752] {strides = array<i32>} : memref<32x1024xf32, #tpu.memory_space<vmem>>, vector<1x16xf32>,
      %swap3A_754 = vector.shape_cast %swap3A_753 : vector<1x16xf32> to vector<16xf32>
      %swap3A_755 = vector.shape_cast %add3A_750 : vector<16xf32> to vector<1x16xf32>
      tpu.vector_store %arg8[%swap3A_751, %swap3A_752], %swap3A_755 {strides = array<i32>} : memref<32x1024xf32, #tpu.memory_space<vmem>>, vector<1x16xf32>,
      %get3A_756 = arith.index_cast %scan3A_42 : i32 to index
      %get3A_757 = arith.constant 816 : index
      %get3A_758 = tpu.vector_load %arg8[%get3A_756, %get3A_757] {strides = array<i32>} : memref<32x1024xf32, #tpu.memory_space<vmem>>, vector<1x16xf32>,
      %get3A_759 = vector.shape_cast %get3A_758 : vector<1x16xf32> to vector<16xf32>
      %get3A_760 = arith.index_cast %scan3A_42 : i32 to index
      %get3A_761 = arith.constant 816 : index
      %get3A_762 = tpu.vector_load %arg9[%get3A_760, %get3A_761] {strides = array<i32>} : memref<32x1024xf32, #tpu.memory_space<vmem>>, vector<1x16xf32>,
      %get3A_763 = vector.shape_cast %get3A_762 : vector<1x16xf32> to vector<16xf32>
      %add3A_764 = arith.addf %get3A_759, %get3A_763 : vector<16xf32>
      %swap3A_765 = arith.index_cast %scan3A_42 : i32 to index
      %swap3A_766 = arith.constant 816 : index
      %swap3A_767 = tpu.vector_load %arg8[%swap3A_765, %swap3A_766] {strides = array<i32>} : memref<32x1024xf32, #tpu.memory_space<vmem>>, vector<1x16xf32>,
      %swap3A_768 = vector.shape_cast %swap3A_767 : vector<1x16xf32> to vector<16xf32>
      %swap3A_769 = vector.shape_cast %add3A_764 : vector<16xf32> to vector<1x16xf32>
      tpu.vector_store %arg8[%swap3A_765, %swap3A_766], %swap3A_769 {strides = array<i32>} : memref<32x1024xf32, #tpu.memory_space<vmem>>, vector<1x16xf32>,
      %get3A_770 = arith.index_cast %scan3A_42 : i32 to index
      %get3A_771 = arith.constant 832 : index
      %get3A_772 = tpu.vector_load %arg8[%get3A_770, %get3A_771] {strides = array<i32>} : memref<32x1024xf32, #tpu.memory_space<vmem>>, vector<1x16xf32>,
      %get3A_773 = vector.shape_cast %get3A_772 : vector<1x16xf32> to vector<16xf32>
      %get3A_774 = arith.index_cast %scan3A_42 : i32 to index
      %get3A_775 = arith.constant 832 : index
      %get3A_776 = tpu.vector_load %arg9[%get3A_774, %get3A_775] {strides = array<i32>} : memref<32x1024xf32, #tpu.memory_space<vmem>>, vector<1x16xf32>,
      %get3A_777 = vector.shape_cast %get3A_776 : vector<1x16xf32> to vector<16xf32>
      %add3A_778 = arith.addf %get3A_773, %get3A_777 : vector<16xf32>
      %swap3A_779 = arith.index_cast %scan3A_42 : i32 to index
      %swap3A_780 = arith.constant 832 : index
      %swap3A_781 = tpu.vector_load %arg8[%swap3A_779, %swap3A_780] {strides = array<i32>} : memref<32x1024xf32, #tpu.memory_space<vmem>>, vector<1x16xf32>,
      %swap3A_782 = vector.shape_cast %swap3A_781 : vector<1x16xf32> to vector<16xf32>
      %swap3A_783 = vector.shape_cast %add3A_778 : vector<16xf32> to vector<1x16xf32>
      tpu.vector_store %arg8[%swap3A_779, %swap3A_780], %swap3A_783 {strides = array<i32>} : memref<32x1024xf32, #tpu.memory_space<vmem>>, vector<1x16xf32>,
      %get3A_784 = arith.index_cast %scan3A_42 : i32 to index
      %get3A_785 = arith.constant 848 : index
      %get3A_786 = tpu.vector_load %arg8[%get3A_784, %get3A_785] {strides = array<i32>} : memref<32x1024xf32, #tpu.memory_space<vmem>>, vector<1x16xf32>,
      %get3A_787 = vector.shape_cast %get3A_786 : vector<1x16xf32> to vector<16xf32>
      %get3A_788 = arith.index_cast %scan3A_42 : i32 to index
      %get3A_789 = arith.constant 848 : index
      %get3A_790 = tpu.vector_load %arg9[%get3A_788, %get3A_789] {strides = array<i32>} : memref<32x1024xf32, #tpu.memory_space<vmem>>, vector<1x16xf32>,
      %get3A_791 = vector.shape_cast %get3A_790 : vector<1x16xf32> to vector<16xf32>
      %add3A_792 = arith.addf %get3A_787, %get3A_791 : vector<16xf32>
      %swap3A_793 = arith.index_cast %scan3A_42 : i32 to index
      %swap3A_794 = arith.constant 848 : index
      %swap3A_795 = tpu.vector_load %arg8[%swap3A_793, %swap3A_794] {strides = array<i32>} : memref<32x1024xf32, #tpu.memory_space<vmem>>, vector<1x16xf32>,
      %swap3A_796 = vector.shape_cast %swap3A_795 : vector<1x16xf32> to vector<16xf32>
      %swap3A_797 = vector.shape_cast %add3A_792 : vector<16xf32> to vector<1x16xf32>
      tpu.vector_store %arg8[%swap3A_793, %swap3A_794], %swap3A_797 {strides = array<i32>} : memref<32x1024xf32, #tpu.memory_space<vmem>>, vector<1x16xf32>,
      %get3A_798 = arith.index_cast %scan3A_42 : i32 to index
      %get3A_799 = arith.constant 864 : index
      %get3A_800 = tpu.vector_load %arg8[%get3A_798, %get3A_799] {strides = array<i32>} : memref<32x1024xf32, #tpu.memory_space<vmem>>, vector<1x16xf32>,
      %get3A_801 = vector.shape_cast %get3A_800 : vector<1x16xf32> to vector<16xf32>
      %get3A_802 = arith.index_cast %scan3A_42 : i32 to index
      %get3A_803 = arith.constant 864 : index
      %get3A_804 = tpu.vector_load %arg9[%get3A_802, %get3A_803] {strides = array<i32>} : memref<32x1024xf32, #tpu.memory_space<vmem>>, vector<1x16xf32>,
      %get3A_805 = vector.shape_cast %get3A_804 : vector<1x16xf32> to vector<16xf32>
      %add3A_806 = arith.addf %get3A_801, %get3A_805 : vector<16xf32>
      %swap3A_807 = arith.index_cast %scan3A_42 : i32 to index
      %swap3A_808 = arith.constant 864 : index
      %swap3A_809 = tpu.vector_load %arg8[%swap3A_807, %swap3A_808] {strides = array<i32>} : memref<32x1024xf32, #tpu.memory_space<vmem>>, vector<1x16xf32>,
      %swap3A_810 = vector.shape_cast %swap3A_809 : vector<1x16xf32> to vector<16xf32>
      %swap3A_811 = vector.shape_cast %add3A_806 : vector<16xf32> to vector<1x16xf32>
      tpu.vector_store %arg8[%swap3A_807, %swap3A_808], %swap3A_811 {strides = array<i32>} : memref<32x1024xf32, #tpu.memory_space<vmem>>, vector<1x16xf32>,
      %get3A_812 = arith.index_cast %scan3A_42 : i32 to index
      %get3A_813 = arith.constant 880 : index
      %get3A_814 = tpu.vector_load %arg8[%get3A_812, %get3A_813] {strides = array<i32>} : memref<32x1024xf32, #tpu.memory_space<vmem>>, vector<1x16xf32>,
      %get3A_815 = vector.shape_cast %get3A_814 : vector<1x16xf32> to vector<16xf32>
      %get3A_816 = arith.index_cast %scan3A_42 : i32 to index
      %get3A_817 = arith.constant 880 : index
      %get3A_818 = tpu.vector_load %arg9[%get3A_816, %get3A_817] {strides = array<i32>} : memref<32x1024xf32, #tpu.memory_space<vmem>>, vector<1x16xf32>,
      %get3A_819 = vector.shape_cast %get3A_818 : vector<1x16xf32> to vector<16xf32>
      %add3A_820 = arith.addf %get3A_815, %get3A_819 : vector<16xf32>
      %swap3A_821 = arith.index_cast %scan3A_42 : i32 to index
      %swap3A_822 = arith.constant 880 : index
      %swap3A_823 = tpu.vector_load %arg8[%swap3A_821, %swap3A_822] {strides = array<i32>} : memref<32x1024xf32, #tpu.memory_space<vmem>>, vector<1x16xf32>,
      %swap3A_824 = vector.shape_cast %swap3A_823 : vector<1x16xf32> to vector<16xf32>
      %swap3A_825 = vector.shape_cast %add3A_820 : vector<16xf32> to vector<1x16xf32>
      tpu.vector_store %arg8[%swap3A_821, %swap3A_822], %swap3A_825 {strides = array<i32>} : memref<32x1024xf32, #tpu.memory_space<vmem>>, vector<1x16xf32>,
      %get3A_826 = arith.index_cast %scan3A_42 : i32 to index
      %get3A_827 = arith.constant 896 : index
      %get3A_828 = tpu.vector_load %arg8[%get3A_826, %get3A_827] {strides = array<i32>} : memref<32x1024xf32, #tpu.memory_space<vmem>>, vector<1x16xf32>,
      %get3A_829 = vector.shape_cast %get3A_828 : vector<1x16xf32> to vector<16xf32>
      %get3A_830 = arith.index_cast %scan3A_42 : i32 to index
      %get3A_831 = arith.constant 896 : index
      %get3A_832 = tpu.vector_load %arg9[%get3A_830, %get3A_831] {strides = array<i32>} : memref<32x1024xf32, #tpu.memory_space<vmem>>, vector<1x16xf32>,
      %get3A_833 = vector.shape_cast %get3A_832 : vector<1x16xf32> to vector<16xf32>
      %add3A_834 = arith.addf %get3A_829, %get3A_833 : vector<16xf32>
      %swap3A_835 = arith.index_cast %scan3A_42 : i32 to index
      %swap3A_836 = arith.constant 896 : index
      %swap3A_837 = tpu.vector_load %arg8[%swap3A_835, %swap3A_836] {strides = array<i32>} : memref<32x1024xf32, #tpu.memory_space<vmem>>, vector<1x16xf32>,
      %swap3A_838 = vector.shape_cast %swap3A_837 : vector<1x16xf32> to vector<16xf32>
      %swap3A_839 = vector.shape_cast %add3A_834 : vector<16xf32> to vector<1x16xf32>
      tpu.vector_store %arg8[%swap3A_835, %swap3A_836], %swap3A_839 {strides = array<i32>} : memref<32x1024xf32, #tpu.memory_space<vmem>>, vector<1x16xf32>,
      %get3A_840 = arith.index_cast %scan3A_42 : i32 to index
      %get3A_841 = arith.constant 912 : index
      %get3A_842 = tpu.vector_load %arg8[%get3A_840, %get3A_841] {strides = array<i32>} : memref<32x1024xf32, #tpu.memory_space<vmem>>, vector<1x16xf32>,
      %get3A_843 = vector.shape_cast %get3A_842 : vector<1x16xf32> to vector<16xf32>
      %get3A_844 = arith.index_cast %scan3A_42 : i32 to index
      %get3A_845 = arith.constant 912 : index
      %get3A_846 = tpu.vector_load %arg9[%get3A_844, %get3A_845] {strides = array<i32>} : memref<32x1024xf32, #tpu.memory_space<vmem>>, vector<1x16xf32>,
      %get3A_847 = vector.shape_cast %get3A_846 : vector<1x16xf32> to vector<16xf32>
      %add3A_848 = arith.addf %get3A_843, %get3A_847 : vector<16xf32>
      %swap3A_849 = arith.index_cast %scan3A_42 : i32 to index
      %swap3A_850 = arith.constant 912 : index
      %swap3A_851 = tpu.vector_load %arg8[%swap3A_849, %swap3A_850] {strides = array<i32>} : memref<32x1024xf32, #tpu.memory_space<vmem>>, vector<1x16xf32>,
      %swap3A_852 = vector.shape_cast %swap3A_851 : vector<1x16xf32> to vector<16xf32>
      %swap3A_853 = vector.shape_cast %add3A_848 : vector<16xf32> to vector<1x16xf32>
      tpu.vector_store %arg8[%swap3A_849, %swap3A_850], %swap3A_853 {strides = array<i32>} : memref<32x1024xf32, #tpu.memory_space<vmem>>, vector<1x16xf32>,
      %get3A_854 = arith.index_cast %scan3A_42 : i32 to index
      %get3A_855 = arith.constant 928 : index
      %get3A_856 = tpu.vector_load %arg8[%get3A_854, %get3A_855] {strides = array<i32>} : memref<32x1024xf32, #tpu.memory_space<vmem>>, vector<1x16xf32>,
      %get3A_857 = vector.shape_cast %get3A_856 : vector<1x16xf32> to vector<16xf32>
      %get3A_858 = arith.index_cast %scan3A_42 : i32 to index
      %get3A_859 = arith.constant 928 : index
      %get3A_860 = tpu.vector_load %arg9[%get3A_858, %get3A_859] {strides = array<i32>} : memref<32x1024xf32, #tpu.memory_space<vmem>>, vector<1x16xf32>,
      %get3A_861 = vector.shape_cast %get3A_860 : vector<1x16xf32> to vector<16xf32>
      %add3A_862 = arith.addf %get3A_857, %get3A_861 : vector<16xf32>
      %swap3A_863 = arith.index_cast %scan3A_42 : i32 to index
      %swap3A_864 = arith.constant 928 : index
      %swap3A_865 = tpu.vector_load %arg8[%swap3A_863, %swap3A_864] {strides = array<i32>} : memref<32x1024xf32, #tpu.memory_space<vmem>>, vector<1x16xf32>,
      %swap3A_866 = vector.shape_cast %swap3A_865 : vector<1x16xf32> to vector<16xf32>
      %swap3A_867 = vector.shape_cast %add3A_862 : vector<16xf32> to vector<1x16xf32>
      tpu.vector_store %arg8[%swap3A_863, %swap3A_864], %swap3A_867 {strides = array<i32>} : memref<32x1024xf32, #tpu.memory_space<vmem>>, vector<1x16xf32>,
      %get3A_868 = arith.index_cast %scan3A_42 : i32 to index
      %get3A_869 = arith.constant 944 : index
      %get3A_870 = tpu.vector_load %arg8[%get3A_868, %get3A_869] {strides = array<i32>} : memref<32x1024xf32, #tpu.memory_space<vmem>>, vector<1x16xf32>,
      %get3A_871 = vector.shape_cast %get3A_870 : vector<1x16xf32> to vector<16xf32>
      %get3A_872 = arith.index_cast %scan3A_42 : i32 to index
      %get3A_873 = arith.constant 944 : index
      %get3A_874 = tpu.vector_load %arg9[%get3A_872, %get3A_873] {strides = array<i32>} : memref<32x1024xf32, #tpu.memory_space<vmem>>, vector<1x16xf32>,
      %get3A_875 = vector.shape_cast %get3A_874 : vector<1x16xf32> to vector<16xf32>
      %add3A_876 = arith.addf %get3A_871, %get3A_875 : vector<16xf32>
      %swap3A_877 = arith.index_cast %scan3A_42 : i32 to index
      %swap3A_878 = arith.constant 944 : index
      %swap3A_879 = tpu.vector_load %arg8[%swap3A_877, %swap3A_878] {strides = array<i32>} : memref<32x1024xf32, #tpu.memory_space<vmem>>, vector<1x16xf32>,
      %swap3A_880 = vector.shape_cast %swap3A_879 : vector<1x16xf32> to vector<16xf32>
      %swap3A_881 = vector.shape_cast %add3A_876 : vector<16xf32> to vector<1x16xf32>
      tpu.vector_store %arg8[%swap3A_877, %swap3A_878], %swap3A_881 {strides = array<i32>} : memref<32x1024xf32, #tpu.memory_space<vmem>>, vector<1x16xf32>,
      %get3A_882 = arith.index_cast %scan3A_42 : i32 to index
      %get3A_883 = arith.constant 960 : index
      %get3A_884 = tpu.vector_load %arg8[%get3A_882, %get3A_883] {strides = array<i32>} : memref<32x1024xf32, #tpu.memory_space<vmem>>, vector<1x16xf32>,
      %get3A_885 = vector.shape_cast %get3A_884 : vector<1x16xf32> to vector<16xf32>
      %get3A_886 = arith.index_cast %scan3A_42 : i32 to index
      %get3A_887 = arith.constant 960 : index
      %get3A_888 = tpu.vector_load %arg9[%get3A_886, %get3A_887] {strides = array<i32>} : memref<32x1024xf32, #tpu.memory_space<vmem>>, vector<1x16xf32>,
      %get3A_889 = vector.shape_cast %get3A_888 : vector<1x16xf32> to vector<16xf32>
      %add3A_890 = arith.addf %get3A_885, %get3A_889 : vector<16xf32>
      %swap3A_891 = arith.index_cast %scan3A_42 : i32 to index
      %swap3A_892 = arith.constant 960 : index
      %swap3A_893 = tpu.vector_load %arg8[%swap3A_891, %swap3A_892] {strides = array<i32>} : memref<32x1024xf32, #tpu.memory_space<vmem>>, vector<1x16xf32>,
      %swap3A_894 = vector.shape_cast %swap3A_893 : vector<1x16xf32> to vector<16xf32>
      %swap3A_895 = vector.shape_cast %add3A_890 : vector<16xf32> to vector<1x16xf32>
      tpu.vector_store %arg8[%swap3A_891, %swap3A_892], %swap3A_895 {strides = array<i32>} : memref<32x1024xf32, #tpu.memory_space<vmem>>, vector<1x16xf32>,
      %get3A_896 = arith.index_cast %scan3A_42 : i32 to index
      %get3A_897 = arith.constant 976 : index
      %get3A_898 = tpu.vector_load %arg8[%get3A_896, %get3A_897] {strides = array<i32>} : memref<32x1024xf32, #tpu.memory_space<vmem>>, vector<1x16xf32>,
      %get3A_899 = vector.shape_cast %get3A_898 : vector<1x16xf32> to vector<16xf32>
      %get3A_900 = arith.index_cast %scan3A_42 : i32 to index
      %get3A_901 = arith.constant 976 : index
      %get3A_902 = tpu.vector_load %arg9[%get3A_900, %get3A_901] {strides = array<i32>} : memref<32x1024xf32, #tpu.memory_space<vmem>>, vector<1x16xf32>,
      %get3A_903 = vector.shape_cast %get3A_902 : vector<1x16xf32> to vector<16xf32>
      %add3A_904 = arith.addf %get3A_899, %get3A_903 : vector<16xf32>
      %swap3A_905 = arith.index_cast %scan3A_42 : i32 to index
      %swap3A_906 = arith.constant 976 : index
      %swap3A_907 = tpu.vector_load %arg8[%swap3A_905, %swap3A_906] {strides = array<i32>} : memref<32x1024xf32, #tpu.memory_space<vmem>>, vector<1x16xf32>,
      %swap3A_908 = vector.shape_cast %swap3A_907 : vector<1x16xf32> to vector<16xf32>
      %swap3A_909 = vector.shape_cast %add3A_904 : vector<16xf32> to vector<1x16xf32>
      tpu.vector_store %arg8[%swap3A_905, %swap3A_906], %swap3A_909 {strides = array<i32>} : memref<32x1024xf32, #tpu.memory_space<vmem>>, vector<1x16xf32>,
      %get3A_910 = arith.index_cast %scan3A_42 : i32 to index
      %get3A_911 = arith.constant 992 : index
      %get3A_912 = tpu.vector_load %arg8[%get3A_910, %get3A_911] {strides = array<i32>} : memref<32x1024xf32, #tpu.memory_space<vmem>>, vector<1x16xf32>,
      %get3A_913 = vector.shape_cast %get3A_912 : vector<1x16xf32> to vector<16xf32>
      %get3A_914 = arith.index_cast %scan3A_42 : i32 to index
      %get3A_915 = arith.constant 992 : index
      %get3A_916 = tpu.vector_load %arg9[%get3A_914, %get3A_915] {strides = array<i32>} : memref<32x1024xf32, #tpu.memory_space<vmem>>, vector<1x16xf32>,
      %get3A_917 = vector.shape_cast %get3A_916 : vector<1x16xf32> to vector<16xf32>
      %add3A_918 = arith.addf %get3A_913, %get3A_917 : vector<16xf32>
      %swap3A_919 = arith.index_cast %scan3A_42 : i32 to index
      %swap3A_920 = arith.constant 992 : index
      %swap3A_921 = tpu.vector_load %arg8[%swap3A_919, %swap3A_920] {strides = array<i32>} : memref<32x1024xf32, #tpu.memory_space<vmem>>, vector<1x16xf32>,
      %swap3A_922 = vector.shape_cast %swap3A_921 : vector<1x16xf32> to vector<16xf32>
      %swap3A_923 = vector.shape_cast %add3A_918 : vector<16xf32> to vector<1x16xf32>
      tpu.vector_store %arg8[%swap3A_919, %swap3A_920], %swap3A_923 {strides = array<i32>} : memref<32x1024xf32, #tpu.memory_space<vmem>>, vector<1x16xf32>,
      %get3A_924 = arith.index_cast %scan3A_42 : i32 to index
      %get3A_925 = arith.constant 1008 : index
      %get3A_926 = tpu.vector_load %arg8[%get3A_924, %get3A_925] {strides = array<i32>} : memref<32x1024xf32, #tpu.memory_space<vmem>>, vector<1x16xf32>,
      %get3A_927 = vector.shape_cast %get3A_926 : vector<1x16xf32> to vector<16xf32>
      %get3A_928 = arith.index_cast %scan3A_42 : i32 to index
      %get3A_929 = arith.constant 1008 : index
      %get3A_930 = tpu.vector_load %arg9[%get3A_928, %get3A_929] {strides = array<i32>} : memref<32x1024xf32, #tpu.memory_space<vmem>>, vector<1x16xf32>,
      %get3A_931 = vector.shape_cast %get3A_930 : vector<1x16xf32> to vector<16xf32>
      %add3A_932 = arith.addf %get3A_927, %get3A_931 : vector<16xf32>
      %swap3A_933 = arith.index_cast %scan3A_42 : i32 to index
      %swap3A_934 = arith.constant 1008 : index
      %swap3A_935 = tpu.vector_load %arg8[%swap3A_933, %swap3A_934] {strides = array<i32>} : memref<32x1024xf32, #tpu.memory_space<vmem>>, vector<1x16xf32>,
      %swap3A_936 = vector.shape_cast %swap3A_935 : vector<1x16xf32> to vector<16xf32>
      %swap3A_937 = vector.shape_cast %add3A_932 : vector<16xf32> to vector<1x16xf32>
      tpu.vector_store %arg8[%swap3A_933, %swap3A_934], %swap3A_937 {strides = array<i32>} : memref<32x1024xf32, #tpu.memory_space<vmem>>, vector<1x16xf32>,
      %scan3A_938 = arith.constant 0 : i32
      scf.yield %scan3A_938 : i32
    }
    %scan3A_20 = arith.constant 32 : i32
    "tpu.region"() ({
      %run_scoped3A = tpu.sem_alloc : memref<!tpu.dma_semaphore, #tpu.memory_space<semaphore_mem>>
      %dma_start3A_42 = arith.constant 0 : i32
      %dma_start3A_43 = tpu.memref_slice %arg5[%add3A_4, %dma_start3A_42] : memref<2048x1024xf32, #tpu.memory_space<hbm>> -> memref<32x1024xf32, #tpu.memory_space<hbm>>
      %dma_start3A_44 = arith.constant 0 : i32
      %dma_start3A_45 = tpu.memref_slice %arg5[%add3A_4, %dma_start3A_44] : memref<2048x1024xf32, #tpu.memory_space<hbm>> -> memref<32x1024xf32, #tpu.memory_space<hbm>>
      tpu.enqueue_dma source(%arg8 : memref<32x1024xf32, #tpu.memory_space<vmem>>) target(%dma_start3A_45 : memref<32x1024xf32, #tpu.memory_space<hbm>>) target_semaphore(%run_scoped3A : memref<!tpu.dma_semaphore, #tpu.memory_space<semaphore_mem>>)
      %dma_wait3A_46 = arith.constant 0 : i32
      %dma_wait3A_47 = tpu.memref_slice %arg5[%add3A_4, %dma_wait3A_46] : memref<2048x1024xf32, #tpu.memory_space<hbm>> -> memref<32x1024xf32, #tpu.memory_space<hbm>>
      %dma_wait3A_48 = arith.constant 0 : i32
      %dma_wait3A_49 = tpu.memref_slice %arg5[%add3A_4, %dma_wait3A_48] : memref<2048x1024xf32, #tpu.memory_space<hbm>> -> memref<32x1024xf32, #tpu.memory_space<hbm>>
      tpu.wait_dma2 semaphore(%run_scoped3A : memref<!tpu.dma_semaphore, #tpu.memory_space<semaphore_mem>>) src(%arg8 : memref<32x1024xf32, #tpu.memory_space<vmem>>) dst(%dma_wait3A_49 : memref<32x1024xf32, #tpu.memory_space<hbm>>)
      tpu.yield
    }) : () -> ()
    %add3A_21 = arith.constant 32 : i32
    %add3A_22 = arith.addi %mul3A_2, %add3A_21 : i32
    "tpu.region"() ({
      %run_scoped3A = tpu.sem_alloc : memref<!tpu.dma_semaphore, #tpu.memory_space<semaphore_mem>>
      %dma_start3A_42 = tpu.memref_slice %arg3[%add3A_22] : memref<2048xi32, #tpu.memory_space<hbm>> -> memref<32xi32, #tpu.memory_space<hbm>>
      %dma_start3A_43 = tpu.memref_slice %arg3[%add3A_22] : memref<2048xi32, #tpu.memory_space<hbm>> -> memref<32xi32, #tpu.memory_space<hbm>>
      tpu.enqueue_dma source(%dma_start3A_43 : memref<32xi32, #tpu.memory_space<hbm>>) target(%arg6 : memref<32xi32, #tpu.memory_space<vmem>>) target_semaphore(%run_scoped3A : memref<!tpu.dma_semaphore, #tpu.memory_space<semaphore_mem>>)
      %dma_wait3A_44 = tpu.memref_slice %arg3[%add3A_22] : memref<2048xi32, #tpu.memory_space<hbm>> -> memref<32xi32, #tpu.memory_space<hbm>>
      %dma_wait3A_45 = tpu.memref_slice %arg3[%add3A_22] : memref<2048xi32, #tpu.memory_space<hbm>> -> memref<32xi32, #tpu.memory_space<hbm>>
      tpu.wait_dma2 semaphore(%run_scoped3A : memref<!tpu.dma_semaphore, #tpu.memory_space<semaphore_mem>>) src(%dma_wait3A_45 : memref<32xi32, #tpu.memory_space<hbm>>) dst(%arg6 : memref<32xi32, #tpu.memory_space<vmem>>)
      tpu.yield
    }) : () -> ()
    "tpu.region"() ({
      %run_scoped3A = tpu.sem_alloc : memref<!tpu.dma_semaphore, #tpu.memory_space<semaphore_mem>>
      %dma_start3A_42 = tpu.memref_slice %arg4[%add3A_22] : memref<2048xi32, #tpu.memory_space<hbm>> -> memref<32xi32, #tpu.memory_space<hbm>>
      %dma_start3A_43 = tpu.memref_slice %arg4[%add3A_22] : memref<2048xi32, #tpu.memory_space<hbm>> -> memref<32xi32, #tpu.memory_space<hbm>>
      tpu.enqueue_dma source(%dma_start3A_43 : memref<32xi32, #tpu.memory_space<hbm>>) target(%arg7 : memref<32xi32, #tpu.memory_space<vmem>>) target_semaphore(%run_scoped3A : memref<!tpu.dma_semaphore, #tpu.memory_space<semaphore_mem>>)
      %dma_wait3A_44 = tpu.memref_slice %arg4[%add3A_22] : memref<2048xi32, #tpu.memory_space<hbm>> -> memref<32xi32, #tpu.memory_space<hbm>>
      %dma_wait3A_45 = tpu.memref_slice %arg4[%add3A_22] : memref<2048xi32, #tpu.memory_space<hbm>> -> memref<32xi32, #tpu.memory_space<hbm>>
      tpu.wait_dma2 semaphore(%run_scoped3A : memref<!tpu.dma_semaphore, #tpu.memory_space<semaphore_mem>>) src(%dma_wait3A_45 : memref<32xi32, #tpu.memory_space<hbm>>) dst(%arg7 : memref<32xi32, #tpu.memory_space<vmem>>)
      tpu.yield
    }) : () -> ()
    %dma_start3A_23 = arith.constant 0 : i32
    %dma_start3A_24 = arith.constant 0 : i32
    %dma_start3A_25 = tpu.memref_slice %arg2[%dma_start3A_23, %dma_start3A_24] : memref<4096x1024xf32, #tpu.memory_space<hbm>> -> memref<4096x1024xf32, #tpu.memory_space<hbm>>
    tpu.enqueue_indirect_dma source(%dma_start3A_25 : memref<4096x1024xf32, #tpu.memory_space<hbm>>) target(%arg8 : memref<32x1024xf32, #tpu.memory_space<vmem>>) offsets(%arg6 : memref<32xi32, #tpu.memory_space<vmem>>) semaphore(%arg10 : memref<!tpu.dma_semaphore, #tpu.memory_space<semaphore_mem>>)
    %dma_wait3A_26 = arith.constant 0 : i32
    %dma_wait3A_27 = arith.constant 0 : i32
    %dma_wait3A_28 = tpu.memref_slice %arg2[%dma_wait3A_26, %dma_wait3A_27] : memref<4096x1024xf32, #tpu.memory_space<hbm>> -> memref<4096x1024xf32, #tpu.memory_space<hbm>>
    tpu.wait_indirect_dma semaphore(%arg10 : memref<!tpu.dma_semaphore, #tpu.memory_space<semaphore_mem>>) src(%dma_wait3A_28 : memref<4096x1024xf32, #tpu.memory_space<hbm>>) dst(%arg8 : memref<32x1024xf32, #tpu.memory_space<vmem>>)
    %dma_start3A_29 = arith.constant 0 : i32
    %dma_start3A_30 = arith.constant 0 : i32
    %dma_start3A_31 = tpu.memref_slice %arg2[%dma_start3A_29, %dma_start3A_30] : memref<4096x1024xf32, #tpu.memory_space<hbm>> -> memref<4096x1024xf32, #tpu.memory_space<hbm>>
    tpu.enqueue_indirect_dma source(%dma_start3A_31 : memref<4096x1024xf32, #tpu.memory_space<hbm>>) target(%arg9 : memref<32x1024xf32, #tpu.memory_space<vmem>>) offsets(%arg7 : memref<32xi32, #tpu.memory_space<vmem>>) semaphore(%arg10 : memref<!tpu.dma_semaphore, #tpu.memory_space<semaphore_mem>>)
    %dma_wait3A_32 = arith.constant 0 : i32
    %dma_wait3A_33 = arith.constant 0 : i32
    %dma_wait3A_34 = tpu.memref_slice %arg2[%dma_wait3A_32, %dma_wait3A_33] : memref<4096x1024xf32, #tpu.memory_space<hbm>> -> memref<4096x1024xf32, #tpu.memory_space<hbm>>
    tpu.wait_indirect_dma semaphore(%arg10 : memref<!tpu.dma_semaphore, #tpu.memory_space<semaphore_mem>>) src(%dma_wait3A_34 : memref<4096x1024xf32, #tpu.memory_space<hbm>>) dst(%arg9 : memref<32x1024xf32, #tpu.memory_space<vmem>>)
    %scan3A_35 = arith.constant 0 : i32
    %scan3A_36 = arith.constant 0 : i32
    %scan3A_37 = arith.constant 32 : i32
    %scan3A_38 = arith.addi %scan3A_36, %scan3A_37 : i32
    %scan3A_39 = arith.constant 1 : i32
    %scan3A_40 = scf.for %scan3A_42 = %scan3A_36 to %scan3A_38 step %scan3A_39 iter_args(%scan3A_43 = %scan3A_35) -> (i32)  : i32 {
      %get3A = arith.index_cast %scan3A_42 : i32 to index
      %get3A_44 = arith.constant 0 : index
      %get3A_45 = tpu.vector_load %arg8[%get3A, %get3A_44] {strides = array<i32>} : memref<32x1024xf32, #tpu.memory_space<vmem>>, vector<1x16xf32>,
      %get3A_46 = vector.shape_cast %get3A_45 : vector<1x16xf32> to vector<16xf32>
      %get3A_47 = arith.index_cast %scan3A_42 : i32 to index
      %get3A_48 = arith.constant 0 : index
      %get3A_49 = tpu.vector_load %arg9[%get3A_47, %get3A_48] {strides = array<i32>} : memref<32x1024xf32, #tpu.memory_space<vmem>>, vector<1x16xf32>,
      %get3A_50 = vector.shape_cast %get3A_49 : vector<1x16xf32> to vector<16xf32>
      %add3A_51 = arith.addf %get3A_46, %get3A_50 : vector<16xf32>
      %swap3A = arith.index_cast %scan3A_42 : i32 to index
      %swap3A_52 = arith.constant 0 : index
      %swap3A_53 = tpu.vector_load %arg8[%swap3A, %swap3A_52] {strides = array<i32>} : memref<32x1024xf32, #tpu.memory_space<vmem>>, vector<1x16xf32>,
      %swap3A_54 = vector.shape_cast %swap3A_53 : vector<1x16xf32> to vector<16xf32>
      %swap3A_55 = vector.shape_cast %add3A_51 : vector<16xf32> to vector<1x16xf32>
      tpu.vector_store %arg8[%swap3A, %swap3A_52], %swap3A_55 {strides = array<i32>} : memref<32x1024xf32, #tpu.memory_space<vmem>>, vector<1x16xf32>,
      %get3A_56 = arith.index_cast %scan3A_42 : i32 to index
      %get3A_57 = arith.constant 16 : index
      %get3A_58 = tpu.vector_load %arg8[%get3A_56, %get3A_57] {strides = array<i32>} : memref<32x1024xf32, #tpu.memory_space<vmem>>, vector<1x16xf32>,
      %get3A_59 = vector.shape_cast %get3A_58 : vector<1x16xf32> to vector<16xf32>
      %get3A_60 = arith.index_cast %scan3A_42 : i32 to index
      %get3A_61 = arith.constant 16 : index
      %get3A_62 = tpu.vector_load %arg9[%get3A_60, %get3A_61] {strides = array<i32>} : memref<32x1024xf32, #tpu.memory_space<vmem>>, vector<1x16xf32>,
      %get3A_63 = vector.shape_cast %get3A_62 : vector<1x16xf32> to vector<16xf32>
      %add3A_64 = arith.addf %get3A_59, %get3A_63 : vector<16xf32>
      %swap3A_65 = arith.index_cast %scan3A_42 : i32 to index
      %swap3A_66 = arith.constant 16 : index
      %swap3A_67 = tpu.vector_load %arg8[%swap3A_65, %swap3A_66] {strides = array<i32>} : memref<32x1024xf32, #tpu.memory_space<vmem>>, vector<1x16xf32>,
      %swap3A_68 = vector.shape_cast %swap3A_67 : vector<1x16xf32> to vector<16xf32>
      %swap3A_69 = vector.shape_cast %add3A_64 : vector<16xf32> to vector<1x16xf32>
      tpu.vector_store %arg8[%swap3A_65, %swap3A_66], %swap3A_69 {strides = array<i32>} : memref<32x1024xf32, #tpu.memory_space<vmem>>, vector<1x16xf32>,
      %get3A_70 = arith.index_cast %scan3A_42 : i32 to index
      %get3A_71 = arith.constant 32 : index
      %get3A_72 = tpu.vector_load %arg8[%get3A_70, %get3A_71] {strides = array<i32>} : memref<32x1024xf32, #tpu.memory_space<vmem>>, vector<1x16xf32>,
      %get3A_73 = vector.shape_cast %get3A_72 : vector<1x16xf32> to vector<16xf32>
      %get3A_74 = arith.index_cast %scan3A_42 : i32 to index
      %get3A_75 = arith.constant 32 : index
      %get3A_76 = tpu.vector_load %arg9[%get3A_74, %get3A_75] {strides = array<i32>} : memref<32x1024xf32, #tpu.memory_space<vmem>>, vector<1x16xf32>,
      %get3A_77 = vector.shape_cast %get3A_76 : vector<1x16xf32> to vector<16xf32>
      %add3A_78 = arith.addf %get3A_73, %get3A_77 : vector<16xf32>
      %swap3A_79 = arith.index_cast %scan3A_42 : i32 to index
      %swap3A_80 = arith.constant 32 : index
      %swap3A_81 = tpu.vector_load %arg8[%swap3A_79, %swap3A_80] {strides = array<i32>} : memref<32x1024xf32, #tpu.memory_space<vmem>>, vector<1x16xf32>,
      %swap3A_82 = vector.shape_cast %swap3A_81 : vector<1x16xf32> to vector<16xf32>
      %swap3A_83 = vector.shape_cast %add3A_78 : vector<16xf32> to vector<1x16xf32>
      tpu.vector_store %arg8[%swap3A_79, %swap3A_80], %swap3A_83 {strides = array<i32>} : memref<32x1024xf32, #tpu.memory_space<vmem>>, vector<1x16xf32>,
      %get3A_84 = arith.index_cast %scan3A_42 : i32 to index
      %get3A_85 = arith.constant 48 : index
      %get3A_86 = tpu.vector_load %arg8[%get3A_84, %get3A_85] {strides = array<i32>} : memref<32x1024xf32, #tpu.memory_space<vmem>>, vector<1x16xf32>,
      %get3A_87 = vector.shape_cast %get3A_86 : vector<1x16xf32> to vector<16xf32>
      %get3A_88 = arith.index_cast %scan3A_42 : i32 to index
      %get3A_89 = arith.constant 48 : index
      %get3A_90 = tpu.vector_load %arg9[%get3A_88, %get3A_89] {strides = array<i32>} : memref<32x1024xf32, #tpu.memory_space<vmem>>, vector<1x16xf32>,
      %get3A_91 = vector.shape_cast %get3A_90 : vector<1x16xf32> to vector<16xf32>
      %add3A_92 = arith.addf %get3A_87, %get3A_91 : vector<16xf32>
      %swap3A_93 = arith.index_cast %scan3A_42 : i32 to index
      %swap3A_94 = arith.constant 48 : index
      %swap3A_95 = tpu.vector_load %arg8[%swap3A_93, %swap3A_94] {strides = array<i32>} : memref<32x1024xf32, #tpu.memory_space<vmem>>, vector<1x16xf32>,
      %swap3A_96 = vector.shape_cast %swap3A_95 : vector<1x16xf32> to vector<16xf32>
      %swap3A_97 = vector.shape_cast %add3A_92 : vector<16xf32> to vector<1x16xf32>
      tpu.vector_store %arg8[%swap3A_93, %swap3A_94], %swap3A_97 {strides = array<i32>} : memref<32x1024xf32, #tpu.memory_space<vmem>>, vector<1x16xf32>,
      %get3A_98 = arith.index_cast %scan3A_42 : i32 to index
      %get3A_99 = arith.constant 64 : index
      %get3A_100 = tpu.vector_load %arg8[%get3A_98, %get3A_99] {strides = array<i32>} : memref<32x1024xf32, #tpu.memory_space<vmem>>, vector<1x16xf32>,
      %get3A_101 = vector.shape_cast %get3A_100 : vector<1x16xf32> to vector<16xf32>
      %get3A_102 = arith.index_cast %scan3A_42 : i32 to index
      %get3A_103 = arith.constant 64 : index
      %get3A_104 = tpu.vector_load %arg9[%get3A_102, %get3A_103] {strides = array<i32>} : memref<32x1024xf32, #tpu.memory_space<vmem>>, vector<1x16xf32>,
      %get3A_105 = vector.shape_cast %get3A_104 : vector<1x16xf32> to vector<16xf32>
      %add3A_106 = arith.addf %get3A_101, %get3A_105 : vector<16xf32>
      %swap3A_107 = arith.index_cast %scan3A_42 : i32 to index
      %swap3A_108 = arith.constant 64 : index
      %swap3A_109 = tpu.vector_load %arg8[%swap3A_107, %swap3A_108] {strides = array<i32>} : memref<32x1024xf32, #tpu.memory_space<vmem>>, vector<1x16xf32>,
      %swap3A_110 = vector.shape_cast %swap3A_109 : vector<1x16xf32> to vector<16xf32>
      %swap3A_111 = vector.shape_cast %add3A_106 : vector<16xf32> to vector<1x16xf32>
      tpu.vector_store %arg8[%swap3A_107, %swap3A_108], %swap3A_111 {strides = array<i32>} : memref<32x1024xf32, #tpu.memory_space<vmem>>, vector<1x16xf32>,
      %get3A_112 = arith.index_cast %scan3A_42 : i32 to index
      %get3A_113 = arith.constant 80 : index
      %get3A_114 = tpu.vector_load %arg8[%get3A_112, %get3A_113] {strides = array<i32>} : memref<32x1024xf32, #tpu.memory_space<vmem>>, vector<1x16xf32>,
      %get3A_115 = vector.shape_cast %get3A_114 : vector<1x16xf32> to vector<16xf32>
      %get3A_116 = arith.index_cast %scan3A_42 : i32 to index
      %get3A_117 = arith.constant 80 : index
      %get3A_118 = tpu.vector_load %arg9[%get3A_116, %get3A_117] {strides = array<i32>} : memref<32x1024xf32, #tpu.memory_space<vmem>>, vector<1x16xf32>,
      %get3A_119 = vector.shape_cast %get3A_118 : vector<1x16xf32> to vector<16xf32>
      %add3A_120 = arith.addf %get3A_115, %get3A_119 : vector<16xf32>
      %swap3A_121 = arith.index_cast %scan3A_42 : i32 to index
      %swap3A_122 = arith.constant 80 : index
      %swap3A_123 = tpu.vector_load %arg8[%swap3A_121, %swap3A_122] {strides = array<i32>} : memref<32x1024xf32, #tpu.memory_space<vmem>>, vector<1x16xf32>,
      %swap3A_124 = vector.shape_cast %swap3A_123 : vector<1x16xf32> to vector<16xf32>
      %swap3A_125 = vector.shape_cast %add3A_120 : vector<16xf32> to vector<1x16xf32>
      tpu.vector_store %arg8[%swap3A_121, %swap3A_122], %swap3A_125 {strides = array<i32>} : memref<32x1024xf32, #tpu.memory_space<vmem>>, vector<1x16xf32>,
      %get3A_126 = arith.index_cast %scan3A_42 : i32 to index
      %get3A_127 = arith.constant 96 : index
      %get3A_128 = tpu.vector_load %arg8[%get3A_126, %get3A_127] {strides = array<i32>} : memref<32x1024xf32, #tpu.memory_space<vmem>>, vector<1x16xf32>,
      %get3A_129 = vector.shape_cast %get3A_128 : vector<1x16xf32> to vector<16xf32>
      %get3A_130 = arith.index_cast %scan3A_42 : i32 to index
      %get3A_131 = arith.constant 96 : index
      %get3A_132 = tpu.vector_load %arg9[%get3A_130, %get3A_131] {strides = array<i32>} : memref<32x1024xf32, #tpu.memory_space<vmem>>, vector<1x16xf32>,
      %get3A_133 = vector.shape_cast %get3A_132 : vector<1x16xf32> to vector<16xf32>
      %add3A_134 = arith.addf %get3A_129, %get3A_133 : vector<16xf32>
      %swap3A_135 = arith.index_cast %scan3A_42 : i32 to index
      %swap3A_136 = arith.constant 96 : index
      %swap3A_137 = tpu.vector_load %arg8[%swap3A_135, %swap3A_136] {strides = array<i32>} : memref<32x1024xf32, #tpu.memory_space<vmem>>, vector<1x16xf32>,
      %swap3A_138 = vector.shape_cast %swap3A_137 : vector<1x16xf32> to vector<16xf32>
      %swap3A_139 = vector.shape_cast %add3A_134 : vector<16xf32> to vector<1x16xf32>
      tpu.vector_store %arg8[%swap3A_135, %swap3A_136], %swap3A_139 {strides = array<i32>} : memref<32x1024xf32, #tpu.memory_space<vmem>>, vector<1x16xf32>,
      %get3A_140 = arith.index_cast %scan3A_42 : i32 to index
      %get3A_141 = arith.constant 112 : index
      %get3A_142 = tpu.vector_load %arg8[%get3A_140, %get3A_141] {strides = array<i32>} : memref<32x1024xf32, #tpu.memory_space<vmem>>, vector<1x16xf32>,
      %get3A_143 = vector.shape_cast %get3A_142 : vector<1x16xf32> to vector<16xf32>
      %get3A_144 = arith.index_cast %scan3A_42 : i32 to index
      %get3A_145 = arith.constant 112 : index
      %get3A_146 = tpu.vector_load %arg9[%get3A_144, %get3A_145] {strides = array<i32>} : memref<32x1024xf32, #tpu.memory_space<vmem>>, vector<1x16xf32>,
      %get3A_147 = vector.shape_cast %get3A_146 : vector<1x16xf32> to vector<16xf32>
      %add3A_148 = arith.addf %get3A_143, %get3A_147 : vector<16xf32>
      %swap3A_149 = arith.index_cast %scan3A_42 : i32 to index
      %swap3A_150 = arith.constant 112 : index
      %swap3A_151 = tpu.vector_load %arg8[%swap3A_149, %swap3A_150] {strides = array<i32>} : memref<32x1024xf32, #tpu.memory_space<vmem>>, vector<1x16xf32>,
      %swap3A_152 = vector.shape_cast %swap3A_151 : vector<1x16xf32> to vector<16xf32>
      %swap3A_153 = vector.shape_cast %add3A_148 : vector<16xf32> to vector<1x16xf32>
      tpu.vector_store %arg8[%swap3A_149, %swap3A_150], %swap3A_153 {strides = array<i32>} : memref<32x1024xf32, #tpu.memory_space<vmem>>, vector<1x16xf32>,
      %get3A_154 = arith.index_cast %scan3A_42 : i32 to index
      %get3A_155 = arith.constant 128 : index
      %get3A_156 = tpu.vector_load %arg8[%get3A_154, %get3A_155] {strides = array<i32>} : memref<32x1024xf32, #tpu.memory_space<vmem>>, vector<1x16xf32>,
      %get3A_157 = vector.shape_cast %get3A_156 : vector<1x16xf32> to vector<16xf32>
      %get3A_158 = arith.index_cast %scan3A_42 : i32 to index
      %get3A_159 = arith.constant 128 : index
      %get3A_160 = tpu.vector_load %arg9[%get3A_158, %get3A_159] {strides = array<i32>} : memref<32x1024xf32, #tpu.memory_space<vmem>>, vector<1x16xf32>,
      %get3A_161 = vector.shape_cast %get3A_160 : vector<1x16xf32> to vector<16xf32>
      %add3A_162 = arith.addf %get3A_157, %get3A_161 : vector<16xf32>
      %swap3A_163 = arith.index_cast %scan3A_42 : i32 to index
      %swap3A_164 = arith.constant 128 : index
      %swap3A_165 = tpu.vector_load %arg8[%swap3A_163, %swap3A_164] {strides = array<i32>} : memref<32x1024xf32, #tpu.memory_space<vmem>>, vector<1x16xf32>,
      %swap3A_166 = vector.shape_cast %swap3A_165 : vector<1x16xf32> to vector<16xf32>
      %swap3A_167 = vector.shape_cast %add3A_162 : vector<16xf32> to vector<1x16xf32>
      tpu.vector_store %arg8[%swap3A_163, %swap3A_164], %swap3A_167 {strides = array<i32>} : memref<32x1024xf32, #tpu.memory_space<vmem>>, vector<1x16xf32>,
      %get3A_168 = arith.index_cast %scan3A_42 : i32 to index
      %get3A_169 = arith.constant 144 : index
      %get3A_170 = tpu.vector_load %arg8[%get3A_168, %get3A_169] {strides = array<i32>} : memref<32x1024xf32, #tpu.memory_space<vmem>>, vector<1x16xf32>,
      %get3A_171 = vector.shape_cast %get3A_170 : vector<1x16xf32> to vector<16xf32>
      %get3A_172 = arith.index_cast %scan3A_42 : i32 to index
      %get3A_173 = arith.constant 144 : index
      %get3A_174 = tpu.vector_load %arg9[%get3A_172, %get3A_173] {strides = array<i32>} : memref<32x1024xf32, #tpu.memory_space<vmem>>, vector<1x16xf32>,
      %get3A_175 = vector.shape_cast %get3A_174 : vector<1x16xf32> to vector<16xf32>
      %add3A_176 = arith.addf %get3A_171, %get3A_175 : vector<16xf32>
      %swap3A_177 = arith.index_cast %scan3A_42 : i32 to index
      %swap3A_178 = arith.constant 144 : index
      %swap3A_179 = tpu.vector_load %arg8[%swap3A_177, %swap3A_178] {strides = array<i32>} : memref<32x1024xf32, #tpu.memory_space<vmem>>, vector<1x16xf32>,
      %swap3A_180 = vector.shape_cast %swap3A_179 : vector<1x16xf32> to vector<16xf32>
      %swap3A_181 = vector.shape_cast %add3A_176 : vector<16xf32> to vector<1x16xf32>
      tpu.vector_store %arg8[%swap3A_177, %swap3A_178], %swap3A_181 {strides = array<i32>} : memref<32x1024xf32, #tpu.memory_space<vmem>>, vector<1x16xf32>,
      %get3A_182 = arith.index_cast %scan3A_42 : i32 to index
      %get3A_183 = arith.constant 160 : index
      %get3A_184 = tpu.vector_load %arg8[%get3A_182, %get3A_183] {strides = array<i32>} : memref<32x1024xf32, #tpu.memory_space<vmem>>, vector<1x16xf32>,
      %get3A_185 = vector.shape_cast %get3A_184 : vector<1x16xf32> to vector<16xf32>
      %get3A_186 = arith.index_cast %scan3A_42 : i32 to index
      %get3A_187 = arith.constant 160 : index
      %get3A_188 = tpu.vector_load %arg9[%get3A_186, %get3A_187] {strides = array<i32>} : memref<32x1024xf32, #tpu.memory_space<vmem>>, vector<1x16xf32>,
      %get3A_189 = vector.shape_cast %get3A_188 : vector<1x16xf32> to vector<16xf32>
      %add3A_190 = arith.addf %get3A_185, %get3A_189 : vector<16xf32>
      %swap3A_191 = arith.index_cast %scan3A_42 : i32 to index
      %swap3A_192 = arith.constant 160 : index
      %swap3A_193 = tpu.vector_load %arg8[%swap3A_191, %swap3A_192] {strides = array<i32>} : memref<32x1024xf32, #tpu.memory_space<vmem>>, vector<1x16xf32>,
      %swap3A_194 = vector.shape_cast %swap3A_193 : vector<1x16xf32> to vector<16xf32>
      %swap3A_195 = vector.shape_cast %add3A_190 : vector<16xf32> to vector<1x16xf32>
      tpu.vector_store %arg8[%swap3A_191, %swap3A_192], %swap3A_195 {strides = array<i32>} : memref<32x1024xf32, #tpu.memory_space<vmem>>, vector<1x16xf32>,
      %get3A_196 = arith.index_cast %scan3A_42 : i32 to index
      %get3A_197 = arith.constant 176 : index
      %get3A_198 = tpu.vector_load %arg8[%get3A_196, %get3A_197] {strides = array<i32>} : memref<32x1024xf32, #tpu.memory_space<vmem>>, vector<1x16xf32>,
      %get3A_199 = vector.shape_cast %get3A_198 : vector<1x16xf32> to vector<16xf32>
      %get3A_200 = arith.index_cast %scan3A_42 : i32 to index
      %get3A_201 = arith.constant 176 : index
      %get3A_202 = tpu.vector_load %arg9[%get3A_200, %get3A_201] {strides = array<i32>} : memref<32x1024xf32, #tpu.memory_space<vmem>>, vector<1x16xf32>,
      %get3A_203 = vector.shape_cast %get3A_202 : vector<1x16xf32> to vector<16xf32>
      %add3A_204 = arith.addf %get3A_199, %get3A_203 : vector<16xf32>
      %swap3A_205 = arith.index_cast %scan3A_42 : i32 to index
      %swap3A_206 = arith.constant 176 : index
      %swap3A_207 = tpu.vector_load %arg8[%swap3A_205, %swap3A_206] {strides = array<i32>} : memref<32x1024xf32, #tpu.memory_space<vmem>>, vector<1x16xf32>,
      %swap3A_208 = vector.shape_cast %swap3A_207 : vector<1x16xf32> to vector<16xf32>
      %swap3A_209 = vector.shape_cast %add3A_204 : vector<16xf32> to vector<1x16xf32>
      tpu.vector_store %arg8[%swap3A_205, %swap3A_206], %swap3A_209 {strides = array<i32>} : memref<32x1024xf32, #tpu.memory_space<vmem>>, vector<1x16xf32>,
      %get3A_210 = arith.index_cast %scan3A_42 : i32 to index
      %get3A_211 = arith.constant 192 : index
      %get3A_212 = tpu.vector_load %arg8[%get3A_210, %get3A_211] {strides = array<i32>} : memref<32x1024xf32, #tpu.memory_space<vmem>>, vector<1x16xf32>,
      %get3A_213 = vector.shape_cast %get3A_212 : vector<1x16xf32> to vector<16xf32>
      %get3A_214 = arith.index_cast %scan3A_42 : i32 to index
      %get3A_215 = arith.constant 192 : index
      %get3A_216 = tpu.vector_load %arg9[%get3A_214, %get3A_215] {strides = array<i32>} : memref<32x1024xf32, #tpu.memory_space<vmem>>, vector<1x16xf32>,
      %get3A_217 = vector.shape_cast %get3A_216 : vector<1x16xf32> to vector<16xf32>
      %add3A_218 = arith.addf %get3A_213, %get3A_217 : vector<16xf32>
      %swap3A_219 = arith.index_cast %scan3A_42 : i32 to index
      %swap3A_220 = arith.constant 192 : index
      %swap3A_221 = tpu.vector_load %arg8[%swap3A_219, %swap3A_220] {strides = array<i32>} : memref<32x1024xf32, #tpu.memory_space<vmem>>, vector<1x16xf32>,
      %swap3A_222 = vector.shape_cast %swap3A_221 : vector<1x16xf32> to vector<16xf32>
      %swap3A_223 = vector.shape_cast %add3A_218 : vector<16xf32> to vector<1x16xf32>
      tpu.vector_store %arg8[%swap3A_219, %swap3A_220], %swap3A_223 {strides = array<i32>} : memref<32x1024xf32, #tpu.memory_space<vmem>>, vector<1x16xf32>,
      %get3A_224 = arith.index_cast %scan3A_42 : i32 to index
      %get3A_225 = arith.constant 208 : index
      %get3A_226 = tpu.vector_load %arg8[%get3A_224, %get3A_225] {strides = array<i32>} : memref<32x1024xf32, #tpu.memory_space<vmem>>, vector<1x16xf32>,
      %get3A_227 = vector.shape_cast %get3A_226 : vector<1x16xf32> to vector<16xf32>
      %get3A_228 = arith.index_cast %scan3A_42 : i32 to index
      %get3A_229 = arith.constant 208 : index
      %get3A_230 = tpu.vector_load %arg9[%get3A_228, %get3A_229] {strides = array<i32>} : memref<32x1024xf32, #tpu.memory_space<vmem>>, vector<1x16xf32>,
      %get3A_231 = vector.shape_cast %get3A_230 : vector<1x16xf32> to vector<16xf32>
      %add3A_232 = arith.addf %get3A_227, %get3A_231 : vector<16xf32>
      %swap3A_233 = arith.index_cast %scan3A_42 : i32 to index
      %swap3A_234 = arith.constant 208 : index
      %swap3A_235 = tpu.vector_load %arg8[%swap3A_233, %swap3A_234] {strides = array<i32>} : memref<32x1024xf32, #tpu.memory_space<vmem>>, vector<1x16xf32>,
      %swap3A_236 = vector.shape_cast %swap3A_235 : vector<1x16xf32> to vector<16xf32>
      %swap3A_237 = vector.shape_cast %add3A_232 : vector<16xf32> to vector<1x16xf32>
      tpu.vector_store %arg8[%swap3A_233, %swap3A_234], %swap3A_237 {strides = array<i32>} : memref<32x1024xf32, #tpu.memory_space<vmem>>, vector<1x16xf32>,
      %get3A_238 = arith.index_cast %scan3A_42 : i32 to index
      %get3A_239 = arith.constant 224 : index
      %get3A_240 = tpu.vector_load %arg8[%get3A_238, %get3A_239] {strides = array<i32>} : memref<32x1024xf32, #tpu.memory_space<vmem>>, vector<1x16xf32>,
      %get3A_241 = vector.shape_cast %get3A_240 : vector<1x16xf32> to vector<16xf32>
      %get3A_242 = arith.index_cast %scan3A_42 : i32 to index
      %get3A_243 = arith.constant 224 : index
      %get3A_244 = tpu.vector_load %arg9[%get3A_242, %get3A_243] {strides = array<i32>} : memref<32x1024xf32, #tpu.memory_space<vmem>>, vector<1x16xf32>,
      %get3A_245 = vector.shape_cast %get3A_244 : vector<1x16xf32> to vector<16xf32>
      %add3A_246 = arith.addf %get3A_241, %get3A_245 : vector<16xf32>
      %swap3A_247 = arith.index_cast %scan3A_42 : i32 to index
      %swap3A_248 = arith.constant 224 : index
      %swap3A_249 = tpu.vector_load %arg8[%swap3A_247, %swap3A_248] {strides = array<i32>} : memref<32x1024xf32, #tpu.memory_space<vmem>>, vector<1x16xf32>,
      %swap3A_250 = vector.shape_cast %swap3A_249 : vector<1x16xf32> to vector<16xf32>
      %swap3A_251 = vector.shape_cast %add3A_246 : vector<16xf32> to vector<1x16xf32>
      tpu.vector_store %arg8[%swap3A_247, %swap3A_248], %swap3A_251 {strides = array<i32>} : memref<32x1024xf32, #tpu.memory_space<vmem>>, vector<1x16xf32>,
      %get3A_252 = arith.index_cast %scan3A_42 : i32 to index
      %get3A_253 = arith.constant 240 : index
      %get3A_254 = tpu.vector_load %arg8[%get3A_252, %get3A_253] {strides = array<i32>} : memref<32x1024xf32, #tpu.memory_space<vmem>>, vector<1x16xf32>,
      %get3A_255 = vector.shape_cast %get3A_254 : vector<1x16xf32> to vector<16xf32>
      %get3A_256 = arith.index_cast %scan3A_42 : i32 to index
      %get3A_257 = arith.constant 240 : index
      %get3A_258 = tpu.vector_load %arg9[%get3A_256, %get3A_257] {strides = array<i32>} : memref<32x1024xf32, #tpu.memory_space<vmem>>, vector<1x16xf32>,
      %get3A_259 = vector.shape_cast %get3A_258 : vector<1x16xf32> to vector<16xf32>
      %add3A_260 = arith.addf %get3A_255, %get3A_259 : vector<16xf32>
      %swap3A_261 = arith.index_cast %scan3A_42 : i32 to index
      %swap3A_262 = arith.constant 240 : index
      %swap3A_263 = tpu.vector_load %arg8[%swap3A_261, %swap3A_262] {strides = array<i32>} : memref<32x1024xf32, #tpu.memory_space<vmem>>, vector<1x16xf32>,
      %swap3A_264 = vector.shape_cast %swap3A_263 : vector<1x16xf32> to vector<16xf32>
      %swap3A_265 = vector.shape_cast %add3A_260 : vector<16xf32> to vector<1x16xf32>
      tpu.vector_store %arg8[%swap3A_261, %swap3A_262], %swap3A_265 {strides = array<i32>} : memref<32x1024xf32, #tpu.memory_space<vmem>>, vector<1x16xf32>,
      %get3A_266 = arith.index_cast %scan3A_42 : i32 to index
      %get3A_267 = arith.constant 256 : index
      %get3A_268 = tpu.vector_load %arg8[%get3A_266, %get3A_267] {strides = array<i32>} : memref<32x1024xf32, #tpu.memory_space<vmem>>, vector<1x16xf32>,
      %get3A_269 = vector.shape_cast %get3A_268 : vector<1x16xf32> to vector<16xf32>
      %get3A_270 = arith.index_cast %scan3A_42 : i32 to index
      %get3A_271 = arith.constant 256 : index
      %get3A_272 = tpu.vector_load %arg9[%get3A_270, %get3A_271] {strides = array<i32>} : memref<32x1024xf32, #tpu.memory_space<vmem>>, vector<1x16xf32>,
      %get3A_273 = vector.shape_cast %get3A_272 : vector<1x16xf32> to vector<16xf32>
      %add3A_274 = arith.addf %get3A_269, %get3A_273 : vector<16xf32>
      %swap3A_275 = arith.index_cast %scan3A_42 : i32 to index
      %swap3A_276 = arith.constant 256 : index
      %swap3A_277 = tpu.vector_load %arg8[%swap3A_275, %swap3A_276] {strides = array<i32>} : memref<32x1024xf32, #tpu.memory_space<vmem>>, vector<1x16xf32>,
      %swap3A_278 = vector.shape_cast %swap3A_277 : vector<1x16xf32> to vector<16xf32>
      %swap3A_279 = vector.shape_cast %add3A_274 : vector<16xf32> to vector<1x16xf32>
      tpu.vector_store %arg8[%swap3A_275, %swap3A_276], %swap3A_279 {strides = array<i32>} : memref<32x1024xf32, #tpu.memory_space<vmem>>, vector<1x16xf32>,
      %get3A_280 = arith.index_cast %scan3A_42 : i32 to index
      %get3A_281 = arith.constant 272 : index
      %get3A_282 = tpu.vector_load %arg8[%get3A_280, %get3A_281] {strides = array<i32>} : memref<32x1024xf32, #tpu.memory_space<vmem>>, vector<1x16xf32>,
      %get3A_283 = vector.shape_cast %get3A_282 : vector<1x16xf32> to vector<16xf32>
      %get3A_284 = arith.index_cast %scan3A_42 : i32 to index
      %get3A_285 = arith.constant 272 : index
      %get3A_286 = tpu.vector_load %arg9[%get3A_284, %get3A_285] {strides = array<i32>} : memref<32x1024xf32, #tpu.memory_space<vmem>>, vector<1x16xf32>,
      %get3A_287 = vector.shape_cast %get3A_286 : vector<1x16xf32> to vector<16xf32>
      %add3A_288 = arith.addf %get3A_283, %get3A_287 : vector<16xf32>
      %swap3A_289 = arith.index_cast %scan3A_42 : i32 to index
      %swap3A_290 = arith.constant 272 : index
      %swap3A_291 = tpu.vector_load %arg8[%swap3A_289, %swap3A_290] {strides = array<i32>} : memref<32x1024xf32, #tpu.memory_space<vmem>>, vector<1x16xf32>,
      %swap3A_292 = vector.shape_cast %swap3A_291 : vector<1x16xf32> to vector<16xf32>
      %swap3A_293 = vector.shape_cast %add3A_288 : vector<16xf32> to vector<1x16xf32>
      tpu.vector_store %arg8[%swap3A_289, %swap3A_290], %swap3A_293 {strides = array<i32>} : memref<32x1024xf32, #tpu.memory_space<vmem>>, vector<1x16xf32>,
      %get3A_294 = arith.index_cast %scan3A_42 : i32 to index
      %get3A_295 = arith.constant 288 : index
      %get3A_296 = tpu.vector_load %arg8[%get3A_294, %get3A_295] {strides = array<i32>} : memref<32x1024xf32, #tpu.memory_space<vmem>>, vector<1x16xf32>,
      %get3A_297 = vector.shape_cast %get3A_296 : vector<1x16xf32> to vector<16xf32>
      %get3A_298 = arith.index_cast %scan3A_42 : i32 to index
      %get3A_299 = arith.constant 288 : index
      %get3A_300 = tpu.vector_load %arg9[%get3A_298, %get3A_299] {strides = array<i32>} : memref<32x1024xf32, #tpu.memory_space<vmem>>, vector<1x16xf32>,
      %get3A_301 = vector.shape_cast %get3A_300 : vector<1x16xf32> to vector<16xf32>
      %add3A_302 = arith.addf %get3A_297, %get3A_301 : vector<16xf32>
      %swap3A_303 = arith.index_cast %scan3A_42 : i32 to index
      %swap3A_304 = arith.constant 288 : index
      %swap3A_305 = tpu.vector_load %arg8[%swap3A_303, %swap3A_304] {strides = array<i32>} : memref<32x1024xf32, #tpu.memory_space<vmem>>, vector<1x16xf32>,
      %swap3A_306 = vector.shape_cast %swap3A_305 : vector<1x16xf32> to vector<16xf32>
      %swap3A_307 = vector.shape_cast %add3A_302 : vector<16xf32> to vector<1x16xf32>
      tpu.vector_store %arg8[%swap3A_303, %swap3A_304], %swap3A_307 {strides = array<i32>} : memref<32x1024xf32, #tpu.memory_space<vmem>>, vector<1x16xf32>,
      %get3A_308 = arith.index_cast %scan3A_42 : i32 to index
      %get3A_309 = arith.constant 304 : index
      %get3A_310 = tpu.vector_load %arg8[%get3A_308, %get3A_309] {strides = array<i32>} : memref<32x1024xf32, #tpu.memory_space<vmem>>, vector<1x16xf32>,
      %get3A_311 = vector.shape_cast %get3A_310 : vector<1x16xf32> to vector<16xf32>
      %get3A_312 = arith.index_cast %scan3A_42 : i32 to index
      %get3A_313 = arith.constant 304 : index
      %get3A_314 = tpu.vector_load %arg9[%get3A_312, %get3A_313] {strides = array<i32>} : memref<32x1024xf32, #tpu.memory_space<vmem>>, vector<1x16xf32>,
      %get3A_315 = vector.shape_cast %get3A_314 : vector<1x16xf32> to vector<16xf32>
      %add3A_316 = arith.addf %get3A_311, %get3A_315 : vector<16xf32>
      %swap3A_317 = arith.index_cast %scan3A_42 : i32 to index
      %swap3A_318 = arith.constant 304 : index
      %swap3A_319 = tpu.vector_load %arg8[%swap3A_317, %swap3A_318] {strides = array<i32>} : memref<32x1024xf32, #tpu.memory_space<vmem>>, vector<1x16xf32>,
      %swap3A_320 = vector.shape_cast %swap3A_319 : vector<1x16xf32> to vector<16xf32>
      %swap3A_321 = vector.shape_cast %add3A_316 : vector<16xf32> to vector<1x16xf32>
      tpu.vector_store %arg8[%swap3A_317, %swap3A_318], %swap3A_321 {strides = array<i32>} : memref<32x1024xf32, #tpu.memory_space<vmem>>, vector<1x16xf32>,
      %get3A_322 = arith.index_cast %scan3A_42 : i32 to index
      %get3A_323 = arith.constant 320 : index
      %get3A_324 = tpu.vector_load %arg8[%get3A_322, %get3A_323] {strides = array<i32>} : memref<32x1024xf32, #tpu.memory_space<vmem>>, vector<1x16xf32>,
      %get3A_325 = vector.shape_cast %get3A_324 : vector<1x16xf32> to vector<16xf32>
      %get3A_326 = arith.index_cast %scan3A_42 : i32 to index
      %get3A_327 = arith.constant 320 : index
      %get3A_328 = tpu.vector_load %arg9[%get3A_326, %get3A_327] {strides = array<i32>} : memref<32x1024xf32, #tpu.memory_space<vmem>>, vector<1x16xf32>,
      %get3A_329 = vector.shape_cast %get3A_328 : vector<1x16xf32> to vector<16xf32>
      %add3A_330 = arith.addf %get3A_325, %get3A_329 : vector<16xf32>
      %swap3A_331 = arith.index_cast %scan3A_42 : i32 to index
      %swap3A_332 = arith.constant 320 : index
      %swap3A_333 = tpu.vector_load %arg8[%swap3A_331, %swap3A_332] {strides = array<i32>} : memref<32x1024xf32, #tpu.memory_space<vmem>>, vector<1x16xf32>,
      %swap3A_334 = vector.shape_cast %swap3A_333 : vector<1x16xf32> to vector<16xf32>
      %swap3A_335 = vector.shape_cast %add3A_330 : vector<16xf32> to vector<1x16xf32>
      tpu.vector_store %arg8[%swap3A_331, %swap3A_332], %swap3A_335 {strides = array<i32>} : memref<32x1024xf32, #tpu.memory_space<vmem>>, vector<1x16xf32>,
      %get3A_336 = arith.index_cast %scan3A_42 : i32 to index
      %get3A_337 = arith.constant 336 : index
      %get3A_338 = tpu.vector_load %arg8[%get3A_336, %get3A_337] {strides = array<i32>} : memref<32x1024xf32, #tpu.memory_space<vmem>>, vector<1x16xf32>,
      %get3A_339 = vector.shape_cast %get3A_338 : vector<1x16xf32> to vector<16xf32>
      %get3A_340 = arith.index_cast %scan3A_42 : i32 to index
      %get3A_341 = arith.constant 336 : index
      %get3A_342 = tpu.vector_load %arg9[%get3A_340, %get3A_341] {strides = array<i32>} : memref<32x1024xf32, #tpu.memory_space<vmem>>, vector<1x16xf32>,
      %get3A_343 = vector.shape_cast %get3A_342 : vector<1x16xf32> to vector<16xf32>
      %add3A_344 = arith.addf %get3A_339, %get3A_343 : vector<16xf32>
      %swap3A_345 = arith.index_cast %scan3A_42 : i32 to index
      %swap3A_346 = arith.constant 336 : index
      %swap3A_347 = tpu.vector_load %arg8[%swap3A_345, %swap3A_346] {strides = array<i32>} : memref<32x1024xf32, #tpu.memory_space<vmem>>, vector<1x16xf32>,
      %swap3A_348 = vector.shape_cast %swap3A_347 : vector<1x16xf32> to vector<16xf32>
      %swap3A_349 = vector.shape_cast %add3A_344 : vector<16xf32> to vector<1x16xf32>
      tpu.vector_store %arg8[%swap3A_345, %swap3A_346], %swap3A_349 {strides = array<i32>} : memref<32x1024xf32, #tpu.memory_space<vmem>>, vector<1x16xf32>,
      %get3A_350 = arith.index_cast %scan3A_42 : i32 to index
      %get3A_351 = arith.constant 352 : index
      %get3A_352 = tpu.vector_load %arg8[%get3A_350, %get3A_351] {strides = array<i32>} : memref<32x1024xf32, #tpu.memory_space<vmem>>, vector<1x16xf32>,
      %get3A_353 = vector.shape_cast %get3A_352 : vector<1x16xf32> to vector<16xf32>
      %get3A_354 = arith.index_cast %scan3A_42 : i32 to index
      %get3A_355 = arith.constant 352 : index
      %get3A_356 = tpu.vector_load %arg9[%get3A_354, %get3A_355] {strides = array<i32>} : memref<32x1024xf32, #tpu.memory_space<vmem>>, vector<1x16xf32>,
      %get3A_357 = vector.shape_cast %get3A_356 : vector<1x16xf32> to vector<16xf32>
      %add3A_358 = arith.addf %get3A_353, %get3A_357 : vector<16xf32>
      %swap3A_359 = arith.index_cast %scan3A_42 : i32 to index
      %swap3A_360 = arith.constant 352 : index
      %swap3A_361 = tpu.vector_load %arg8[%swap3A_359, %swap3A_360] {strides = array<i32>} : memref<32x1024xf32, #tpu.memory_space<vmem>>, vector<1x16xf32>,
      %swap3A_362 = vector.shape_cast %swap3A_361 : vector<1x16xf32> to vector<16xf32>
      %swap3A_363 = vector.shape_cast %add3A_358 : vector<16xf32> to vector<1x16xf32>
      tpu.vector_store %arg8[%swap3A_359, %swap3A_360], %swap3A_363 {strides = array<i32>} : memref<32x1024xf32, #tpu.memory_space<vmem>>, vector<1x16xf32>,
      %get3A_364 = arith.index_cast %scan3A_42 : i32 to index
      %get3A_365 = arith.constant 368 : index
      %get3A_366 = tpu.vector_load %arg8[%get3A_364, %get3A_365] {strides = array<i32>} : memref<32x1024xf32, #tpu.memory_space<vmem>>, vector<1x16xf32>,
      %get3A_367 = vector.shape_cast %get3A_366 : vector<1x16xf32> to vector<16xf32>
      %get3A_368 = arith.index_cast %scan3A_42 : i32 to index
      %get3A_369 = arith.constant 368 : index
      %get3A_370 = tpu.vector_load %arg9[%get3A_368, %get3A_369] {strides = array<i32>} : memref<32x1024xf32, #tpu.memory_space<vmem>>, vector<1x16xf32>,
      %get3A_371 = vector.shape_cast %get3A_370 : vector<1x16xf32> to vector<16xf32>
      %add3A_372 = arith.addf %get3A_367, %get3A_371 : vector<16xf32>
      %swap3A_373 = arith.index_cast %scan3A_42 : i32 to index
      %swap3A_374 = arith.constant 368 : index
      %swap3A_375 = tpu.vector_load %arg8[%swap3A_373, %swap3A_374] {strides = array<i32>} : memref<32x1024xf32, #tpu.memory_space<vmem>>, vector<1x16xf32>,
      %swap3A_376 = vector.shape_cast %swap3A_375 : vector<1x16xf32> to vector<16xf32>
      %swap3A_377 = vector.shape_cast %add3A_372 : vector<16xf32> to vector<1x16xf32>
      tpu.vector_store %arg8[%swap3A_373, %swap3A_374], %swap3A_377 {strides = array<i32>} : memref<32x1024xf32, #tpu.memory_space<vmem>>, vector<1x16xf32>,
      %get3A_378 = arith.index_cast %scan3A_42 : i32 to index
      %get3A_379 = arith.constant 384 : index
      %get3A_380 = tpu.vector_load %arg8[%get3A_378, %get3A_379] {strides = array<i32>} : memref<32x1024xf32, #tpu.memory_space<vmem>>, vector<1x16xf32>,
      %get3A_381 = vector.shape_cast %get3A_380 : vector<1x16xf32> to vector<16xf32>
      %get3A_382 = arith.index_cast %scan3A_42 : i32 to index
      %get3A_383 = arith.constant 384 : index
      %get3A_384 = tpu.vector_load %arg9[%get3A_382, %get3A_383] {strides = array<i32>} : memref<32x1024xf32, #tpu.memory_space<vmem>>, vector<1x16xf32>,
      %get3A_385 = vector.shape_cast %get3A_384 : vector<1x16xf32> to vector<16xf32>
      %add3A_386 = arith.addf %get3A_381, %get3A_385 : vector<16xf32>
      %swap3A_387 = arith.index_cast %scan3A_42 : i32 to index
      %swap3A_388 = arith.constant 384 : index
      %swap3A_389 = tpu.vector_load %arg8[%swap3A_387, %swap3A_388] {strides = array<i32>} : memref<32x1024xf32, #tpu.memory_space<vmem>>, vector<1x16xf32>,
      %swap3A_390 = vector.shape_cast %swap3A_389 : vector<1x16xf32> to vector<16xf32>
      %swap3A_391 = vector.shape_cast %add3A_386 : vector<16xf32> to vector<1x16xf32>
      tpu.vector_store %arg8[%swap3A_387, %swap3A_388], %swap3A_391 {strides = array<i32>} : memref<32x1024xf32, #tpu.memory_space<vmem>>, vector<1x16xf32>,
      %get3A_392 = arith.index_cast %scan3A_42 : i32 to index
      %get3A_393 = arith.constant 400 : index
      %get3A_394 = tpu.vector_load %arg8[%get3A_392, %get3A_393] {strides = array<i32>} : memref<32x1024xf32, #tpu.memory_space<vmem>>, vector<1x16xf32>,
      %get3A_395 = vector.shape_cast %get3A_394 : vector<1x16xf32> to vector<16xf32>
      %get3A_396 = arith.index_cast %scan3A_42 : i32 to index
      %get3A_397 = arith.constant 400 : index
      %get3A_398 = tpu.vector_load %arg9[%get3A_396, %get3A_397] {strides = array<i32>} : memref<32x1024xf32, #tpu.memory_space<vmem>>, vector<1x16xf32>,
      %get3A_399 = vector.shape_cast %get3A_398 : vector<1x16xf32> to vector<16xf32>
      %add3A_400 = arith.addf %get3A_395, %get3A_399 : vector<16xf32>
      %swap3A_401 = arith.index_cast %scan3A_42 : i32 to index
      %swap3A_402 = arith.constant 400 : index
      %swap3A_403 = tpu.vector_load %arg8[%swap3A_401, %swap3A_402] {strides = array<i32>} : memref<32x1024xf32, #tpu.memory_space<vmem>>, vector<1x16xf32>,
      %swap3A_404 = vector.shape_cast %swap3A_403 : vector<1x16xf32> to vector<16xf32>
      %swap3A_405 = vector.shape_cast %add3A_400 : vector<16xf32> to vector<1x16xf32>
      tpu.vector_store %arg8[%swap3A_401, %swap3A_402], %swap3A_405 {strides = array<i32>} : memref<32x1024xf32, #tpu.memory_space<vmem>>, vector<1x16xf32>,
      %get3A_406 = arith.index_cast %scan3A_42 : i32 to index
      %get3A_407 = arith.constant 416 : index
      %get3A_408 = tpu.vector_load %arg8[%get3A_406, %get3A_407] {strides = array<i32>} : memref<32x1024xf32, #tpu.memory_space<vmem>>, vector<1x16xf32>,
      %get3A_409 = vector.shape_cast %get3A_408 : vector<1x16xf32> to vector<16xf32>
      %get3A_410 = arith.index_cast %scan3A_42 : i32 to index
      %get3A_411 = arith.constant 416 : index
      %get3A_412 = tpu.vector_load %arg9[%get3A_410, %get3A_411] {strides = array<i32>} : memref<32x1024xf32, #tpu.memory_space<vmem>>, vector<1x16xf32>,
      %get3A_413 = vector.shape_cast %get3A_412 : vector<1x16xf32> to vector<16xf32>
      %add3A_414 = arith.addf %get3A_409, %get3A_413 : vector<16xf32>
      %swap3A_415 = arith.index_cast %scan3A_42 : i32 to index
      %swap3A_416 = arith.constant 416 : index
      %swap3A_417 = tpu.vector_load %arg8[%swap3A_415, %swap3A_416] {strides = array<i32>} : memref<32x1024xf32, #tpu.memory_space<vmem>>, vector<1x16xf32>,
      %swap3A_418 = vector.shape_cast %swap3A_417 : vector<1x16xf32> to vector<16xf32>
      %swap3A_419 = vector.shape_cast %add3A_414 : vector<16xf32> to vector<1x16xf32>
      tpu.vector_store %arg8[%swap3A_415, %swap3A_416], %swap3A_419 {strides = array<i32>} : memref<32x1024xf32, #tpu.memory_space<vmem>>, vector<1x16xf32>,
      %get3A_420 = arith.index_cast %scan3A_42 : i32 to index
      %get3A_421 = arith.constant 432 : index
      %get3A_422 = tpu.vector_load %arg8[%get3A_420, %get3A_421] {strides = array<i32>} : memref<32x1024xf32, #tpu.memory_space<vmem>>, vector<1x16xf32>,
      %get3A_423 = vector.shape_cast %get3A_422 : vector<1x16xf32> to vector<16xf32>
      %get3A_424 = arith.index_cast %scan3A_42 : i32 to index
      %get3A_425 = arith.constant 432 : index
      %get3A_426 = tpu.vector_load %arg9[%get3A_424, %get3A_425] {strides = array<i32>} : memref<32x1024xf32, #tpu.memory_space<vmem>>, vector<1x16xf32>,
      %get3A_427 = vector.shape_cast %get3A_426 : vector<1x16xf32> to vector<16xf32>
      %add3A_428 = arith.addf %get3A_423, %get3A_427 : vector<16xf32>
      %swap3A_429 = arith.index_cast %scan3A_42 : i32 to index
      %swap3A_430 = arith.constant 432 : index
      %swap3A_431 = tpu.vector_load %arg8[%swap3A_429, %swap3A_430] {strides = array<i32>} : memref<32x1024xf32, #tpu.memory_space<vmem>>, vector<1x16xf32>,
      %swap3A_432 = vector.shape_cast %swap3A_431 : vector<1x16xf32> to vector<16xf32>
      %swap3A_433 = vector.shape_cast %add3A_428 : vector<16xf32> to vector<1x16xf32>
      tpu.vector_store %arg8[%swap3A_429, %swap3A_430], %swap3A_433 {strides = array<i32>} : memref<32x1024xf32, #tpu.memory_space<vmem>>, vector<1x16xf32>,
      %get3A_434 = arith.index_cast %scan3A_42 : i32 to index
      %get3A_435 = arith.constant 448 : index
      %get3A_436 = tpu.vector_load %arg8[%get3A_434, %get3A_435] {strides = array<i32>} : memref<32x1024xf32, #tpu.memory_space<vmem>>, vector<1x16xf32>,
      %get3A_437 = vector.shape_cast %get3A_436 : vector<1x16xf32> to vector<16xf32>
      %get3A_438 = arith.index_cast %scan3A_42 : i32 to index
      %get3A_439 = arith.constant 448 : index
      %get3A_440 = tpu.vector_load %arg9[%get3A_438, %get3A_439] {strides = array<i32>} : memref<32x1024xf32, #tpu.memory_space<vmem>>, vector<1x16xf32>,
      %get3A_441 = vector.shape_cast %get3A_440 : vector<1x16xf32> to vector<16xf32>
      %add3A_442 = arith.addf %get3A_437, %get3A_441 : vector<16xf32>
      %swap3A_443 = arith.index_cast %scan3A_42 : i32 to index
      %swap3A_444 = arith.constant 448 : index
      %swap3A_445 = tpu.vector_load %arg8[%swap3A_443, %swap3A_444] {strides = array<i32>} : memref<32x1024xf32, #tpu.memory_space<vmem>>, vector<1x16xf32>,
      %swap3A_446 = vector.shape_cast %swap3A_445 : vector<1x16xf32> to vector<16xf32>
      %swap3A_447 = vector.shape_cast %add3A_442 : vector<16xf32> to vector<1x16xf32>
      tpu.vector_store %arg8[%swap3A_443, %swap3A_444], %swap3A_447 {strides = array<i32>} : memref<32x1024xf32, #tpu.memory_space<vmem>>, vector<1x16xf32>,
      %get3A_448 = arith.index_cast %scan3A_42 : i32 to index
      %get3A_449 = arith.constant 464 : index
      %get3A_450 = tpu.vector_load %arg8[%get3A_448, %get3A_449] {strides = array<i32>} : memref<32x1024xf32, #tpu.memory_space<vmem>>, vector<1x16xf32>,
      %get3A_451 = vector.shape_cast %get3A_450 : vector<1x16xf32> to vector<16xf32>
      %get3A_452 = arith.index_cast %scan3A_42 : i32 to index
      %get3A_453 = arith.constant 464 : index
      %get3A_454 = tpu.vector_load %arg9[%get3A_452, %get3A_453] {strides = array<i32>} : memref<32x1024xf32, #tpu.memory_space<vmem>>, vector<1x16xf32>,
      %get3A_455 = vector.shape_cast %get3A_454 : vector<1x16xf32> to vector<16xf32>
      %add3A_456 = arith.addf %get3A_451, %get3A_455 : vector<16xf32>
      %swap3A_457 = arith.index_cast %scan3A_42 : i32 to index
      %swap3A_458 = arith.constant 464 : index
      %swap3A_459 = tpu.vector_load %arg8[%swap3A_457, %swap3A_458] {strides = array<i32>} : memref<32x1024xf32, #tpu.memory_space<vmem>>, vector<1x16xf32>,
      %swap3A_460 = vector.shape_cast %swap3A_459 : vector<1x16xf32> to vector<16xf32>
      %swap3A_461 = vector.shape_cast %add3A_456 : vector<16xf32> to vector<1x16xf32>
      tpu.vector_store %arg8[%swap3A_457, %swap3A_458], %swap3A_461 {strides = array<i32>} : memref<32x1024xf32, #tpu.memory_space<vmem>>, vector<1x16xf32>,
      %get3A_462 = arith.index_cast %scan3A_42 : i32 to index
      %get3A_463 = arith.constant 480 : index
      %get3A_464 = tpu.vector_load %arg8[%get3A_462, %get3A_463] {strides = array<i32>} : memref<32x1024xf32, #tpu.memory_space<vmem>>, vector<1x16xf32>,
      %get3A_465 = vector.shape_cast %get3A_464 : vector<1x16xf32> to vector<16xf32>
      %get3A_466 = arith.index_cast %scan3A_42 : i32 to index
      %get3A_467 = arith.constant 480 : index
      %get3A_468 = tpu.vector_load %arg9[%get3A_466, %get3A_467] {strides = array<i32>} : memref<32x1024xf32, #tpu.memory_space<vmem>>, vector<1x16xf32>,
      %get3A_469 = vector.shape_cast %get3A_468 : vector<1x16xf32> to vector<16xf32>
      %add3A_470 = arith.addf %get3A_465, %get3A_469 : vector<16xf32>
      %swap3A_471 = arith.index_cast %scan3A_42 : i32 to index
      %swap3A_472 = arith.constant 480 : index
      %swap3A_473 = tpu.vector_load %arg8[%swap3A_471, %swap3A_472] {strides = array<i32>} : memref<32x1024xf32, #tpu.memory_space<vmem>>, vector<1x16xf32>,
      %swap3A_474 = vector.shape_cast %swap3A_473 : vector<1x16xf32> to vector<16xf32>
      %swap3A_475 = vector.shape_cast %add3A_470 : vector<16xf32> to vector<1x16xf32>
      tpu.vector_store %arg8[%swap3A_471, %swap3A_472], %swap3A_475 {strides = array<i32>} : memref<32x1024xf32, #tpu.memory_space<vmem>>, vector<1x16xf32>,
      %get3A_476 = arith.index_cast %scan3A_42 : i32 to index
      %get3A_477 = arith.constant 496 : index
      %get3A_478 = tpu.vector_load %arg8[%get3A_476, %get3A_477] {strides = array<i32>} : memref<32x1024xf32, #tpu.memory_space<vmem>>, vector<1x16xf32>,
      %get3A_479 = vector.shape_cast %get3A_478 : vector<1x16xf32> to vector<16xf32>
      %get3A_480 = arith.index_cast %scan3A_42 : i32 to index
      %get3A_481 = arith.constant 496 : index
      %get3A_482 = tpu.vector_load %arg9[%get3A_480, %get3A_481] {strides = array<i32>} : memref<32x1024xf32, #tpu.memory_space<vmem>>, vector<1x16xf32>,
      %get3A_483 = vector.shape_cast %get3A_482 : vector<1x16xf32> to vector<16xf32>
      %add3A_484 = arith.addf %get3A_479, %get3A_483 : vector<16xf32>
      %swap3A_485 = arith.index_cast %scan3A_42 : i32 to index
      %swap3A_486 = arith.constant 496 : index
      %swap3A_487 = tpu.vector_load %arg8[%swap3A_485, %swap3A_486] {strides = array<i32>} : memref<32x1024xf32, #tpu.memory_space<vmem>>, vector<1x16xf32>,
      %swap3A_488 = vector.shape_cast %swap3A_487 : vector<1x16xf32> to vector<16xf32>
      %swap3A_489 = vector.shape_cast %add3A_484 : vector<16xf32> to vector<1x16xf32>
      tpu.vector_store %arg8[%swap3A_485, %swap3A_486], %swap3A_489 {strides = array<i32>} : memref<32x1024xf32, #tpu.memory_space<vmem>>, vector<1x16xf32>,
      %get3A_490 = arith.index_cast %scan3A_42 : i32 to index
      %get3A_491 = arith.constant 512 : index
      %get3A_492 = tpu.vector_load %arg8[%get3A_490, %get3A_491] {strides = array<i32>} : memref<32x1024xf32, #tpu.memory_space<vmem>>, vector<1x16xf32>,
      %get3A_493 = vector.shape_cast %get3A_492 : vector<1x16xf32> to vector<16xf32>
      %get3A_494 = arith.index_cast %scan3A_42 : i32 to index
      %get3A_495 = arith.constant 512 : index
      %get3A_496 = tpu.vector_load %arg9[%get3A_494, %get3A_495] {strides = array<i32>} : memref<32x1024xf32, #tpu.memory_space<vmem>>, vector<1x16xf32>,
      %get3A_497 = vector.shape_cast %get3A_496 : vector<1x16xf32> to vector<16xf32>
      %add3A_498 = arith.addf %get3A_493, %get3A_497 : vector<16xf32>
      %swap3A_499 = arith.index_cast %scan3A_42 : i32 to index
      %swap3A_500 = arith.constant 512 : index
      %swap3A_501 = tpu.vector_load %arg8[%swap3A_499, %swap3A_500] {strides = array<i32>} : memref<32x1024xf32, #tpu.memory_space<vmem>>, vector<1x16xf32>,
      %swap3A_502 = vector.shape_cast %swap3A_501 : vector<1x16xf32> to vector<16xf32>
      %swap3A_503 = vector.shape_cast %add3A_498 : vector<16xf32> to vector<1x16xf32>
      tpu.vector_store %arg8[%swap3A_499, %swap3A_500], %swap3A_503 {strides = array<i32>} : memref<32x1024xf32, #tpu.memory_space<vmem>>, vector<1x16xf32>,
      %get3A_504 = arith.index_cast %scan3A_42 : i32 to index
      %get3A_505 = arith.constant 528 : index
      %get3A_506 = tpu.vector_load %arg8[%get3A_504, %get3A_505] {strides = array<i32>} : memref<32x1024xf32, #tpu.memory_space<vmem>>, vector<1x16xf32>,
      %get3A_507 = vector.shape_cast %get3A_506 : vector<1x16xf32> to vector<16xf32>
      %get3A_508 = arith.index_cast %scan3A_42 : i32 to index
      %get3A_509 = arith.constant 528 : index
      %get3A_510 = tpu.vector_load %arg9[%get3A_508, %get3A_509] {strides = array<i32>} : memref<32x1024xf32, #tpu.memory_space<vmem>>, vector<1x16xf32>,
      %get3A_511 = vector.shape_cast %get3A_510 : vector<1x16xf32> to vector<16xf32>
      %add3A_512 = arith.addf %get3A_507, %get3A_511 : vector<16xf32>
      %swap3A_513 = arith.index_cast %scan3A_42 : i32 to index
      %swap3A_514 = arith.constant 528 : index
      %swap3A_515 = tpu.vector_load %arg8[%swap3A_513, %swap3A_514] {strides = array<i32>} : memref<32x1024xf32, #tpu.memory_space<vmem>>, vector<1x16xf32>,
      %swap3A_516 = vector.shape_cast %swap3A_515 : vector<1x16xf32> to vector<16xf32>
      %swap3A_517 = vector.shape_cast %add3A_512 : vector<16xf32> to vector<1x16xf32>
      tpu.vector_store %arg8[%swap3A_513, %swap3A_514], %swap3A_517 {strides = array<i32>} : memref<32x1024xf32, #tpu.memory_space<vmem>>, vector<1x16xf32>,
      %get3A_518 = arith.index_cast %scan3A_42 : i32 to index
      %get3A_519 = arith.constant 544 : index
      %get3A_520 = tpu.vector_load %arg8[%get3A_518, %get3A_519] {strides = array<i32>} : memref<32x1024xf32, #tpu.memory_space<vmem>>, vector<1x16xf32>,
      %get3A_521 = vector.shape_cast %get3A_520 : vector<1x16xf32> to vector<16xf32>
      %get3A_522 = arith.index_cast %scan3A_42 : i32 to index
      %get3A_523 = arith.constant 544 : index
      %get3A_524 = tpu.vector_load %arg9[%get3A_522, %get3A_523] {strides = array<i32>} : memref<32x1024xf32, #tpu.memory_space<vmem>>, vector<1x16xf32>,
      %get3A_525 = vector.shape_cast %get3A_524 : vector<1x16xf32> to vector<16xf32>
      %add3A_526 = arith.addf %get3A_521, %get3A_525 : vector<16xf32>
      %swap3A_527 = arith.index_cast %scan3A_42 : i32 to index
      %swap3A_528 = arith.constant 544 : index
      %swap3A_529 = tpu.vector_load %arg8[%swap3A_527, %swap3A_528] {strides = array<i32>} : memref<32x1024xf32, #tpu.memory_space<vmem>>, vector<1x16xf32>,
      %swap3A_530 = vector.shape_cast %swap3A_529 : vector<1x16xf32> to vector<16xf32>
      %swap3A_531 = vector.shape_cast %add3A_526 : vector<16xf32> to vector<1x16xf32>
      tpu.vector_store %arg8[%swap3A_527, %swap3A_528], %swap3A_531 {strides = array<i32>} : memref<32x1024xf32, #tpu.memory_space<vmem>>, vector<1x16xf32>,
      %get3A_532 = arith.index_cast %scan3A_42 : i32 to index
      %get3A_533 = arith.constant 560 : index
      %get3A_534 = tpu.vector_load %arg8[%get3A_532, %get3A_533] {strides = array<i32>} : memref<32x1024xf32, #tpu.memory_space<vmem>>, vector<1x16xf32>,
      %get3A_535 = vector.shape_cast %get3A_534 : vector<1x16xf32> to vector<16xf32>
      %get3A_536 = arith.index_cast %scan3A_42 : i32 to index
      %get3A_537 = arith.constant 560 : index
      %get3A_538 = tpu.vector_load %arg9[%get3A_536, %get3A_537] {strides = array<i32>} : memref<32x1024xf32, #tpu.memory_space<vmem>>, vector<1x16xf32>,
      %get3A_539 = vector.shape_cast %get3A_538 : vector<1x16xf32> to vector<16xf32>
      %add3A_540 = arith.addf %get3A_535, %get3A_539 : vector<16xf32>
      %swap3A_541 = arith.index_cast %scan3A_42 : i32 to index
      %swap3A_542 = arith.constant 560 : index
      %swap3A_543 = tpu.vector_load %arg8[%swap3A_541, %swap3A_542] {strides = array<i32>} : memref<32x1024xf32, #tpu.memory_space<vmem>>, vector<1x16xf32>,
      %swap3A_544 = vector.shape_cast %swap3A_543 : vector<1x16xf32> to vector<16xf32>
      %swap3A_545 = vector.shape_cast %add3A_540 : vector<16xf32> to vector<1x16xf32>
      tpu.vector_store %arg8[%swap3A_541, %swap3A_542], %swap3A_545 {strides = array<i32>} : memref<32x1024xf32, #tpu.memory_space<vmem>>, vector<1x16xf32>,
      %get3A_546 = arith.index_cast %scan3A_42 : i32 to index
      %get3A_547 = arith.constant 576 : index
      %get3A_548 = tpu.vector_load %arg8[%get3A_546, %get3A_547] {strides = array<i32>} : memref<32x1024xf32, #tpu.memory_space<vmem>>, vector<1x16xf32>,
      %get3A_549 = vector.shape_cast %get3A_548 : vector<1x16xf32> to vector<16xf32>
      %get3A_550 = arith.index_cast %scan3A_42 : i32 to index
      %get3A_551 = arith.constant 576 : index
      %get3A_552 = tpu.vector_load %arg9[%get3A_550, %get3A_551] {strides = array<i32>} : memref<32x1024xf32, #tpu.memory_space<vmem>>, vector<1x16xf32>,
      %get3A_553 = vector.shape_cast %get3A_552 : vector<1x16xf32> to vector<16xf32>
      %add3A_554 = arith.addf %get3A_549, %get3A_553 : vector<16xf32>
      %swap3A_555 = arith.index_cast %scan3A_42 : i32 to index
      %swap3A_556 = arith.constant 576 : index
      %swap3A_557 = tpu.vector_load %arg8[%swap3A_555, %swap3A_556] {strides = array<i32>} : memref<32x1024xf32, #tpu.memory_space<vmem>>, vector<1x16xf32>,
      %swap3A_558 = vector.shape_cast %swap3A_557 : vector<1x16xf32> to vector<16xf32>
      %swap3A_559 = vector.shape_cast %add3A_554 : vector<16xf32> to vector<1x16xf32>
      tpu.vector_store %arg8[%swap3A_555, %swap3A_556], %swap3A_559 {strides = array<i32>} : memref<32x1024xf32, #tpu.memory_space<vmem>>, vector<1x16xf32>,
      %get3A_560 = arith.index_cast %scan3A_42 : i32 to index
      %get3A_561 = arith.constant 592 : index
      %get3A_562 = tpu.vector_load %arg8[%get3A_560, %get3A_561] {strides = array<i32>} : memref<32x1024xf32, #tpu.memory_space<vmem>>, vector<1x16xf32>,
      %get3A_563 = vector.shape_cast %get3A_562 : vector<1x16xf32> to vector<16xf32>
      %get3A_564 = arith.index_cast %scan3A_42 : i32 to index
      %get3A_565 = arith.constant 592 : index
      %get3A_566 = tpu.vector_load %arg9[%get3A_564, %get3A_565] {strides = array<i32>} : memref<32x1024xf32, #tpu.memory_space<vmem>>, vector<1x16xf32>,
      %get3A_567 = vector.shape_cast %get3A_566 : vector<1x16xf32> to vector<16xf32>
      %add3A_568 = arith.addf %get3A_563, %get3A_567 : vector<16xf32>
      %swap3A_569 = arith.index_cast %scan3A_42 : i32 to index
      %swap3A_570 = arith.constant 592 : index
      %swap3A_571 = tpu.vector_load %arg8[%swap3A_569, %swap3A_570] {strides = array<i32>} : memref<32x1024xf32, #tpu.memory_space<vmem>>, vector<1x16xf32>,
      %swap3A_572 = vector.shape_cast %swap3A_571 : vector<1x16xf32> to vector<16xf32>
      %swap3A_573 = vector.shape_cast %add3A_568 : vector<16xf32> to vector<1x16xf32>
      tpu.vector_store %arg8[%swap3A_569, %swap3A_570], %swap3A_573 {strides = array<i32>} : memref<32x1024xf32, #tpu.memory_space<vmem>>, vector<1x16xf32>,
      %get3A_574 = arith.index_cast %scan3A_42 : i32 to index
      %get3A_575 = arith.constant 608 : index
      %get3A_576 = tpu.vector_load %arg8[%get3A_574, %get3A_575] {strides = array<i32>} : memref<32x1024xf32, #tpu.memory_space<vmem>>, vector<1x16xf32>,
      %get3A_577 = vector.shape_cast %get3A_576 : vector<1x16xf32> to vector<16xf32>
      %get3A_578 = arith.index_cast %scan3A_42 : i32 to index
      %get3A_579 = arith.constant 608 : index
      %get3A_580 = tpu.vector_load %arg9[%get3A_578, %get3A_579] {strides = array<i32>} : memref<32x1024xf32, #tpu.memory_space<vmem>>, vector<1x16xf32>,
      %get3A_581 = vector.shape_cast %get3A_580 : vector<1x16xf32> to vector<16xf32>
      %add3A_582 = arith.addf %get3A_577, %get3A_581 : vector<16xf32>
      %swap3A_583 = arith.index_cast %scan3A_42 : i32 to index
      %swap3A_584 = arith.constant 608 : index
      %swap3A_585 = tpu.vector_load %arg8[%swap3A_583, %swap3A_584] {strides = array<i32>} : memref<32x1024xf32, #tpu.memory_space<vmem>>, vector<1x16xf32>,
      %swap3A_586 = vector.shape_cast %swap3A_585 : vector<1x16xf32> to vector<16xf32>
      %swap3A_587 = vector.shape_cast %add3A_582 : vector<16xf32> to vector<1x16xf32>
      tpu.vector_store %arg8[%swap3A_583, %swap3A_584], %swap3A_587 {strides = array<i32>} : memref<32x1024xf32, #tpu.memory_space<vmem>>, vector<1x16xf32>,
      %get3A_588 = arith.index_cast %scan3A_42 : i32 to index
      %get3A_589 = arith.constant 624 : index
      %get3A_590 = tpu.vector_load %arg8[%get3A_588, %get3A_589] {strides = array<i32>} : memref<32x1024xf32, #tpu.memory_space<vmem>>, vector<1x16xf32>,
      %get3A_591 = vector.shape_cast %get3A_590 : vector<1x16xf32> to vector<16xf32>
      %get3A_592 = arith.index_cast %scan3A_42 : i32 to index
      %get3A_593 = arith.constant 624 : index
      %get3A_594 = tpu.vector_load %arg9[%get3A_592, %get3A_593] {strides = array<i32>} : memref<32x1024xf32, #tpu.memory_space<vmem>>, vector<1x16xf32>,
      %get3A_595 = vector.shape_cast %get3A_594 : vector<1x16xf32> to vector<16xf32>
      %add3A_596 = arith.addf %get3A_591, %get3A_595 : vector<16xf32>
      %swap3A_597 = arith.index_cast %scan3A_42 : i32 to index
      %swap3A_598 = arith.constant 624 : index
      %swap3A_599 = tpu.vector_load %arg8[%swap3A_597, %swap3A_598] {strides = array<i32>} : memref<32x1024xf32, #tpu.memory_space<vmem>>, vector<1x16xf32>,
      %swap3A_600 = vector.shape_cast %swap3A_599 : vector<1x16xf32> to vector<16xf32>
      %swap3A_601 = vector.shape_cast %add3A_596 : vector<16xf32> to vector<1x16xf32>
      tpu.vector_store %arg8[%swap3A_597, %swap3A_598], %swap3A_601 {strides = array<i32>} : memref<32x1024xf32, #tpu.memory_space<vmem>>, vector<1x16xf32>,
      %get3A_602 = arith.index_cast %scan3A_42 : i32 to index
      %get3A_603 = arith.constant 640 : index
      %get3A_604 = tpu.vector_load %arg8[%get3A_602, %get3A_603] {strides = array<i32>} : memref<32x1024xf32, #tpu.memory_space<vmem>>, vector<1x16xf32>,
      %get3A_605 = vector.shape_cast %get3A_604 : vector<1x16xf32> to vector<16xf32>
      %get3A_606 = arith.index_cast %scan3A_42 : i32 to index
      %get3A_607 = arith.constant 640 : index
      %get3A_608 = tpu.vector_load %arg9[%get3A_606, %get3A_607] {strides = array<i32>} : memref<32x1024xf32, #tpu.memory_space<vmem>>, vector<1x16xf32>,
      %get3A_609 = vector.shape_cast %get3A_608 : vector<1x16xf32> to vector<16xf32>
      %add3A_610 = arith.addf %get3A_605, %get3A_609 : vector<16xf32>
      %swap3A_611 = arith.index_cast %scan3A_42 : i32 to index
      %swap3A_612 = arith.constant 640 : index
      %swap3A_613 = tpu.vector_load %arg8[%swap3A_611, %swap3A_612] {strides = array<i32>} : memref<32x1024xf32, #tpu.memory_space<vmem>>, vector<1x16xf32>,
      %swap3A_614 = vector.shape_cast %swap3A_613 : vector<1x16xf32> to vector<16xf32>
      %swap3A_615 = vector.shape_cast %add3A_610 : vector<16xf32> to vector<1x16xf32>
      tpu.vector_store %arg8[%swap3A_611, %swap3A_612], %swap3A_615 {strides = array<i32>} : memref<32x1024xf32, #tpu.memory_space<vmem>>, vector<1x16xf32>,
      %get3A_616 = arith.index_cast %scan3A_42 : i32 to index
      %get3A_617 = arith.constant 656 : index
      %get3A_618 = tpu.vector_load %arg8[%get3A_616, %get3A_617] {strides = array<i32>} : memref<32x1024xf32, #tpu.memory_space<vmem>>, vector<1x16xf32>,
      %get3A_619 = vector.shape_cast %get3A_618 : vector<1x16xf32> to vector<16xf32>
      %get3A_620 = arith.index_cast %scan3A_42 : i32 to index
      %get3A_621 = arith.constant 656 : index
      %get3A_622 = tpu.vector_load %arg9[%get3A_620, %get3A_621] {strides = array<i32>} : memref<32x1024xf32, #tpu.memory_space<vmem>>, vector<1x16xf32>,
      %get3A_623 = vector.shape_cast %get3A_622 : vector<1x16xf32> to vector<16xf32>
      %add3A_624 = arith.addf %get3A_619, %get3A_623 : vector<16xf32>
      %swap3A_625 = arith.index_cast %scan3A_42 : i32 to index
      %swap3A_626 = arith.constant 656 : index
      %swap3A_627 = tpu.vector_load %arg8[%swap3A_625, %swap3A_626] {strides = array<i32>} : memref<32x1024xf32, #tpu.memory_space<vmem>>, vector<1x16xf32>,
      %swap3A_628 = vector.shape_cast %swap3A_627 : vector<1x16xf32> to vector<16xf32>
      %swap3A_629 = vector.shape_cast %add3A_624 : vector<16xf32> to vector<1x16xf32>
      tpu.vector_store %arg8[%swap3A_625, %swap3A_626], %swap3A_629 {strides = array<i32>} : memref<32x1024xf32, #tpu.memory_space<vmem>>, vector<1x16xf32>,
      %get3A_630 = arith.index_cast %scan3A_42 : i32 to index
      %get3A_631 = arith.constant 672 : index
      %get3A_632 = tpu.vector_load %arg8[%get3A_630, %get3A_631] {strides = array<i32>} : memref<32x1024xf32, #tpu.memory_space<vmem>>, vector<1x16xf32>,
      %get3A_633 = vector.shape_cast %get3A_632 : vector<1x16xf32> to vector<16xf32>
      %get3A_634 = arith.index_cast %scan3A_42 : i32 to index
      %get3A_635 = arith.constant 672 : index
      %get3A_636 = tpu.vector_load %arg9[%get3A_634, %get3A_635] {strides = array<i32>} : memref<32x1024xf32, #tpu.memory_space<vmem>>, vector<1x16xf32>,
      %get3A_637 = vector.shape_cast %get3A_636 : vector<1x16xf32> to vector<16xf32>
      %add3A_638 = arith.addf %get3A_633, %get3A_637 : vector<16xf32>
      %swap3A_639 = arith.index_cast %scan3A_42 : i32 to index
      %swap3A_640 = arith.constant 672 : index
      %swap3A_641 = tpu.vector_load %arg8[%swap3A_639, %swap3A_640] {strides = array<i32>} : memref<32x1024xf32, #tpu.memory_space<vmem>>, vector<1x16xf32>,
      %swap3A_642 = vector.shape_cast %swap3A_641 : vector<1x16xf32> to vector<16xf32>
      %swap3A_643 = vector.shape_cast %add3A_638 : vector<16xf32> to vector<1x16xf32>
      tpu.vector_store %arg8[%swap3A_639, %swap3A_640], %swap3A_643 {strides = array<i32>} : memref<32x1024xf32, #tpu.memory_space<vmem>>, vector<1x16xf32>,
      %get3A_644 = arith.index_cast %scan3A_42 : i32 to index
      %get3A_645 = arith.constant 688 : index
      %get3A_646 = tpu.vector_load %arg8[%get3A_644, %get3A_645] {strides = array<i32>} : memref<32x1024xf32, #tpu.memory_space<vmem>>, vector<1x16xf32>,
      %get3A_647 = vector.shape_cast %get3A_646 : vector<1x16xf32> to vector<16xf32>
      %get3A_648 = arith.index_cast %scan3A_42 : i32 to index
      %get3A_649 = arith.constant 688 : index
      %get3A_650 = tpu.vector_load %arg9[%get3A_648, %get3A_649] {strides = array<i32>} : memref<32x1024xf32, #tpu.memory_space<vmem>>, vector<1x16xf32>,
      %get3A_651 = vector.shape_cast %get3A_650 : vector<1x16xf32> to vector<16xf32>
      %add3A_652 = arith.addf %get3A_647, %get3A_651 : vector<16xf32>
      %swap3A_653 = arith.index_cast %scan3A_42 : i32 to index
      %swap3A_654 = arith.constant 688 : index
      %swap3A_655 = tpu.vector_load %arg8[%swap3A_653, %swap3A_654] {strides = array<i32>} : memref<32x1024xf32, #tpu.memory_space<vmem>>, vector<1x16xf32>,
      %swap3A_656 = vector.shape_cast %swap3A_655 : vector<1x16xf32> to vector<16xf32>
      %swap3A_657 = vector.shape_cast %add3A_652 : vector<16xf32> to vector<1x16xf32>
      tpu.vector_store %arg8[%swap3A_653, %swap3A_654], %swap3A_657 {strides = array<i32>} : memref<32x1024xf32, #tpu.memory_space<vmem>>, vector<1x16xf32>,
      %get3A_658 = arith.index_cast %scan3A_42 : i32 to index
      %get3A_659 = arith.constant 704 : index
      %get3A_660 = tpu.vector_load %arg8[%get3A_658, %get3A_659] {strides = array<i32>} : memref<32x1024xf32, #tpu.memory_space<vmem>>, vector<1x16xf32>,
      %get3A_661 = vector.shape_cast %get3A_660 : vector<1x16xf32> to vector<16xf32>
      %get3A_662 = arith.index_cast %scan3A_42 : i32 to index
      %get3A_663 = arith.constant 704 : index
      %get3A_664 = tpu.vector_load %arg9[%get3A_662, %get3A_663] {strides = array<i32>} : memref<32x1024xf32, #tpu.memory_space<vmem>>, vector<1x16xf32>,
      %get3A_665 = vector.shape_cast %get3A_664 : vector<1x16xf32> to vector<16xf32>
      %add3A_666 = arith.addf %get3A_661, %get3A_665 : vector<16xf32>
      %swap3A_667 = arith.index_cast %scan3A_42 : i32 to index
      %swap3A_668 = arith.constant 704 : index
      %swap3A_669 = tpu.vector_load %arg8[%swap3A_667, %swap3A_668] {strides = array<i32>} : memref<32x1024xf32, #tpu.memory_space<vmem>>, vector<1x16xf32>,
      %swap3A_670 = vector.shape_cast %swap3A_669 : vector<1x16xf32> to vector<16xf32>
      %swap3A_671 = vector.shape_cast %add3A_666 : vector<16xf32> to vector<1x16xf32>
      tpu.vector_store %arg8[%swap3A_667, %swap3A_668], %swap3A_671 {strides = array<i32>} : memref<32x1024xf32, #tpu.memory_space<vmem>>, vector<1x16xf32>,
      %get3A_672 = arith.index_cast %scan3A_42 : i32 to index
      %get3A_673 = arith.constant 720 : index
      %get3A_674 = tpu.vector_load %arg8[%get3A_672, %get3A_673] {strides = array<i32>} : memref<32x1024xf32, #tpu.memory_space<vmem>>, vector<1x16xf32>,
      %get3A_675 = vector.shape_cast %get3A_674 : vector<1x16xf32> to vector<16xf32>
      %get3A_676 = arith.index_cast %scan3A_42 : i32 to index
      %get3A_677 = arith.constant 720 : index
      %get3A_678 = tpu.vector_load %arg9[%get3A_676, %get3A_677] {strides = array<i32>} : memref<32x1024xf32, #tpu.memory_space<vmem>>, vector<1x16xf32>,
      %get3A_679 = vector.shape_cast %get3A_678 : vector<1x16xf32> to vector<16xf32>
      %add3A_680 = arith.addf %get3A_675, %get3A_679 : vector<16xf32>
      %swap3A_681 = arith.index_cast %scan3A_42 : i32 to index
      %swap3A_682 = arith.constant 720 : index
      %swap3A_683 = tpu.vector_load %arg8[%swap3A_681, %swap3A_682] {strides = array<i32>} : memref<32x1024xf32, #tpu.memory_space<vmem>>, vector<1x16xf32>,
      %swap3A_684 = vector.shape_cast %swap3A_683 : vector<1x16xf32> to vector<16xf32>
      %swap3A_685 = vector.shape_cast %add3A_680 : vector<16xf32> to vector<1x16xf32>
      tpu.vector_store %arg8[%swap3A_681, %swap3A_682], %swap3A_685 {strides = array<i32>} : memref<32x1024xf32, #tpu.memory_space<vmem>>, vector<1x16xf32>,
      %get3A_686 = arith.index_cast %scan3A_42 : i32 to index
      %get3A_687 = arith.constant 736 : index
      %get3A_688 = tpu.vector_load %arg8[%get3A_686, %get3A_687] {strides = array<i32>} : memref<32x1024xf32, #tpu.memory_space<vmem>>, vector<1x16xf32>,
      %get3A_689 = vector.shape_cast %get3A_688 : vector<1x16xf32> to vector<16xf32>
      %get3A_690 = arith.index_cast %scan3A_42 : i32 to index
      %get3A_691 = arith.constant 736 : index
      %get3A_692 = tpu.vector_load %arg9[%get3A_690, %get3A_691] {strides = array<i32>} : memref<32x1024xf32, #tpu.memory_space<vmem>>, vector<1x16xf32>,
      %get3A_693 = vector.shape_cast %get3A_692 : vector<1x16xf32> to vector<16xf32>
      %add3A_694 = arith.addf %get3A_689, %get3A_693 : vector<16xf32>
      %swap3A_695 = arith.index_cast %scan3A_42 : i32 to index
      %swap3A_696 = arith.constant 736 : index
      %swap3A_697 = tpu.vector_load %arg8[%swap3A_695, %swap3A_696] {strides = array<i32>} : memref<32x1024xf32, #tpu.memory_space<vmem>>, vector<1x16xf32>,
      %swap3A_698 = vector.shape_cast %swap3A_697 : vector<1x16xf32> to vector<16xf32>
      %swap3A_699 = vector.shape_cast %add3A_694 : vector<16xf32> to vector<1x16xf32>
      tpu.vector_store %arg8[%swap3A_695, %swap3A_696], %swap3A_699 {strides = array<i32>} : memref<32x1024xf32, #tpu.memory_space<vmem>>, vector<1x16xf32>,
      %get3A_700 = arith.index_cast %scan3A_42 : i32 to index
      %get3A_701 = arith.constant 752 : index
      %get3A_702 = tpu.vector_load %arg8[%get3A_700, %get3A_701] {strides = array<i32>} : memref<32x1024xf32, #tpu.memory_space<vmem>>, vector<1x16xf32>,
      %get3A_703 = vector.shape_cast %get3A_702 : vector<1x16xf32> to vector<16xf32>
      %get3A_704 = arith.index_cast %scan3A_42 : i32 to index
      %get3A_705 = arith.constant 752 : index
      %get3A_706 = tpu.vector_load %arg9[%get3A_704, %get3A_705] {strides = array<i32>} : memref<32x1024xf32, #tpu.memory_space<vmem>>, vector<1x16xf32>,
      %get3A_707 = vector.shape_cast %get3A_706 : vector<1x16xf32> to vector<16xf32>
      %add3A_708 = arith.addf %get3A_703, %get3A_707 : vector<16xf32>
      %swap3A_709 = arith.index_cast %scan3A_42 : i32 to index
      %swap3A_710 = arith.constant 752 : index
      %swap3A_711 = tpu.vector_load %arg8[%swap3A_709, %swap3A_710] {strides = array<i32>} : memref<32x1024xf32, #tpu.memory_space<vmem>>, vector<1x16xf32>,
      %swap3A_712 = vector.shape_cast %swap3A_711 : vector<1x16xf32> to vector<16xf32>
      %swap3A_713 = vector.shape_cast %add3A_708 : vector<16xf32> to vector<1x16xf32>
      tpu.vector_store %arg8[%swap3A_709, %swap3A_710], %swap3A_713 {strides = array<i32>} : memref<32x1024xf32, #tpu.memory_space<vmem>>, vector<1x16xf32>,
      %get3A_714 = arith.index_cast %scan3A_42 : i32 to index
      %get3A_715 = arith.constant 768 : index
      %get3A_716 = tpu.vector_load %arg8[%get3A_714, %get3A_715] {strides = array<i32>} : memref<32x1024xf32, #tpu.memory_space<vmem>>, vector<1x16xf32>,
      %get3A_717 = vector.shape_cast %get3A_716 : vector<1x16xf32> to vector<16xf32>
      %get3A_718 = arith.index_cast %scan3A_42 : i32 to index
      %get3A_719 = arith.constant 768 : index
      %get3A_720 = tpu.vector_load %arg9[%get3A_718, %get3A_719] {strides = array<i32>} : memref<32x1024xf32, #tpu.memory_space<vmem>>, vector<1x16xf32>,
      %get3A_721 = vector.shape_cast %get3A_720 : vector<1x16xf32> to vector<16xf32>
      %add3A_722 = arith.addf %get3A_717, %get3A_721 : vector<16xf32>
      %swap3A_723 = arith.index_cast %scan3A_42 : i32 to index
      %swap3A_724 = arith.constant 768 : index
      %swap3A_725 = tpu.vector_load %arg8[%swap3A_723, %swap3A_724] {strides = array<i32>} : memref<32x1024xf32, #tpu.memory_space<vmem>>, vector<1x16xf32>,
      %swap3A_726 = vector.shape_cast %swap3A_725 : vector<1x16xf32> to vector<16xf32>
      %swap3A_727 = vector.shape_cast %add3A_722 : vector<16xf32> to vector<1x16xf32>
      tpu.vector_store %arg8[%swap3A_723, %swap3A_724], %swap3A_727 {strides = array<i32>} : memref<32x1024xf32, #tpu.memory_space<vmem>>, vector<1x16xf32>,
      %get3A_728 = arith.index_cast %scan3A_42 : i32 to index
      %get3A_729 = arith.constant 784 : index
      %get3A_730 = tpu.vector_load %arg8[%get3A_728, %get3A_729] {strides = array<i32>} : memref<32x1024xf32, #tpu.memory_space<vmem>>, vector<1x16xf32>,
      %get3A_731 = vector.shape_cast %get3A_730 : vector<1x16xf32> to vector<16xf32>
      %get3A_732 = arith.index_cast %scan3A_42 : i32 to index
      %get3A_733 = arith.constant 784 : index
      %get3A_734 = tpu.vector_load %arg9[%get3A_732, %get3A_733] {strides = array<i32>} : memref<32x1024xf32, #tpu.memory_space<vmem>>, vector<1x16xf32>,
      %get3A_735 = vector.shape_cast %get3A_734 : vector<1x16xf32> to vector<16xf32>
      %add3A_736 = arith.addf %get3A_731, %get3A_735 : vector<16xf32>
      %swap3A_737 = arith.index_cast %scan3A_42 : i32 to index
      %swap3A_738 = arith.constant 784 : index
      %swap3A_739 = tpu.vector_load %arg8[%swap3A_737, %swap3A_738] {strides = array<i32>} : memref<32x1024xf32, #tpu.memory_space<vmem>>, vector<1x16xf32>,
      %swap3A_740 = vector.shape_cast %swap3A_739 : vector<1x16xf32> to vector<16xf32>
      %swap3A_741 = vector.shape_cast %add3A_736 : vector<16xf32> to vector<1x16xf32>
      tpu.vector_store %arg8[%swap3A_737, %swap3A_738], %swap3A_741 {strides = array<i32>} : memref<32x1024xf32, #tpu.memory_space<vmem>>, vector<1x16xf32>,
      %get3A_742 = arith.index_cast %scan3A_42 : i32 to index
      %get3A_743 = arith.constant 800 : index
      %get3A_744 = tpu.vector_load %arg8[%get3A_742, %get3A_743] {strides = array<i32>} : memref<32x1024xf32, #tpu.memory_space<vmem>>, vector<1x16xf32>,
      %get3A_745 = vector.shape_cast %get3A_744 : vector<1x16xf32> to vector<16xf32>
      %get3A_746 = arith.index_cast %scan3A_42 : i32 to index
      %get3A_747 = arith.constant 800 : index
      %get3A_748 = tpu.vector_load %arg9[%get3A_746, %get3A_747] {strides = array<i32>} : memref<32x1024xf32, #tpu.memory_space<vmem>>, vector<1x16xf32>,
      %get3A_749 = vector.shape_cast %get3A_748 : vector<1x16xf32> to vector<16xf32>
      %add3A_750 = arith.addf %get3A_745, %get3A_749 : vector<16xf32>
      %swap3A_751 = arith.index_cast %scan3A_42 : i32 to index
      %swap3A_752 = arith.constant 800 : index
      %swap3A_753 = tpu.vector_load %arg8[%swap3A_751, %swap3A_752] {strides = array<i32>} : memref<32x1024xf32, #tpu.memory_space<vmem>>, vector<1x16xf32>,
      %swap3A_754 = vector.shape_cast %swap3A_753 : vector<1x16xf32> to vector<16xf32>
      %swap3A_755 = vector.shape_cast %add3A_750 : vector<16xf32> to vector<1x16xf32>
      tpu.vector_store %arg8[%swap3A_751, %swap3A_752], %swap3A_755 {strides = array<i32>} : memref<32x1024xf32, #tpu.memory_space<vmem>>, vector<1x16xf32>,
      %get3A_756 = arith.index_cast %scan3A_42 : i32 to index
      %get3A_757 = arith.constant 816 : index
      %get3A_758 = tpu.vector_load %arg8[%get3A_756, %get3A_757] {strides = array<i32>} : memref<32x1024xf32, #tpu.memory_space<vmem>>, vector<1x16xf32>,
      %get3A_759 = vector.shape_cast %get3A_758 : vector<1x16xf32> to vector<16xf32>
      %get3A_760 = arith.index_cast %scan3A_42 : i32 to index
      %get3A_761 = arith.constant 816 : index
      %get3A_762 = tpu.vector_load %arg9[%get3A_760, %get3A_761] {strides = array<i32>} : memref<32x1024xf32, #tpu.memory_space<vmem>>, vector<1x16xf32>,
      %get3A_763 = vector.shape_cast %get3A_762 : vector<1x16xf32> to vector<16xf32>
      %add3A_764 = arith.addf %get3A_759, %get3A_763 : vector<16xf32>
      %swap3A_765 = arith.index_cast %scan3A_42 : i32 to index
      %swap3A_766 = arith.constant 816 : index
      %swap3A_767 = tpu.vector_load %arg8[%swap3A_765, %swap3A_766] {strides = array<i32>} : memref<32x1024xf32, #tpu.memory_space<vmem>>, vector<1x16xf32>,
      %swap3A_768 = vector.shape_cast %swap3A_767 : vector<1x16xf32> to vector<16xf32>
      %swap3A_769 = vector.shape_cast %add3A_764 : vector<16xf32> to vector<1x16xf32>
      tpu.vector_store %arg8[%swap3A_765, %swap3A_766], %swap3A_769 {strides = array<i32>} : memref<32x1024xf32, #tpu.memory_space<vmem>>, vector<1x16xf32>,
      %get3A_770 = arith.index_cast %scan3A_42 : i32 to index
      %get3A_771 = arith.constant 832 : index
      %get3A_772 = tpu.vector_load %arg8[%get3A_770, %get3A_771] {strides = array<i32>} : memref<32x1024xf32, #tpu.memory_space<vmem>>, vector<1x16xf32>,
      %get3A_773 = vector.shape_cast %get3A_772 : vector<1x16xf32> to vector<16xf32>
      %get3A_774 = arith.index_cast %scan3A_42 : i32 to index
      %get3A_775 = arith.constant 832 : index
      %get3A_776 = tpu.vector_load %arg9[%get3A_774, %get3A_775] {strides = array<i32>} : memref<32x1024xf32, #tpu.memory_space<vmem>>, vector<1x16xf32>,
      %get3A_777 = vector.shape_cast %get3A_776 : vector<1x16xf32> to vector<16xf32>
      %add3A_778 = arith.addf %get3A_773, %get3A_777 : vector<16xf32>
      %swap3A_779 = arith.index_cast %scan3A_42 : i32 to index
      %swap3A_780 = arith.constant 832 : index
      %swap3A_781 = tpu.vector_load %arg8[%swap3A_779, %swap3A_780] {strides = array<i32>} : memref<32x1024xf32, #tpu.memory_space<vmem>>, vector<1x16xf32>,
      %swap3A_782 = vector.shape_cast %swap3A_781 : vector<1x16xf32> to vector<16xf32>
      %swap3A_783 = vector.shape_cast %add3A_778 : vector<16xf32> to vector<1x16xf32>
      tpu.vector_store %arg8[%swap3A_779, %swap3A_780], %swap3A_783 {strides = array<i32>} : memref<32x1024xf32, #tpu.memory_space<vmem>>, vector<1x16xf32>,
      %get3A_784 = arith.index_cast %scan3A_42 : i32 to index
      %get3A_785 = arith.constant 848 : index
      %get3A_786 = tpu.vector_load %arg8[%get3A_784, %get3A_785] {strides = array<i32>} : memref<32x1024xf32, #tpu.memory_space<vmem>>, vector<1x16xf32>,
      %get3A_787 = vector.shape_cast %get3A_786 : vector<1x16xf32> to vector<16xf32>
      %get3A_788 = arith.index_cast %scan3A_42 : i32 to index
      %get3A_789 = arith.constant 848 : index
      %get3A_790 = tpu.vector_load %arg9[%get3A_788, %get3A_789] {strides = array<i32>} : memref<32x1024xf32, #tpu.memory_space<vmem>>, vector<1x16xf32>,
      %get3A_791 = vector.shape_cast %get3A_790 : vector<1x16xf32> to vector<16xf32>
      %add3A_792 = arith.addf %get3A_787, %get3A_791 : vector<16xf32>
      %swap3A_793 = arith.index_cast %scan3A_42 : i32 to index
      %swap3A_794 = arith.constant 848 : index
      %swap3A_795 = tpu.vector_load %arg8[%swap3A_793, %swap3A_794] {strides = array<i32>} : memref<32x1024xf32, #tpu.memory_space<vmem>>, vector<1x16xf32>,
      %swap3A_796 = vector.shape_cast %swap3A_795 : vector<1x16xf32> to vector<16xf32>
      %swap3A_797 = vector.shape_cast %add3A_792 : vector<16xf32> to vector<1x16xf32>
      tpu.vector_store %arg8[%swap3A_793, %swap3A_794], %swap3A_797 {strides = array<i32>} : memref<32x1024xf32, #tpu.memory_space<vmem>>, vector<1x16xf32>,
      %get3A_798 = arith.index_cast %scan3A_42 : i32 to index
      %get3A_799 = arith.constant 864 : index
      %get3A_800 = tpu.vector_load %arg8[%get3A_798, %get3A_799] {strides = array<i32>} : memref<32x1024xf32, #tpu.memory_space<vmem>>, vector<1x16xf32>,
      %get3A_801 = vector.shape_cast %get3A_800 : vector<1x16xf32> to vector<16xf32>
      %get3A_802 = arith.index_cast %scan3A_42 : i32 to index
      %get3A_803 = arith.constant 864 : index
      %get3A_804 = tpu.vector_load %arg9[%get3A_802, %get3A_803] {strides = array<i32>} : memref<32x1024xf32, #tpu.memory_space<vmem>>, vector<1x16xf32>,
      %get3A_805 = vector.shape_cast %get3A_804 : vector<1x16xf32> to vector<16xf32>
      %add3A_806 = arith.addf %get3A_801, %get3A_805 : vector<16xf32>
      %swap3A_807 = arith.index_cast %scan3A_42 : i32 to index
      %swap3A_808 = arith.constant 864 : index
      %swap3A_809 = tpu.vector_load %arg8[%swap3A_807, %swap3A_808] {strides = array<i32>} : memref<32x1024xf32, #tpu.memory_space<vmem>>, vector<1x16xf32>,
      %swap3A_810 = vector.shape_cast %swap3A_809 : vector<1x16xf32> to vector<16xf32>
      %swap3A_811 = vector.shape_cast %add3A_806 : vector<16xf32> to vector<1x16xf32>
      tpu.vector_store %arg8[%swap3A_807, %swap3A_808], %swap3A_811 {strides = array<i32>} : memref<32x1024xf32, #tpu.memory_space<vmem>>, vector<1x16xf32>,
      %get3A_812 = arith.index_cast %scan3A_42 : i32 to index
      %get3A_813 = arith.constant 880 : index
      %get3A_814 = tpu.vector_load %arg8[%get3A_812, %get3A_813] {strides = array<i32>} : memref<32x1024xf32, #tpu.memory_space<vmem>>, vector<1x16xf32>,
      %get3A_815 = vector.shape_cast %get3A_814 : vector<1x16xf32> to vector<16xf32>
      %get3A_816 = arith.index_cast %scan3A_42 : i32 to index
      %get3A_817 = arith.constant 880 : index
      %get3A_818 = tpu.vector_load %arg9[%get3A_816, %get3A_817] {strides = array<i32>} : memref<32x1024xf32, #tpu.memory_space<vmem>>, vector<1x16xf32>,
      %get3A_819 = vector.shape_cast %get3A_818 : vector<1x16xf32> to vector<16xf32>
      %add3A_820 = arith.addf %get3A_815, %get3A_819 : vector<16xf32>
      %swap3A_821 = arith.index_cast %scan3A_42 : i32 to index
      %swap3A_822 = arith.constant 880 : index
      %swap3A_823 = tpu.vector_load %arg8[%swap3A_821, %swap3A_822] {strides = array<i32>} : memref<32x1024xf32, #tpu.memory_space<vmem>>, vector<1x16xf32>,
      %swap3A_824 = vector.shape_cast %swap3A_823 : vector<1x16xf32> to vector<16xf32>
      %swap3A_825 = vector.shape_cast %add3A_820 : vector<16xf32> to vector<1x16xf32>
      tpu.vector_store %arg8[%swap3A_821, %swap3A_822], %swap3A_825 {strides = array<i32>} : memref<32x1024xf32, #tpu.memory_space<vmem>>, vector<1x16xf32>,
      %get3A_826 = arith.index_cast %scan3A_42 : i32 to index
      %get3A_827 = arith.constant 896 : index
      %get3A_828 = tpu.vector_load %arg8[%get3A_826, %get3A_827] {strides = array<i32>} : memref<32x1024xf32, #tpu.memory_space<vmem>>, vector<1x16xf32>,
      %get3A_829 = vector.shape_cast %get3A_828 : vector<1x16xf32> to vector<16xf32>
      %get3A_830 = arith.index_cast %scan3A_42 : i32 to index
      %get3A_831 = arith.constant 896 : index
      %get3A_832 = tpu.vector_load %arg9[%get3A_830, %get3A_831] {strides = array<i32>} : memref<32x1024xf32, #tpu.memory_space<vmem>>, vector<1x16xf32>,
      %get3A_833 = vector.shape_cast %get3A_832 : vector<1x16xf32> to vector<16xf32>
      %add3A_834 = arith.addf %get3A_829, %get3A_833 : vector<16xf32>
      %swap3A_835 = arith.index_cast %scan3A_42 : i32 to index
      %swap3A_836 = arith.constant 896 : index
      %swap3A_837 = tpu.vector_load %arg8[%swap3A_835, %swap3A_836] {strides = array<i32>} : memref<32x1024xf32, #tpu.memory_space<vmem>>, vector<1x16xf32>,
      %swap3A_838 = vector.shape_cast %swap3A_837 : vector<1x16xf32> to vector<16xf32>
      %swap3A_839 = vector.shape_cast %add3A_834 : vector<16xf32> to vector<1x16xf32>
      tpu.vector_store %arg8[%swap3A_835, %swap3A_836], %swap3A_839 {strides = array<i32>} : memref<32x1024xf32, #tpu.memory_space<vmem>>, vector<1x16xf32>,
      %get3A_840 = arith.index_cast %scan3A_42 : i32 to index
      %get3A_841 = arith.constant 912 : index
      %get3A_842 = tpu.vector_load %arg8[%get3A_840, %get3A_841] {strides = array<i32>} : memref<32x1024xf32, #tpu.memory_space<vmem>>, vector<1x16xf32>,
      %get3A_843 = vector.shape_cast %get3A_842 : vector<1x16xf32> to vector<16xf32>
      %get3A_844 = arith.index_cast %scan3A_42 : i32 to index
      %get3A_845 = arith.constant 912 : index
      %get3A_846 = tpu.vector_load %arg9[%get3A_844, %get3A_845] {strides = array<i32>} : memref<32x1024xf32, #tpu.memory_space<vmem>>, vector<1x16xf32>,
      %get3A_847 = vector.shape_cast %get3A_846 : vector<1x16xf32> to vector<16xf32>
      %add3A_848 = arith.addf %get3A_843, %get3A_847 : vector<16xf32>
      %swap3A_849 = arith.index_cast %scan3A_42 : i32 to index
      %swap3A_850 = arith.constant 912 : index
      %swap3A_851 = tpu.vector_load %arg8[%swap3A_849, %swap3A_850] {strides = array<i32>} : memref<32x1024xf32, #tpu.memory_space<vmem>>, vector<1x16xf32>,
      %swap3A_852 = vector.shape_cast %swap3A_851 : vector<1x16xf32> to vector<16xf32>
      %swap3A_853 = vector.shape_cast %add3A_848 : vector<16xf32> to vector<1x16xf32>
      tpu.vector_store %arg8[%swap3A_849, %swap3A_850], %swap3A_853 {strides = array<i32>} : memref<32x1024xf32, #tpu.memory_space<vmem>>, vector<1x16xf32>,
      %get3A_854 = arith.index_cast %scan3A_42 : i32 to index
      %get3A_855 = arith.constant 928 : index
      %get3A_856 = tpu.vector_load %arg8[%get3A_854, %get3A_855] {strides = array<i32>} : memref<32x1024xf32, #tpu.memory_space<vmem>>, vector<1x16xf32>,
      %get3A_857 = vector.shape_cast %get3A_856 : vector<1x16xf32> to vector<16xf32>
      %get3A_858 = arith.index_cast %scan3A_42 : i32 to index
      %get3A_859 = arith.constant 928 : index
      %get3A_860 = tpu.vector_load %arg9[%get3A_858, %get3A_859] {strides = array<i32>} : memref<32x1024xf32, #tpu.memory_space<vmem>>, vector<1x16xf32>,
      %get3A_861 = vector.shape_cast %get3A_860 : vector<1x16xf32> to vector<16xf32>
      %add3A_862 = arith.addf %get3A_857, %get3A_861 : vector<16xf32>
      %swap3A_863 = arith.index_cast %scan3A_42 : i32 to index
      %swap3A_864 = arith.constant 928 : index
      %swap3A_865 = tpu.vector_load %arg8[%swap3A_863, %swap3A_864] {strides = array<i32>} : memref<32x1024xf32, #tpu.memory_space<vmem>>, vector<1x16xf32>,
      %swap3A_866 = vector.shape_cast %swap3A_865 : vector<1x16xf32> to vector<16xf32>
      %swap3A_867 = vector.shape_cast %add3A_862 : vector<16xf32> to vector<1x16xf32>
      tpu.vector_store %arg8[%swap3A_863, %swap3A_864], %swap3A_867 {strides = array<i32>} : memref<32x1024xf32, #tpu.memory_space<vmem>>, vector<1x16xf32>,
      %get3A_868 = arith.index_cast %scan3A_42 : i32 to index
      %get3A_869 = arith.constant 944 : index
      %get3A_870 = tpu.vector_load %arg8[%get3A_868, %get3A_869] {strides = array<i32>} : memref<32x1024xf32, #tpu.memory_space<vmem>>, vector<1x16xf32>,
      %get3A_871 = vector.shape_cast %get3A_870 : vector<1x16xf32> to vector<16xf32>
      %get3A_872 = arith.index_cast %scan3A_42 : i32 to index
      %get3A_873 = arith.constant 944 : index
      %get3A_874 = tpu.vector_load %arg9[%get3A_872, %get3A_873] {strides = array<i32>} : memref<32x1024xf32, #tpu.memory_space<vmem>>, vector<1x16xf32>,
      %get3A_875 = vector.shape_cast %get3A_874 : vector<1x16xf32> to vector<16xf32>
      %add3A_876 = arith.addf %get3A_871, %get3A_875 : vector<16xf32>
      %swap3A_877 = arith.index_cast %scan3A_42 : i32 to index
      %swap3A_878 = arith.constant 944 : index
      %swap3A_879 = tpu.vector_load %arg8[%swap3A_877, %swap3A_878] {strides = array<i32>} : memref<32x1024xf32, #tpu.memory_space<vmem>>, vector<1x16xf32>,
      %swap3A_880 = vector.shape_cast %swap3A_879 : vector<1x16xf32> to vector<16xf32>
      %swap3A_881 = vector.shape_cast %add3A_876 : vector<16xf32> to vector<1x16xf32>
      tpu.vector_store %arg8[%swap3A_877, %swap3A_878], %swap3A_881 {strides = array<i32>} : memref<32x1024xf32, #tpu.memory_space<vmem>>, vector<1x16xf32>,
      %get3A_882 = arith.index_cast %scan3A_42 : i32 to index
      %get3A_883 = arith.constant 960 : index
      %get3A_884 = tpu.vector_load %arg8[%get3A_882, %get3A_883] {strides = array<i32>} : memref<32x1024xf32, #tpu.memory_space<vmem>>, vector<1x16xf32>,
      %get3A_885 = vector.shape_cast %get3A_884 : vector<1x16xf32> to vector<16xf32>
      %get3A_886 = arith.index_cast %scan3A_42 : i32 to index
      %get3A_887 = arith.constant 960 : index
      %get3A_888 = tpu.vector_load %arg9[%get3A_886, %get3A_887] {strides = array<i32>} : memref<32x1024xf32, #tpu.memory_space<vmem>>, vector<1x16xf32>,
      %get3A_889 = vector.shape_cast %get3A_888 : vector<1x16xf32> to vector<16xf32>
      %add3A_890 = arith.addf %get3A_885, %get3A_889 : vector<16xf32>
      %swap3A_891 = arith.index_cast %scan3A_42 : i32 to index
      %swap3A_892 = arith.constant 960 : index
      %swap3A_893 = tpu.vector_load %arg8[%swap3A_891, %swap3A_892] {strides = array<i32>} : memref<32x1024xf32, #tpu.memory_space<vmem>>, vector<1x16xf32>,
      %swap3A_894 = vector.shape_cast %swap3A_893 : vector<1x16xf32> to vector<16xf32>
      %swap3A_895 = vector.shape_cast %add3A_890 : vector<16xf32> to vector<1x16xf32>
      tpu.vector_store %arg8[%swap3A_891, %swap3A_892], %swap3A_895 {strides = array<i32>} : memref<32x1024xf32, #tpu.memory_space<vmem>>, vector<1x16xf32>,
      %get3A_896 = arith.index_cast %scan3A_42 : i32 to index
      %get3A_897 = arith.constant 976 : index
      %get3A_898 = tpu.vector_load %arg8[%get3A_896, %get3A_897] {strides = array<i32>} : memref<32x1024xf32, #tpu.memory_space<vmem>>, vector<1x16xf32>,
      %get3A_899 = vector.shape_cast %get3A_898 : vector<1x16xf32> to vector<16xf32>
      %get3A_900 = arith.index_cast %scan3A_42 : i32 to index
      %get3A_901 = arith.constant 976 : index
      %get3A_902 = tpu.vector_load %arg9[%get3A_900, %get3A_901] {strides = array<i32>} : memref<32x1024xf32, #tpu.memory_space<vmem>>, vector<1x16xf32>,
      %get3A_903 = vector.shape_cast %get3A_902 : vector<1x16xf32> to vector<16xf32>
      %add3A_904 = arith.addf %get3A_899, %get3A_903 : vector<16xf32>
      %swap3A_905 = arith.index_cast %scan3A_42 : i32 to index
      %swap3A_906 = arith.constant 976 : index
      %swap3A_907 = tpu.vector_load %arg8[%swap3A_905, %swap3A_906] {strides = array<i32>} : memref<32x1024xf32, #tpu.memory_space<vmem>>, vector<1x16xf32>,
      %swap3A_908 = vector.shape_cast %swap3A_907 : vector<1x16xf32> to vector<16xf32>
      %swap3A_909 = vector.shape_cast %add3A_904 : vector<16xf32> to vector<1x16xf32>
      tpu.vector_store %arg8[%swap3A_905, %swap3A_906], %swap3A_909 {strides = array<i32>} : memref<32x1024xf32, #tpu.memory_space<vmem>>, vector<1x16xf32>,
      %get3A_910 = arith.index_cast %scan3A_42 : i32 to index
      %get3A_911 = arith.constant 992 : index
      %get3A_912 = tpu.vector_load %arg8[%get3A_910, %get3A_911] {strides = array<i32>} : memref<32x1024xf32, #tpu.memory_space<vmem>>, vector<1x16xf32>,
      %get3A_913 = vector.shape_cast %get3A_912 : vector<1x16xf32> to vector<16xf32>
      %get3A_914 = arith.index_cast %scan3A_42 : i32 to index
      %get3A_915 = arith.constant 992 : index
      %get3A_916 = tpu.vector_load %arg9[%get3A_914, %get3A_915] {strides = array<i32>} : memref<32x1024xf32, #tpu.memory_space<vmem>>, vector<1x16xf32>,
      %get3A_917 = vector.shape_cast %get3A_916 : vector<1x16xf32> to vector<16xf32>
      %add3A_918 = arith.addf %get3A_913, %get3A_917 : vector<16xf32>
      %swap3A_919 = arith.index_cast %scan3A_42 : i32 to index
      %swap3A_920 = arith.constant 992 : index
      %swap3A_921 = tpu.vector_load %arg8[%swap3A_919, %swap3A_920] {strides = array<i32>} : memref<32x1024xf32, #tpu.memory_space<vmem>>, vector<1x16xf32>,
      %swap3A_922 = vector.shape_cast %swap3A_921 : vector<1x16xf32> to vector<16xf32>
      %swap3A_923 = vector.shape_cast %add3A_918 : vector<16xf32> to vector<1x16xf32>
      tpu.vector_store %arg8[%swap3A_919, %swap3A_920], %swap3A_923 {strides = array<i32>} : memref<32x1024xf32, #tpu.memory_space<vmem>>, vector<1x16xf32>,
      %get3A_924 = arith.index_cast %scan3A_42 : i32 to index
      %get3A_925 = arith.constant 1008 : index
      %get3A_926 = tpu.vector_load %arg8[%get3A_924, %get3A_925] {strides = array<i32>} : memref<32x1024xf32, #tpu.memory_space<vmem>>, vector<1x16xf32>,
      %get3A_927 = vector.shape_cast %get3A_926 : vector<1x16xf32> to vector<16xf32>
      %get3A_928 = arith.index_cast %scan3A_42 : i32 to index
      %get3A_929 = arith.constant 1008 : index
      %get3A_930 = tpu.vector_load %arg9[%get3A_928, %get3A_929] {strides = array<i32>} : memref<32x1024xf32, #tpu.memory_space<vmem>>, vector<1x16xf32>,
      %get3A_931 = vector.shape_cast %get3A_930 : vector<1x16xf32> to vector<16xf32>
      %add3A_932 = arith.addf %get3A_927, %get3A_931 : vector<16xf32>
      %swap3A_933 = arith.index_cast %scan3A_42 : i32 to index
      %swap3A_934 = arith.constant 1008 : index
      %swap3A_935 = tpu.vector_load %arg8[%swap3A_933, %swap3A_934] {strides = array<i32>} : memref<32x1024xf32, #tpu.memory_space<vmem>>, vector<1x16xf32>,
      %swap3A_936 = vector.shape_cast %swap3A_935 : vector<1x16xf32> to vector<16xf32>
      %swap3A_937 = vector.shape_cast %add3A_932 : vector<16xf32> to vector<1x16xf32>
      tpu.vector_store %arg8[%swap3A_933, %swap3A_934], %swap3A_937 {strides = array<i32>} : memref<32x1024xf32, #tpu.memory_space<vmem>>, vector<1x16xf32>,
      %scan3A_938 = arith.constant 0 : i32
      scf.yield %scan3A_938 : i32
    }
    %scan3A_41 = arith.constant 32 : i32
    "tpu.region"() ({
      %run_scoped3A = tpu.sem_alloc : memref<!tpu.dma_semaphore, #tpu.memory_space<semaphore_mem>>
      %dma_start3A_42 = arith.constant 0 : i32
      %dma_start3A_43 = tpu.memref_slice %arg5[%add3A_22, %dma_start3A_42] : memref<2048x1024xf32, #tpu.memory_space<hbm>> -> memref<32x1024xf32, #tpu.memory_space<hbm>>
      %dma_start3A_44 = arith.constant 0 : i32
      %dma_start3A_45 = tpu.memref_slice %arg5[%add3A_22, %dma_start3A_44] : memref<2048x1024xf32, #tpu.memory_space<hbm>> -> memref<32x1024xf32, #tpu.memory_space<hbm>>
      tpu.enqueue_dma source(%arg8 : memref<32x1024xf32, #tpu.memory_space<vmem>>) target(%dma_start3A_45 : memref<32x1024xf32, #tpu.memory_space<hbm>>) target_semaphore(%run_scoped3A : memref<!tpu.dma_semaphore, #tpu.memory_space<semaphore_mem>>)
      %dma_wait3A_46 = arith.constant 0 : i32
      %dma_wait3A_47 = tpu.memref_slice %arg5[%add3A_22, %dma_wait3A_46] : memref<2048x1024xf32, #tpu.memory_space<hbm>> -> memref<32x1024xf32, #tpu.memory_space<hbm>>
      %dma_wait3A_48 = arith.constant 0 : i32
      %dma_wait3A_49 = tpu.memref_slice %arg5[%add3A_22, %dma_wait3A_48] : memref<2048x1024xf32, #tpu.memory_space<hbm>> -> memref<32x1024xf32, #tpu.memory_space<hbm>>
      tpu.wait_dma2 semaphore(%run_scoped3A : memref<!tpu.dma_semaphore, #tpu.memory_space<semaphore_mem>>) src(%arg8 : memref<32x1024xf32, #tpu.memory_space<vmem>>) dst(%dma_wait3A_49 : memref<32x1024xf32, #tpu.memory_space<hbm>>)
      tpu.yield
    }) : () -> ()
    return
  }
}

#map = affine_map<(d0, d1) -> (0, 0)>
#map1 = affine_map<(d0, d1) -> (0)>
module attributes {stable_mosaic.version = 14 : i64} {
  func.func @_dispatch_sc(%arg0: i32, %arg1: i32, %arg2: memref<2048x1024xf32, #tpu.memory_space<hbm>>, %arg3: memref<4096xi32, #tpu.memory_space<hbm>>, %arg4: memref<4096x1024xf32, #tpu.memory_space<hbm>>, %arg5: memref<64xi32, #tpu.memory_space<vmem>>, %arg6: memref<64x1024xf32, #tpu.memory_space<vmem>>, %arg7: memref<!tpu.dma_semaphore, #tpu.memory_space<semaphore_mem>>) attributes {dimension_semantics = [#tpu.dimension_semantics<core_parallel>, #tpu.dimension_semantics<subcore_parallel>], iteration_bounds = array<i64: 2, 16>, scalar_prefetch = 0 : i64, scratch_operands = 3 : i64, tpu.core_type = #tpu.core_type<sc_vector_subcore>, window_params = [{transform_indices = #map}, {transform_indices = #map1}, {transform_indices = #map}]} {
    %mul3A = arith.constant 2 : i32
    %mul3A_0 = arith.muli %arg1, %mul3A : i32
    %add3A = arith.addi %mul3A_0, %arg0 : i32
    %mul3A_1 = arith.constant 128 : i32
    %mul3A_2 = arith.muli %add3A, %mul3A_1 : i32
    %add3A_3 = arith.constant 0 : i32
    %add3A_4 = arith.addi %mul3A_2, %add3A_3 : i32
    "tpu.region"() ({
      %run_scoped3A = tpu.sem_alloc : memref<!tpu.dma_semaphore, #tpu.memory_space<semaphore_mem>>
      %dma_start3A_17 = tpu.memref_slice %arg3[%add3A_4] : memref<4096xi32, #tpu.memory_space<hbm>> -> memref<64xi32, #tpu.memory_space<hbm>>
      %dma_start3A_18 = tpu.memref_slice %arg3[%add3A_4] : memref<4096xi32, #tpu.memory_space<hbm>> -> memref<64xi32, #tpu.memory_space<hbm>>
      tpu.enqueue_dma source(%dma_start3A_18 : memref<64xi32, #tpu.memory_space<hbm>>) target(%arg5 : memref<64xi32, #tpu.memory_space<vmem>>) target_semaphore(%run_scoped3A : memref<!tpu.dma_semaphore, #tpu.memory_space<semaphore_mem>>)
      %dma_wait3A_19 = tpu.memref_slice %arg3[%add3A_4] : memref<4096xi32, #tpu.memory_space<hbm>> -> memref<64xi32, #tpu.memory_space<hbm>>
      %dma_wait3A_20 = tpu.memref_slice %arg3[%add3A_4] : memref<4096xi32, #tpu.memory_space<hbm>> -> memref<64xi32, #tpu.memory_space<hbm>>
      tpu.wait_dma2 semaphore(%run_scoped3A : memref<!tpu.dma_semaphore, #tpu.memory_space<semaphore_mem>>) src(%dma_wait3A_20 : memref<64xi32, #tpu.memory_space<hbm>>) dst(%arg5 : memref<64xi32, #tpu.memory_space<vmem>>)
      tpu.yield
    }) : () -> ()
    %dma_start3A = arith.constant 0 : i32
    %dma_start3A_5 = arith.constant 0 : i32
    %dma_start3A_6 = tpu.memref_slice %arg2[%dma_start3A, %dma_start3A_5] : memref<2048x1024xf32, #tpu.memory_space<hbm>> -> memref<2048x1024xf32, #tpu.memory_space<hbm>>
    tpu.enqueue_indirect_dma source(%dma_start3A_6 : memref<2048x1024xf32, #tpu.memory_space<hbm>>) target(%arg6 : memref<64x1024xf32, #tpu.memory_space<vmem>>) offsets(%arg5 : memref<64xi32, #tpu.memory_space<vmem>>) semaphore(%arg7 : memref<!tpu.dma_semaphore, #tpu.memory_space<semaphore_mem>>)
    %dma_wait3A = arith.constant 0 : i32
    %dma_wait3A_7 = arith.constant 0 : i32
    %dma_wait3A_8 = tpu.memref_slice %arg2[%dma_wait3A, %dma_wait3A_7] : memref<2048x1024xf32, #tpu.memory_space<hbm>> -> memref<2048x1024xf32, #tpu.memory_space<hbm>>
    tpu.wait_indirect_dma semaphore(%arg7 : memref<!tpu.dma_semaphore, #tpu.memory_space<semaphore_mem>>) src(%dma_wait3A_8 : memref<2048x1024xf32, #tpu.memory_space<hbm>>) dst(%arg6 : memref<64x1024xf32, #tpu.memory_space<vmem>>)
    "tpu.region"() ({
      %run_scoped3A = tpu.sem_alloc : memref<!tpu.dma_semaphore, #tpu.memory_space<semaphore_mem>>
      %dma_start3A_17 = arith.constant 0 : i32
      %dma_start3A_18 = tpu.memref_slice %arg4[%add3A_4, %dma_start3A_17] : memref<4096x1024xf32, #tpu.memory_space<hbm>> -> memref<64x1024xf32, #tpu.memory_space<hbm>>
      %dma_start3A_19 = arith.constant 0 : i32
      %dma_start3A_20 = tpu.memref_slice %arg4[%add3A_4, %dma_start3A_19] : memref<4096x1024xf32, #tpu.memory_space<hbm>> -> memref<64x1024xf32, #tpu.memory_space<hbm>>
      tpu.enqueue_dma source(%arg6 : memref<64x1024xf32, #tpu.memory_space<vmem>>) target(%dma_start3A_20 : memref<64x1024xf32, #tpu.memory_space<hbm>>) target_semaphore(%run_scoped3A : memref<!tpu.dma_semaphore, #tpu.memory_space<semaphore_mem>>)
      %dma_wait3A_21 = arith.constant 0 : i32
      %dma_wait3A_22 = tpu.memref_slice %arg4[%add3A_4, %dma_wait3A_21] : memref<4096x1024xf32, #tpu.memory_space<hbm>> -> memref<64x1024xf32, #tpu.memory_space<hbm>>
      %dma_wait3A_23 = arith.constant 0 : i32
      %dma_wait3A_24 = tpu.memref_slice %arg4[%add3A_4, %dma_wait3A_23] : memref<4096x1024xf32, #tpu.memory_space<hbm>> -> memref<64x1024xf32, #tpu.memory_space<hbm>>
      tpu.wait_dma2 semaphore(%run_scoped3A : memref<!tpu.dma_semaphore, #tpu.memory_space<semaphore_mem>>) src(%arg6 : memref<64x1024xf32, #tpu.memory_space<vmem>>) dst(%dma_wait3A_24 : memref<64x1024xf32, #tpu.memory_space<hbm>>)
      tpu.yield
    }) : () -> ()
    %add3A_9 = arith.constant 64 : i32
    %add3A_10 = arith.addi %mul3A_2, %add3A_9 : i32
    "tpu.region"() ({
      %run_scoped3A = tpu.sem_alloc : memref<!tpu.dma_semaphore, #tpu.memory_space<semaphore_mem>>
      %dma_start3A_17 = tpu.memref_slice %arg3[%add3A_10] : memref<4096xi32, #tpu.memory_space<hbm>> -> memref<64xi32, #tpu.memory_space<hbm>>
      %dma_start3A_18 = tpu.memref_slice %arg3[%add3A_10] : memref<4096xi32, #tpu.memory_space<hbm>> -> memref<64xi32, #tpu.memory_space<hbm>>
      tpu.enqueue_dma source(%dma_start3A_18 : memref<64xi32, #tpu.memory_space<hbm>>) target(%arg5 : memref<64xi32, #tpu.memory_space<vmem>>) target_semaphore(%run_scoped3A : memref<!tpu.dma_semaphore, #tpu.memory_space<semaphore_mem>>)
      %dma_wait3A_19 = tpu.memref_slice %arg3[%add3A_10] : memref<4096xi32, #tpu.memory_space<hbm>> -> memref<64xi32, #tpu.memory_space<hbm>>
      %dma_wait3A_20 = tpu.memref_slice %arg3[%add3A_10] : memref<4096xi32, #tpu.memory_space<hbm>> -> memref<64xi32, #tpu.memory_space<hbm>>
      tpu.wait_dma2 semaphore(%run_scoped3A : memref<!tpu.dma_semaphore, #tpu.memory_space<semaphore_mem>>) src(%dma_wait3A_20 : memref<64xi32, #tpu.memory_space<hbm>>) dst(%arg5 : memref<64xi32, #tpu.memory_space<vmem>>)
      tpu.yield
    }) : () -> ()
    %dma_start3A_11 = arith.constant 0 : i32
    %dma_start3A_12 = arith.constant 0 : i32
    %dma_start3A_13 = tpu.memref_slice %arg2[%dma_start3A_11, %dma_start3A_12] : memref<2048x1024xf32, #tpu.memory_space<hbm>> -> memref<2048x1024xf32, #tpu.memory_space<hbm>>
    tpu.enqueue_indirect_dma source(%dma_start3A_13 : memref<2048x1024xf32, #tpu.memory_space<hbm>>) target(%arg6 : memref<64x1024xf32, #tpu.memory_space<vmem>>) offsets(%arg5 : memref<64xi32, #tpu.memory_space<vmem>>) semaphore(%arg7 : memref<!tpu.dma_semaphore, #tpu.memory_space<semaphore_mem>>)
    %dma_wait3A_14 = arith.constant 0 : i32
    %dma_wait3A_15 = arith.constant 0 : i32
    %dma_wait3A_16 = tpu.memref_slice %arg2[%dma_wait3A_14, %dma_wait3A_15] : memref<2048x1024xf32, #tpu.memory_space<hbm>> -> memref<2048x1024xf32, #tpu.memory_space<hbm>>
    tpu.wait_indirect_dma semaphore(%arg7 : memref<!tpu.dma_semaphore, #tpu.memory_space<semaphore_mem>>) src(%dma_wait3A_16 : memref<2048x1024xf32, #tpu.memory_space<hbm>>) dst(%arg6 : memref<64x1024xf32, #tpu.memory_space<vmem>>)
    "tpu.region"() ({
      %run_scoped3A = tpu.sem_alloc : memref<!tpu.dma_semaphore, #tpu.memory_space<semaphore_mem>>
      %dma_start3A_17 = arith.constant 0 : i32
      %dma_start3A_18 = tpu.memref_slice %arg4[%add3A_10, %dma_start3A_17] : memref<4096x1024xf32, #tpu.memory_space<hbm>> -> memref<64x1024xf32, #tpu.memory_space<hbm>>
      %dma_start3A_19 = arith.constant 0 : i32
      %dma_start3A_20 = tpu.memref_slice %arg4[%add3A_10, %dma_start3A_19] : memref<4096x1024xf32, #tpu.memory_space<hbm>> -> memref<64x1024xf32, #tpu.memory_space<hbm>>
      tpu.enqueue_dma source(%arg6 : memref<64x1024xf32, #tpu.memory_space<vmem>>) target(%dma_start3A_20 : memref<64x1024xf32, #tpu.memory_space<hbm>>) target_semaphore(%run_scoped3A : memref<!tpu.dma_semaphore, #tpu.memory_space<semaphore_mem>>)
      %dma_wait3A_21 = arith.constant 0 : i32
      %dma_wait3A_22 = tpu.memref_slice %arg4[%add3A_10, %dma_wait3A_21] : memref<4096x1024xf32, #tpu.memory_space<hbm>> -> memref<64x1024xf32, #tpu.memory_space<hbm>>
      %dma_wait3A_23 = arith.constant 0 : i32
      %dma_wait3A_24 = tpu.memref_slice %arg4[%add3A_10, %dma_wait3A_23] : memref<4096x1024xf32, #tpu.memory_space<hbm>> -> memref<64x1024xf32, #tpu.memory_space<hbm>>
      tpu.wait_dma2 semaphore(%run_scoped3A : memref<!tpu.dma_semaphore, #tpu.memory_space<semaphore_mem>>) src(%arg6 : memref<64x1024xf32, #tpu.memory_space<vmem>>) dst(%dma_wait3A_24 : memref<64x1024xf32, #tpu.memory_space<hbm>>)
      tpu.yield
    }) : () -> ()
    return
  }
}

module attributes {stable_mosaic.version = 14 : i64} {
  func.func @_routing_body(%arg0: memref<2048x1024xf32, #tpu.memory_space<vmem>>, %arg1: memref<1024x64xf32, #tpu.memory_space<vmem>>, %arg2: memref<64x64xi32, #tpu.memory_space<vmem>>, %arg3: memref<64x64xf32, #tpu.memory_space<vmem>>, %arg4: memref<2048x1xi32, #tpu.memory_space<vmem>>, %arg5: memref<2048x1xi32, #tpu.memory_space<vmem>>, %arg6: memref<1x1xf32, #tpu.memory_space<vmem>>) attributes {dimension_semantics = [], scalar_prefetch = 0 : i64, scratch_operands = 0 : i64, tpu.core_type = #tpu.core_type<tc>} {
    %get3A = arith.constant 0 : index
    %get3A_0 = arith.constant 0 : index
    %get3A_1 = vector.load %arg0[%get3A, %get3A_0] : memref<2048x1024xf32, #tpu.memory_space<vmem>>, vector<2048x1024xf32>
    %get3A_2 = arith.constant 0 : index
    %get3A_3 = arith.constant 0 : index
    %get3A_4 = vector.load %arg1[%get3A_2, %get3A_3] : memref<1024x64xf32, #tpu.memory_space<vmem>>, vector<1024x64xf32>
    %dot_general3A = arith.constant dense<0.000000e+00> : vector<2048x64xf32>
    %dot_general3A_5 = tpu.matmul %get3A_1, %get3A_4, %dot_general3A {dimension_numbers = #tpu.dot_dimension_numbers<[1], [0], [0], [1], [0, 0, 1, 1], [], []>, transpose_lhs_hint = false} : vector<2048x1024xf32>, vector<1024x64xf32>, vector<2048x64xf32> -> vector<2048x64xf32>
    %reduce_max3A = arith.constant dense<0xFF800000> : vector<2048xf32>
    %reduce_max3A_6 = vector.multi_reduction <maximumf>, %dot_general3A_5, %reduce_max3A [1] : vector<2048x64xf32> to vector<2048xf32>
    %broadcast_in_dim3A = vector.shape_cast %reduce_max3A_6 : vector<2048xf32> to vector<2048x1xf32>
    %sub3A = vector.broadcast %broadcast_in_dim3A : vector<2048x1xf32> to vector<2048x64xf32>
    %sub3A_7 = arith.subf %dot_general3A_5, %sub3A : vector<2048x64xf32>
    %exp3A = math.exp %sub3A_7 : vector<2048x64xf32>
    %reduce_sum3A = arith.constant dense<0.000000e+00> : vector<2048xf32>
    %reduce_sum3A_8 = vector.multi_reduction <add>, %exp3A, %reduce_sum3A [1] : vector<2048x64xf32> to vector<2048xf32>
    %broadcast_in_dim3A_9 = vector.shape_cast %reduce_sum3A_8 : vector<2048xf32> to vector<2048x1xf32>
    %div3A = vector.broadcast %broadcast_in_dim3A_9 : vector<2048x1xf32> to vector<2048x64xf32>
    %div3A_10 = arith.divf %exp3A, %div3A : vector<2048x64xf32>
    %iota3A = tpu.iota {dimensions = array<i32: 1>} : vector<2048x64xi32>
    %reduce_max3A_11 = arith.constant dense<0xFF800000> : vector<2048xf32>
    %reduce_max3A_12 = vector.multi_reduction <maximumf>, %div3A_10, %reduce_max3A_11 [1] : vector<2048x64xf32> to vector<2048xf32>
    %broadcast_in_dim3A_13 = vector.shape_cast %reduce_max3A_12 : vector<2048xf32> to vector<2048x1xf32>
    %eq3A = vector.broadcast %broadcast_in_dim3A_13 : vector<2048x1xf32> to vector<2048x64xf32>
    %eq3A_14 = arith.cmpf oeq, %div3A_10, %eq3A : vector<2048x64xf32>
    %jit3A = arith.constant 64 : i32
    %broadcast_in_dim3A_15 = vector.broadcast %jit3A : i32 to vector<2048x64xi32>
    %select_n3A = arith.select %eq3A_14, %iota3A, %broadcast_in_dim3A_15 : vector<2048x64xi1>, vector<2048x64xi32>
    %reduce_min3A = arith.constant dense<2147483647> : vector<2048xi32>
    %reduce_min3A_16 = vector.multi_reduction <minsi>, %select_n3A, %reduce_min3A [1] : vector<2048x64xi32> to vector<2048xi32>
    %broadcast_in_dim3A_17 = vector.shape_cast %reduce_min3A_16 : vector<2048xi32> to vector<2048x1xi32>
    %eq3A_18 = vector.broadcast %broadcast_in_dim3A_17 : vector<2048x1xi32> to vector<2048x64xi32>
    %eq3A_19 = arith.cmpi eq, %iota3A, %eq3A_18 : vector<2048x64xi32>
    %convert_element_type3A = arith.extui %eq3A_19 : vector<2048x64xi1> to vector<2048x64xi32>
    %convert_element_type3A_20 = arith.sitofp %convert_element_type3A : vector<2048x64xi32> to vector<2048x64xf32>
    %gt3A = arith.constant 0.000000e+00 : f32
    %gt3A_21 = vector.broadcast %gt3A : f32 to vector<2048x64xf32>
    %gt3A_22 = arith.cmpf ogt, %convert_element_type3A_20, %gt3A_21 : vector<2048x64xf32>
    %jit3A_23 = arith.constant 0xFF800000 : f32
    %broadcast_in_dim3A_24 = vector.broadcast %jit3A_23 : f32 to vector<2048x64xf32>
    %select_n3A_25 = arith.select %gt3A_22, %broadcast_in_dim3A_24, %div3A_10 : vector<2048x64xi1>, vector<2048x64xf32>
    %reduce_max3A_26 = arith.constant dense<0xFF800000> : vector<2048xf32>
    %reduce_max3A_27 = vector.multi_reduction <maximumf>, %select_n3A_25, %reduce_max3A_26 [1] : vector<2048x64xf32> to vector<2048xf32>
    %broadcast_in_dim3A_28 = vector.shape_cast %reduce_max3A_27 : vector<2048xf32> to vector<2048x1xf32>
    %eq3A_29 = vector.broadcast %broadcast_in_dim3A_28 : vector<2048x1xf32> to vector<2048x64xf32>
    %eq3A_30 = arith.cmpf oeq, %select_n3A_25, %eq3A_29 : vector<2048x64xf32>
    %jit3A_31 = arith.constant 64 : i32
    %broadcast_in_dim3A_32 = vector.broadcast %jit3A_31 : i32 to vector<2048x64xi32>
    %select_n3A_33 = arith.select %eq3A_30, %iota3A, %broadcast_in_dim3A_32 : vector<2048x64xi1>, vector<2048x64xi32>
    %reduce_min3A_34 = arith.constant dense<2147483647> : vector<2048xi32>
    %reduce_min3A_35 = vector.multi_reduction <minsi>, %select_n3A_33, %reduce_min3A_34 [1] : vector<2048x64xi32> to vector<2048xi32>
    %broadcast_in_dim3A_36 = vector.shape_cast %reduce_min3A_35 : vector<2048xi32> to vector<2048x1xi32>
    %eq3A_37 = vector.broadcast %broadcast_in_dim3A_36 : vector<2048x1xi32> to vector<2048x64xi32>
    %eq3A_38 = arith.cmpi eq, %iota3A, %eq3A_37 : vector<2048x64xi32>
    %convert_element_type3A_39 = arith.extui %eq3A_38 : vector<2048x64xi1> to vector<2048x64xi32>
    %convert_element_type3A_40 = arith.sitofp %convert_element_type3A_39 : vector<2048x64xi32> to vector<2048x64xf32>
    %add3A = arith.addf %broadcast_in_dim3A_13, %broadcast_in_dim3A_28 : vector<2048x1xf32>
    %add3A_41 = arith.constant 9.99999971E-10 : f32
    %add3A_42 = vector.broadcast %add3A_41 : f32 to vector<2048x1xf32>
    %add3A_43 = arith.addf %add3A, %add3A_42 : vector<2048x1xf32>
    %div3A_44 = arith.divf %broadcast_in_dim3A_13, %add3A_43 : vector<2048x1xf32>
    %div3A_45 = arith.divf %broadcast_in_dim3A_28, %add3A_43 : vector<2048x1xf32>
    %reduce_sum3A_46 = arith.constant dense<0.000000e+00> : vector<64xf32>
    %reduce_sum3A_47 = vector.multi_reduction <add>, %div3A_10, %reduce_sum3A_46 [0] : vector<2048x64xf32> to vector<64xf32>
    %broadcast_in_dim3A_48 = vector.shape_cast %reduce_sum3A_47 : vector<64xf32> to vector<1x64xf32>
    %div3A_49 = arith.constant 2.048000e+03 : f32
    %div3A_50 = vector.broadcast %div3A_49 : f32 to vector<1x64xf32>
    %div3A_51 = arith.divf %broadcast_in_dim3A_48, %div3A_50 : vector<1x64xf32>
    %reduce_sum3A_52 = arith.constant dense<0.000000e+00> : vector<64xf32>
    %reduce_sum3A_53 = vector.multi_reduction <add>, %convert_element_type3A_20, %reduce_sum3A_52 [0] : vector<2048x64xf32> to vector<64xf32>
    %broadcast_in_dim3A_54 = vector.shape_cast %reduce_sum3A_53 : vector<64xf32> to vector<1x64xf32>
    %div3A_55 = arith.constant 2.048000e+03 : f32
    %div3A_56 = vector.broadcast %div3A_55 : f32 to vector<1x64xf32>
    %div3A_57 = arith.divf %broadcast_in_dim3A_54, %div3A_56 : vector<1x64xf32>
    %mul3A = arith.mulf %div3A_51, %div3A_57 : vector<1x64xf32>
    %reduce_sum3A_58 = vector.shape_cast %mul3A : vector<1x64xf32> to vector<1x1x64xf32>
    %reduce_sum3A_59 = arith.constant dense<0.000000e+00> : vector<1xf32>
    %reduce_sum3A_60 = vector.multi_reduction <add>, %reduce_sum3A_58, %reduce_sum3A_59 [1, 2] : vector<1x1x64xf32> to vector<1xf32>
    %reduce_sum3A_61 = vector.shape_cast %reduce_sum3A_60 : vector<1xf32> to vector<1x1x1xf32>
    %reduce_sum3A_62 = vector.extract %reduce_sum3A_61[0, 0, 0] : f32 from vector<1x1x1xf32>
    %broadcast_in_dim3A_63 = vector.broadcast %reduce_sum3A_62 : f32 to vector<1x1xf32>
    %mul3A_64 = arith.constant 6.400000e+01 : f32
    %mul3A_65 = vector.broadcast %mul3A_64 : f32 to vector<1x1xf32>
    %mul3A_66 = arith.mulf %broadcast_in_dim3A_63, %mul3A_65 : vector<1x1xf32>
    %swap3A = arith.constant 0 : index
    %swap3A_67 = arith.constant 0 : index
    %swap3A_68 = vector.load %arg6[%swap3A, %swap3A_67] : memref<1x1xf32, #tpu.memory_space<vmem>>, vector<1x1xf32>
    tpu.vector_store %arg6[%swap3A, %swap3A_67], %mul3A_66 {strides = array<i32>} : memref<1x1xf32, #tpu.memory_space<vmem>>, vector<1x1xf32>,
    %iota3A_69 = tpu.iota {dimensions = array<i32: 0>} : vector<2048x2048xi32>
    %iota3A_70 = tpu.iota {dimensions = array<i32: 1>} : vector<2048x2048xi32>
    %ge3A = arith.cmpi sge, %iota3A_69, %iota3A_70 : vector<2048x2048xi32>
    %convert_element_type3A_71 = arith.extui %ge3A : vector<2048x2048xi1> to vector<2048x2048xi32>
    %convert_element_type3A_72 = arith.sitofp %convert_element_type3A_71 : vector<2048x2048xi32> to vector<2048x2048xf32>
    %convert_element_type3A_73 = arith.truncf %convert_element_type3A_72 : vector<2048x2048xf32> to vector<2048x2048xbf16>
    %convert_element_type3A_74 = arith.truncf %convert_element_type3A_20 : vector<2048x64xf32> to vector<2048x64xbf16>
    %convert_element_type3A_75 = arith.truncf %convert_element_type3A_40 : vector<2048x64xf32> to vector<2048x64xbf16>
    %dot_general3A_76 = arith.constant dense<0.000000e+00> : vector<2048x64xf32>
    %dot_general3A_77 = tpu.matmul %convert_element_type3A_73, %convert_element_type3A_74, %dot_general3A_76 {dimension_numbers = #tpu.dot_dimension_numbers<[1], [0], [0], [1], [0, 0, 1, 1], [], []>, transpose_lhs_hint = false} : vector<2048x2048xbf16>, vector<2048x64xbf16>, vector<2048x64xf32> -> vector<2048x64xf32>
    %sub3A_78 = arith.constant 1.000000e+00 : f32
    %sub3A_79 = vector.broadcast %sub3A_78 : f32 to vector<2048x64xf32>
    %sub3A_80 = arith.subf %dot_general3A_77, %sub3A_79 : vector<2048x64xf32>
    %reduce_sum3A_81 = arith.constant dense<0.000000e+00> : vector<64xf32>
    %reduce_sum3A_82 = vector.multi_reduction <add>, %convert_element_type3A_20, %reduce_sum3A_81 [0] : vector<2048x64xf32> to vector<64xf32>
    %broadcast_in_dim3A_83 = vector.shape_cast %reduce_sum3A_82 : vector<64xf32> to vector<1x64xf32>
    %dot_general3A_84 = arith.constant dense<0.000000e+00> : vector<2048x64xf32>
    %dot_general3A_85 = tpu.matmul %convert_element_type3A_73, %convert_element_type3A_75, %dot_general3A_84 {dimension_numbers = #tpu.dot_dimension_numbers<[1], [0], [0], [1], [0, 0, 1, 1], [], []>, transpose_lhs_hint = false} : vector<2048x2048xbf16>, vector<2048x64xbf16>, vector<2048x64xf32> -> vector<2048x64xf32>
    %sub3A_86 = arith.constant 1.000000e+00 : f32
    %sub3A_87 = vector.broadcast %sub3A_86 : f32 to vector<2048x64xf32>
    %sub3A_88 = arith.subf %dot_general3A_85, %sub3A_87 : vector<2048x64xf32>
    %add3A_89 = vector.broadcast %broadcast_in_dim3A_83 : vector<1x64xf32> to vector<2048x64xf32>
    %add3A_90 = arith.addf %sub3A_88, %add3A_89 : vector<2048x64xf32>
    %mul3A_91 = arith.mulf %sub3A_80, %convert_element_type3A_20 : vector<2048x64xf32>
    %reduce_sum3A_92 = arith.constant dense<0.000000e+00> : vector<2048xf32>
    %reduce_sum3A_93 = vector.multi_reduction <add>, %mul3A_91, %reduce_sum3A_92 [1] : vector<2048x64xf32> to vector<2048xf32>
    %broadcast_in_dim3A_94 = vector.shape_cast %reduce_sum3A_93 : vector<2048xf32> to vector<2048x1xf32>
    %mul3A_95 = arith.mulf %add3A_90, %convert_element_type3A_40 : vector<2048x64xf32>
    %reduce_sum3A_96 = arith.constant dense<0.000000e+00> : vector<2048xf32>
    %reduce_sum3A_97 = vector.multi_reduction <add>, %mul3A_95, %reduce_sum3A_96 [1] : vector<2048x64xf32> to vector<2048xf32>
    %broadcast_in_dim3A_98 = vector.shape_cast %reduce_sum3A_97 : vector<2048xf32> to vector<2048x1xf32>
    %lt3A = arith.constant 6.400000e+01 : f32
    %lt3A_99 = vector.broadcast %lt3A : f32 to vector<2048x1xf32>
    %lt3A_100 = arith.cmpf olt, %broadcast_in_dim3A_94, %lt3A_99 : vector<2048x1xf32>
    %convert_element_type3A_101 = arith.extui %lt3A_100 : vector<2048x1xi1> to vector<2048x1xi32>
    %convert_element_type3A_102 = arith.sitofp %convert_element_type3A_101 : vector<2048x1xi32> to vector<2048x1xf32>
    %lt3A_103 = arith.constant 6.400000e+01 : f32
    %lt3A_104 = vector.broadcast %lt3A_103 : f32 to vector<2048x1xf32>
    %lt3A_105 = arith.cmpf olt, %broadcast_in_dim3A_98, %lt3A_104 : vector<2048x1xf32>
    %convert_element_type3A_106 = arith.extui %lt3A_105 : vector<2048x1xi1> to vector<2048x1xi32>
    %convert_element_type3A_107 = arith.sitofp %convert_element_type3A_106 : vector<2048x1xi32> to vector<2048x1xf32>
    %mul3A_108 = arith.mulf %div3A_44, %convert_element_type3A_102 : vector<2048x1xf32>
    %mul3A_109 = arith.mulf %div3A_45, %convert_element_type3A_107 : vector<2048x1xf32>
    %iota3A_110 = tpu.iota {dimensions = array<i32: 1>} : vector<2048x64xi32>
    %convert_element_type3A_111 = arith.sitofp %iota3A_110 : vector<2048x64xi32> to vector<2048x64xf32>
    %eq3A_112 = vector.broadcast %broadcast_in_dim3A_94 : vector<2048x1xf32> to vector<2048x64xf32>
    %eq3A_113 = arith.cmpf oeq, %convert_element_type3A_111, %eq3A_112 : vector<2048x64xf32>
    %convert_element_type3A_114 = arith.extui %eq3A_113 : vector<2048x64xi1> to vector<2048x64xi32>
    %convert_element_type3A_115 = arith.sitofp %convert_element_type3A_114 : vector<2048x64xi32> to vector<2048x64xf32>
    %eq3A_116 = vector.broadcast %broadcast_in_dim3A_98 : vector<2048x1xf32> to vector<2048x64xf32>
    %eq3A_117 = arith.cmpf oeq, %convert_element_type3A_111, %eq3A_116 : vector<2048x64xf32>
    %convert_element_type3A_118 = arith.extui %eq3A_117 : vector<2048x64xi1> to vector<2048x64xi32>
    %convert_element_type3A_119 = arith.sitofp %convert_element_type3A_118 : vector<2048x64xi32> to vector<2048x64xf32>
    %iota3A_120 = tpu.iota {dimensions = array<i32: 0>} : vector<2048x1xi32>
    %convert_element_type3A_121 = arith.sitofp %iota3A_120 : vector<2048x1xi32> to vector<2048x1xf32>
    %dot_general3A_122 = arith.constant dense<0.000000e+00> : vector<64x64xf32>
    %dot_general3A_123 = tpu.matmul %convert_element_type3A_20, %convert_element_type3A_115, %dot_general3A_122 {dimension_numbers = #tpu.dot_dimension_numbers<[0], [0], [1], [1], [0, 1, 1, 1], [], []>, transpose_lhs_hint = false} : vector<2048x64xf32>, vector<2048x64xf32>, vector<64x64xf32> -> vector<64x64xf32>
    %dot_general3A_124 = arith.constant dense<0.000000e+00> : vector<64x64xf32>
    %dot_general3A_125 = tpu.matmul %convert_element_type3A_40, %convert_element_type3A_119, %dot_general3A_124 {dimension_numbers = #tpu.dot_dimension_numbers<[0], [0], [1], [1], [0, 1, 1, 1], [], []>, transpose_lhs_hint = false} : vector<2048x64xf32>, vector<2048x64xf32>, vector<64x64xf32> -> vector<64x64xf32>
    %add3A_126 = arith.addf %dot_general3A_123, %dot_general3A_125 : vector<64x64xf32>
    %mul3A_127 = vector.broadcast %convert_element_type3A_121 : vector<2048x1xf32> to vector<2048x64xf32>
    %mul3A_128 = arith.mulf %convert_element_type3A_20, %mul3A_127 : vector<2048x64xf32>
    %dot_general3A_129 = arith.constant dense<0.000000e+00> : vector<64x64xf32>
    %dot_general3A_130 = tpu.matmul %mul3A_128, %convert_element_type3A_115, %dot_general3A_129 {dimension_numbers = #tpu.dot_dimension_numbers<[0], [0], [1], [1], [0, 1, 1, 1], [], []>, transpose_lhs_hint = false} : vector<2048x64xf32>, vector<2048x64xf32>, vector<64x64xf32> -> vector<64x64xf32>
    %mul3A_131 = vector.broadcast %convert_element_type3A_121 : vector<2048x1xf32> to vector<2048x64xf32>
    %mul3A_132 = arith.mulf %convert_element_type3A_40, %mul3A_131 : vector<2048x64xf32>
    %dot_general3A_133 = arith.constant dense<0.000000e+00> : vector<64x64xf32>
    %dot_general3A_134 = tpu.matmul %mul3A_132, %convert_element_type3A_119, %dot_general3A_133 {dimension_numbers = #tpu.dot_dimension_numbers<[0], [0], [1], [1], [0, 1, 1, 1], [], []>, transpose_lhs_hint = false} : vector<2048x64xf32>, vector<2048x64xf32>, vector<64x64xf32> -> vector<64x64xf32>
    %add3A_135 = arith.addf %dot_general3A_130, %dot_general3A_134 : vector<64x64xf32>
    %mul3A_136 = vector.broadcast %mul3A_108 : vector<2048x1xf32> to vector<2048x64xf32>
    %mul3A_137 = arith.mulf %convert_element_type3A_20, %mul3A_136 : vector<2048x64xf32>
    %dot_general3A_138 = arith.constant dense<0.000000e+00> : vector<64x64xf32>
    %dot_general3A_139 = tpu.matmul %mul3A_137, %convert_element_type3A_115, %dot_general3A_138 {dimension_numbers = #tpu.dot_dimension_numbers<[0], [0], [1], [1], [0, 1, 1, 1], [], []>, transpose_lhs_hint = false} : vector<2048x64xf32>, vector<2048x64xf32>, vector<64x64xf32> -> vector<64x64xf32>
    %mul3A_140 = vector.broadcast %mul3A_109 : vector<2048x1xf32> to vector<2048x64xf32>
    %mul3A_141 = arith.mulf %convert_element_type3A_40, %mul3A_140 : vector<2048x64xf32>
    %dot_general3A_142 = arith.constant dense<0.000000e+00> : vector<64x64xf32>
    %dot_general3A_143 = tpu.matmul %mul3A_141, %convert_element_type3A_119, %dot_general3A_142 {dimension_numbers = #tpu.dot_dimension_numbers<[0], [0], [1], [1], [0, 1, 1, 1], [], []>, transpose_lhs_hint = false} : vector<2048x64xf32>, vector<2048x64xf32>, vector<64x64xf32> -> vector<64x64xf32>
    %add3A_144 = arith.addf %dot_general3A_139, %dot_general3A_143 : vector<64x64xf32>
    %iota3A_145 = tpu.iota {dimensions = array<i32: 0>} : vector<64x64xi32>
    %iota3A_146 = tpu.iota {dimensions = array<i32: 1>} : vector<64x64xi32>
    %mul3A_147 = arith.constant 64 : i32
    %mul3A_148 = vector.broadcast %mul3A_147 : i32 to vector<64x64xi32>
    %mul3A_149 = arith.muli %iota3A_145, %mul3A_148 : vector<64x64xi32>
    %add3A_150 = arith.addi %mul3A_149, %iota3A_146 : vector<64x64xi32>
    %convert_element_type3A_151 = arith.sitofp %add3A_150 : vector<64x64xi32> to vector<64x64xf32>
    %eq3A_152 = arith.constant 0.000000e+00 : f32
    %eq3A_153 = vector.broadcast %eq3A_152 : f32 to vector<64x64xf32>
    %eq3A_154 = arith.cmpf oeq, %add3A_126, %eq3A_153 : vector<64x64xf32>
    %jit3A_155 = arith.constant 4.096000e+03 : f32
    %broadcast_in_dim3A_156 = vector.broadcast %jit3A_155 : f32 to vector<64x64xf32>
    %select_n3A_157 = arith.select %eq3A_154, %convert_element_type3A_151, %broadcast_in_dim3A_156 : vector<64x64xi1>, vector<64x64xf32>
    %reduce_min3A_158 = vector.shape_cast %select_n3A_157 : vector<64x64xf32> to vector<1x64x64xf32>
    %reduce_min3A_159 = arith.constant dense<0x7F800000> : vector<1xf32>
    %reduce_min3A_160 = vector.multi_reduction <minimumf>, %reduce_min3A_158, %reduce_min3A_159 [1, 2] : vector<1x64x64xf32> to vector<1xf32>
    %reduce_min3A_161 = vector.shape_cast %reduce_min3A_160 : vector<1xf32> to vector<1x1x1xf32>
    %reduce_min3A_162 = vector.extract %reduce_min3A_161[0, 0, 0] : f32 from vector<1x1x1xf32>
    %min3A = arith.constant 4.095000e+03 : f32
    %min3A_163 = arith.minimumf %reduce_min3A_162, %min3A : f32
    %gt3A_164 = arith.constant 0.000000e+00 : f32
    %gt3A_165 = vector.broadcast %gt3A_164 : f32 to vector<2048x1xf32>
    %gt3A_166 = arith.cmpf ogt, %convert_element_type3A_102, %gt3A_165 : vector<2048x1xf32>
    %convert_element_type3A_167 = arith.sitofp %broadcast_in_dim3A_17 : vector<2048x1xi32> to vector<2048x1xf32>
    %mul3A_168 = arith.constant 6.400000e+01 : f32
    %mul3A_169 = vector.broadcast %mul3A_168 : f32 to vector<2048x1xf32>
    %mul3A_170 = arith.mulf %convert_element_type3A_167, %mul3A_169 : vector<2048x1xf32>
    %add3A_171 = arith.addf %mul3A_170, %broadcast_in_dim3A_94 : vector<2048x1xf32>
    %broadcast_in_dim3A_172 = vector.broadcast %min3A_163 : f32 to vector<2048x1xf32>
    %select_n3A_173 = arith.select %gt3A_166, %add3A_171, %broadcast_in_dim3A_172 : vector<2048x1xi1>, vector<2048x1xf32>
    %gt3A_174 = arith.constant 0.000000e+00 : f32
    %gt3A_175 = vector.broadcast %gt3A_174 : f32 to vector<2048x1xf32>
    %gt3A_176 = arith.cmpf ogt, %convert_element_type3A_107, %gt3A_175 : vector<2048x1xf32>
    %convert_element_type3A_177 = arith.sitofp %broadcast_in_dim3A_36 : vector<2048x1xi32> to vector<2048x1xf32>
    %mul3A_178 = arith.constant 6.400000e+01 : f32
    %mul3A_179 = vector.broadcast %mul3A_178 : f32 to vector<2048x1xf32>
    %mul3A_180 = arith.mulf %convert_element_type3A_177, %mul3A_179 : vector<2048x1xf32>
    %add3A_181 = arith.addf %mul3A_180, %broadcast_in_dim3A_98 : vector<2048x1xf32>
    %broadcast_in_dim3A_182 = vector.broadcast %min3A_163 : f32 to vector<2048x1xf32>
    %select_n3A_183 = arith.select %gt3A_176, %add3A_181, %broadcast_in_dim3A_182 : vector<2048x1xi1>, vector<2048x1xf32>
    %convert_element_type3A_184 = arith.fptosi %add3A_135 : vector<64x64xf32> to vector<64x64xi32>
    %swap3A_185 = arith.constant 0 : index
    %swap3A_186 = arith.constant 0 : index
    %swap3A_187 = vector.load %arg2[%swap3A_185, %swap3A_186] : memref<64x64xi32, #tpu.memory_space<vmem>>, vector<64x64xi32>
    tpu.vector_store %arg2[%swap3A_185, %swap3A_186], %convert_element_type3A_184 {strides = array<i32>} : memref<64x64xi32, #tpu.memory_space<vmem>>, vector<64x64xi32>,
    %swap3A_188 = arith.constant 0 : index
    %swap3A_189 = arith.constant 0 : index
    %swap3A_190 = vector.load %arg3[%swap3A_188, %swap3A_189] : memref<64x64xf32, #tpu.memory_space<vmem>>, vector<64x64xf32>
    tpu.vector_store %arg3[%swap3A_188, %swap3A_189], %add3A_144 {strides = array<i32>} : memref<64x64xf32, #tpu.memory_space<vmem>>, vector<64x64xf32>,
    %convert_element_type3A_191 = arith.fptosi %select_n3A_173 : vector<2048x1xf32> to vector<2048x1xi32>
    %swap3A_192 = arith.constant 0 : index
    %swap3A_193 = arith.constant 0 : index
    %swap3A_194 = vector.load %arg4[%swap3A_192, %swap3A_193] : memref<2048x1xi32, #tpu.memory_space<vmem>>, vector<2048x1xi32>
    tpu.vector_store %arg4[%swap3A_192, %swap3A_193], %convert_element_type3A_191 {strides = array<i32>} : memref<2048x1xi32, #tpu.memory_space<vmem>>, vector<2048x1xi32>,
    %convert_element_type3A_195 = arith.fptosi %select_n3A_183 : vector<2048x1xf32> to vector<2048x1xi32>
    %swap3A_196 = arith.constant 0 : index
    %swap3A_197 = arith.constant 0 : index
    %swap3A_198 = vector.load %arg5[%swap3A_196, %swap3A_197] : memref<2048x1xi32, #tpu.memory_space<vmem>>, vector<2048x1xi32>
    tpu.vector_store %arg5[%swap3A_196, %swap3A_197], %convert_element_type3A_195 {strides = array<i32>} : memref<2048x1xi32, #tpu.memory_space<vmem>>, vector<2048x1xi32>,
    return
  }
}

module attributes {stable_mosaic.version = 14 : i64} {
  func.func @_ffn_body(%arg0: i32, %arg1: i32, %arg2: memref<64x1024xf32, #tpu.memory_space<vmem>>, %arg3: memref<1x1024x1024xf32, #tpu.memory_space<vmem>>, %arg4: memref<1x1x1024xf32, #tpu.memory_space<vmem>>, %arg5: memref<1x1024x1024xf32, #tpu.memory_space<vmem>>, %arg6: memref<1x1x1024xf32, #tpu.memory_space<vmem>>, %arg7: memref<64x64xf32, #tpu.memory_space<vmem>>, %arg8: memref<64x1024xf32, #tpu.memory_space<vmem>>) attributes {dimension_semantics = [#tpu.dimension_semantics<arbitrary>, #tpu.dimension_semantics<arbitrary>], iteration_bounds = array<i64: 64, 2>, scalar_prefetch = 0 : i64, scratch_operands = 0 : i64, tpu.core_type = #tpu.core_type<tc>, window_params = [{transform_indices = @transform_0, window_bounds = array<i64: 64, 1024>}, {transform_indices = @transform_1, window_bounds = array<i64: 1, 1024, 1024>}, {transform_indices = @transform_2, window_bounds = array<i64: 1, 1, 1024>}, {transform_indices = @transform_3, window_bounds = array<i64: 1, 1024, 1024>}, {transform_indices = @transform_4, window_bounds = array<i64: 1, 1, 1024>}, {pipeline_mode = #tpu.pipeline_mode<synchronous>, transform_indices = @transform_5, window_bounds = array<i64: 64, 64>}, {transform_indices = @transform_6, window_bounds = array<i64: 64, 1024>}]} {
    %get3A = arith.constant 0 : index
    %get3A_0 = arith.constant 0 : index
    %get3A_1 = vector.load %arg2[%get3A, %get3A_0] : memref<64x1024xf32, #tpu.memory_space<vmem>>, vector<64x1024xf32>
    %convert_element_type3A = arith.truncf %get3A_1 : vector<64x1024xf32> to vector<64x1024xbf16>
    %get3A_2 = arith.constant 0 : index
    %get3A_3 = arith.constant 0 : index
    %get3A_4 = arith.constant 0 : index
    %get3A_5 = vector.load %arg3[%get3A_2, %get3A_3, %get3A_4] : memref<1x1024x1024xf32, #tpu.memory_space<vmem>>, vector<1x1024x1024xf32>
    %get3A_6 = vector.shape_cast %get3A_5 : vector<1x1024x1024xf32> to vector<1024x1024xf32>
    %convert_element_type3A_7 = arith.truncf %get3A_6 : vector<1024x1024xf32> to vector<1024x1024xbf16>
    %dot_general3A = arith.constant dense<0.000000e+00> : vector<64x1024xf32>
    %dot_general3A_8 = tpu.matmul %convert_element_type3A, %convert_element_type3A_7, %dot_general3A {dimension_numbers = #tpu.dot_dimension_numbers<[1], [0], [0], [1], [0, 0, 1, 1], [], []>, transpose_lhs_hint = false} : vector<64x1024xbf16>, vector<1024x1024xbf16>, vector<64x1024xf32> -> vector<64x1024xf32>
    %get3A_9 = arith.constant 0 : index
    %get3A_10 = arith.constant 0 : index
    %get3A_11 = arith.constant 0 : index
    %get3A_12 = vector.load %arg4[%get3A_9, %get3A_10, %get3A_11] : memref<1x1x1024xf32, #tpu.memory_space<vmem>>, vector<1x1x1024xf32>
    %get3A_13 = vector.shape_cast %get3A_12 : vector<1x1x1024xf32> to vector<1x1024xf32>
    %add3A = vector.broadcast %get3A_13 : vector<1x1024xf32> to vector<64x1024xf32>
    %add3A_14 = arith.addf %dot_general3A_8, %add3A : vector<64x1024xf32>
    %max3A = arith.constant 0.000000e+00 : f32
    %max3A_15 = vector.broadcast %max3A : f32 to vector<64x1024xf32>
    %max3A_16 = arith.maximumf %add3A_14, %max3A_15 : vector<64x1024xf32>
    %convert_element_type3A_17 = arith.truncf %max3A_16 : vector<64x1024xf32> to vector<64x1024xbf16>
    %get3A_18 = arith.constant 0 : index
    %get3A_19 = arith.constant 0 : index
    %get3A_20 = arith.constant 0 : index
    %get3A_21 = vector.load %arg5[%get3A_18, %get3A_19, %get3A_20] : memref<1x1024x1024xf32, #tpu.memory_space<vmem>>, vector<1x1024x1024xf32>
    %get3A_22 = vector.shape_cast %get3A_21 : vector<1x1024x1024xf32> to vector<1024x1024xf32>
    %convert_element_type3A_23 = arith.truncf %get3A_22 : vector<1024x1024xf32> to vector<1024x1024xbf16>
    %dot_general3A_24 = arith.constant dense<0.000000e+00> : vector<64x1024xf32>
    %dot_general3A_25 = tpu.matmul %convert_element_type3A_17, %convert_element_type3A_23, %dot_general3A_24 {dimension_numbers = #tpu.dot_dimension_numbers<[1], [0], [0], [1], [0, 0, 1, 1], [], []>, transpose_lhs_hint = false} : vector<64x1024xbf16>, vector<1024x1024xbf16>, vector<64x1024xf32> -> vector<64x1024xf32>
    %eq3A = arith.constant 0 : i32
    %eq3A_26 = arith.cmpi eq, %arg1, %eq3A : i32
    %convert_element_type3A_27 = arith.extui %eq3A_26 : i1 to i32
    %cond3A = arith.constant 0 : i32
    %cond3A_28 = arith.cmpi ne, %convert_element_type3A_27, %cond3A : i32
    scf.if %cond3A_28 {
      %get3A_38 = arith.constant 0 : index
      %get3A_39 = arith.constant 0 : index
      %get3A_40 = arith.constant 0 : index
      %get3A_41 = vector.load %arg6[%get3A_38, %get3A_39, %get3A_40] : memref<1x1x1024xf32, #tpu.memory_space<vmem>>, vector<1x1x1024xf32>
      %get3A_42 = vector.shape_cast %get3A_41 : vector<1x1x1024xf32> to vector<1x1024xf32>
      %add3A_43 = vector.broadcast %get3A_42 : vector<1x1024xf32> to vector<64x1024xf32>
      %add3A_44 = arith.addf %dot_general3A_25, %add3A_43 : vector<64x1024xf32>
      %swap3A = arith.constant 0 : index
      %swap3A_45 = arith.constant 0 : index
      %swap3A_46 = vector.load %arg8[%swap3A, %swap3A_45] : memref<64x1024xf32, #tpu.memory_space<vmem>>, vector<64x1024xf32>
      tpu.vector_store %arg8[%swap3A, %swap3A_45], %add3A_44 {strides = array<i32>} : memref<64x1024xf32, #tpu.memory_space<vmem>>, vector<64x1024xf32>,
    } else {
    }
    %gt3A = arith.constant 0 : i32
    %gt3A_29 = arith.cmpi sgt, %arg1, %gt3A : i32
    %convert_element_type3A_30 = arith.extui %gt3A_29 : i1 to i32
    %cond3A_31 = arith.constant 0 : i32
    %cond3A_32 = arith.cmpi ne, %convert_element_type3A_30, %cond3A_31 : i32
    scf.if %cond3A_32 {
      %get3A_38 = arith.constant 0 : index
      %get3A_39 = arith.constant 0 : index
      %get3A_40 = vector.load %arg8[%get3A_38, %get3A_39] : memref<64x1024xf32, #tpu.memory_space<vmem>>, vector<64x1024xf32>
      %add3A_41 = arith.addf %get3A_40, %dot_general3A_25 : vector<64x1024xf32>
      %swap3A = arith.constant 0 : index
      %swap3A_42 = arith.constant 0 : index
      %swap3A_43 = vector.load %arg8[%swap3A, %swap3A_42] : memref<64x1024xf32, #tpu.memory_space<vmem>>, vector<64x1024xf32>
      tpu.vector_store %arg8[%swap3A, %swap3A_42], %add3A_41 {strides = array<i32>} : memref<64x1024xf32, #tpu.memory_space<vmem>>, vector<64x1024xf32>,
    } else {
    }
    %eq3A_33 = arith.constant 1 : i32
    %eq3A_34 = arith.cmpi eq, %arg1, %eq3A_33 : i32
    %convert_element_type3A_35 = arith.extui %eq3A_34 : i1 to i32
    %cond3A_36 = arith.constant 0 : i32
    %cond3A_37 = arith.cmpi ne, %convert_element_type3A_35, %cond3A_36 : i32
    scf.if %cond3A_37 {
      %get3A_38 = arith.index_cast %arg0 : i32 to index
      %get3A_39 = arith.constant 0 : index
      %get3A_40 = vector.load %arg7[%get3A_38, %get3A_39] : memref<64x64xf32, #tpu.memory_space<vmem>>, vector<1x64xf32>
      %iota3A = tpu.iota {dimensions = array<i32: 0>} : vector<64x64xi32>
      %iota3A_41 = tpu.iota {dimensions = array<i32: 1>} : vector<64x64xi32>
      %eq3A_42 = arith.cmpi eq, %iota3A, %iota3A_41 : vector<64x64xi32>
      %broadcast_in_dim3A = vector.shape_cast %get3A_40 : vector<1x64xf32> to vector<1x64xf32>
      %broadcast_in_dim3A_43 = vector.broadcast %broadcast_in_dim3A : vector<1x64xf32> to vector<64x64xf32>
      %jit3A = arith.constant 0.000000e+00 : f32
      %broadcast_in_dim3A_44 = vector.broadcast %jit3A : f32 to vector<64x64xf32>
      %select_n3A = arith.select %eq3A_42, %broadcast_in_dim3A_43, %broadcast_in_dim3A_44 : vector<64x64xi1>, vector<64x64xf32>
      %get3A_45 = arith.constant 0 : index
      %get3A_46 = arith.constant 0 : index
      %get3A_47 = vector.load %arg8[%get3A_45, %get3A_46] : memref<64x1024xf32, #tpu.memory_space<vmem>>, vector<64x1024xf32>
      %dot_general3A_48 = arith.constant dense<0.000000e+00> : vector<64x1024xf32>
      %dot_general3A_49 = tpu.matmul %select_n3A, %get3A_47, %dot_general3A_48 {dimension_numbers = #tpu.dot_dimension_numbers<[1], [0], [0], [1], [0, 0, 1, 1], [], []>, transpose_lhs_hint = false} : vector<64x64xf32>, vector<64x1024xf32>, vector<64x1024xf32> -> vector<64x1024xf32>
      %swap3A = arith.constant 0 : index
      %swap3A_50 = arith.constant 0 : index
      %swap3A_51 = vector.load %arg8[%swap3A, %swap3A_50] : memref<64x1024xf32, #tpu.memory_space<vmem>>, vector<64x1024xf32>
      tpu.vector_store %arg8[%swap3A, %swap3A_50], %dot_general3A_49 {strides = array<i32>} : memref<64x1024xf32, #tpu.memory_space<vmem>>, vector<64x1024xf32>,
    } else {
    }
    return
  }
  func.func @transform_0(%arg0: i32, %arg1: i32) -> (i32, i32) {
    %c0_i32 = arith.constant 0 : i32
    %c0_i32_0 = arith.constant 0 : i32
    return %arg0, %c0_i32 : i32, i32
  }
  func.func @transform_1(%arg0: i32, %arg1: i32) -> (i32, i32, i32) {
    %c0_i32 = arith.constant 0 : i32
    %c0_i32_0 = arith.constant 0 : i32
    return %arg0, %c0_i32, %arg1 : i32, i32, i32
  }
  func.func @transform_2(%arg0: i32, %arg1: i32) -> (i32, i32, i32) {
    %c0_i32 = arith.constant 0 : i32
    %c0_i32_0 = arith.constant 0 : i32
    return %arg0, %c0_i32, %arg1 : i32, i32, i32
  }
  func.func @transform_3(%arg0: i32, %arg1: i32) -> (i32, i32, i32) {
    %c0_i32 = arith.constant 0 : i32
    %c0_i32_0 = arith.constant 0 : i32
    return %arg0, %arg1, %c0_i32 : i32, i32, i32
  }
  func.func @transform_4(%arg0: i32, %arg1: i32) -> (i32, i32, i32) {
    %c0_i32 = arith.constant 0 : i32
    %c0_i32_0 = arith.constant 0 : i32
    %c0_i32_1 = arith.constant 0 : i32
    return %arg0, %c0_i32, %c0_i32_0 : i32, i32, i32
  }
  func.func @transform_5(%arg0: i32, %arg1: i32) -> (i32, i32) {
    %c0_i32 = arith.constant 0 : i32
    %c0_i32_0 = arith.constant 0 : i32
    %c0_i32_1 = arith.constant 0 : i32
    return %c0_i32, %c0_i32_0 : i32, i32
  }
  func.func @transform_6(%arg0: i32, %arg1: i32) -> (i32, i32) {
    %c0_i32 = arith.constant 0 : i32
    %c0_i32_0 = arith.constant 0 : i32
    return %arg0, %c0_i32 : i32, i32
  }
}

</mosaic_0001>

<sc_bundles>
// kernel: kernel.6.cloned.1.call-start
scs
__scs_entry_jumppad:
0x0: {  	(pc) =	sbr.rel $0x88, $3  }
0x1: {  	(tag) =	ssettag $0x0;
	lr =	simm.s32 $0x1  }
0x2: {  	[smem:$0x3F9B] =	sst lr;
	_ =	strace $0xD0000000  }
0x3: {  	_ = 	snop  }
0x4: {  	_ = 	snop  }
0x5: {  	_ = 	snop  }
0x6: {  	_ = 	snop  }
0x7: {  	_ = 	snop  }
__scs_overlays_trampoline_lowered:
0x8: {  	[smem:$0x3FAA] =	sst s0  }
0x9: {  	[smem:$0x3FAB] =	sst s1  }
0xa: {  	[smem:$0x3FAC] =	sst s2  }
0xb: {  	[smem:$0x3FAD] =	sst s3  }
0xc: {  	[smem:$0x3FAE] =	sst s4  }
0xd: {  	[smem:$0x3FAF] =	sst s5  }
0xe: {  	[smem:$0x3FB0] =	sst s6  }
0xf: {  	[smem:$0x3FB1] =	sst s7  }
0x10: {  	[smem:$0x3FB2] =	sst s8  }
0x11: {  	[smem:$0x3FB3] =	sst s9;
	s0 =	simm.s32 @!p0 $0x0  }
0x12: {  	s1 =	sld [smem:$0x3F99];
	s0 =	simm.s32 @p0 $0x1  }
0x13: {  	[smem:$0x3FB4] =	sst s0;
	s0 =	simm.s32 @!p1 $0x0  }
0x14: {  	s2 =	sld [smem:$0x3F98];
	s0 =	simm.s32 @p1 $0x1  }
0x15: {  	[smem:$0x3FB5] =	sst s0;
	s0 =	simm.s32 @!p2 $0x0  }
0x16: {  	s3 =	sld [smem:$0x3FDB];
	s0 =	simm.s32 @p2 $0x1  }
0x17: {  	s4 =	simm.s32 $0x1BF5;
	[smem:$0x3FB7] =	sst s0  }
0x18: {  	s0 =	sld [smem:$0x3F9A];
	_ =	swait.ge [sflag:s4], $0x0  }
0x19: {  	s7 =	sld [smem:$0x3F9B]  }
0x1a: {  	s8 =	sadd.s32 $0xFFFFE003, lr  }
0x1b: {  	s9 =	sadd.s32 $0xFFFFFEF7, lr;
	s5 =	simm.s32 $0xFFFFFFFF;
	p2 =	slt.u32 s8, $0xFFFFF086  }
0x1c: {  	p1 =	slt.u32 s9, $0xF7A;
	s5 =	simm.s32 @!p2 $0x0  }
0x1d: {  	s5 =	simm.s32 @p1 $0x1;
	p0 =	seq.s32 s7, s2  }
0x1e: {  	s7 =	smul.u32 @!p0 $0xF7A, s2;
	p2 =	seq.s32 @!p0 s5, $0x0  }
0x1f: {  	s9 =	smul.u32 $0xF7A, s1;
	s8 =	simm.s32 @!p0 $0x1BF5;
	p2 =	por !p2, p0  }
0x20: {  	[sflag:s8] =	ssyncset.s32 @!p0 $0xFFFFF086;
	s6 =	sadd.s32 @!p0 s3, s7;
	s7 =	simm.s32 @!p0 $0x108  }
0x21: {  	s3 =	sadd.s32 s3, s9;
	s6 =	sadd.s32 @!p0 $0x88, s6;
	s7 =	simm.s32 @p2 $0x1082  }
0x22: {  	[simem:s7], [sflag:s8] =	dma.local @!p0 [hbm:s6], $0xF7A  }
0x23: {  	s9 =	sor.u32 $0xD0000000, s2;
	s6 =	simm.s32 $0x108;
	_ =	swait.ge @!p0 [sflag:s8], $0x0  }
0x24: {  	s3 =	sadd.s32 $0x88, s3;
	s6 =	simm.s32 @!p1 $0x1082;
	[sflag:s4] =	ssyncset.s32 $0xFFFFF086  }
0x25: {  	[simem:s6], [sflag:s4] =	dma.local [hbm:s3], $0xF7A  }
0x26: {  	[smem:$0x3F9B] =	sst s1;
	(tag) =	ssettag s2;
	_ =	strace s9  }
0x27: {  	s1 =	sld [smem:$0x3FAB]  }
0x28: {  	s2 =	sld [smem:$0x3FAC]  }
0x29: {  	s4 =	sld [smem:$0x3FAE]  }
0x2a: {  	p0 =	seq.s32 s5, $0x0;
	s5 =	sld [smem:$0x3FAF]  }
0x2b: {  	s6 =	sld [smem:$0x3FB0]  }
0x2c: {  	s7 =	sld [smem:$0x3FB1]  }
0x2d: {  	s3 =	simm.s32 $0x108;
	s8 =	sld [smem:$0x3FB2]  }
0x2e: {  	s3 =	simm.s32 @!p0 $0x1082;
	s9 =	sld [smem:$0x3FB3]  }
0x2f: {  	lr =	sadd.s32 s0, s3;
	s0 =	sld [smem:$0x3FAA]  }
0x30: {  	s3 =	sld [smem:$0x3FAD]  }
0x31: {  	[smem:$0x3FB6] =	sst s10  }
0x32: {  	s10 =	sld [smem:$0x3FB4];
	_ =	sdelay $0x3  }
0x33: {  	p0 =	seq.s32 s10, $0x1;
	s10 =	sld [smem:$0x3FB6];
	_ =	sdelay $0x3  }
0x34: {  	[smem:$0x3FB6] =	sst s10  }
0x35: {  	s10 =	sld [smem:$0x3FB5];
	_ =	sdelay $0x3  }
0x36: {  	p1 =	seq.s32 s10, $0x1;
	s10 =	sld [smem:$0x3FB6];
	_ =	sdelay $0x3  }
0x37: {  	[smem:$0x3FB6] =	sst s10  }
0x38: {  	s10 =	sld [smem:$0x3FB7]  }
0x39: {  	_ = 	snop;
	(pc) =	sbr.ind lr, $3  }
0x3a: {  	_ = 	snop  }
0x3b: {  	_ = 	snop  }
0x3c: {  	p2 =	seq.s32 s10, $0x1;
	s10 =	sld [smem:$0x3FB6]  }
0x3d: {  	_ =	shalt  }
0x3e: {  	_ =	shalt  }
0x3f: {  	_ =	shalt  }
0x40: {  	_ =	shalt  }
0x41: {  	_ =	shalt  }
0x42: {  	_ =	shalt  }
0x43: {  	_ =	shalt  }
0x44: {  	_ =	shalt  }
0x45: {  	_ =	shalt  }
0x46: {  	_ =	shalt  }
0x47: {  	_ =	shalt  }
0x48: {  	_ =	shalt  }
0x49: {  	_ =	shalt  }
0x4a: {  	_ =	shalt  }
0x4b: {  	_ =	shalt  }
0x4c: {  	_ =	shalt  }
0x4d: {  	_ =	shalt  }
0x4e: {  	_ =	shalt  }
0x4f: {  	_ =	shalt  }
0x50: {  	_ =	shalt  }
0x51: {  	_ =	shalt  }
0x52: {  	_ =	shalt  }
0x53: {  	_ =	shalt  }
0x54: {  	_ =	shalt  }
0x55: {  	_ =	shalt  }
0x56: {  	_ =	shalt  }
0x57: {  	_ =	shalt  }
0x58: {  	_ =	shalt  }
0x59: {  	_ =	shalt  }
0x5a: {  	_ =	shalt  }
0x5b: {  	_ =	shalt  }
0x5c: {  	_ =	shalt  }
0x5d: {  	_ =	shalt  }
0x5e: {  	_ =	shalt  }
0x5f: {  	_ =	shalt  }
0x60: {  	_ =	shalt  }
0x61: {  	_ =	shalt  }
0x62: {  	_ =	shalt  }
0x63: {  	_ =	shalt  }
0x64: {  	_ =	shalt  }
0x65: {  	_ =	shalt  }
0x66: {  	_ =	shalt  }
0x67: {  	_ =	shalt  }
0x68: {  	_ =	shalt  }
0x69: {  	_ =	shalt  }
0x6a: {  	_ =	shalt  }
0x6b: {  	_ =	shalt  }
0x6c: {  	_ =	shalt  }
0x6d: {  	_ =	shalt  }
0x6e: {  	_ =	shalt  }
0x6f: {  	_ =	shalt  }
0x70: {  	_ =	shalt  }
0x71: {  	_ =	shalt  }
0x72: {  	_ =	shalt  }
0x73: {  	_ =	shalt  }
0x74: {  	_ =	shalt  }
0x75: {  	_ =	shalt  }
0x76: {  	_ =	shalt  }
0x77: {  	_ =	shalt  }
0x78: {  	_ =	shalt  }
0x79: {  	_ =	shalt  }
0x7a: {  	_ =	shalt  }
0x7b: {  	_ =	shalt  }
0x7c: {  	_ =	shalt  }
0x7d: {  	_ =	shalt  }
0x7e: {  	_ =	shalt  }
0x7f: {  	_ =	shalt  }
0x80: {  	_ =	shalt  }
0x81: {  	_ =	shalt  }
0x82: {  	_ =	shalt  }
0x83: {  	_ =	shalt  }
0x84: {  	_ =	shalt  }
0x85: {  	_ =	shalt  }
0x86: {  	_ =	shalt  }
0x87: {  	_ =	shalt  }
.Lfunc_end0:
.L_simem_size_0:
called_computation_lowered:
.L_overlay_start_0:
0x88: {  	s2 =	sld [smem:$0x3FD9]  }
0x89: {  	s3 =	sld [smem:$0x3FFE];
	_ =	sdelay $0x1  }
0x8a: {  	s1 =	srdreg.scid  }
0x8b: {  	s0 =	sand.u32 $0x1, s1  }
0x8c: {  	s14 =	sshll.u32 s0, $0xA;
	s2 =	sadd.s32 s3, s2  }
0x8d: {  	s2 =	sadd.s32 s2, s14  }
0x8e: {  	[smem:$0x3FC2] =	sst s2  }
0x8f: {  	_ = 	snop  }
0x90: {  	s2 =	sld [smem:$0x3FD0];
	_ =	sdelay $0x2  }
0x91: {  	s4 =	simm.s32 $0xA;
	s5 =	simm.s32 $0x10;
	s15 =	sld [smem:$0x3FC9]  }
0x92: {  	[smem:s5], [sflag:s4] =	dma.local [hbm:s2], $0x1  }
0x93: {  	_ =	swait.eq [sflag:s4], $0x1  }
0x94: {  	[sflag:s4] =	ssyncset.done $0x0  }
0x95: {  	[sflag:s4] =	ssyncadd.s32 $0xFFFFFFFF  }
0x96: {  	s16 =	sld [smem:$0x10];
	(tm) =	ssettm $0x1  }
0x97: {  	s17 =	sld [smem:$0x3FFB];
	_ =	sdelay $0x3  }
0x98: {  	_ =	strace s17  }
0x99: {  	s4 =	sld [smem:$0x3FFC];
	_ =	sdelay $0x3  }
0x9a: {  	_ =	strace s4  }
0x9b: {  	s4 =	sld [smem:$0x3FFD];
	_ =	sdelay $0x3  }
0x9c: {  	_ =	strace s4  }
0x9d: {  	_ =	strace $0x8FFFFFFF  }
0x9e: {  	s18 =	sld [smem:$0x3FDB];
	_ =	sdelay $0x1  }
0x9f: {  	s19 =	simm.s32 $_scs_section_size  }
0xa0: {  	s6 =	simm.s32 $_size__tile_overlayer_lowered;
	s7 =	simm.s32 $_tile_overlayer_lowered  }
0xa1: {  	s22 =	simm.s32 $0x1BFF;
	s21 =	sshll.u32 s7, $0x1;
	s4 =	sadd.s32 s19, s18  }
0xa2: {  	s8 =	simm.s32 $0x0;
	s20 =	sshll.u32 s6, $0x1;
	s6 =	sadd.s32 s21, s4  }
0xa3: {  	[timem:s8], [sflag:s22] =	dma.local [hbm:s6], s20  }
0xa4: {  	_ =	swait.ge [sflag:s22], s20  }
0xa5: {  	s5 =	ssub.s32 $0x0, s20;
	[sflag:s22] =	ssyncset.done $0x0  }
0xa6: {  	[sflag:s22] =	ssyncadd.s32 s5;
	_ =	sdelay $0x1  }
0xa7: {  	s23 =	simm.s32 $0x1B8B  }
0xa8: {  	_ =	swait.ge [sflag:s23], $0x1  }
0xa9: {  	[sflag:s23] =	ssyncset.done $0x0  }
0xaa: {  	s25 =	simm.s32 $0x1B8E;
	s24 =	sld [smem:$0x3FFE];
	[sflag:s23] =	ssyncadd.s32 $0xFFFFFFFF  }
0xab: {  	s26 =	simm.s32 $execute0_lowered;
	[smem:$0x3FD2] =	sst s25  }
0xac: {  	s6 =	sshll.u32 s26, $0x1;
	_ =	strace $0x80000046;
	[dreg:$0x1] =	wrdreg $0xFFFFFFFF  }
0xad: {  	s28 =	simm.s32 $_size_execute0_lowered;
	s4 =	sadd.s32 s4, s6;
	[dreg:$0x0] =	wrdreg $0x0  }
0xae: {  	s6 =	sshll.u32 s28, $0x1;
	[dreg:$0x2] =	wrdreg s4  }
0xaf: {  	[dreg:$0x3] =	wrdreg s6  }
0xb0: {  	[dreg:$0x4] =	wrdreg $0xC0  }
0xb1: {  	_ =	task [dreg:s8], $0x5FFFF  }
0xb2: {  	[dreg:$0x1] =	wrdreg $0xFFFFFFFF  }
0xb3: {  	[dreg:$0x0] =	wrdreg $0x60  }
0xb4: {  	[dreg:$0x2] =	wrdreg s15  }
0xb5: {  	[dreg:$0x3] =	wrdreg s16  }
0xb6: {  	[dreg:$0x4] =	wrdreg s24  }
0xb7: {  	[dreg:$0x5] =	wrdreg $0x9  }
0xb8: {  	_ =	task.clear_ibuf [dreg:s8], $0x6FFFF;
	_ =	strace $0x90000046  }
0xb9: {  	s29 =	simm.s32 $0x9;
	_ =	strace $0x80000048  }
0xba: {  	_ =	swait.ge [sflag:s29], $0x1  }
0xbb: {  	[sflag:s29] =	ssyncadd.s32 $0xFFFFFFFF  }
0xbc: {  	_ =	strace $0x90000048  }
0xbd: {  	_ =	sfence  }
0xbe: {  	s30 =	sld [smem:$0x0];
	_ =	sdelay $0x2  }
0xbf: {  	s31 =	sshll.u32 s1, $0xD;
	s1 =	sshrl.u32 s1, $0x2  }
0xc0: {  	s3 =	sand.u32 $0x4000, s31;
	s1 =	sadd.s32 s1, s30  }
0xc1: {  	s0 =	sor.u32 s3, s0;
	s1 =	sshll.u32 s1, $0x11  }
0xc2: {  	s0 =	sor.u32 s1, s0  }
0xc3: {  	s0 =	sadd.s32 $0x8F2B, s0  }
0xc4: {  	[sflag:s0] =	ssyncadd.remote.s32 $0x1  }
0xc5: {  	_ =	sfence.sel $0xFFFF  }
0xc6: {  	[dreg:$0x0] =	wrdreg $0xFFFFFFFF;
	(pc) =	sbr.abs _section_cstart, $3  }
0xc7: {  	[dreg:$0x1] =	wrdreg $0xFFFFFFFF  }
0xc8: {  	_ =	task.clear_ibuf [dreg:s8], $0x2FFFF;
	_ =	strace $0x9FFFFFFF  }
0xc9: {  	(tm) =	ssettm $0x7FFFFFFF  }
tec
execute0_lowered:
.L_overlay_start_1:
0x0: {  	(tag) =	ssettag $0x1  }
0x1: {  	s1 =	rddreg [dreg:$0x0];
	s0 =	srdreg.scid  }
0x2: {  	s2 =	rddreg [dreg:$0x1];
	s3 =	stileid.u32  }
0x3: {  	s4 =	rddreg [dreg:$0x2];
	s18 =	simm.s32 $0x1;
	s20 =	simm.s32 $0x880  }
0x4: {  	s21 =	simm.s32 $0x1080;
	s22 =	simm.s32 $0x1880;
	s23 =	simm.s32 $0x2080  }
0x5: {  	s28 =	simm.s32 $0x4080;
	s29 =	simm.s32 $0x4880;
	s30 =	simm.s32 $0x5080  }
0x6: {  	s31 =	simm.s32 $0x5880;
	s10 =	simm.s32 $0x7080;
	s11 =	simm.s32 $0x7880  }
0x7: {  	s12 =	simm.s32 $0x8080;
	s13 =	simm.s32 $0x8880;
	s14 =	simm.s32 $0x9080  }
0x8: {  	s15 =	simm.s32 $0x9880;
	s16 =	simm.s32 $0xA080;
	s17 =	simm.s32 $0xA880  }
0x9: {  	s0 =	sand.u32 $0x1, s0;
	s5 =	sshll.u32 s3, $0x8;
	s3 =	simm.s32 $0x0  }
0xa: {  	s8 =	sadd.s32 $0x800, s4;
	s4 =	sadd.s32 $0x100, s1;
	s6 =	sshll.u32 s0, $0x7  }
0xb: {  	[smem:$0x7FF] =	sst s3;
	s0 =	ssub.s32 $0x2, s0;
	s5 =	sor.u32 s6, s5  }
0xc: {  	_ =	strace $0x80000047;
	s7 =	sshrl.u32 s0, $0x1;
	s6 =	sshrl.u32 s5, $0x3  }
0xd: {  	s0 =	ssub.s32 s0, s7;
	s24 =	sshll.u32 s5, $0x7;
	s25 =	sor.u32 $0x40, s5  }
0xe: {  	s5 =	sadd.s32 $0x200, s1;
	s6 =	sadd.s32 s2, s6;
	s9 =	sshrl.u32 s25, $0x3  }
0xf: {  	s7 =	sshll.u32 s25, $0x7;
	s25 =	simm.s32 $0x3080;
	[dreg:$0x4] =	wrdreg s6  }
0x10: {  	s6 =	sadd.s32 s8, s24;
	s2 =	sadd.s32 s2, s9;
	s26 =	sadd.s32 s8, s7  }
0x11: {  	v2 =	vlaneseq.u32;
	s7 =	smax.u32 s0, $0x1;
	s8 =	simm.s32 $0x2;
	[dreg:$0x5] =	wrdreg s6  }
0x12: {  	vm0 =	vmmov $0xffff;
	v1 =	vshrl.u32 v2, $0x3;
	s0 =	simm.s32 $0x80;
	s24 =	simm.s32 $0x2880;
	[dreg:$0x6] =	wrdreg s2  }
0x13: {  	v0 =	vand.u32 $0x7, v2;
	v2 =	vor.u32 $0x8, v2;
	v1 =	vmul.u32 $0x8, v1;
	s6 =	sadd.s32 $0x300, s1;
	[dreg:$0x7] =	wrdreg s26;
	s26 =	simm.s32 $0x3880  }
.LBB2_1:
0x14: {  	s19 =	rddreg [dreg:$0x4]  }
0x15: {  	[tilespmem:s3], [sflag:$0x2] =	stream.linear.gather [hbm4b:s19+s3], $0x40, $0x38;
	[tilespmem:$0x10080] =	vst v63  }
0x16: {  	_ =	swait.ge [sflag:s8], $0x40  }
0x17: {  	[sflag:s8] =	ssyncset.done $0x0  }
0x18: {  	[sflag:s8] =	ssyncadd.s32 $0xFFFFFFC0  }
0x19: {  	v3 =	vld [tilespmem:$0x0];
	_ =	sdelay $0x4  }
0x1a: {  	v4 =	vshll.u32 v3, $0x3  }
0x1b: {  	v3 =	vand.u32 $0x7, v3;
	v4 =	vand.u32 $0xFFFFFFC0, v4  }
0x1c: {  	v3 =	vor.u32 v3, v4  }
0x1d: {  	v4 =	vperm.xlane v3, v0;
	_ =	sdelay $0x1  }
0x1e: {  	v4 =	vadd.s32 v1, v4;
	_ =	sdelay $0x4  }
0x1f: {  	[tilespmem:s0], [sflag:$0x1] =	stream.indirect_vreg.gather [hbm4b:s1+s3], $0x80, v4, vm0, $0xb8;
	[tilespmem:$0x10080] =	vst v63  }
0x20: {  	v3 =	vperm.xlane v3, v2  }
0x21: {  	[tilespmem:s20], [sflag:$0x1] =	stream.indirect_vreg.gather [hbm4b:s4+s3], $0x80, v4, vm0, $0xb8;
	[tilespmem:$0x10080] =	vst v63  }
0x22: {  	v3 =	vadd.s32 v1, v3  }
0x23: {  	[tilespmem:s21], [sflag:$0x1] =	stream.indirect_vreg.gather [hbm4b:s5+s3], $0x80, v4, vm0, $0xb8;
	[tilespmem:$0x10080] =	vst v63  }
0x24: {  	_ = 	snop  }
0x25: {  	[tilespmem:s22], [sflag:$0x1] =	stream.indirect_vreg.gather [hbm4b:s6+s3], $0x80, v4, vm0, $0xb8;
	[tilespmem:$0x10080] =	vst v63  }
0x26: {  	_ = 	snop  }
0x27: {  	[tilespmem:s23], [sflag:$0x1] =	stream.indirect_vreg.gather [hbm4b:s1+s3], $0x80, v3, vm0, $0xb8;
	[tilespmem:$0x10080] =	vst v63  }
0x28: {  	_ = 	snop  }
0x29: {  	[tilespmem:s24], [sflag:$0x1] =	stream.indirect_vreg.gather [hbm4b:s4+s3], $0x80, v3, vm0, $0xb8;
	[tilespmem:$0x10080] =	vst v63  }
0x2a: {  	_ = 	snop  }
0x2b: {  	[tilespmem:s25], [sflag:$0x1] =	stream.indirect_vreg.gather [hbm4b:s5+s3], $0x80, v3, vm0, $0xb8;
	[tilespmem:$0x10080] =	vst v63  }
0x2c: {  	_ = 	snop  }
0x2d: {  	[tilespmem:s26], [sflag:$0x1] =	stream.indirect_vreg.gather [hbm4b:s6+s3], $0x80, v3, vm0, $0xb8;
	[tilespmem:$0x10080] =	vst v63  }
0x2e: {  	v3 =	vld [tilespmem:$0x10];
	_ =	sdelay $0x4  }
0x2f: {  	v57 =	vshll.u32 v3, $0x3  }
0x30: {  	v3 =	vand.u32 $0x7, v3;
	v4 =	vand.u32 $0xFFFFFFC0, v57  }
0x31: {  	v3 =	vor.u32 v3, v4  }
0x32: {  	v4 =	vperm.xlane v3, v0;
	_ =	sdelay $0x1  }
0x33: {  	v4 =	vadd.s32 v1, v4;
	_ =	sdelay $0x4  }
0x34: {  	[tilespmem:s28], [sflag:$0x1] =	stream.indirect_vreg.gather [hbm4b:s1+s3], $0x80, v4, vm0, $0xb8;
	[tilespmem:$0x10080] =	vst v63  }
0x35: {  	v3 =	vperm.xlane v3, v2  }
0x36: {  	[tilespmem:s29], [sflag:$0x1] =	stream.indirect_vreg.gather [hbm4b:s4+s3], $0x80, v4, vm0, $0xb8;
	[tilespmem:$0x10080] =	vst v63  }
0x37: {  	v3 =	vadd.s32 v1, v3  }
0x38: {  	[tilespmem:s30], [sflag:$0x1] =	stream.indirect_vreg.gather [hbm4b:s5+s3], $0x80, v4, vm0, $0xb8;
	[tilespmem:$0x10080] =	vst v63  }
0x39: {  	_ = 	snop  }
0x3a: {  	[tilespmem:s31], [sflag:$0x1] =	stream.indirect_vreg.gather [hbm4b:s6+s3], $0x80, v4, vm0, $0xb8;
	[tilespmem:$0x10080] =	vst v63  }
0x3b: {  	s2 =	simm.s32 $0x6080  }
0x3c: {  	[tilespmem:s2], [sflag:$0x1] =	stream.indirect_vreg.gather [hbm4b:s1+s3], $0x80, v3, vm0, $0xb8;
	[tilespmem:$0x10080] =	vst v63  }
0x3d: {  	s9 =	simm.s32 $0x6880  }
0x3e: {  	[tilespmem:s9], [sflag:$0x1] =	stream.indirect_vreg.gather [hbm4b:s4+s3], $0x80, v3, vm0, $0xb8;
	[tilespmem:$0x10080] =	vst v63  }
0x3f: {  	_ = 	snop  }
0x40: {  	[tilespmem:s10], [sflag:$0x1] =	stream.indirect_vreg.gather [hbm4b:s5+s3], $0x80, v3, vm0, $0xb8;
	[tilespmem:$0x10080] =	vst v63  }
0x41: {  	_ = 	snop  }
0x42: {  	[tilespmem:s11], [sflag:$0x1] =	stream.indirect_vreg.gather [hbm4b:s6+s3], $0x80, v3, vm0, $0xb8;
	[tilespmem:$0x10080] =	vst v63  }
0x43: {  	v3 =	vld [tilespmem:$0x20];
	_ =	sdelay $0x4  }
0x44: {  	v58 =	vshll.u32 v3, $0x3  }
0x45: {  	v3 =	vand.u32 $0x7, v3;
	v4 =	vand.u32 $0xFFFFFFC0, v58  }
0x46: {  	v3 =	vor.u32 v3, v4  }
0x47: {  	v4 =	vperm.xlane v3, v0;
	_ =	sdelay $0x1  }
0x48: {  	v4 =	vadd.s32 v1, v4;
	_ =	sdelay $0x4  }
0x49: {  	[tilespmem:s12], [sflag:$0x1] =	stream.indirect_vreg.gather [hbm4b:s1+s3], $0x80, v4, vm0, $0xb8;
	[tilespmem:$0x10080] =	vst v63  }
0x4a: {  	v3 =	vperm.xlane v3, v2  }
0x4b: {  	[tilespmem:s13], [sflag:$0x1] =	stream.indirect_vreg.gather [hbm4b:s4+s3], $0x80, v4, vm0, $0xb8;
	[tilespmem:$0x10080] =	vst v63  }
0x4c: {  	v3 =	vadd.s32 v1, v3  }
0x4d: {  	[tilespmem:s14], [sflag:$0x1] =	stream.indirect_vreg.gather [hbm4b:s5+s3], $0x80, v4, vm0, $0xb8;
	[tilespmem:$0x10080] =	vst v63  }
0x4e: {  	_ = 	snop  }
0x4f: {  	[tilespmem:s15], [sflag:$0x1] =	stream.indirect_vreg.gather [hbm4b:s6+s3], $0x80, v4, vm0, $0xb8;
	[tilespmem:$0x10080] =	vst v63  }
0x50: {  	_ = 	snop  }
0x51: {  	[tilespmem:s16], [sflag:$0x1] =	stream.indirect_vreg.gather [hbm4b:s1+s3], $0x80, v3, vm0, $0xb8;
	[tilespmem:$0x10080] =	vst v63  }
0x52: {  	_ = 	snop  }
0x53: {  	[tilespmem:s17], [sflag:$0x1] =	stream.indirect_vreg.gather [hbm4b:s4+s3], $0x80, v3, vm0, $0xb8;
	[tilespmem:$0x10080] =	vst v63  }
0x54: {  	s9 =	simm.s32 $0xB080  }
0x55: {  	[tilespmem:s9], [sflag:$0x1] =	stream.indirect_vreg.gather [hbm4b:s5+s3], $0x80, v3, vm0, $0xb8;
	[tilespmem:$0x10080] =	vst v63  }
0x56: {  	s19 =	simm.s32 $0xB880  }
0x57: {  	[tilespmem:s19], [sflag:$0x1] =	stream.indirect_vreg.gather [hbm4b:s6+s3], $0x80, v3, vm0, $0xb8;
	[tilespmem:$0x10080] =	vst v63  }
0x58: {  	v3 =	vld [tilespmem:$0x30];
	_ =	sdelay $0x4  }
0x59: {  	v59 =	vshll.u32 v3, $0x3  }
0x5a: {  	v3 =	vand.u32 $0x7, v3;
	v4 =	vand.u32 $0xFFFFFFC0, v59  }
0x5b: {  	v3 =	vor.u32 v3, v4  }
0x5c: {  	v4 =	vperm.xlane v3, v0;
	_ =	sdelay $0x1  }
0x5d: {  	v4 =	vadd.s32 v1, v4;
	_ =	sdelay $0x3  }
0x5e: {  	s19 =	simm.s32 $0xC080  }
0x5f: {  	[tilespmem:s19], [sflag:$0x1] =	stream.indirect_vreg.gather [hbm4b:s1+s3], $0x80, v4, vm0, $0xb8;
	[tilespmem:$0x10080] =	vst v63  }
0x60: {  	v3 =	vperm.xlane v3, v2;
	s19 =	simm.s32 $0xC880  }
0x61: {  	[tilespmem:s19], [sflag:$0x1] =	stream.indirect_vreg.gather [hbm4b:s4+s3], $0x80, v4, vm0, $0xb8;
	[tilespmem:$0x10080] =	vst v63  }
0x62: {  	v3 =	vadd.s32 v1, v3;
	s19 =	simm.s32 $0xD080  }
0x63: {  	[tilespmem:s19], [sflag:$0x1] =	stream.indirect_vreg.gather [hbm4b:s5+s3], $0x80, v4, vm0, $0xb8;
	[tilespmem:$0x10080] =	vst v63  }
0x64: {  	s19 =	simm.s32 $0xD880  }
0x65: {  	[tilespmem:s19], [sflag:$0x1] =	stream.indirect_vreg.gather [hbm4b:s6+s3], $0x80, v4, vm0, $0xb8;
	[tilespmem:$0x10080] =	vst v63  }
0x66: {  	s19 =	simm.s32 $0xE080  }
0x67: {  	[tilespmem:s19], [sflag:$0x1] =	stream.indirect_vreg.gather [hbm4b:s1+s3], $0x80, v3, vm0, $0xb8;
	[tilespmem:$0x10080] =	vst v63  }
0x68: {  	s19 =	simm.s32 $0xE880  }
0x69: {  	[tilespmem:s19], [sflag:$0x1] =	stream.indirect_vreg.gather [hbm4b:s4+s3], $0x80, v3, vm0, $0xb8;
	[tilespmem:$0x10080] =	vst v63  }
0x6a: {  	s19 =	simm.s32 $0xF080  }
0x6b: {  	[tilespmem:s19], [sflag:$0x1] =	stream.indirect_vreg.gather [hbm4b:s5+s3], $0x80, v3, vm0, $0xb8;
	[tilespmem:$0x10080] =	vst v63  }
0x6c: {  	s19 =	simm.s32 $0xF880  }
0x6d: {  	[tilespmem:s19], [sflag:$0x1] =	stream.indirect_vreg.gather [hbm4b:s6+s3], $0x80, v3, vm0, $0xb8;
	[tilespmem:$0x10080] =	vst v63  }
0x6e: {  	_ =	swait.ge [sflag:s18], $0x10000  }
0x6f: {  	[sflag:s18] =	ssyncset.done $0x0  }
0x70: {  	s19 =	rddreg [dreg:$0x5];
	[sflag:s18] =	ssyncadd.s32 $0xFFFF0000  }
0x71: {  	[hbm4b:s19+s3] =	stream.linear.scatter [tilespmem:s0], [sflag:$0x2], $0x10000, $0x38;
	[tilespmem:$0x10080] =	vst v63  }
0x72: {  	_ =	swait.ge [sflag:s8], $0x10000  }
0x73: {  	[sflag:s8] =	ssyncset.done $0x0  }
0x74: {  	s19 =	rddreg [dreg:$0x6];
	[sflag:s8] =	ssyncadd.s32 $0xFFFF0000  }
0x75: {  	[tilespmem:s3], [sflag:$0x2] =	stream.linear.gather [hbm4b:s19+s3], $0x40, $0x38;
	[tilespmem:$0x10080] =	vst v63  }
0x76: {  	_ =	swait.ge [sflag:s8], $0x40  }
0x77: {  	[sflag:s8] =	ssyncset.done $0x0  }
0x78: {  	[sflag:s8] =	ssyncadd.s32 $0xFFFFFFC0  }
0x79: {  	v3 =	vld [tilespmem:$0x0];
	_ =	sdelay $0x4  }
0x7a: {  	v60 =	vshll.u32 v3, $0x3  }
0x7b: {  	v3 =	vand.u32 $0x7, v3;
	v4 =	vand.u32 $0xFFFFFFC0, v60  }
0x7c: {  	v3 =	vor.u32 v3, v4  }
0x7d: {  	v4 =	vperm.xlane v3, v0;
	_ =	sdelay $0x1  }
0x7e: {  	v4 =	vadd.s32 v1, v4;
	_ =	sdelay $0x4  }
0x7f: {  	[tilespmem:s0], [sflag:$0x1] =	stream.indirect_vreg.gather [hbm4b:s1+s3], $0x80, v4, vm0, $0xb8;
	[tilespmem:$0x10080] =	vst v63  }
0x80: {  	v3 =	vperm.xlane v3, v2  }
0x81: {  	[tilespmem:s20], [sflag:$0x1] =	stream.indirect_vreg.gather [hbm4b:s4+s3], $0x80, v4, vm0, $0xb8;
	[tilespmem:$0x10080] =	vst v63  }
0x82: {  	v3 =	vadd.s32 v1, v3  }
0x83: {  	[tilespmem:s21], [sflag:$0x1] =	stream.indirect_vreg.gather [hbm4b:s5+s3], $0x80, v4, vm0, $0xb8;
	[tilespmem:$0x10080] =	vst v63  }
0x84: {  	_ = 	snop  }
0x85: {  	[tilespmem:s22], [sflag:$0x1] =	stream.indirect_vreg.gather [hbm4b:s6+s3], $0x80, v4, vm0, $0xb8;
	[tilespmem:$0x10080] =	vst v63  }
0x86: {  	_ = 	snop  }
0x87: {  	[tilespmem:s23], [sflag:$0x1] =	stream.indirect_vreg.gather [hbm4b:s1+s3], $0x80, v3, vm0, $0xb8;
	[tilespmem:$0x10080] =	vst v63  }
0x88: {  	_ = 	snop  }
0x89: {  	[tilespmem:s24], [sflag:$0x1] =	stream.indirect_vreg.gather [hbm4b:s4+s3], $0x80, v3, vm0, $0xb8;
	[tilespmem:$0x10080] =	vst v63  }
0x8a: {  	_ = 	snop  }
0x8b: {  	[tilespmem:s25], [sflag:$0x1] =	stream.indirect_vreg.gather [hbm4b:s5+s3], $0x80, v3, vm0, $0xb8;
	[tilespmem:$0x10080] =	vst v63  }
0x8c: {  	_ = 	snop  }
0x8d: {  	[tilespmem:s26], [sflag:$0x1] =	stream.indirect_vreg.gather [hbm4b:s6+s3], $0x80, v3, vm0, $0xb8;
	[tilespmem:$0x10080] =	vst v63  }
0x8e: {  	v3 =	vld [tilespmem:$0x10];
	_ =	sdelay $0x4  }
0x8f: {  	v61 =	vshll.u32 v3, $0x3  }
0x90: {  	v3 =	vand.u32 $0x7, v3;
	v4 =	vand.u32 $0xFFFFFFC0, v61  }
0x91: {  	v3 =	vor.u32 v3, v4  }
0x92: {  	v4 =	vperm.xlane v3, v0;
	_ =	sdelay $0x1  }
0x93: {  	v4 =	vadd.s32 v1, v4;
	_ =	sdelay $0x4  }
0x94: {  	[tilespmem:s28], [sflag:$0x1] =	stream.indirect_vreg.gather [hbm4b:s1+s3], $0x80, v4, vm0, $0xb8;
	[tilespmem:$0x10080] =	vst v63  }
0x95: {  	v3 =	vperm.xlane v3, v2  }
0x96: {  	[tilespmem:s29], [sflag:$0x1] =	stream.indirect_vreg.gather [hbm4b:s4+s3], $0x80, v4, vm0, $0xb8;
	[tilespmem:$0x10080] =	vst v63  }
0x97: {  	v3 =	vadd.s32 v1, v3  }
0x98: {  	[tilespmem:s30], [sflag:$0x1] =	stream.indirect_vreg.gather [hbm4b:s5+s3], $0x80, v4, vm0, $0xb8;
	[tilespmem:$0x10080] =	vst v63  }
0x99: {  	_ = 	snop  }
0x9a: {  	[tilespmem:s31], [sflag:$0x1] =	stream.indirect_vreg.gather [hbm4b:s6+s3], $0x80, v4, vm0, $0xb8;
	[tilespmem:$0x10080] =	vst v63  }
0x9b: {  	_ = 	snop  }
0x9c: {  	[tilespmem:s2], [sflag:$0x1] =	stream.indirect_vreg.gather [hbm4b:s1+s3], $0x80, v3, vm0, $0xb8;
	[tilespmem:$0x10080] =	vst v63  }
0x9d: {  	s19 =	simm.s32 $0x6880  }
0x9e: {  	[tilespmem:s19], [sflag:$0x1] =	stream.indirect_vreg.gather [hbm4b:s4+s3], $0x80, v3, vm0, $0xb8;
	[tilespmem:$0x10080] =	vst v63  }
0x9f: {  	_ = 	snop  }
0xa0: {  	[tilespmem:s10], [sflag:$0x1] =	stream.indirect_vreg.gather [hbm4b:s5+s3], $0x80, v3, vm0, $0xb8;
	[tilespmem:$0x10080] =	vst v63  }
0xa1: {  	_ = 	snop  }
0xa2: {  	[tilespmem:s11], [sflag:$0x1] =	stream.indirect_vreg.gather [hbm4b:s6+s3], $0x80, v3, vm0, $0xb8;
	[tilespmem:$0x10080] =	vst v63  }
0xa3: {  	v3 =	vld [tilespmem:$0x20];
	_ =	sdelay $0x4  }
0xa4: {  	v62 =	vshll.u32 v3, $0x3  }
0xa5: {  	v3 =	vand.u32 $0x7, v3;
	v4 =	vand.u32 $0xFFFFFFC0, v62  }
0xa6: {  	v3 =	vor.u32 v3, v4  }
0xa7: {  	v4 =	vperm.xlane v3, v0;
	_ =	sdelay $0x1  }
0xa8: {  	v4 =	vadd.s32 v1, v4;
	_ =	sdelay $0x4  }
0xa9: {  	[tilespmem:s12], [sflag:$0x1] =	stream.indirect_vreg.gather [hbm4b:s1+s3], $0x80, v4, vm0, $0xb8;
	[tilespmem:$0x10080] =	vst v63  }
0xaa: {  	v3 =	vperm.xlane v3, v2  }
0xab: {  	[tilespmem:s13], [sflag:$0x1] =	stream.indirect_vreg.gather [hbm4b:s4+s3], $0x80, v4, vm0, $0xb8;
	[tilespmem:$0x10080] =	vst v63  }
0xac: {  	v3 =	vadd.s32 v1, v3  }
0xad: {  	[tilespmem:s14], [sflag:$0x1] =	stream.indirect_vreg.gather [hbm4b:s5+s3], $0x80, v4, vm0, $0xb8;
	[tilespmem:$0x10080] =	vst v63  }
0xae: {  	_ = 	snop  }
0xaf: {  	[tilespmem:s15], [sflag:$0x1] =	stream.indirect_vreg.gather [hbm4b:s6+s3], $0x80, v4, vm0, $0xb8;
	[tilespmem:$0x10080] =	vst v63  }
0xb0: {  	_ = 	snop  }
0xb1: {  	[tilespmem:s16], [sflag:$0x1] =	stream.indirect_vreg.gather [hbm4b:s1+s3], $0x80, v3, vm0, $0xb8;
	[tilespmem:$0x10080] =	vst v63  }
0xb2: {  	_ = 	snop  }
0xb3: {  	[tilespmem:s17], [sflag:$0x1] =	stream.indirect_vreg.gather [hbm4b:s4+s3], $0x80, v3, vm0, $0xb8;
	[tilespmem:$0x10080] =	vst v63  }
0xb4: {  	_ = 	snop  }
0xb5: {  	[tilespmem:s9], [sflag:$0x1] =	stream.indirect_vreg.gather [hbm4b:s5+s3], $0x80, v3, vm0, $0xb8;
	[tilespmem:$0x10080] =	vst v63  }
0xb6: {  	s19 =	simm.s32 $0xB880  }
0xb7: {  	[tilespmem:s19], [sflag:$0x1] =	stream.indirect_vreg.gather [hbm4b:s6+s3], $0x80, v3, vm0, $0xb8;
	[tilespmem:$0x10080] =	vst v63  }
0xb8: {  	v3 =	vld [tilespmem:$0x30];
	_ =	sdelay $0x4  }
0xb9: {  	v63 =	vshll.u32 v3, $0x3  }
0xba: {  	v3 =	vand.u32 $0x7, v3;
	v4 =	vand.u32 $0xFFFFFFC0, v63  }
0xbb: {  	v3 =	vor.u32 v3, v4  }
0xbc: {  	v4 =	vperm.xlane v3, v0;
	_ =	sdelay $0x1  }
0xbd: {  	v4 =	vadd.s32 v1, v4;
	_ =	sdelay $0x3  }
0xbe: {  	s9 =	simm.s32 $0xC080  }
0xbf: {  	[tilespmem:s9], [sflag:$0x1] =	stream.indirect_vreg.gather [hbm4b:s1+s3], $0x80, v4, vm0, $0xb8;
	[tilespmem:$0x10080] =	vst v63  }
0xc0: {  	s19 =	simm.s32 $0xC880;
	v3 =	vperm.xlane v3, v2  }
0xc1: {  	[tilespmem:s19], [sflag:$0x1] =	stream.indirect_vreg.gather [hbm4b:s4+s3], $0x80, v4, vm0, $0xb8;
	[tilespmem:$0x10080] =	vst v63  }
0xc2: {  	v3 =	vadd.s32 v1, v3;
	s9 =	simm.s32 $0xD080  }
0xc3: {  	[tilespmem:s9], [sflag:$0x1] =	stream.indirect_vreg.gather [hbm4b:s5+s3], $0x80, v4, vm0, $0xb8;
	[tilespmem:$0x10080] =	vst v63  }
0xc4: {  	s19 =	simm.s32 $0xD880  }
0xc5: {  	[tilespmem:s19], [sflag:$0x1] =	stream.indirect_vreg.gather [hbm4b:s6+s3], $0x80, v4, vm0, $0xb8;
	[tilespmem:$0x10080] =	vst v63  }
0xc6: {  	s9 =	simm.s32 $0xE080  }
0xc7: {  	[tilespmem:s9], [sflag:$0x1] =	stream.indirect_vreg.gather [hbm4b:s1+s3], $0x80, v3, vm0, $0xb8;
	[tilespmem:$0x10080] =	vst v63  }
0xc8: {  	s19 =	simm.s32 $0xE880  }
0xc9: {  	[tilespmem:s19], [sflag:$0x1] =	stream.indirect_vreg.gather [hbm4b:s4+s3], $0x80, v3, vm0, $0xb8;
	[tilespmem:$0x10080] =	vst v63  }
0xca: {  	s9 =	simm.s32 $0xF080  }
0xcb: {  	[tilespmem:s9], [sflag:$0x1] =	stream.indirect_vreg.gather [hbm4b:s5+s3], $0x80, v3, vm0, $0xb8;
	[tilespmem:$0x10080] =	vst v63  }
0xcc: {  	s19 =	simm.s32 $0xF880  }
0xcd: {  	[tilespmem:s19], [sflag:$0x1] =	stream.indirect_vreg.gather [hbm4b:s6+s3], $0x80, v3, vm0, $0xb8;
	[tilespmem:$0x10080] =	vst v63  }
0xce: {  	_ =	swait.ge [sflag:s18], $0x10000  }
0xcf: {  	p0 =	sne.s32 s7, $0x1;
	[sflag:s18] =	ssyncset.done $0x0  }
.Ltmp0:
0xd0: {  	s9 =	rddreg [dreg:$0x7];
	[sflag:s18] =	ssyncadd.s32 $0xFFFF0000;
	(pc) =	sbr.rel @p0 .LBB2_1-.Ltmp0, $4  }
0xd1: {  	[hbm4b:s9+s3] =	stream.linear.scatter [tilespmem:s0], [sflag:$0x2], $0x10000, $0x38;
	[tilespmem:$0x10080] =	vst v63  }
0xd2: {  	_ =	swait.ge [sflag:s8], $0x10000  }
0xd3: {  	[sflag:s8] =	ssyncset.done $0x0  }
0xd4: {  	s7 =	sadd.s32 $0xFFFFFFFF, s7;
	[sflag:s8] =	ssyncadd.s32 $0xFFFF0000  }
0xd5: {  	_ =	sfence.sel $0x180000  }
0xd6: {  	[bflag:$0x0] =	sbarrier.arrive $0xFFFF  }
0xd7: {  	_ =	strace $0x90000047  }
0xd8: {  	s0 =	stileid.u32;
	[bflag:$0x2] =	sbarrier.arrive $0xFFFF  }
0xd9: {  	p0 =	sne.s32 s0, $0x0;
	s0 =	rddreg [dreg:$0x3]  }
0xda: {  	s0 =	sadd.s32 @!p0 $0x100000, s0  }
0xdb: {  	[sflag:s0] =	ssyncadd.tile.s32 @!p0 $0x1;
	_ =	shalt  }
.Lfunc_end2:
_tile_overlayer_lowered:
.L_overlay_start_2:
0xdc: {  	(tag) =	ssettag $0x2  }
0xdd: {  	s0 =	rddreg [dreg:$0x0];
	s2 =	stileid.u32  }
0xde: {  	s1 =	rddreg [dreg:$0x1];
	p0 =	sne.s32 s2, $0x0  }
0xdf: {  	s3 =	rddreg [dreg:$0x2];
	[bflag:$0x3] =	sbarrier.arrive $0xFFFF;
	s2 =	simm.s32 @!p0 $0x1C02  }
0xe0: {  	[timem:s3], [sflag:s2] =	dma.local @!p0 [hbm:s0], s1  }
0xe1: {  	s0 =	simm.s32 @!p0 $0x2  }
0xe2: {  	_ =	swait.ge @!p0 [sflag:s0], s1  }
0xe3: {  	s1 =	ssub.s32 @!p0 $0x0, s1;
	[sflag:s0] =	ssyncset.done @!p0 $0x0  }
0xe4: {  	[sflag:s0] =	ssyncadd.s32 @!p0 s1  }
0xe5: {  	[bflag:$0x3] =	sbarrier.arrive $0xFFFF  }
0xe6: {  	_ =	shalt  }

// kernel: kernel.9.cloned.1.call-start
scs
__scs_entry_jumppad:
0x0: {  	(pc) =	sbr.rel $0x88, $3  }
0x1: {  	(tag) =	ssettag $0x0;
	lr =	simm.s32 $0x1  }
0x2: {  	[smem:$0x3F9B] =	sst lr;
	_ =	strace $0xD0000000  }
0x3: {  	_ = 	snop  }
0x4: {  	_ = 	snop  }
0x5: {  	_ = 	snop  }
0x6: {  	_ = 	snop  }
0x7: {  	_ = 	snop  }
__scs_overlays_trampoline_lowered:
0x8: {  	[smem:$0x3FAA] =	sst s0  }
0x9: {  	[smem:$0x3FAB] =	sst s1  }
0xa: {  	[smem:$0x3FAC] =	sst s2  }
0xb: {  	[smem:$0x3FAD] =	sst s3  }
0xc: {  	[smem:$0x3FAE] =	sst s4  }
0xd: {  	[smem:$0x3FAF] =	sst s5  }
0xe: {  	[smem:$0x3FB0] =	sst s6  }
0xf: {  	[smem:$0x3FB1] =	sst s7  }
0x10: {  	[smem:$0x3FB2] =	sst s8  }
0x11: {  	[smem:$0x3FB3] =	sst s9;
	s0 =	simm.s32 @!p0 $0x0  }
0x12: {  	s1 =	sld [smem:$0x3F99];
	s0 =	simm.s32 @p0 $0x1  }
0x13: {  	[smem:$0x3FB4] =	sst s0;
	s0 =	simm.s32 @!p1 $0x0  }
0x14: {  	s2 =	sld [smem:$0x3F98];
	s0 =	simm.s32 @p1 $0x1  }
0x15: {  	[smem:$0x3FB5] =	sst s0;
	s0 =	simm.s32 @!p2 $0x0  }
0x16: {  	s3 =	sld [smem:$0x3FDB];
	s0 =	simm.s32 @p2 $0x1  }
0x17: {  	s4 =	simm.s32 $0x1BF5;
	[smem:$0x3FB7] =	sst s0  }
0x18: {  	s0 =	sld [smem:$0x3F9A];
	_ =	swait.ge [sflag:s4], $0x0  }
0x19: {  	s7 =	sld [smem:$0x3F9B]  }
0x1a: {  	s8 =	sadd.s32 $0xFFFFE003, lr  }
0x1b: {  	s9 =	sadd.s32 $0xFFFFFEF7, lr;
	s5 =	simm.s32 $0xFFFFFFFF;
	p2 =	slt.u32 s8, $0xFFFFF086  }
0x1c: {  	p1 =	slt.u32 s9, $0xF7A;
	s5 =	simm.s32 @!p2 $0x0  }
0x1d: {  	s5 =	simm.s32 @p1 $0x1;
	p0 =	seq.s32 s7, s2  }
0x1e: {  	s7 =	smul.u32 @!p0 $0xF7A, s2;
	p2 =	seq.s32 @!p0 s5, $0x0  }
0x1f: {  	s9 =	smul.u32 $0xF7A, s1;
	s8 =	simm.s32 @!p0 $0x1BF5;
	p2 =	por !p2, p0  }
0x20: {  	[sflag:s8] =	ssyncset.s32 @!p0 $0xFFFFF086;
	s6 =	sadd.s32 @!p0 s3, s7;
	s7 =	simm.s32 @!p0 $0x108  }
0x21: {  	s3 =	sadd.s32 s3, s9;
	s6 =	sadd.s32 @!p0 $0x88, s6;
	s7 =	simm.s32 @p2 $0x1082  }
0x22: {  	[simem:s7], [sflag:s8] =	dma.local @!p0 [hbm:s6], $0xF7A  }
0x23: {  	s9 =	sor.u32 $0xD0000000, s2;
	s6 =	simm.s32 $0x108;
	_ =	swait.ge @!p0 [sflag:s8], $0x0  }
0x24: {  	s3 =	sadd.s32 $0x88, s3;
	s6 =	simm.s32 @!p1 $0x1082;
	[sflag:s4] =	ssyncset.s32 $0xFFFFF086  }
0x25: {  	[simem:s6], [sflag:s4] =	dma.local [hbm:s3], $0xF7A  }
0x26: {  	[smem:$0x3F9B] =	sst s1;
	(tag) =	ssettag s2;
	_ =	strace s9  }
0x27: {  	s1 =	sld [smem:$0x3FAB]  }
0x28: {  	s2 =	sld [smem:$0x3FAC]  }
0x29: {  	s4 =	sld [smem:$0x3FAE]  }
0x2a: {  	p0 =	seq.s32 s5, $0x0;
	s5 =	sld [smem:$0x3FAF]  }
0x2b: {  	s6 =	sld [smem:$0x3FB0]  }
0x2c: {  	s7 =	sld [smem:$0x3FB1]  }
0x2d: {  	s3 =	simm.s32 $0x108;
	s8 =	sld [smem:$0x3FB2]  }
0x2e: {  	s3 =	simm.s32 @!p0 $0x1082;
	s9 =	sld [smem:$0x3FB3]  }
0x2f: {  	lr =	sadd.s32 s0, s3;
	s0 =	sld [smem:$0x3FAA]  }
0x30: {  	s3 =	sld [smem:$0x3FAD]  }
0x31: {  	[smem:$0x3FB6] =	sst s10  }
0x32: {  	s10 =	sld [smem:$0x3FB4];
	_ =	sdelay $0x3  }
0x33: {  	p0 =	seq.s32 s10, $0x1;
	s10 =	sld [smem:$0x3FB6];
	_ =	sdelay $0x3  }
0x34: {  	[smem:$0x3FB6] =	sst s10  }
0x35: {  	s10 =	sld [smem:$0x3FB5];
	_ =	sdelay $0x3  }
0x36: {  	p1 =	seq.s32 s10, $0x1;
	s10 =	sld [smem:$0x3FB6];
	_ =	sdelay $0x3  }
0x37: {  	[smem:$0x3FB6] =	sst s10  }
0x38: {  	s10 =	sld [smem:$0x3FB7]  }
0x39: {  	_ = 	snop;
	(pc) =	sbr.ind lr, $3  }
0x3a: {  	_ = 	snop  }
0x3b: {  	_ = 	snop  }
0x3c: {  	p2 =	seq.s32 s10, $0x1;
	s10 =	sld [smem:$0x3FB6]  }
0x3d: {  	_ =	shalt  }
0x3e: {  	_ =	shalt  }
0x3f: {  	_ =	shalt  }
0x40: {  	_ =	shalt  }
0x41: {  	_ =	shalt  }
0x42: {  	_ =	shalt  }
0x43: {  	_ =	shalt  }
0x44: {  	_ =	shalt  }
0x45: {  	_ =	shalt  }
0x46: {  	_ =	shalt  }
0x47: {  	_ =	shalt  }
0x48: {  	_ =	shalt  }
0x49: {  	_ =	shalt  }
0x4a: {  	_ =	shalt  }
0x4b: {  	_ =	shalt  }
0x4c: {  	_ =	shalt  }
0x4d: {  	_ =	shalt  }
0x4e: {  	_ =	shalt  }
0x4f: {  	_ =	shalt  }
0x50: {  	_ =	shalt  }
0x51: {  	_ =	shalt  }
0x52: {  	_ =	shalt  }
0x53: {  	_ =	shalt  }
0x54: {  	_ =	shalt  }
0x55: {  	_ =	shalt  }
0x56: {  	_ =	shalt  }
0x57: {  	_ =	shalt  }
0x58: {  	_ =	shalt  }
0x59: {  	_ =	shalt  }
0x5a: {  	_ =	shalt  }
0x5b: {  	_ =	shalt  }
0x5c: {  	_ =	shalt  }
0x5d: {  	_ =	shalt  }
0x5e: {  	_ =	shalt  }
0x5f: {  	_ =	shalt  }
0x60: {  	_ =	shalt  }
0x61: {  	_ =	shalt  }
0x62: {  	_ =	shalt  }
0x63: {  	_ =	shalt  }
0x64: {  	_ =	shalt  }
0x65: {  	_ =	shalt  }
0x66: {  	_ =	shalt  }
0x67: {  	_ =	shalt  }
0x68: {  	_ =	shalt  }
0x69: {  	_ =	shalt  }
0x6a: {  	_ =	shalt  }
0x6b: {  	_ =	shalt  }
0x6c: {  	_ =	shalt  }
0x6d: {  	_ =	shalt  }
0x6e: {  	_ =	shalt  }
0x6f: {  	_ =	shalt  }
0x70: {  	_ =	shalt  }
0x71: {  	_ =	shalt  }
0x72: {  	_ =	shalt  }
0x73: {  	_ =	shalt  }
0x74: {  	_ =	shalt  }
0x75: {  	_ =	shalt  }
0x76: {  	_ =	shalt  }
0x77: {  	_ =	shalt  }
0x78: {  	_ =	shalt  }
0x79: {  	_ =	shalt  }
0x7a: {  	_ =	shalt  }
0x7b: {  	_ =	shalt  }
0x7c: {  	_ =	shalt  }
0x7d: {  	_ =	shalt  }
0x7e: {  	_ =	shalt  }
0x7f: {  	_ =	shalt  }
0x80: {  	_ =	shalt  }
0x81: {  	_ =	shalt  }
0x82: {  	_ =	shalt  }
0x83: {  	_ =	shalt  }
0x84: {  	_ =	shalt  }
0x85: {  	_ =	shalt  }
0x86: {  	_ =	shalt  }
0x87: {  	_ =	shalt  }
.Lfunc_end0:
.L_simem_size_0:
called_computation.1_lowered:
.L_overlay_start_0:
0x88: {  	s2 =	sld [smem:$0x3FD9]  }
0x89: {  	s3 =	sld [smem:$0x3FFE];
	_ =	sdelay $0x1  }
0x8a: {  	s1 =	srdreg.scid  }
0x8b: {  	s0 =	sand.u32 $0x1, s1  }
0x8c: {  	s14 =	sshll.u32 s0, $0xA;
	s2 =	sadd.s32 s3, s2  }
0x8d: {  	s2 =	sadd.s32 s2, s14  }
0x8e: {  	[smem:$0x3FC2] =	sst s2  }
0x8f: {  	_ = 	snop  }
0x90: {  	s2 =	sld [smem:$0x3FD0];
	_ =	sdelay $0x2  }
0x91: {  	s15 =	simm.s32 $0xA;
	s4 =	simm.s32 $0x10  }
0x92: {  	[smem:s4], [sflag:s15] =	dma.local [hbm:s2], $0x1  }
0x93: {  	_ =	swait.eq [sflag:s15], $0x1  }
0x94: {  	[sflag:s15] =	ssyncset.done $0x0  }
0x95: {  	[sflag:s15] =	ssyncadd.s32 $0xFFFFFFFF  }
0x96: {  	s16 =	sld [smem:$0x10];
	(tm) =	ssettm $0x1  }
0x97: {  	s17 =	sld [smem:$0x3FFB];
	_ =	sdelay $0x3  }
0x98: {  	_ =	strace s17  }
0x99: {  	s3 =	sld [smem:$0x3FFC];
	_ =	sdelay $0x3  }
0x9a: {  	_ =	strace s3  }
0x9b: {  	s3 =	sld [smem:$0x3FFD];
	_ =	sdelay $0x3  }
0x9c: {  	_ =	strace s3  }
0x9d: {  	_ =	strace $0x8FFFFFFF  }
0x9e: {  	s18 =	sld [smem:$0x3FDB];
	_ =	sdelay $0x1  }
0x9f: {  	s19 =	simm.s32 $_scs_section_size  }
0xa0: {  	s5 =	simm.s32 $_size__tile_overlayer_lowered;
	s6 =	simm.s32 $_tile_overlayer_lowered  }
0xa1: {  	s22 =	simm.s32 $0x1BFF;
	s21 =	sshll.u32 s6, $0x1;
	s3 =	sadd.s32 s19, s18  }
0xa2: {  	s7 =	simm.s32 $0x0;
	s20 =	sshll.u32 s5, $0x1;
	s5 =	sadd.s32 s21, s3  }
0xa3: {  	[timem:s7], [sflag:s22] =	dma.local [hbm:s5], s20  }
0xa4: {  	_ =	swait.ge [sflag:s22], s20  }
0xa5: {  	s4 =	ssub.s32 $0x0, s20;
	[sflag:s22] =	ssyncset.done $0x0  }
0xa6: {  	[sflag:s22] =	ssyncadd.s32 s4;
	_ =	sdelay $0x1  }
0xa7: {  	s23 =	simm.s32 $0x1B8B  }
0xa8: {  	_ =	swait.ge [sflag:s23], $0x1  }
0xa9: {  	[sflag:s23] =	ssyncset.done $0x0  }
0xaa: {  	s25 =	simm.s32 $0x1B8E;
	s24 =	sld [smem:$0x3FFE];
	[sflag:s23] =	ssyncadd.s32 $0xFFFFFFFF  }
0xab: {  	s26 =	simm.s32 $execute0_lowered;
	[smem:$0x3FD2] =	sst s25  }
0xac: {  	s5 =	sshll.u32 s26, $0x1;
	_ =	strace $0x80000049;
	[dreg:$0x1] =	wrdreg $0xFFFFFFFF  }
0xad: {  	s28 =	simm.s32 $_size_execute0_lowered;
	s3 =	sadd.s32 s3, s5;
	[dreg:$0x0] =	wrdreg $0x0  }
0xae: {  	s5 =	sshll.u32 s28, $0x1;
	[dreg:$0x2] =	wrdreg s3  }
0xaf: {  	[dreg:$0x3] =	wrdreg s5  }
0xb0: {  	[dreg:$0x4] =	wrdreg $0xC0  }
0xb1: {  	_ =	task [dreg:s7], $0x5FFFF  }
0xb2: {  	[dreg:$0x1] =	wrdreg $0xFFFFFFFF  }
0xb3: {  	[dreg:$0x0] =	wrdreg $0x60  }
0xb4: {  	[dreg:$0x2] =	wrdreg s24  }
0xb5: {  	[dreg:$0x3] =	wrdreg s16  }
0xb6: {  	[dreg:$0x4] =	wrdreg $0x9  }
0xb7: {  	_ =	task.clear_ibuf [dreg:s7], $0x5FFFF;
	_ =	strace $0x90000049  }
0xb8: {  	s29 =	simm.s32 $0x9;
	_ =	strace $0x8000004B  }
0xb9: {  	_ =	swait.ge [sflag:s29], $0x1  }
0xba: {  	[sflag:s29] =	ssyncadd.s32 $0xFFFFFFFF  }
0xbb: {  	_ =	strace $0x9000004B  }
0xbc: {  	_ =	sfence  }
0xbd: {  	s30 =	sld [smem:$0x0];
	_ =	sdelay $0x2  }
0xbe: {  	s31 =	sshll.u32 s1, $0xD;
	s1 =	sshrl.u32 s1, $0x2  }
0xbf: {  	s3 =	sand.u32 $0x4000, s31;
	s1 =	sadd.s32 s1, s30  }
0xc0: {  	s0 =	sor.u32 s3, s0;
	s1 =	sshll.u32 s1, $0x11  }
0xc1: {  	s0 =	sor.u32 s1, s0  }
0xc2: {  	s0 =	sadd.s32 $0x8F2B, s0  }
0xc3: {  	[sflag:s0] =	ssyncadd.remote.s32 $0x1  }
0xc4: {  	_ =	sfence.sel $0xFFFF  }
0xc5: {  	[dreg:$0x0] =	wrdreg $0xFFFFFFFF;
	(pc) =	sbr.abs _section_cstart, $3  }
0xc6: {  	[dreg:$0x1] =	wrdreg $0xFFFFFFFF  }
0xc7: {  	_ =	task.clear_ibuf [dreg:s7], $0x2FFFF;
	_ =	strace $0x9FFFFFFF  }
0xc8: {  	(tm) =	ssettm $0x7FFFFFFF  }
0xc9: {  	_ =	shalt  }
tec
execute0_lowered:
.L_overlay_start_1:
0x0: {  	(tag) =	ssettag $0x1  }
0x1: {  	s0 =	rddreg [dreg:$0x0]  }
0x2: {  	s1 =	rddreg [dreg:$0x1];
	s2 =	simm.s32 $0x0;
	s3 =	srdreg.scid  }
0x3: {  	s5 =	stileid.u32;
	s14 =	simm.s32 $0x2;
	s16 =	simm.s32 $0x100  }
0x4: {  	s15 =	simm.s32 $0x9100;
	s17 =	simm.s32 $0x9900;
	s18 =	simm.s32 $0xA100  }
0x5: {  	s19 =	simm.s32 $0xA900;
	s20 =	simm.s32 $0xB100;
	s21 =	simm.s32 $0xC100  }
0x6: {  	s22 =	simm.s32 $0xD100;
	s12 =	simm.s32 $0xF100;
	s13 =	simm.s32 $0x0  }
0x7: {  	[smem:$0x7FF] =	sst s2;
	s4 =	sand.u32 $0x1, s3;
	s3 =	sadd.s32 $0x800, s0  }
0x8: {  	s5 =	sshll.u32 s5, $0x7;
	s9 =	sadd.s32 $0x80800, s0;
	s10 =	sadd.s32 $0x80A00, s0  }
0x9: {  	s8 =	sadd.s32 $0xB00, s0;
	s6 =	sshll.u32 s4, $0x6;
	s4 =	ssub.s32 $0x2, s4  }
0xa: {  	_ =	strace $0x8000004A;
	s5 =	sor.u32 s6, s5;
	s23 =	sshrl.u32 s4, $0x1  }
0xb: {  	s6 =	sadd.s32 $0x900, s0;
	s7 =	sshrl.u32 s5, $0x3;
	s4 =	ssub.s32 s4, s23  }
0xc: {  	s11 =	sor.u32 $0x20, s5;
	s26 =	sshll.u32 s5, $0x7;
	s23 =	simm.s32 $0xD900  }
0xd: {  	s24 =	sadd.s32 s9, s7;
	s25 =	sadd.s32 s10, s7;
	s7 =	sadd.s32 $0xA00, s0  }
0xe: {  	s28 =	sshrl.u32 s11, $0x3;
	s0 =	sadd.s32 s1, s26;
	[dreg:$0x3] =	wrdreg s24  }
0xf: {  	s30 =	sshll.u32 s11, $0x7;
	s31 =	smax.u32 s4, $0x1;
	[dreg:$0x4] =	wrdreg s25  }
0x10: {  	s11 =	simm.s32 $0xE100;
	[dreg:$0x5] =	wrdreg s0;
	s29 =	sadd.s32 s9, s28  }
0x11: {  	s5 =	sadd.s32 s10, s28;
	s0 =	sadd.s32 s1, s30;
	[dreg:$0x9] =	wrdreg s31  }
0x12: {  	v2 =	vlaneseq.u32;
	s1 =	simm.s32 $0x1;
	s9 =	simm.s32 $0xB900;
	[dreg:$0x6] =	wrdreg s29  }
0x13: {  	vm0 =	vmmov $0xffff;
	v1 =	vshrl.u32 v2, $0x3;
	s10 =	simm.s32 $0xC900;
	s24 =	simm.s32 $0xE900;
	[dreg:$0x7] =	wrdreg s5  }
0x14: {  	v0 =	vand.u32 $0x7, v2;
	v2 =	vor.u32 $0x8, v2;
	v1 =	vmul.u32 $0x8, v1;
	s25 =	simm.s32 $0xF900;
	[dreg:$0x8] =	wrdreg s0;
	s5 =	simm.s32 $0x8900  }
.LBB2_1:
0x15: {  	s0 =	rddreg [dreg:$0x3]  }
0x16: {  	[tilespmem:s2], [sflag:$0x2] =	stream.linear.gather [hbm4b:s0+s2], $0x20, $0x38;
	[tilespmem:$0x10100] =	vst v63  }
0x17: {  	_ =	swait.ge [sflag:s14], $0x20  }
0x18: {  	[sflag:s14] =	ssyncset.done $0x0  }
0x19: {  	s4 =	simm.s32 $0x80;
	s26 =	rddreg [dreg:$0x4];
	[sflag:s14] =	ssyncadd.s32 $0xFFFFFFE0  }
0x1a: {  	[tilespmem:s4], [sflag:$0x2] =	stream.linear.gather [hbm4b:s26+s2], $0x20, $0x38;
	[tilespmem:$0x10100] =	vst v63  }
0x1b: {  	_ =	swait.ge [sflag:s14], $0x20  }
0x1c: {  	[sflag:s14] =	ssyncset.done $0x0  }
0x1d: {  	[sflag:s14] =	ssyncadd.s32 $0xFFFFFFE0  }
0x1e: {  	v3 =	vld [tilespmem:$0x0];
	_ =	sdelay $0x4  }
0x1f: {  	v4 =	vshll.u32 v3, $0x3  }
0x20: {  	v3 =	vand.u32 $0x7, v3;
	v4 =	vand.u32 $0xFFFFFFC0, v4  }
0x21: {  	v3 =	vor.u32 v3, v4  }
0x22: {  	v4 =	vperm.xlane v3, v0;
	_ =	sdelay $0x1  }
0x23: {  	v4 =	vadd.s32 v1, v4;
	_ =	sdelay $0x4  }
0x24: {  	[tilespmem:s16], [sflag:$0x1] =	stream.indirect_vreg.gather [hbm4b:s3+s2], $0x80, v4, vm0, $0xb8;
	[tilespmem:$0x10100] =	vst v63  }
0x25: {  	s31 =	simm.s32 $0x900;
	v3 =	vperm.xlane v3, v2  }
0x26: {  	[tilespmem:s31], [sflag:$0x1] =	stream.indirect_vreg.gather [hbm4b:s6+s2], $0x80, v4, vm0, $0xb8;
	[tilespmem:$0x10100] =	vst v63  }
0x27: {  	s4 =	simm.s32 $0x1100;
	v3 =	vadd.s32 v1, v3  }
0x28: {  	[tilespmem:s4], [sflag:$0x1] =	stream.indirect_vreg.gather [hbm4b:s7+s2], $0x80, v4, vm0, $0xb8;
	[tilespmem:$0x10100] =	vst v63  }
0x29: {  	s26 =	simm.s32 $0x1900  }
0x2a: {  	[tilespmem:s26], [sflag:$0x1] =	stream.indirect_vreg.gather [hbm4b:s8+s2], $0x80, v4, vm0, $0xb8;
	[tilespmem:$0x10100] =	vst v63  }
0x2b: {  	s31 =	simm.s32 $0x2100  }
0x2c: {  	[tilespmem:s31], [sflag:$0x1] =	stream.indirect_vreg.gather [hbm4b:s3+s2], $0x80, v3, vm0, $0xb8;
	[tilespmem:$0x10100] =	vst v63  }
0x2d: {  	s4 =	simm.s32 $0x2900  }
0x2e: {  	[tilespmem:s4], [sflag:$0x1] =	stream.indirect_vreg.gather [hbm4b:s6+s2], $0x80, v3, vm0, $0xb8;
	[tilespmem:$0x10100] =	vst v63  }
0x2f: {  	s26 =	simm.s32 $0x3100  }
0x30: {  	[tilespmem:s26], [sflag:$0x1] =	stream.indirect_vreg.gather [hbm4b:s7+s2], $0x80, v3, vm0, $0xb8;
	[tilespmem:$0x10100] =	vst v63  }
0x31: {  	s31 =	simm.s32 $0x3900  }
0x32: {  	[tilespmem:s31], [sflag:$0x1] =	stream.indirect_vreg.gather [hbm4b:s8+s2], $0x80, v3, vm0, $0xb8;
	[tilespmem:$0x10100] =	vst v63  }
0x33: {  	v3 =	vld [tilespmem:$0x10];
	_ =	sdelay $0x4  }
0x34: {  	v61 =	vshll.u32 v3, $0x3  }
0x35: {  	v3 =	vand.u32 $0x7, v3;
	v4 =	vand.u32 $0xFFFFFFC0, v61  }
0x36: {  	v3 =	vor.u32 v3, v4  }
0x37: {  	v4 =	vperm.xlane v3, v0;
	_ =	sdelay $0x1  }
0x38: {  	v4 =	vadd.s32 v1, v4;
	_ =	sdelay $0x3  }
0x39: {  	s4 =	simm.s32 $0x4100  }
0x3a: {  	[tilespmem:s4], [sflag:$0x1] =	stream.indirect_vreg.gather [hbm4b:s3+s2], $0x80, v4, vm0, $0xb8;
	[tilespmem:$0x10100] =	vst v63  }
0x3b: {  	s26 =	simm.s32 $0x4900;
	v3 =	vperm.xlane v3, v2  }
0x3c: {  	[tilespmem:s26], [sflag:$0x1] =	stream.indirect_vreg.gather [hbm4b:s6+s2], $0x80, v4, vm0, $0xb8;
	[tilespmem:$0x10100] =	vst v63  }
0x3d: {  	s31 =	simm.s32 $0x5100;
	v3 =	vadd.s32 v1, v3  }
0x3e: {  	[tilespmem:s31], [sflag:$0x1] =	stream.indirect_vreg.gather [hbm4b:s7+s2], $0x80, v4, vm0, $0xb8;
	[tilespmem:$0x10100] =	vst v63  }
0x3f: {  	s4 =	simm.s32 $0x5900  }
0x40: {  	[tilespmem:s4], [sflag:$0x1] =	stream.indirect_vreg.gather [hbm4b:s8+s2], $0x80, v4, vm0, $0xb8;
	[tilespmem:$0x10100] =	vst v63  }
0x41: {  	s26 =	simm.s32 $0x6100  }
0x42: {  	[tilespmem:s26], [sflag:$0x1] =	stream.indirect_vreg.gather [hbm4b:s3+s2], $0x80, v3, vm0, $0xb8;
	[tilespmem:$0x10100] =	vst v63  }
0x43: {  	s31 =	simm.s32 $0x6900  }
0x44: {  	[tilespmem:s31], [sflag:$0x1] =	stream.indirect_vreg.gather [hbm4b:s6+s2], $0x80, v3, vm0, $0xb8;
	[tilespmem:$0x10100] =	vst v63  }
0x45: {  	s4 =	simm.s32 $0x7100  }
0x46: {  	[tilespmem:s4], [sflag:$0x1] =	stream.indirect_vreg.gather [hbm4b:s7+s2], $0x80, v3, vm0, $0xb8;
	[tilespmem:$0x10100] =	vst v63  }
0x47: {  	s26 =	simm.s32 $0x7900  }
0x48: {  	[tilespmem:s26], [sflag:$0x1] =	stream.indirect_vreg.gather [hbm4b:s8+s2], $0x80, v3, vm0, $0xb8;
	[tilespmem:$0x10100] =	vst v63  }
0x49: {  	_ =	swait.ge [sflag:s1], $0x8000  }
0x4a: {  	[sflag:s1] =	ssyncset.done $0x0  }
0x4b: {  	[sflag:s1] =	ssyncadd.s32 $0xFFFF8000  }
0x4c: {  	v3 =	vld [tilespmem:$0x80];
	_ =	sdelay $0x4  }
0x4d: {  	v62 =	vshll.u32 v3, $0x3  }
0x4e: {  	v3 =	vand.u32 $0x7, v3;
	v4 =	vand.u32 $0xFFFFFFC0, v62  }
0x4f: {  	v3 =	vor.u32 v3, v4  }
0x50: {  	v4 =	vperm.xlane v3, v0;
	_ =	sdelay $0x1  }
0x51: {  	v4 =	vadd.s32 v1, v4;
	_ =	sdelay $0x3  }
0x52: {  	s31 =	simm.s32 $0x8100  }
0x53: {  	[tilespmem:s31], [sflag:$0x1] =	stream.indirect_vreg.gather [hbm4b:s3+s2], $0x80, v4, vm0, $0xb8;
	[tilespmem:$0x10100] =	vst v63  }
0x54: {  	v3 =	vperm.xlane v3, v2  }
0x55: {  	[tilespmem:s5], [sflag:$0x1] =	stream.indirect_vreg.gather [hbm4b:s6+s2], $0x80, v4, vm0, $0xb8;
	[tilespmem:$0x10100] =	vst v63  }
0x56: {  	v3 =	vadd.s32 v1, v3  }
0x57: {  	[tilespmem:s15], [sflag:$0x1] =	stream.indirect_vreg.gather [hbm4b:s7+s2], $0x80, v4, vm0, $0xb8;
	[tilespmem:$0x10100] =	vst v63  }
0x58: {  	_ = 	snop  }
0x59: {  	[tilespmem:s17], [sflag:$0x1] =	stream.indirect_vreg.gather [hbm4b:s8+s2], $0x80, v4, vm0, $0xb8;
	[tilespmem:$0x10100] =	vst v63  }
0x5a: {  	_ = 	snop  }
0x5b: {  	[tilespmem:s18], [sflag:$0x1] =	stream.indirect_vreg.gather [hbm4b:s3+s2], $0x80, v3, vm0, $0xb8;
	[tilespmem:$0x10100] =	vst v63  }
0x5c: {  	_ = 	snop  }
0x5d: {  	[tilespmem:s19], [sflag:$0x1] =	stream.indirect_vreg.gather [hbm4b:s6+s2], $0x80, v3, vm0, $0xb8;
	[tilespmem:$0x10100] =	vst v63  }
0x5e: {  	_ = 	snop  }
0x5f: {  	[tilespmem:s20], [sflag:$0x1] =	stream.indirect_vreg.gather [hbm4b:s7+s2], $0x80, v3, vm0, $0xb8;
	[tilespmem:$0x10100] =	vst v63  }
0x60: {  	_ = 	snop  }
0x61: {  	[tilespmem:s9], [sflag:$0x1] =	stream.indirect_vreg.gather [hbm4b:s8+s2], $0x80, v3, vm0, $0xb8;
	[tilespmem:$0x10100] =	vst v63  }
0x62: {  	v3 =	vld [tilespmem:$0x90];
	_ =	sdelay $0x4  }
0x63: {  	v63 =	vshll.u32 v3, $0x3  }
0x64: {  	v3 =	vand.u32 $0x7, v3;
	v4 =	vand.u32 $0xFFFFFFC0, v63  }
0x65: {  	v3 =	vor.u32 v3, v4  }
0x66: {  	v4 =	vperm.xlane v3, v0;
	_ =	sdelay $0x1  }
0x67: {  	v4 =	vadd.s32 v1, v4;
	_ =	sdelay $0x4  }
0x68: {  	[tilespmem:s21], [sflag:$0x1] =	stream.indirect_vreg.gather [hbm4b:s3+s2], $0x80, v4, vm0, $0xb8;
	[tilespmem:$0x10100] =	vst v63  }
0x69: {  	v3 =	vperm.xlane v3, v2  }
0x6a: {  	[tilespmem:s10], [sflag:$0x1] =	stream.indirect_vreg.gather [hbm4b:s6+s2], $0x80, v4, vm0, $0xb8;
	[tilespmem:$0x10100] =	vst v63  }
0x6b: {  	v3 =	vadd.s32 v1, v3  }
0x6c: {  	[tilespmem:s22], [sflag:$0x1] =	stream.indirect_vreg.gather [hbm4b:s7+s2], $0x80, v4, vm0, $0xb8;
	[tilespmem:$0x10100] =	vst v63  }
0x6d: {  	_ = 	snop  }
0x6e: {  	[tilespmem:s23], [sflag:$0x1] =	stream.indirect_vreg.gather [hbm4b:s8+s2], $0x80, v4, vm0, $0xb8;
	[tilespmem:$0x10100] =	vst v63  }
0x6f: {  	_ = 	snop  }
0x70: {  	[tilespmem:s11], [sflag:$0x1] =	stream.indirect_vreg.gather [hbm4b:s3+s2], $0x80, v3, vm0, $0xb8;
	[tilespmem:$0x10100] =	vst v63  }
0x71: {  	_ = 	snop  }
0x72: {  	[tilespmem:s24], [sflag:$0x1] =	stream.indirect_vreg.gather [hbm4b:s6+s2], $0x80, v3, vm0, $0xb8;
	[tilespmem:$0x10100] =	vst v63  }
0x73: {  	_ = 	snop  }
0x74: {  	[tilespmem:s12], [sflag:$0x1] =	stream.indirect_vreg.gather [hbm4b:s7+s2], $0x80, v3, vm0, $0xb8;
	[tilespmem:$0x10100] =	vst v63  }
0x75: {  	_ = 	snop  }
0x76: {  	[tilespmem:s25], [sflag:$0x1] =	stream.indirect_vreg.gather [hbm4b:s8+s2], $0x80, v3, vm0, $0xb8;
	[tilespmem:$0x10100] =	vst v63  }
0x77: {  	_ =	swait.ge [sflag:s1], $0x8000  }
0x78: {  	s28 =	simm.s32 $0x0;
	s29 =	simm.s32 $0x0;
	[sflag:s1] =	ssyncset.done $0x0  }
0x79: {  	s30 =	simm.s32 $0x0;
	s26 =	simm.s32 $0xFFFF8000;
	[sflag:s1] =	ssyncadd.s32 $0xFFFF8000  }
.LBB2_2:
0x7a: {  	s31 =	sadd.s32 $0x8000, s26  }
0x7b: {  	s0 =	sand.u32 $0x380, s30;
	s31 =	sand.u32 $0x6000, s31  }
0x7c: {  	s31 =	sor.u32 s0, s31  }
0x7d: {  	v3 =	vld [tilespmem:s31+$0x100]  }
0x7e: {  	v4 =	vld [tilespmem:s31+$0x8100]  }
0x7f: {  	v5 =	vld [tilespmem:s31+$0x110]  }
0x80: {  	v6 =	vld [tilespmem:s31+$0x8110]  }
0x81: {  	v7 =	vld [tilespmem:s31+$0x120]  }
0x82: {  	v8 =	vld [tilespmem:s31+$0x8120]  }
0x83: {  	v9 =	vld [tilespmem:s31+$0x130]  }
0x84: {  	v10 =	vld [tilespmem:s31+$0x8130]  }
0x85: {  	v11 =	vld [tilespmem:s31+$0x140]  }
0x86: {  	v12 =	vld [tilespmem:s31+$0x8140]  }
0x87: {  	v13 =	vld [tilespmem:s31+$0x150]  }
0x88: {  	v14 =	vld [tilespmem:s31+$0x8150]  }
0x89: {  	v15 =	vld [tilespmem:s31+$0x160]  }
0x8a: {  	v16 =	vld [tilespmem:s31+$0x8160]  }
0x8b: {  	v17 =	vld [tilespmem:s31+$0x170]  }
0x8c: {  	v18 =	vld [tilespmem:s31+$0x8170]  }
0x8d: {  	v19 =	vld [tilespmem:s31+$0x500]  }
0x8e: {  	v20 =	vld [tilespmem:s31+$0x8500]  }
0x8f: {  	v21 =	vld [tilespmem:s31+$0x510]  }
0x90: {  	v22 =	vld [tilespmem:s31+$0x8510]  }
0x91: {  	v23 =	vld [tilespmem:s31+$0x520]  }
0x92: {  	v24 =	vld [tilespmem:s31+$0x8520]  }
0x93: {  	v25 =	vld [tilespmem:s31+$0x530]  }
0x94: {  	v26 =	vld [tilespmem:s31+$0x8530]  }
0x95: {  	v27 =	vld [tilespmem:s31+$0x540]  }
0x96: {  	v28 =	vld [tilespmem:s31+$0x8540]  }
0x97: {  	v29 =	vld [tilespmem:s31+$0x550]  }
0x98: {  	v30 =	vld [tilespmem:s31+$0x8550]  }
0x99: {  	v31 =	vld [tilespmem:s31+$0x560]  }
0x9a: {  	v32 =	vld [tilespmem:s31+$0x8560]  }
0x9b: {  	v33 =	vld [tilespmem:s31+$0x570]  }
0x9c: {  	v34 =	vld [tilespmem:s31+$0x8570]  }
0x9d: {  	v35 =	vld [tilespmem:s31+$0x900]  }
0x9e: {  	v36 =	vld [tilespmem:s31+$0x8900]  }
0x9f: {  	v37 =	vld [tilespmem:s31+$0x910]  }
0xa0: {  	v38 =	vld [tilespmem:s31+$0x8910]  }
0xa1: {  	v39 =	vld [tilespmem:s31+$0x920]  }
0xa2: {  	v40 =	vld [tilespmem:s31+$0x8920]  }
0xa3: {  	v41 =	vld [tilespmem:s31+$0x930]  }
0xa4: {  	v42 =	vld [tilespmem:s31+$0x8930]  }
0xa5: {  	v43 =	vld [tilespmem:s31+$0x940]  }
0xa6: {  	v44 =	vld [tilespmem:s31+$0x8940]  }
0xa7: {  	v45 =	vld [tilespmem:s31+$0x950]  }
0xa8: {  	v46 =	vld [tilespmem:s31+$0x8950]  }
0xa9: {  	v47 =	vld [tilespmem:s31+$0x960]  }
0xaa: {  	v48 =	vld [tilespmem:s31+$0x8960]  }
0xab: {  	v49 =	vld [tilespmem:s31+$0x970]  }
0xac: {  	v50 =	vld [tilespmem:s31+$0x8970]  }
0xad: {  	v51 =	vld [tilespmem:s31+$0xD00]  }
0xae: {  	v52 =	vld [tilespmem:s31+$0x8D00]  }
0xaf: {  	v53 =	vld [tilespmem:s31+$0xD10]  }
0xb0: {  	v54 =	vld [tilespmem:s31+$0x8D10]  }
0xb1: {  	v55 =	vld [tilespmem:s31+$0xD20]  }
0xb2: {  	v56 =	vld [tilespmem:s31+$0x8D20]  }
0xb3: {  	v57 =	vld [tilespmem:s31+$0xD30]  }
0xb4: {  	v58 =	vld [tilespmem:s31+$0x8D30]  }
0xb5: {  	v59 =	vld [tilespmem:s31+$0xD40]  }
0xb6: {  	v60 =	vld [tilespmem:s31+$0x8D40]  }
0xb7: {  	v61 =	vld [tilespmem:s31+$0xD50]  }
0xb8: {  	v62 =	vld [tilespmem:s31+$0x8D50]  }
0xb9: {  	v63 =	vld [tilespmem:s31+$0xD60]  }
0xba: {  	v3 =	vadd.f32 v4, v3;
	v4 =	vld [tilespmem:s31+$0x8D60]  }
0xbb: {  	v5 =	vadd.f32 v6, v5;
	v6 =	vld [tilespmem:s31+$0xD70]  }
0xbc: {  	v14 =	vadd.f32 v14, v13;
	v13 =	vld [tilespmem:s31+$0x9120];
	[tilespmem:s31+$0x100] =	vst v3;
	v3 =	vadd.f32 v8, v7  }
0xbd: {  	v18 =	vadd.f32 v18, v17;
	v17 =	vld [tilespmem:s31+$0x9140];
	[tilespmem:s31+$0x110] =	vst v5  }
0xbe: {  	v22 =	vadd.f32 v22, v21;
	v21 =	vld [tilespmem:s31+$0x9160];
	[tilespmem:s31+$0x120] =	vst v3;
	v3 =	vadd.f32 v12, v11  }
0xbf: {  	v7 =	vld [tilespmem:s31+$0x8D70];
	[tilespmem:s31+$0x150] =	vst v14  }
0xc0: {  	v8 =	vld [tilespmem:s31+$0x1100];
	[tilespmem:s31+$0x140] =	vst v3;
	v3 =	vadd.f32 v16, v15  }
0xc1: {  	v5 =	vadd.f32 v10, v9;
	v9 =	vld [tilespmem:s31+$0x9100];
	[tilespmem:s31+$0x170] =	vst v18  }
0xc2: {  	v10 =	vld [tilespmem:s31+$0x1110];
	[tilespmem:s31+$0x160] =	vst v3;
	v3 =	vadd.f32 v20, v19  }
0xc3: {  	v26 =	vadd.f32 v26, v25;
	v14 =	vld [tilespmem:s31+$0x1130];
	[tilespmem:s31+$0x510] =	vst v22  }
0xc4: {  	v18 =	vld [tilespmem:s31+$0x1150];
	[tilespmem:s31+$0x500] =	vst v3;
	v3 =	vadd.f32 v24, v23  }
0xc5: {  	v30 =	vadd.f32 v30, v29;
	[tilespmem:s31+$0x530] =	vst v26;
	v22 =	vld [tilespmem:s31+$0x1170]  }
0xc6: {  	v19 =	vld [tilespmem:s31+$0x9150];
	[tilespmem:s31+$0x520] =	vst v3;
	v3 =	vadd.f32 v28, v27  }
0xc7: {  	v34 =	vadd.f32 v34, v33;
	[tilespmem:s31+$0x550] =	vst v30;
	v11 =	vld [tilespmem:s31+$0x9110]  }
0xc8: {  	v12 =	vld [tilespmem:s31+$0x1120];
	[tilespmem:s31+$0x540] =	vst v3;
	v3 =	vadd.f32 v32, v31  }
0xc9: {  	[tilespmem:s31+$0x570] =	vst v34;
	v15 =	vld [tilespmem:s31+$0x9130]  }
0xca: {  	v16 =	vld [tilespmem:s31+$0x1140];
	[tilespmem:s31+$0x560] =	vst v3;
	v3 =	vadd.f32 v36, v35  }
0xcb: {  	[tilespmem:s31+$0x130] =	vst v5;
	v20 =	vld [tilespmem:s31+$0x1160];
	v19 =	vadd.f32 v19, v18  }
0xcc: {  	v24 =	vld [tilespmem:s31+$0x1500];
	[tilespmem:s31+$0x900] =	vst v3;
	v3 =	vadd.f32 v40, v39  }
0xcd: {  	[tilespmem:s31+$0x1150] =	vst v19;
	v36 =	vadd.f32 v38, v37;
	v37 =	vld [tilespmem:s31+$0x9170]  }
0xce: {  	v38 =	vadd.f32 v42, v41;
	v41 =	vld [tilespmem:s31+$0x1510];
	[tilespmem:s31+$0x920] =	vst v3;
	v3 =	vadd.f32 v44, v43  }
0xcf: {  	v42 =	vld [tilespmem:s31+$0x9510];
	[tilespmem:s31+$0x910] =	vst v36  }
0xd0: {  	v35 =	vld [tilespmem:s31+$0x1910];
	[tilespmem:s31+$0x940] =	vst v3;
	v3 =	vadd.f32 v48, v47  }
0xd1: {  	v39 =	vld [tilespmem:s31+$0x9500];
	[tilespmem:s31+$0x930] =	vst v38;
	v40 =	vadd.f32 v46, v45  }
0xd2: {  	v45 =	vld [tilespmem:s31+$0x9520];
	[tilespmem:s31+$0x960] =	vst v3;
	v3 =	vadd.f32 v52, v51  }
0xd3: {  	v46 =	vadd.f32 v54, v53;
	v53 =	vld [tilespmem:s31+$0x1550];
	[tilespmem:s31+$0x950] =	vst v40  }
0xd4: {  	v54 =	vld [tilespmem:s31+$0x9550];
	[tilespmem:s31+$0xD00] =	vst v3;
	v3 =	vadd.f32 v56, v55  }
0xd5: {  	v36 =	vld [tilespmem:s31+$0x9910];
	v43 =	vadd.f32 v50, v49;
	[tilespmem:s31+$0xD10] =	vst v46  }
0xd6: {  	v38 =	vld [tilespmem:s31+$0x1920];
	[tilespmem:s31+$0xD20] =	vst v3;
	v3 =	vadd.f32 v60, v59  }
0xd7: {  	v44 =	vld [tilespmem:s31+$0x1520];
	v49 =	vadd.f32 v58, v57;
	[tilespmem:s31+$0x970] =	vst v43  }
0xd8: {  	v50 =	vld [tilespmem:s31+$0x1540];
	[tilespmem:s31+$0xD40] =	vst v3;
	v3 =	vadd.f32 v4, v63  }
0xd9: {  	v57 =	vld [tilespmem:s31+$0x9560];
	v58 =	vadd.f32 v11, v10;
	[tilespmem:s31+$0xD30] =	vst v49  }
0xda: {  	v46 =	vld [tilespmem:s31+$0x9950];
	[tilespmem:s31+$0xD60] =	vst v3;
	v3 =	vadd.f32 v9, v8  }
0xdb: {  	v37 =	vadd.f32 v37, v22;
	v40 =	vadd.f32 v42, v41;
	v41 =	vld [tilespmem:s31+$0x1930];
	[tilespmem:s31+$0x1110] =	vst v58  }
0xdc: {  	v42 =	vld [tilespmem:s31+$0x9930];
	[tilespmem:s31+$0x1100] =	vst v3;
	v3 =	vadd.f32 v13, v12  }
0xdd: {  	v47 =	vld [tilespmem:s31+$0x1530];
	[tilespmem:s31+$0x1170] =	vst v37  }
0xde: {  	v48 =	vld [tilespmem:s31+$0x9530];
	[tilespmem:s31+$0x1120] =	vst v3;
	v3 =	vadd.f32 v17, v16  }
0xdf: {  	v49 =	vld [tilespmem:s31+$0x9960];
	[tilespmem:s31+$0x1510] =	vst v40;
	v52 =	vadd.f32 v62, v61  }
0xe0: {  	v51 =	vld [tilespmem:s31+$0x9540];
	[tilespmem:s31+$0x1140] =	vst v3;
	v3 =	vadd.f32 v21, v20  }
0xe1: {  	v61 =	vadd.f32 v15, v14;
	v62 =	vld [tilespmem:s31+$0x1900];
	[tilespmem:s31+$0xD50] =	vst v52  }
0xe2: {  	v56 =	vld [tilespmem:s31+$0x1560];
	[tilespmem:s31+$0x1160] =	vst v3;
	v3 =	vadd.f32 v39, v24  }
0xe3: {  	v55 =	vadd.f32 v7, v6;
	[tilespmem:s31+$0x1130] =	vst v61;
	v52 =	vld [tilespmem:s31+$0x9970]  }
0xe4: {  	v43 =	vadd.f32 v48, v47;
	v47 =	vld [tilespmem:s31+$0x1960];
	[tilespmem:s31+$0x1500] =	vst v3;
	v3 =	vadd.f32 v45, v44  }
0xe5: {  	[tilespmem:s31+$0xD70] =	vst v55;
	v63 =	vld [tilespmem:s31+$0x9900]  }
0xe6: {  	v59 =	vld [tilespmem:s31+$0x1570];
	[tilespmem:s31+$0x1520] =	vst v3;
	v3 =	vadd.f32 v51, v50  }
0xe7: {  	[tilespmem:s31+$0x1530] =	vst v43;
	v4 =	vadd.f32 v54, v53;
	v39 =	vld [tilespmem:s31+$0x9920]  }
0xe8: {  	v60 =	vld [tilespmem:s31+$0x9570];
	[tilespmem:s31+$0x1540] =	vst v3;
	v3 =	vadd.f32 v57, v56  }
0xe9: {  	v54 =	vadd.f32 v42, v41;
	[tilespmem:s31+$0x1550] =	vst v4;
	v45 =	vld [tilespmem:s31+$0x1950]  }
0xea: {  	v53 =	vld [tilespmem:s31+$0x9940];
	[tilespmem:s31+$0x1560] =	vst v3;
	v3 =	vadd.f32 v63, v62  }
0xeb: {  	[tilespmem:s31+$0x1930] =	vst v54;
	v55 =	vadd.f32 v49, v47;
	v50 =	vld [tilespmem:s31+$0x1970]  }
0xec: {  	v44 =	vld [tilespmem:s31+$0x1940];
	[tilespmem:s31+$0x1900] =	vst v3;
	v3 =	vadd.f32 v39, v38  }
0xed: {  	v48 =	vadd.f32 v60, v59;
	[tilespmem:s31+$0x1960] =	vst v55  }
0xee: {  	[tilespmem:s31+$0x1920] =	vst v3;
	v3 =	vadd.f32 v46, v45  }
0xef: {  	s4 =	sand.u32 $0x7, s28;
	[tilespmem:s31+$0x1570] =	vst v48;
	v51 =	vadd.f32 v36, v35  }
0xf0: {  	s0 =	sshll.u32 s4, $0x7;
	[tilespmem:s31+$0x1950] =	vst v3;
	v3 =	vadd.f32 v52, v50  }
0xf1: {  	s0 =	sadd.s32 s0, s29;
	[tilespmem:s31+$0x1910] =	vst v51;
	v56 =	vadd.f32 v53, v44  }
0xf2: {  	s4 =	sor.u32 $0x1C00, s0;
	[tilespmem:s31+$0x1970] =	vst v3  }
0xf3: {  	[tilespmem:s31+$0x1940] =	vst v56;
	v3 =	vld [tilespmem:s4+$0x100]  }
0xf4: {  	v4 =	vld [tilespmem:s4+$0x8100];
	_ =	sdelay $0x4  }
0xf5: {  	v3 =	vadd.f32 v4, v3;
	_ =	sdelay $0x1  }
0xf6: {  	s31 =	sor.u32 $0x1C10, s0;
	[tilespmem:s4+$0x100] =	vst v3  }
0xf7: {  	v3 =	vld [tilespmem:s31+$0x100]  }
0xf8: {  	v57 =	vld [tilespmem:s31+$0x8100];
	_ =	sdelay $0x4  }
0xf9: {  	v3 =	vadd.f32 v57, v3;
	_ =	sdelay $0x1  }
0xfa: {  	[tilespmem:s31+$0x100] =	vst v3;
	s31 =	sor.u32 $0x1C20, s0  }
0xfb: {  	v3 =	vld [tilespmem:s31+$0x100]  }
0xfc: {  	v58 =	vld [tilespmem:s31+$0x8100];
	_ =	sdelay $0x4  }
0xfd: {  	v3 =	vadd.f32 v58, v3;
	_ =	sdelay $0x1  }
0xfe: {  	[tilespmem:s31+$0x100] =	vst v3;
	s31 =	sor.u32 $0x1C30, s0  }
0xff: {  	v3 =	vld [tilespmem:s31+$0x100]  }
0x100: {  	v59 =	vld [tilespmem:s31+$0x8100];
	_ =	sdelay $0x4  }
0x101: {  	v3 =	vadd.f32 v59, v3;
	_ =	sdelay $0x1  }
0x102: {  	[tilespmem:s31+$0x100] =	vst v3;
	s31 =	sor.u32 $0x1C40, s0  }
0x103: {  	v3 =	vld [tilespmem:s31+$0x100]  }
0x104: {  	v60 =	vld [tilespmem:s31+$0x8100];
	_ =	sdelay $0x4  }
0x105: {  	v3 =	vadd.f32 v60, v3;
	_ =	sdelay $0x1  }
0x106: {  	[tilespmem:s31+$0x100] =	vst v3;
	s31 =	sor.u32 $0x1C50, s0  }
0x107: {  	v3 =	vld [tilespmem:s31+$0x100]  }
0x108: {  	v61 =	vld [tilespmem:s31+$0x8100];
	_ =	sdelay $0x4  }
0x109: {  	v3 =	vadd.f32 v61, v3;
	_ =	sdelay $0x1  }
0x10a: {  	[tilespmem:s31+$0x100] =	vst v3;
	s31 =	sor.u32 $0x1C60, s0  }
0x10b: {  	v3 =	vld [tilespmem:s31+$0x100]  }
0x10c: {  	v62 =	vld [tilespmem:s31+$0x8100];
	_ =	sdelay $0x4  }
0x10d: {  	v3 =	vadd.f32 v62, v3;
	_ =	sdelay $0x1  }
0x10e: {  	s0 =	sor.u32 $0x1C70, s0;
	[tilespmem:s31+$0x100] =	vst v3  }
0x10f: {  	v3 =	vld [tilespmem:s0+$0x100]  }
0x110: {  	v63 =	vld [tilespmem:s0+$0x8100];
	_ =	sdelay $0x1  }
0x111: {  	p0 =	sne.s32 s30, $0xF80  }
.Ltmp0:
0x112: {  	_ = 	snop;
	(pc) =	sbr.rel @p0 .LBB2_2-.Ltmp0, $4  }
0x113: {  	_ = 	snop  }
0x114: {  	v3 =	vadd.f32 v63, v3  }
0x115: {  	s28 =	sadd.s32 $0x1, s28  }
0x116: {  	s26 =	sadd.s32 $0x400, s26;
	s30 =	sadd.s32 $0x80, s30;
	s29 =	sadd.s32 $0x400, s29;
	[tilespmem:s0+$0x100] =	vst v3  }
0x117: {  	s26 =	simm.s32 $0x0;
	s0 =	rddreg [dreg:$0x5]  }
0x118: {  	[hbm4b:s0+s26] =	stream.linear.scatter [tilespmem:s16], [sflag:$0x2], $0x8000, $0x38;
	[tilespmem:$0x10100] =	vst v63  }
0x119: {  	_ =	swait.ge [sflag:s14], $0x8000  }
0x11a: {  	[sflag:s14] =	ssyncset.done $0x0  }
0x11b: {  	s4 =	rddreg [dreg:$0x6];
	[sflag:s14] =	ssyncadd.s32 $0xFFFF8000  }
0x11c: {  	[tilespmem:s26], [sflag:$0x2] =	stream.linear.gather [hbm4b:s4+s26], $0x20, $0x38;
	[tilespmem:$0x10100] =	vst v63  }
0x11d: {  	_ =	swait.ge [sflag:s14], $0x20  }
0x11e: {  	[sflag:s14] =	ssyncset.done $0x0  }
0x11f: {  	s4 =	simm.s32 $0x80;
	s31 =	rddreg [dreg:$0x7];
	[sflag:s14] =	ssyncadd.s32 $0xFFFFFFE0  }
0x120: {  	[tilespmem:s4], [sflag:$0x2] =	stream.linear.gather [hbm4b:s31+s26], $0x20, $0x38;
	[tilespmem:$0x10100] =	vst v63  }
0x121: {  	_ =	swait.ge [sflag:s14], $0x20  }
0x122: {  	[sflag:s14] =	ssyncset.done $0x0  }
0x123: {  	[sflag:s14] =	ssyncadd.s32 $0xFFFFFFE0  }
0x124: {  	v3 =	vld [tilespmem:$0x0];
	_ =	sdelay $0x4  }
0x125: {  	v4 =	vshll.u32 v3, $0x3  }
0x126: {  	v3 =	vand.u32 $0x7, v3;
	v4 =	vand.u32 $0xFFFFFFC0, v4  }
0x127: {  	v3 =	vor.u32 v3, v4  }
0x128: {  	v4 =	vperm.xlane v3, v0;
	_ =	sdelay $0x1  }
0x129: {  	v4 =	vadd.s32 v1, v4;
	_ =	sdelay $0x4  }
0x12a: {  	[tilespmem:s16], [sflag:$0x1] =	stream.indirect_vreg.gather [hbm4b:s3+s26], $0x80, v4, vm0, $0xb8;
	[tilespmem:$0x10100] =	vst v63  }
0x12b: {  	s4 =	simm.s32 $0x900;
	v3 =	vperm.xlane v3, v2  }
0x12c: {  	[tilespmem:s4], [sflag:$0x1] =	stream.indirect_vreg.gather [hbm4b:s6+s26], $0x80, v4, vm0, $0xb8;
	[tilespmem:$0x10100] =	vst v63  }
0x12d: {  	s31 =	simm.s32 $0x1100;
	v3 =	vadd.s32 v1, v3  }
0x12e: {  	[tilespmem:s31], [sflag:$0x1] =	stream.indirect_vreg.gather [hbm4b:s7+s26], $0x80, v4, vm0, $0xb8;
	[tilespmem:$0x10100] =	vst v63  }
0x12f: {  	s4 =	simm.s32 $0x1900  }
0x130: {  	[tilespmem:s4], [sflag:$0x1] =	stream.indirect_vreg.gather [hbm4b:s8+s26], $0x80, v4, vm0, $0xb8;
	[tilespmem:$0x10100] =	vst v63  }
0x131: {  	s31 =	simm.s32 $0x2100  }
0x132: {  	[tilespmem:s31], [sflag:$0x1] =	stream.indirect_vreg.gather [hbm4b:s3+s26], $0x80, v3, vm0, $0xb8;
	[tilespmem:$0x10100] =	vst v63  }
0x133: {  	s4 =	simm.s32 $0x2900  }
0x134: {  	[tilespmem:s4], [sflag:$0x1] =	stream.indirect_vreg.gather [hbm4b:s6+s26], $0x80, v3, vm0, $0xb8;
	[tilespmem:$0x10100] =	vst v63  }
0x135: {  	s31 =	simm.s32 $0x3100  }
0x136: {  	[tilespmem:s31], [sflag:$0x1] =	stream.indirect_vreg.gather [hbm4b:s7+s26], $0x80, v3, vm0, $0xb8;
	[tilespmem:$0x10100] =	vst v63  }
0x137: {  	s4 =	simm.s32 $0x3900  }
0x138: {  	[tilespmem:s4], [sflag:$0x1] =	stream.indirect_vreg.gather [hbm4b:s8+s26], $0x80, v3, vm0, $0xb8;
	[tilespmem:$0x10100] =	vst v63  }
0x139: {  	v3 =	vld [tilespmem:$0x10];
	_ =	sdelay $0x4  }
0x13a: {  	v61 =	vshll.u32 v3, $0x3  }
0x13b: {  	v3 =	vand.u32 $0x7, v3;
	v4 =	vand.u32 $0xFFFFFFC0, v61  }
0x13c: {  	v3 =	vor.u32 v3, v4  }
0x13d: {  	v4 =	vperm.xlane v3, v0;
	_ =	sdelay $0x1  }
0x13e: {  	v4 =	vadd.s32 v1, v4;
	_ =	sdelay $0x3  }
0x13f: {  	s31 =	simm.s32 $0x4100  }
0x140: {  	[tilespmem:s31], [sflag:$0x1] =	stream.indirect_vreg.gather [hbm4b:s3+s26], $0x80, v4, vm0, $0xb8;
	[tilespmem:$0x10100] =	vst v63  }
0x141: {  	s4 =	simm.s32 $0x4900;
	v3 =	vperm.xlane v3, v2  }
0x142: {  	[tilespmem:s4], [sflag:$0x1] =	stream.indirect_vreg.gather [hbm4b:s6+s26], $0x80, v4, vm0, $0xb8;
	[tilespmem:$0x10100] =	vst v63  }
0x143: {  	v3 =	vadd.s32 v1, v3;
	s31 =	simm.s32 $0x5100  }
0x144: {  	[tilespmem:s31], [sflag:$0x1] =	stream.indirect_vreg.gather [hbm4b:s7+s26], $0x80, v4, vm0, $0xb8;
	[tilespmem:$0x10100] =	vst v63  }
0x145: {  	s4 =	simm.s32 $0x5900  }
0x146: {  	[tilespmem:s4], [sflag:$0x1] =	stream.indirect_vreg.gather [hbm4b:s8+s26], $0x80, v4, vm0, $0xb8;
	[tilespmem:$0x10100] =	vst v63  }
0x147: {  	s31 =	simm.s32 $0x6100  }
0x148: {  	[tilespmem:s31], [sflag:$0x1] =	stream.indirect_vreg.gather [hbm4b:s3+s26], $0x80, v3, vm0, $0xb8;
	[tilespmem:$0x10100] =	vst v63  }
0x149: {  	s4 =	simm.s32 $0x6900  }
0x14a: {  	[tilespmem:s4], [sflag:$0x1] =	stream.indirect_vreg.gather [hbm4b:s6+s26], $0x80, v3, vm0, $0xb8;
	[tilespmem:$0x10100] =	vst v63  }
0x14b: {  	s31 =	simm.s32 $0x7100  }
0x14c: {  	[tilespmem:s31], [sflag:$0x1] =	stream.indirect_vreg.gather [hbm4b:s7+s26], $0x80, v3, vm0, $0xb8;
	[tilespmem:$0x10100] =	vst v63  }
0x14d: {  	s4 =	simm.s32 $0x7900  }
0x14e: {  	[tilespmem:s4], [sflag:$0x1] =	stream.indirect_vreg.gather [hbm4b:s8+s26], $0x80, v3, vm0, $0xb8;
	[tilespmem:$0x10100] =	vst v63  }
0x14f: {  	_ =	swait.ge [sflag:s1], $0x8000  }
0x150: {  	[sflag:s1] =	ssyncset.done $0x0  }
0x151: {  	[sflag:s1] =	ssyncadd.s32 $0xFFFF8000  }
0x152: {  	v3 =	vld [tilespmem:$0x80];
	_ =	sdelay $0x4  }
0x153: {  	v62 =	vshll.u32 v3, $0x3  }
0x154: {  	v3 =	vand.u32 $0x7, v3;
	v4 =	vand.u32 $0xFFFFFFC0, v62  }
0x155: {  	v3 =	vor.u32 v3, v4  }
0x156: {  	v4 =	vperm.xlane v3, v0;
	_ =	sdelay $0x1  }
0x157: {  	v4 =	vadd.s32 v1, v4;
	_ =	sdelay $0x3  }
0x158: {  	s31 =	simm.s32 $0x8100  }
0x159: {  	[tilespmem:s31], [sflag:$0x1] =	stream.indirect_vreg.gather [hbm4b:s3+s26], $0x80, v4, vm0, $0xb8;
	[tilespmem:$0x10100] =	vst v63  }
0x15a: {  	v3 =	vperm.xlane v3, v2  }
0x15b: {  	[tilespmem:s5], [sflag:$0x1] =	stream.indirect_vreg.gather [hbm4b:s6+s26], $0x80, v4, vm0, $0xb8;
	[tilespmem:$0x10100] =	vst v63  }
0x15c: {  	v3 =	vadd.s32 v1, v3  }
0x15d: {  	[tilespmem:s15], [sflag:$0x1] =	stream.indirect_vreg.gather [hbm4b:s7+s26], $0x80, v4, vm0, $0xb8;
	[tilespmem:$0x10100] =	vst v63  }
0x15e: {  	_ = 	snop  }
0x15f: {  	[tilespmem:s17], [sflag:$0x1] =	stream.indirect_vreg.gather [hbm4b:s8+s26], $0x80, v4, vm0, $0xb8;
	[tilespmem:$0x10100] =	vst v63  }
0x160: {  	_ = 	snop  }
0x161: {  	[tilespmem:s18], [sflag:$0x1] =	stream.indirect_vreg.gather [hbm4b:s3+s26], $0x80, v3, vm0, $0xb8;
	[tilespmem:$0x10100] =	vst v63  }
0x162: {  	_ = 	snop  }
0x163: {  	[tilespmem:s19], [sflag:$0x1] =	stream.indirect_vreg.gather [hbm4b:s6+s26], $0x80, v3, vm0, $0xb8;
	[tilespmem:$0x10100] =	vst v63  }
0x164: {  	_ = 	snop  }
0x165: {  	[tilespmem:s20], [sflag:$0x1] =	stream.indirect_vreg.gather [hbm4b:s7+s26], $0x80, v3, vm0, $0xb8;
	[tilespmem:$0x10100] =	vst v63  }
0x166: {  	_ = 	snop  }
0x167: {  	[tilespmem:s9], [sflag:$0x1] =	stream.indirect_vreg.gather [hbm4b:s8+s26], $0x80, v3, vm0, $0xb8;
	[tilespmem:$0x10100] =	vst v63  }
0x168: {  	v3 =	vld [tilespmem:$0x90];
	_ =	sdelay $0x4  }
0x169: {  	v63 =	vshll.u32 v3, $0x3  }
0x16a: {  	v3 =	vand.u32 $0x7, v3;
	v4 =	vand.u32 $0xFFFFFFC0, v63  }
0x16b: {  	v3 =	vor.u32 v3, v4  }
0x16c: {  	v4 =	vperm.xlane v3, v0;
	_ =	sdelay $0x1  }
0x16d: {  	v4 =	vadd.s32 v1, v4;
	_ =	sdelay $0x4  }
0x16e: {  	[tilespmem:s21], [sflag:$0x1] =	stream.indirect_vreg.gather [hbm4b:s3+s26], $0x80, v4, vm0, $0xb8;
	[tilespmem:$0x10100] =	vst v63  }
0x16f: {  	v3 =	vperm.xlane v3, v2  }
0x170: {  	[tilespmem:s10], [sflag:$0x1] =	stream.indirect_vreg.gather [hbm4b:s6+s26], $0x80, v4, vm0, $0xb8;
	[tilespmem:$0x10100] =	vst v63  }
0x171: {  	v3 =	vadd.s32 v1, v3  }
0x172: {  	[tilespmem:s22], [sflag:$0x1] =	stream.indirect_vreg.gather [hbm4b:s7+s26], $0x80, v4, vm0, $0xb8;
	[tilespmem:$0x10100] =	vst v63  }
0x173: {  	_ = 	snop  }
0x174: {  	[tilespmem:s23], [sflag:$0x1] =	stream.indirect_vreg.gather [hbm4b:s8+s26], $0x80, v4, vm0, $0xb8;
	[tilespmem:$0x10100] =	vst v63  }
0x175: {  	_ = 	snop  }
0x176: {  	[tilespmem:s11], [sflag:$0x1] =	stream.indirect_vreg.gather [hbm4b:s3+s26], $0x80, v3, vm0, $0xb8;
	[tilespmem:$0x10100] =	vst v63  }
0x177: {  	_ = 	snop  }
0x178: {  	[tilespmem:s24], [sflag:$0x1] =	stream.indirect_vreg.gather [hbm4b:s6+s26], $0x80, v3, vm0, $0xb8;
	[tilespmem:$0x10100] =	vst v63  }
0x179: {  	_ = 	snop  }
0x17a: {  	[tilespmem:s12], [sflag:$0x1] =	stream.indirect_vreg.gather [hbm4b:s7+s26], $0x80, v3, vm0, $0xb8;
	[tilespmem:$0x10100] =	vst v63  }
0x17b: {  	_ = 	snop  }
0x17c: {  	[tilespmem:s25], [sflag:$0x1] =	stream.indirect_vreg.gather [hbm4b:s8+s26], $0x80, v3, vm0, $0xb8;
	[tilespmem:$0x10100] =	vst v63  }
0x17d: {  	_ =	swait.ge [sflag:s1], $0x8000  }
0x17e: {  	s28 =	simm.s32 $0xFFFF8000;
	[sflag:s1] =	ssyncset.done $0x0  }
0x17f: {  	s29 =	simm.s32 $0x0;
	s30 =	simm.s32 $0x0;
	[sflag:s1] =	ssyncadd.s32 $0xFFFF8000  }
.LBB2_4:
0x180: {  	s0 =	sadd.s32 $0x8000, s28  }
0x181: {  	s4 =	sand.u32 $0x380, s30;
	s0 =	sand.u32 $0x6000, s0  }
0x182: {  	s31 =	sor.u32 s4, s0  }
0x183: {  	v3 =	vld [tilespmem:s31+$0x100]  }
0x184: {  	v4 =	vld [tilespmem:s31+$0x8100]  }
0x185: {  	v5 =	vld [tilespmem:s31+$0x110]  }
0x186: {  	v6 =	vld [tilespmem:s31+$0x8110]  }
0x187: {  	v7 =	vld [tilespmem:s31+$0x120]  }
0x188: {  	v8 =	vld [tilespmem:s31+$0x8120]  }
0x189: {  	v9 =	vld [tilespmem:s31+$0x130]  }
0x18a: {  	v10 =	vld [tilespmem:s31+$0x8130]  }
0x18b: {  	v11 =	vld [tilespmem:s31+$0x140]  }
0x18c: {  	v12 =	vld [tilespmem:s31+$0x8140]  }
0x18d: {  	v13 =	vld [tilespmem:s31+$0x150]  }
0x18e: {  	v14 =	vld [tilespmem:s31+$0x8150]  }
0x18f: {  	v15 =	vld [tilespmem:s31+$0x160]  }
0x190: {  	v16 =	vld [tilespmem:s31+$0x8160]  }
0x191: {  	v17 =	vld [tilespmem:s31+$0x170]  }
0x192: {  	v18 =	vld [tilespmem:s31+$0x8170]  }
0x193: {  	v19 =	vld [tilespmem:s31+$0x500]  }
0x194: {  	v20 =	vld [tilespmem:s31+$0x8500]  }
0x195: {  	v21 =	vld [tilespmem:s31+$0x510]  }
0x196: {  	v22 =	vld [tilespmem:s31+$0x8510]  }
0x197: {  	v23 =	vld [tilespmem:s31+$0x520]  }
0x198: {  	v24 =	vld [tilespmem:s31+$0x8520]  }
0x199: {  	v25 =	vld [tilespmem:s31+$0x530]  }
0x19a: {  	v26 =	vld [tilespmem:s31+$0x8530]  }
0x19b: {  	v27 =	vld [tilespmem:s31+$0x540]  }
0x19c: {  	v28 =	vld [tilespmem:s31+$0x8540]  }
0x19d: {  	v29 =	vld [tilespmem:s31+$0x550]  }
0x19e: {  	v30 =	vld [tilespmem:s31+$0x8550]  }
0x19f: {  	v31 =	vld [tilespmem:s31+$0x560]  }
0x1a0: {  	v32 =	vld [tilespmem:s31+$0x8560]  }
0x1a1: {  	v33 =	vld [tilespmem:s31+$0x570]  }
0x1a2: {  	v34 =	vld [tilespmem:s31+$0x8570]  }
0x1a3: {  	v35 =	vld [tilespmem:s31+$0x900]  }
0x1a4: {  	v36 =	vld [tilespmem:s31+$0x8900]  }
0x1a5: {  	v37 =	vld [tilespmem:s31+$0x910]  }
0x1a6: {  	v38 =	vld [tilespmem:s31+$0x8910]  }
0x1a7: {  	v39 =	vld [tilespmem:s31+$0x920]  }
0x1a8: {  	v40 =	vld [tilespmem:s31+$0x8920]  }
0x1a9: {  	v41 =	vld [tilespmem:s31+$0x930]  }
0x1aa: {  	v42 =	vld [tilespmem:s31+$0x8930]  }
0x1ab: {  	v43 =	vld [tilespmem:s31+$0x940]  }
0x1ac: {  	v44 =	vld [tilespmem:s31+$0x8940]  }
0x1ad: {  	v45 =	vld [tilespmem:s31+$0x950]  }
0x1ae: {  	v46 =	vld [tilespmem:s31+$0x8950]  }
0x1af: {  	v47 =	vld [tilespmem:s31+$0x960]  }
0x1b0: {  	v48 =	vld [tilespmem:s31+$0x8960]  }
0x1b1: {  	v49 =	vld [tilespmem:s31+$0x970]  }
0x1b2: {  	v50 =	vld [tilespmem:s31+$0x8970]  }
0x1b3: {  	v51 =	vld [tilespmem:s31+$0xD00]  }
0x1b4: {  	v52 =	vld [tilespmem:s31+$0x8D00]  }
0x1b5: {  	v53 =	vld [tilespmem:s31+$0xD10]  }
0x1b6: {  	v54 =	vld [tilespmem:s31+$0x8D10]  }
0x1b7: {  	v55 =	vld [tilespmem:s31+$0xD20]  }
0x1b8: {  	v56 =	vld [tilespmem:s31+$0x8D20]  }
0x1b9: {  	v57 =	vld [tilespmem:s31+$0xD30]  }
0x1ba: {  	v58 =	vld [tilespmem:s31+$0x8D30]  }
0x1bb: {  	v59 =	vld [tilespmem:s31+$0xD40]  }
0x1bc: {  	v60 =	vld [tilespmem:s31+$0x8D40]  }
0x1bd: {  	v61 =	vld [tilespmem:s31+$0xD50]  }
0x1be: {  	v62 =	vld [tilespmem:s31+$0x8D50]  }
0x1bf: {  	v63 =	vld [tilespmem:s31+$0xD60]  }
0x1c0: {  	v3 =	vadd.f32 v4, v3;
	v4 =	vld [tilespmem:s31+$0x8D60]  }
0x1c1: {  	v5 =	vadd.f32 v6, v5;
	v6 =	vld [tilespmem:s31+$0xD70]  }
0x1c2: {  	v14 =	vadd.f32 v14, v13;
	v13 =	vld [tilespmem:s31+$0x9120];
	[tilespmem:s31+$0x100] =	vst v3;
	v3 =	vadd.f32 v8, v7  }
0x1c3: {  	v18 =	vadd.f32 v18, v17;
	v17 =	vld [tilespmem:s31+$0x9140];
	[tilespmem:s31+$0x110] =	vst v5  }
0x1c4: {  	v22 =	vadd.f32 v22, v21;
	v21 =	vld [tilespmem:s31+$0x9160];
	[tilespmem:s31+$0x120] =	vst v3;
	v3 =	vadd.f32 v12, v11  }
0x1c5: {  	v7 =	vld [tilespmem:s31+$0x8D70];
	[tilespmem:s31+$0x150] =	vst v14  }
0x1c6: {  	v8 =	vld [tilespmem:s31+$0x1100];
	[tilespmem:s31+$0x140] =	vst v3;
	v3 =	vadd.f32 v16, v15  }
0x1c7: {  	v5 =	vadd.f32 v10, v9;
	v9 =	vld [tilespmem:s31+$0x9100];
	[tilespmem:s31+$0x170] =	vst v18  }
0x1c8: {  	v10 =	vld [tilespmem:s31+$0x1110];
	[tilespmem:s31+$0x160] =	vst v3;
	v3 =	vadd.f32 v20, v19  }
0x1c9: {  	v26 =	vadd.f32 v26, v25;
	v14 =	vld [tilespmem:s31+$0x1130];
	[tilespmem:s31+$0x510] =	vst v22  }
0x1ca: {  	v18 =	vld [tilespmem:s31+$0x1150];
	[tilespmem:s31+$0x500] =	vst v3;
	v3 =	vadd.f32 v24, v23  }
0x1cb: {  	v30 =	vadd.f32 v30, v29;
	[tilespmem:s31+$0x530] =	vst v26;
	v22 =	vld [tilespmem:s31+$0x1170]  }
0x1cc: {  	v19 =	vld [tilespmem:s31+$0x9150];
	[tilespmem:s31+$0x520] =	vst v3;
	v3 =	vadd.f32 v28, v27  }
0x1cd: {  	v34 =	vadd.f32 v34, v33;
	[tilespmem:s31+$0x550] =	vst v30;
	v11 =	vld [tilespmem:s31+$0x9110]  }
0x1ce: {  	v12 =	vld [tilespmem:s31+$0x1120];
	[tilespmem:s31+$0x540] =	vst v3;
	v3 =	vadd.f32 v32, v31  }
0x1cf: {  	[tilespmem:s31+$0x570] =	vst v34;
	v15 =	vld [tilespmem:s31+$0x9130]  }
0x1d0: {  	v16 =	vld [tilespmem:s31+$0x1140];
	[tilespmem:s31+$0x560] =	vst v3;
	v3 =	vadd.f32 v36, v35  }
0x1d1: {  	[tilespmem:s31+$0x130] =	vst v5;
	v20 =	vld [tilespmem:s31+$0x1160];
	v19 =	vadd.f32 v19, v18  }
0x1d2: {  	v24 =	vld [tilespmem:s31+$0x1500];
	[tilespmem:s31+$0x900] =	vst v3;
	v3 =	vadd.f32 v40, v39  }
0x1d3: {  	[tilespmem:s31+$0x1150] =	vst v19;
	v36 =	vadd.f32 v38, v37;
	v37 =	vld [tilespmem:s31+$0x9170]  }
0x1d4: {  	v38 =	vadd.f32 v42, v41;
	v41 =	vld [tilespmem:s31+$0x1510];
	[tilespmem:s31+$0x920] =	vst v3;
	v3 =	vadd.f32 v44, v43  }
0x1d5: {  	v42 =	vld [tilespmem:s31+$0x9510];
	[tilespmem:s31+$0x910] =	vst v36  }
0x1d6: {  	v35 =	vld [tilespmem:s31+$0x1910];
	[tilespmem:s31+$0x940] =	vst v3;
	v3 =	vadd.f32 v48, v47  }
0x1d7: {  	v39 =	vld [tilespmem:s31+$0x9500];
	[tilespmem:s31+$0x930] =	vst v38;
	v40 =	vadd.f32 v46, v45  }
0x1d8: {  	v45 =	vld [tilespmem:s31+$0x9520];
	[tilespmem:s31+$0x960] =	vst v3;
	v3 =	vadd.f32 v52, v51  }
0x1d9: {  	v46 =	vadd.f32 v54, v53;
	v53 =	vld [tilespmem:s31+$0x1550];
	[tilespmem:s31+$0x950] =	vst v40  }
0x1da: {  	v54 =	vld [tilespmem:s31+$0x9550];
	[tilespmem:s31+$0xD00] =	vst v3;
	v3 =	vadd.f32 v56, v55  }
0x1db: {  	v36 =	vld [tilespmem:s31+$0x9910];
	v43 =	vadd.f32 v50, v49;
	[tilespmem:s31+$0xD10] =	vst v46  }
0x1dc: {  	v38 =	vld [tilespmem:s31+$0x1920];
	[tilespmem:s31+$0xD20] =	vst v3;
	v3 =	vadd.f32 v60, v59  }
0x1dd: {  	v44 =	vld [tilespmem:s31+$0x1520];
	v49 =	vadd.f32 v58, v57;
	[tilespmem:s31+$0x970] =	vst v43  }
0x1de: {  	v50 =	vld [tilespmem:s31+$0x1540];
	[tilespmem:s31+$0xD40] =	vst v3;
	v3 =	vadd.f32 v4, v63  }
0x1df: {  	v57 =	vld [tilespmem:s31+$0x9560];
	v58 =	vadd.f32 v11, v10;
	[tilespmem:s31+$0xD30] =	vst v49  }
0x1e0: {  	v46 =	vld [tilespmem:s31+$0x9950];
	[tilespmem:s31+$0xD60] =	vst v3;
	v3 =	vadd.f32 v9, v8  }
0x1e1: {  	v37 =	vadd.f32 v37, v22;
	v40 =	vadd.f32 v42, v41;
	v41 =	vld [tilespmem:s31+$0x1930];
	[tilespmem:s31+$0x1110] =	vst v58  }
0x1e2: {  	v42 =	vld [tilespmem:s31+$0x9930];
	[tilespmem:s31+$0x1100] =	vst v3;
	v3 =	vadd.f32 v13, v12  }
0x1e3: {  	v47 =	vld [tilespmem:s31+$0x1530];
	[tilespmem:s31+$0x1170] =	vst v37  }
0x1e4: {  	v48 =	vld [tilespmem:s31+$0x9530];
	[tilespmem:s31+$0x1120] =	vst v3;
	v3 =	vadd.f32 v17, v16  }
0x1e5: {  	v49 =	vld [tilespmem:s31+$0x9960];
	[tilespmem:s31+$0x1510] =	vst v40;
	v52 =	vadd.f32 v62, v61  }
0x1e6: {  	v51 =	vld [tilespmem:s31+$0x9540];
	[tilespmem:s31+$0x1140] =	vst v3;
	v3 =	vadd.f32 v21, v20  }
0x1e7: {  	v61 =	vadd.f32 v15, v14;
	v62 =	vld [tilespmem:s31+$0x1900];
	[tilespmem:s31+$0xD50] =	vst v52  }
0x1e8: {  	v56 =	vld [tilespmem:s31+$0x1560];
	[tilespmem:s31+$0x1160] =	vst v3;
	v3 =	vadd.f32 v39, v24  }
0x1e9: {  	v55 =	vadd.f32 v7, v6;
	[tilespmem:s31+$0x1130] =	vst v61;
	v52 =	vld [tilespmem:s31+$0x9970]  }
0x1ea: {  	v43 =	vadd.f32 v48, v47;
	v47 =	vld [tilespmem:s31+$0x1960];
	[tilespmem:s31+$0x1500] =	vst v3;
	v3 =	vadd.f32 v45, v44  }
0x1eb: {  	[tilespmem:s31+$0xD70] =	vst v55;
	v63 =	vld [tilespmem:s31+$0x9900]  }
0x1ec: {  	v59 =	vld [tilespmem:s31+$0x1570];
	[tilespmem:s31+$0x1520] =	vst v3;
	v3 =	vadd.f32 v51, v50  }
0x1ed: {  	[tilespmem:s31+$0x1530] =	vst v43;
	v4 =	vadd.f32 v54, v53;
	v39 =	vld [tilespmem:s31+$0x9920]  }
0x1ee: {  	v60 =	vld [tilespmem:s31+$0x9570];
	[tilespmem:s31+$0x1540] =	vst v3;
	v3 =	vadd.f32 v57, v56  }
0x1ef: {  	v54 =	vadd.f32 v42, v41;
	[tilespmem:s31+$0x1550] =	vst v4;
	v45 =	vld [tilespmem:s31+$0x1950]  }
0x1f0: {  	v53 =	vld [tilespmem:s31+$0x9940];
	[tilespmem:s31+$0x1560] =	vst v3;
	v3 =	vadd.f32 v63, v62  }
0x1f1: {  	[tilespmem:s31+$0x1930] =	vst v54;
	v55 =	vadd.f32 v49, v47;
	v50 =	vld [tilespmem:s31+$0x1970]  }
0x1f2: {  	v44 =	vld [tilespmem:s31+$0x1940];
	[tilespmem:s31+$0x1900] =	vst v3;
	v3 =	vadd.f32 v39, v38  }
0x1f3: {  	v48 =	vadd.f32 v60, v59;
	[tilespmem:s31+$0x1960] =	vst v55  }
0x1f4: {  	[tilespmem:s31+$0x1920] =	vst v3;
	v3 =	vadd.f32 v46, v45  }
0x1f5: {  	s4 =	sand.u32 $0x7, s26;
	[tilespmem:s31+$0x1570] =	vst v48;
	v51 =	vadd.f32 v36, v35  }
0x1f6: {  	s0 =	sshll.u32 s4, $0x7;
	[tilespmem:s31+$0x1950] =	vst v3;
	v3 =	vadd.f32 v52, v50  }
0x1f7: {  	s0 =	sadd.s32 s0, s29;
	[tilespmem:s31+$0x1910] =	vst v51;
	v56 =	vadd.f32 v53, v44  }
0x1f8: {  	s4 =	sor.u32 $0x1C00, s0;
	[tilespmem:s31+$0x1970] =	vst v3  }
0x1f9: {  	[tilespmem:s31+$0x1940] =	vst v56;
	v3 =	vld [tilespmem:s4+$0x100]  }
0x1fa: {  	v4 =	vld [tilespmem:s4+$0x8100];
	_ =	sdelay $0x4  }
0x1fb: {  	v3 =	vadd.f32 v4, v3;
	_ =	sdelay $0x1  }
0x1fc: {  	s31 =	sor.u32 $0x1C10, s0;
	[tilespmem:s4+$0x100] =	vst v3  }
0x1fd: {  	v3 =	vld [tilespmem:s31+$0x100]  }
0x1fe: {  	v57 =	vld [tilespmem:s31+$0x8100];
	_ =	sdelay $0x4  }
0x1ff: {  	v3 =	vadd.f32 v57, v3;
	_ =	sdelay $0x1  }
0x200: {  	[tilespmem:s31+$0x100] =	vst v3;
	s31 =	sor.u32 $0x1C20, s0  }
0x201: {  	v3 =	vld [tilespmem:s31+$0x100]  }
0x202: {  	v58 =	vld [tilespmem:s31+$0x8100];
	_ =	sdelay $0x4  }
0x203: {  	v3 =	vadd.f32 v58, v3;
	_ =	sdelay $0x1  }
0x204: {  	[tilespmem:s31+$0x100] =	vst v3;
	s31 =	sor.u32 $0x1C30, s0  }
0x205: {  	v3 =	vld [tilespmem:s31+$0x100]  }
0x206: {  	v59 =	vld [tilespmem:s31+$0x8100];
	_ =	sdelay $0x4  }
0x207: {  	v3 =	vadd.f32 v59, v3;
	_ =	sdelay $0x1  }
0x208: {  	[tilespmem:s31+$0x100] =	vst v3;
	s31 =	sor.u32 $0x1C40, s0  }
0x209: {  	v3 =	vld [tilespmem:s31+$0x100]  }
0x20a: {  	v60 =	vld [tilespmem:s31+$0x8100];
	_ =	sdelay $0x4  }
0x20b: {  	v3 =	vadd.f32 v60, v3;
	_ =	sdelay $0x1  }
0x20c: {  	[tilespmem:s31+$0x100] =	vst v3;
	s31 =	sor.u32 $0x1C50, s0  }
0x20d: {  	v3 =	vld [tilespmem:s31+$0x100]  }
0x20e: {  	v61 =	vld [tilespmem:s31+$0x8100];
	_ =	sdelay $0x4  }
0x20f: {  	v3 =	vadd.f32 v61, v3;
	_ =	sdelay $0x1  }
0x210: {  	[tilespmem:s31+$0x100] =	vst v3;
	s31 =	sor.u32 $0x1C60, s0  }
0x211: {  	v3 =	vld [tilespmem:s31+$0x100]  }
0x212: {  	v62 =	vld [tilespmem:s31+$0x8100];
	_ =	sdelay $0x4  }
0x213: {  	v3 =	vadd.f32 v62, v3;
	_ =	sdelay $0x1  }
0x214: {  	s0 =	sor.u32 $0x1C70, s0;
	[tilespmem:s31+$0x100] =	vst v3  }
0x215: {  	v3 =	vld [tilespmem:s0+$0x100]  }
0x216: {  	v63 =	vld [tilespmem:s0+$0x8100];
	_ =	sdelay $0x1  }
0x217: {  	p0 =	sne.s32 s30, $0xF80  }
.Ltmp1:
0x218: {  	_ = 	snop;
	(pc) =	sbr.rel @p0 .LBB2_4-.Ltmp1, $4  }
0x219: {  	_ = 	snop  }
0x21a: {  	v3 =	vadd.f32 v63, v3  }
0x21b: {  	s28 =	sadd.s32 $0x400, s28  }
0x21c: {  	s30 =	sadd.s32 $0x80, s30;
	s26 =	sadd.s32 $0x1, s26;
	s29 =	sadd.s32 $0x400, s29;
	[tilespmem:s0+$0x100] =	vst v3  }
0x21d: {  	s0 =	rddreg [dreg:$0x8]  }
0x21e: {  	[hbm4b:s0+s2] =	stream.linear.scatter [tilespmem:s16], [sflag:$0x2], $0x8000, $0x38;
	[tilespmem:$0x10100] =	vst v63  }
0x21f: {  	_ =	swait.ge [sflag:s14], $0x8000  }
0x220: {  	s13 =	sadd.s32 $0x1, s13;
	s31 =	rddreg [dreg:$0x9]  }
0x221: {  	p0 =	sne.s32 s13, s31  }
.Ltmp2:
0x222: {  	_ = 	snop;
	(pc) =	sbr.rel @p0 .LBB2_1-.Ltmp2, $3  }
0x223: {  	_ =	sdelay $0x1  }
0x224: {  	[sflag:s14] =	ssyncset.done $0x0  }
0x225: {  	[sflag:s14] =	ssyncadd.s32 $0xFFFF8000  }
0x226: {  	_ =	sfence.sel $0x180000  }
0x227: {  	[bflag:$0x0] =	sbarrier.arrive $0xFFFF  }
0x228: {  	_ =	strace $0x9000004A  }
0x229: {  	s0 =	stileid.u32;
	[bflag:$0x2] =	sbarrier.arrive $0xFFFF  }
0x22a: {  	p0 =	sne.s32 s0, $0x0;
	s0 =	rddreg [dreg:$0x2]  }
0x22b: {  	s0 =	sadd.s32 @!p0 $0x100000, s0  }
0x22c: {  	[sflag:s0] =	ssyncadd.tile.s32 @!p0 $0x1;
	_ =	shalt  }
.Lfunc_end2:
_tile_overlayer_lowered:
.L_overlay_start_2:
0x22d: {  	(tag) =	ssettag $0x2  }
0x22e: {  	s0 =	rddreg [dreg:$0x0];
	s2 =	stileid.u32  }
0x22f: {  	s1 =	rddreg [dreg:$0x1];
	p0 =	sne.s32 s2, $0x0  }
0x230: {  	s3 =	rddreg [dreg:$0x2];
	[bflag:$0x3] =	sbarrier.arrive $0xFFFF;
	s2 =	simm.s32 @!p0 $0x1C02  }
0x231: {  	[timem:s3], [sflag:s2] =	dma.local @!p0 [hbm:s0], s1  }
0x232: {  	s0 =	simm.s32 @!p0 $0x2  }
0x233: {  	_ =	swait.ge @!p0 [sflag:s0], s1  }
0x234: {  	s1 =	ssub.s32 @!p0 $0x0, s1;
	[sflag:s0] =	ssyncset.done @!p0 $0x0  }
0x235: {  	[sflag:s0] =	ssyncadd.s32 @!p0 s1  }
0x236: {  	[bflag:$0x3] =	sbarrier.arrive $0xFFFF  }
0x237: {  	_ =	shalt  }

</sc_bundles>
